<compile_context>
chip_gen: v7x
topology: tpu7x:2x2x1
jax: 0.10.2.dev20260603
libtpu: 0.0.44.dev20260713+nightly
codegen_flags: <defaults>
</compile_context>

<pallas_src>
import functools
import jax
import jax.numpy as jnp
import numpy as np
from jax import lax
from jax.experimental import pallas as pl
from jax.experimental.pallas import tpu as pltpu

B = 4; L = 2048; ENC_IN = 21; C_OUT = 21; D = 1024; H = 16; DH = D // H
DFF = 2048; NL = 2; NH = 4; BS = 4; TF = 4
NBK = L // BS
M = B * L
MT = 256
NT = L // 128
R4 = B * H * NH


def _layernorm(y, g, b):
    m = jnp.mean(y, axis=-1, keepdims=True)
    c = y - m
    v = jnp.mean(c * c, axis=-1, keepdims=True)
    return c / jnp.sqrt(v + 1e-5) * g + b



def _mm_body(x_ref, w_ref, o_ref):
    x = x_ref[...]
    o_ref[:, 0:D] = jnp.dot(x, w_ref[:, 0:D],
                            preferred_element_type=jnp.float32)
    o_ref[:, D:2 * D] = jnp.dot(x, w_ref[:, D:2 * D],
                                preferred_element_type=jnp.float32)


def _qkv(x, w):
    return pl.pallas_call(
        _mm_body,
        grid=(M // MT,),
        in_specs=[
            pl.BlockSpec((MT, D), lambda i: (i, 0)),
            pl.BlockSpec((D, 2 * D), lambda i: (0, 0)),
        ],
        out_specs=pl.BlockSpec((MT, 2 * D), lambda i: (i, 0)),
        out_shape=jax.ShapeDtypeStruct((M, 2 * D), jnp.float32),
    )(x, w)



def _bucket_body(qk_ref, rot_ref, o_ref):
    qk = qk_ref[0, 0]
    rv = jnp.dot(qk, rot_ref[...],
                 preferred_element_type=jnp.float32)
    outs = []
    nb2 = NBK // 2
    iota = lax.broadcasted_iota(jnp.int32, (L, nb2), 1)
    big = jnp.int32(1 << 30)
    for r in range(NH):
        seg = rv[:, r * nb2:(r + 1) * nb2]
        mx = jnp.max(seg, axis=1, keepdims=True)
        i1 = jnp.min(jnp.where(seg == mx, iota, big), axis=1)
        mn = jnp.min(seg, axis=1, keepdims=True)
        i2 = jnp.min(jnp.where(seg == mn, iota, big), axis=1)
        bkt = jnp.where(mx[:, 0] >= -mn[:, 0], i1, nb2 + i2)
        outs.append(bkt)
    o_ref[0, 0] = jnp.stack(outs, axis=0)


def _buckets(qkh, rot):
    return pl.pallas_call(
        _bucket_body,
        grid=(B, H),
        in_specs=[
            pl.BlockSpec((1, 1, L, DH), lambda b, h: (b, h, 0, 0)),
            pl.BlockSpec((DH, NH * (NBK // 2)), lambda b, h: (0, 0)),
        ],
        out_specs=pl.BlockSpec((1, 1, NH, L), lambda b, h: (b, h, 0, 0)),
        out_shape=jax.ShapeDtypeStruct((B, H, NH, L), jnp.int32),
    )(qkh, rot)



def _attn_body(qk_ref, kn_ref, v_ref, o_ref, lse_ref):
    scale = DH ** -0.5
    qi = lax.broadcasted_iota(jnp.int32, (128, 256), 0)
    kj = lax.broadcasted_iota(jnp.int32, (128, 256), 1)
    validc = (kj < 128) & ((kj // 4) == (qi // 4))
    validp = (kj >= 128) & (((kj - 128) // 4) == (qi // 4))
    valid = validc | validp
    self_m = kj == qi

    def tile(i, _):
        j = lax.rem(i + NT - 1, NT)
        q = qk_ref[0, pl.ds(i * 128, 128), :]
        kc = kn_ref[0, pl.ds(i * 128, 128), :]
        kp = kn_ref[0, pl.ds(j * 128, 128), :]
        ksh = jnp.concatenate([kp[124:128], kc[0:124]], axis=0)
        kwin = jnp.concatenate([kc, ksh], axis=0)
        vc = v_ref[0, pl.ds(i * 128, 128), :]
        vp = v_ref[0, pl.ds(j * 128, 128), :]
        vsh = jnp.concatenate([vp[124:128], vc[0:124]], axis=0)
        vwin = jnp.concatenate([vc, vsh], axis=0)
        dots = lax.dot_general(q, kwin, (((1,), (1,)), ((), ())),
                               preferred_element_type=jnp.float32) * scale
        dots = jnp.where(self_m, -1e5, dots)
        dots = jnp.where(valid, dots, -1e30)
        mx = jnp.max(dots, axis=1, keepdims=True)
        e = jnp.exp(dots - mx)
        base = (qi // 4) * 4
        w = []
        for t in range(8):
            col = base + t if t < 4 else 128 + base + (t - 4)
            w.append(jnp.sum(jnp.where(kj == col, e, 0.0),
                             axis=1, keepdims=True))
        s = ((w[0] + w[1]) + (w[2] + w[3])) + ((w[4] + w[5]) + (w[6] + w[7]))
        lse = mx + jnp.log(s)
        p = jnp.exp(dots - lse)
        o = jnp.dot(p, vwin, preferred_element_type=jnp.float32)
        o_ref[0, pl.ds(i * 128, 128), :] = o
        lse_ref[0, pl.ds(i * 128, 128), :] = lse
        return 0

    lax.fori_loop(0, NT, tile, 0, unroll=False)


def _attention(sqk, skn, sv):
    bs = lambda: pl.BlockSpec((1, L, DH), lambda i: (i, 0, 0))
    return pl.pallas_call(
        _attn_body,
        grid=(R4,),
        in_specs=[bs(), bs(), bs()],
        out_specs=[
            pl.BlockSpec((1, L, DH), lambda i: (i, 0, 0)),
            pl.BlockSpec((1, L, 1), lambda i: (i, 0, 0)),
        ],
        out_shape=[
            jax.ShapeDtypeStruct((R4, L, DH), jnp.float32),
            jax.ShapeDtypeStruct((R4, L, 1), jnp.float32),
        ],
    )(sqk, skn, sv)



def _mmb_body(x_ref, w_ref, b_ref, o_ref):
    o_ref[...] = jnp.dot(x_ref[...], w_ref[...],
                         preferred_element_type=jnp.float32) + b_ref[...]


def _mm_bias(x, w, b):
    kin, n = w.shape
    vec = lambda i: (0, 0)
    return pl.pallas_call(
        _mmb_body,
        grid=(M // MT,),
        in_specs=[
            pl.BlockSpec((MT, kin), lambda i: (i, 0)),
            pl.BlockSpec((kin, n), vec),
            pl.BlockSpec((1, n), vec),
        ],
        out_specs=pl.BlockSpec((MT, n), lambda i: (i, 0)),
        out_shape=jax.ShapeDtypeStruct((M, n), jnp.float32),
    )(x, w, b.reshape(1, n))



@jax.jit
def _forward_impl(batch_x, batch_x_time_stamp, conv_w, temp_w, Wqk, Wv, Wo,
                  bo, ln1_g, ln1_b, W1, b1, W2, b2, ln2_g, ln2_b, lnf_g,
                  lnf_b, proj_w, proj_b, rotations):
    pos = np.arange(L, dtype=np.float32)[:, None]
    div = np.exp(np.arange(0, D, 2, dtype=np.float32) * (-np.log(10000.0) / D))
    pe_np = np.zeros((L, D), dtype=np.float32)
    pe_np[:, 0::2] = np.sin(pos * div)
    pe_np[:, 1::2] = np.cos(pos * div)
    pe = jnp.asarray(pe_np)

    val = jnp.roll(batch_x, 1, axis=1) @ conv_w[0] + batch_x @ conv_w[1] \
        + jnp.roll(batch_x, -1, axis=1) @ conv_w[2]
    x = (val + batch_x_time_stamp @ temp_w + pe[None]).reshape(M, D)

    pos_i = jnp.arange(L, dtype=jnp.int32)

    for l in range(NL):
        qkv = _qkv(x, jnp.concatenate([Wqk[l], Wv[l]], axis=1))
        qkh = qkv[:, :D].reshape(B, L, H, DH).transpose(0, 2, 1, 3)
        vh = qkv[:, D:].reshape(B, L, H, DH).transpose(0, 2, 1, 3)

        rot = rotations[l].transpose(1, 0, 2).reshape(DH, NH * (NBK // 2))
        bkt = _buckets(qkh, rot)

        skey = bkt * L + pos_i
        sticker = jnp.argsort(skey, axis=-1)
        undo = jnp.argsort(sticker, axis=-1)

        sqk = jnp.take_along_axis(qkh[:, :, None], sticker[..., None], axis=3)
        sv = jnp.take_along_axis(vh[:, :, None], sticker[..., None], axis=3)
        skn = sqk / (jnp.linalg.norm(sqk, axis=-1, keepdims=True) + 1e-9)

        so, slse = _attention(sqk.reshape(R4, L, DH), skn.reshape(R4, L, DH),
                              sv.reshape(R4, L, DH))
        so = so.reshape(B, H, NH, L, DH)
        slse = slse.reshape(B, H, NH, L)

        o_un = jnp.take_along_axis(so, undo[..., None], axis=3)
        lse_un = jnp.take_along_axis(slse, undo, axis=3)
        O = o_un.transpose(2, 0, 1, 3, 4)
        W = jax.nn.softmax(lse_un.transpose(2, 0, 1, 3), axis=0)[..., None]
        a = (O * W).sum(0)
        a = a.transpose(0, 2, 1, 3).reshape(M, D)

        ap = _mm_bias(a, Wo[l], bo[l])
        x = _layernorm(x + ap, ln1_g[l], ln1_b[l])
        h = jax.nn.gelu(_mm_bias(x, W1[l], b1[l]))
        y = _mm_bias(h, W2[l], b2[l])
        x = _layernorm(x + y, ln2_g[l], ln2_b[l])

    xn = _layernorm(x, lnf_g, lnf_b)
    pw = jnp.concatenate([proj_w, jnp.zeros((D, 128 - C_OUT), jnp.float32)],
                         axis=1)
    pb = jnp.concatenate([proj_b, jnp.zeros((128 - C_OUT,), jnp.float32)])
    out = _mm_bias(xn, pw, pb)
    return out[:, :C_OUT].reshape(B, L, C_OUT)


def kernel(batch_x, batch_x_time_stamp, conv_w, temp_w, Wqk, Wv, Wo, bo,
           ln1_g, ln1_b, W1, b1, W2, b2, ln2_g, ln2_b, lnf_g, lnf_b,
           proj_w, proj_b, rotations):
    return _forward_impl(batch_x, batch_x_time_stamp, conv_w, temp_w, Wqk,
                         Wv, Wo, bo, ln1_g, ln1_b, W1, b1, W2, b2, ln2_g,
                         ln2_b, lnf_g, lnf_b, proj_w, proj_b, rotations)

# --- scband reference (transcript-rebuilt; emitter-appended) ---
"""Pipeline reference for scband-reformer-core-18966575579404 (READ-ONLY COPY).

The authoritative reference and input builder live on the scoring server;
editing this copy changes nothing except your own understanding.
"""

import jax, jax.numpy as jnp
import numpy as np

B = 4; L = 2048; ENC_IN = 21; C_OUT = 21; D = 1024; H = 16; DH = D // H
DFF = 2048; NL = 2; NH = 4; BS = 4; TF = 4
NBK = L // BS

def _sinusoid():
    pos = np.arange(L, dtype=np.float32)[:, None]
    div = np.exp(np.arange(0, D, 2, dtype=np.float32) * (-np.log(10000.0) / D))
    pe = np.zeros((L, D), dtype=np.float32)
    pe[:, 0::2] = np.sin(pos * div)
    pe[:, 1::2] = np.cos(pos * div)
    return jnp.asarray(pe)

def _layernorm(x, g, b):
    m = x.mean(-1, keepdims=True)
    v = ((x - m) ** 2).mean(-1, keepdims=True)
    return (x - m) / jnp.sqrt(v + 1e-5) * g + b

def _lsh_attention(qk, v, rots):
    # qk, v: [B,H,L,DH]; rots: [NH, DH, NBK//2]. Shared-QK LSH attention (Reformer).
    pos = jnp.arange(L)
    bsz = qk.shape[0]
    outs, lses = [], []
    for r in range(NH):
        rv = jnp.einsum('bhld,df->bhlf', qk, rots[r])
        rv = jnp.concatenate([rv, -rv], axis=-1)
        buckets = jnp.argmax(rv, axis=-1)
        skey = buckets * L + pos[None, None, :]
        sticker = jnp.argsort(skey, axis=-1)
        undo = jnp.argsort(sticker, axis=-1)
        sqk = jnp.take_along_axis(qk, sticker[..., None], axis=2)
        sv = jnp.take_along_axis(v, sticker[..., None], axis=2)
        spos = jnp.take_along_axis(jnp.broadcast_to(pos[None, None, :], skey.shape), sticker, axis=2)
        nch = L // BS
        cq = sqk.reshape(bsz, H, nch, BS, DH)
        ck = cq / (jnp.linalg.norm(cq, axis=-1, keepdims=True) + 1e-9)
        cv = sv.reshape(bsz, H, nch, BS, DH)
        cp = spos.reshape(bsz, H, nch, BS)
        look = lambda t: jnp.concatenate([t, jnp.roll(t, 1, axis=2)], axis=3)
        kk, vv, kp = look(ck), look(cv), look(cp)
        dots = jnp.einsum('bhcid,bhcjd->bhcij', cq, kk) * (DH ** -0.5)
        dots = jnp.where(cp[..., :, None] == kp[..., None, :], -1e5, dots)
        lse = jax.nn.logsumexp(dots, axis=-1, keepdims=True)
        attn = jnp.exp(dots - lse)
        o = jnp.einsum('bhcij,bhcjd->bhcid', attn, vv).reshape(bsz, H, L, DH)
        lsef = lse.reshape(bsz, H, L)
        outs.append(jnp.take_along_axis(o, undo[..., None], axis=2))
        lses.append(jnp.take_along_axis(lsef, undo, axis=2))
    O = jnp.stack(outs, 0)
    W = jax.nn.softmax(jnp.stack(lses, 0), axis=0)[..., None]
    return (O * W).sum(0)

def _forward(batch_x, batch_x_time_stamp, conv_w, temp_w, Wqk, Wv, Wo, bo, ln1_g, ln1_b, W1, b1, W2, b2, ln2_g, ln2_b, lnf_g, lnf_b, proj_w, proj_b, rotations):
    pe = _sinusoid()
    # DataEmbedding: circular Conv1d(k=3) token embedding + TimeFeature linear + sinusoidal PE
    val = jnp.roll(batch_x, 1, axis=1) @ conv_w[0] + batch_x @ conv_w[1] + jnp.roll(batch_x, -1, axis=1) @ conv_w[2]
    x = val + batch_x_time_stamp @ temp_w + pe[None]
    bsz = x.shape[0]
    for l in range(NL):
        qk = (x @ Wqk[l]).reshape(bsz, L, H, DH).transpose(0, 2, 1, 3)
        v = (x @ Wv[l]).reshape(bsz, L, H, DH).transpose(0, 2, 1, 3)
        a = _lsh_attention(qk, v, rotations[l])
        a = a.transpose(0, 2, 1, 3).reshape(bsz, L, D) @ Wo[l] + bo[l]
        x = _layernorm(x + a, ln1_g[l], ln1_b[l])
        y = jax.nn.gelu(x @ W1[l] + b1[l]) @ W2[l] + b2[l]
        x = _layernorm(x + y, ln2_g[l], ln2_b[l])
    x = _layernorm(x, lnf_g, lnf_b)
    return x @ proj_w + proj_b

def setup_inputs(seed: int = 0):
    key = jax.random.key(seed)
    ks = jax.random.split(key, 16)
    s = 0.02
    return {
        'batch_x': jax.random.normal(ks[0], (B, L, ENC_IN), jnp.float32),
        'batch_x_time_stamp': jax.random.normal(ks[1], (B, L, TF), jnp.float32),
        'conv_w': jax.random.normal(ks[2], (3, ENC_IN, D), jnp.float32) * s,
        'temp_w': jax.random.normal(ks[3], (TF, D), jnp.float32) * s,
        'Wqk': jax.random.normal(ks[4], (NL, D, D), jnp.float32) * s,
        'Wv': jax.random.normal(ks[5], (NL, D, D), jnp.float32) * s,
        'Wo': jax.random.normal(ks[6], (NL, D, D), jnp.float32) * s,
        'bo': jnp.zeros((NL, D), jnp.float32),
        'ln1_g': jnp.ones((NL, D), jnp.float32),
        'ln1_b': jnp.zeros((NL, D), jnp.float32),
        'W1': jax.random.normal(ks[7], (NL, D, DFF), jnp.float32) * s,
        'b1': jnp.zeros((NL, DFF), jnp.float32),
        'W2': jax.random.normal(ks[8], (NL, DFF, D), jnp.float32) * s,
        'b2': jnp.zeros((NL, D), jnp.float32),
        'ln2_g': jnp.ones((NL, D), jnp.float32),
        'ln2_b': jnp.zeros((NL, D), jnp.float32),
        'lnf_g': jnp.ones((D,), jnp.float32),
        'lnf_b': jnp.zeros((D,), jnp.float32),
        'proj_w': jax.random.normal(ks[9], (D, C_OUT), jnp.float32) * s,
        'proj_b': jnp.zeros((C_OUT,), jnp.float32),
        'rotations': jax.random.normal(ks[10], (NL, NH, DH, NBK // 2), jnp.float32),
    }

def reference(batch_x, batch_x_time_stamp, conv_w, temp_w, Wqk, Wv, Wo, bo, ln1_g, ln1_b, W1, b1, W2, b2, ln2_g, ln2_b, lnf_g, lnf_b, proj_w, proj_b, rotations):
    return _forward(batch_x, batch_x_time_stamp, conv_w, temp_w, Wqk, Wv, Wo, bo, ln1_g, ln1_b, W1, b1, W2, b2, ln2_g, ln2_b, lnf_g, lnf_b, proj_w, proj_b, rotations)

if __name__ == "__main__":
    import jax
    _d = setup_inputs()
    print(jax.jit(kernel)(*tuple(_d.values())))

</pallas_src>

<mosaic_0001>
module attributes {stable_mosaic.version = 14 : i64} {
  func.func @_mm_body(%arg0: i32, %arg1: memref<256x1024xf32, #tpu.memory_space<vmem>>, %arg2: memref<1024x2048xf32, #tpu.memory_space<vmem>>, %arg3: memref<256x2048xf32, #tpu.memory_space<vmem>>) attributes {dimension_semantics = [#tpu.dimension_semantics<arbitrary>], iteration_bounds = array<i64: 32>, scalar_prefetch = 0 : i64, scratch_operands = 0 : i64, tpu.core_type = #tpu.core_type<tc>, window_params = [{transform_indices = @transform_0, window_bounds = array<i64: 256, 1024>}, {pipeline_mode = #tpu.pipeline_mode<synchronous>, transform_indices = @transform_1, window_bounds = array<i64: 1024, 2048>}, {transform_indices = @transform_2, window_bounds = array<i64: 256, 2048>}]} {
    %get3A = arith.constant 0 : index
    %get3A_0 = arith.constant 0 : index
    %get3A_1 = vector.load %arg1[%get3A, %get3A_0] : memref<256x1024xf32, #tpu.memory_space<vmem>>, vector<256x1024xf32>
    %get3A_2 = arith.constant 0 : index
    %get3A_3 = arith.constant 0 : index
    %get3A_4 = vector.load %arg2[%get3A_2, %get3A_3] : memref<1024x2048xf32, #tpu.memory_space<vmem>>, vector<1024x1024xf32>
    %dot_general3A = arith.constant dense<0.000000e+00> : vector<256x1024xf32>
    %dot_general3A_5 = tpu.matmul %get3A_1, %get3A_4, %dot_general3A {dimension_numbers = #tpu.dot_dimension_numbers<[1], [0], [0], [1], [0, 0, 1, 1], [], []>, transpose_lhs_hint = false} : vector<256x1024xf32>, vector<1024x1024xf32>, vector<256x1024xf32> -> vector<256x1024xf32>
    %swap3A = arith.constant 0 : index
    %swap3A_6 = arith.constant 0 : index
    %swap3A_7 = vector.load %arg3[%swap3A, %swap3A_6] : memref<256x2048xf32, #tpu.memory_space<vmem>>, vector<256x1024xf32>
    tpu.vector_store %arg3[%swap3A, %swap3A_6], %dot_general3A_5 {strides = array<i32>} : memref<256x2048xf32, #tpu.memory_space<vmem>>, vector<256x1024xf32>,
    %get3A_8 = arith.constant 0 : index
    %get3A_9 = arith.constant 1024 : index
    %get3A_10 = vector.load %arg2[%get3A_8, %get3A_9] : memref<1024x2048xf32, #tpu.memory_space<vmem>>, vector<1024x1024xf32>
    %dot_general3A_11 = arith.constant dense<0.000000e+00> : vector<256x1024xf32>
    %dot_general3A_12 = tpu.matmul %get3A_1, %get3A_10, %dot_general3A_11 {dimension_numbers = #tpu.dot_dimension_numbers<[1], [0], [0], [1], [0, 0, 1, 1], [], []>, transpose_lhs_hint = false} : vector<256x1024xf32>, vector<1024x1024xf32>, vector<256x1024xf32> -> vector<256x1024xf32>
    %swap3A_13 = arith.constant 0 : index
    %swap3A_14 = arith.constant 1024 : index
    %swap3A_15 = vector.load %arg3[%swap3A_13, %swap3A_14] : memref<256x2048xf32, #tpu.memory_space<vmem>>, vector<256x1024xf32>
    tpu.vector_store %arg3[%swap3A_13, %swap3A_14], %dot_general3A_12 {strides = array<i32>} : memref<256x2048xf32, #tpu.memory_space<vmem>>, vector<256x1024xf32>,
    return
  }
  func.func @transform_0(%arg0: i32) -> (i32, i32) {
    %c0_i32 = arith.constant 0 : i32
    %c0_i32_0 = arith.constant 0 : i32
    return %arg0, %c0_i32 : i32, i32
  }
  func.func @transform_1(%arg0: i32) -> (i32, i32) {
    %c0_i32 = arith.constant 0 : i32
    %c0_i32_0 = arith.constant 0 : i32
    %c0_i32_1 = arith.constant 0 : i32
    return %c0_i32, %c0_i32_0 : i32, i32
  }
  func.func @transform_2(%arg0: i32) -> (i32, i32) {
    %c0_i32 = arith.constant 0 : i32
    %c0_i32_0 = arith.constant 0 : i32
    return %arg0, %c0_i32 : i32, i32
  }
}

module attributes {stable_mosaic.version = 14 : i64} {
  func.func @_bucket_body(%arg0: i32, %arg1: i32, %arg2: memref<1x1x2048x64xf32, #tpu.memory_space<vmem>>, %arg3: memref<64x1024xf32, #tpu.memory_space<vmem>>, %arg4: memref<1x1x4x2048xi32, #tpu.memory_space<vmem>>) attributes {dimension_semantics = [#tpu.dimension_semantics<arbitrary>, #tpu.dimension_semantics<arbitrary>], iteration_bounds = array<i64: 4, 16>, scalar_prefetch = 0 : i64, scratch_operands = 0 : i64, tpu.core_type = #tpu.core_type<tc>, window_params = [{transform_indices = @transform_0, window_bounds = array<i64: 1, 1, 2048, 64>}, {pipeline_mode = #tpu.pipeline_mode<synchronous>, transform_indices = @transform_1, window_bounds = array<i64: 64, 1024>}, {transform_indices = @transform_2, window_bounds = array<i64: 1, 1, 4, 2048>}]} {
    %get3A = arith.constant 0 : index
    %get3A_0 = arith.constant 0 : index
    %get3A_1 = arith.constant 0 : index
    %get3A_2 = arith.constant 0 : index
    %get3A_3 = vector.load %arg2[%get3A, %get3A_0, %get3A_1, %get3A_2] : memref<1x1x2048x64xf32, #tpu.memory_space<vmem>>, vector<1x1x2048x64xf32>
    %get3A_4 = vector.shape_cast %get3A_3 : vector<1x1x2048x64xf32> to vector<2048x64xf32>
    %get3A_5 = arith.constant 0 : index
    %get3A_6 = arith.constant 0 : index
    %get3A_7 = vector.load %arg3[%get3A_5, %get3A_6] : memref<64x1024xf32, #tpu.memory_space<vmem>>, vector<64x1024xf32>
    %dot_general3A = arith.constant dense<0.000000e+00> : vector<2048x1024xf32>
    %dot_general3A_8 = tpu.matmul %get3A_4, %get3A_7, %dot_general3A {dimension_numbers = #tpu.dot_dimension_numbers<[1], [0], [0], [1], [0, 0, 1, 1], [], []>, transpose_lhs_hint = false} : vector<2048x64xf32>, vector<64x1024xf32>, vector<2048x1024xf32> -> vector<2048x1024xf32>
    %iota3A = tpu.iota {dimensions = array<i32: 1>} : vector<2048x256xi32>
    %slice3A = vector.extract_strided_slice %dot_general3A_8 {offsets = [0, 0], sizes = [2048, 256], strides = [1, 1]} : vector<2048x1024xf32> to vector<2048x256xf32>
    %reduce_max3A = arith.constant dense<0xFF800000> : vector<2048xf32>
    %reduce_max3A_9 = vector.multi_reduction <maximumf>, %slice3A, %reduce_max3A [1] : vector<2048x256xf32> to vector<2048xf32>
    %broadcast_in_dim3A = vector.shape_cast %reduce_max3A_9 : vector<2048xf32> to vector<2048x1xf32>
    %eq3A = vector.broadcast %broadcast_in_dim3A : vector<2048x1xf32> to vector<2048x256xf32>
    %eq3A_10 = arith.cmpf oeq, %slice3A, %eq3A : vector<2048x256xf32>
    %jit3A = arith.constant 1073741824 : i32
    %broadcast_in_dim3A_11 = vector.broadcast %jit3A : i32 to vector<2048x256xi32>
    %select_n3A = arith.select %eq3A_10, %iota3A, %broadcast_in_dim3A_11 : vector<2048x256xi1>, vector<2048x256xi32>
    %reduce_min3A = arith.constant dense<2147483647> : vector<2048xi32>
    %reduce_min3A_12 = vector.multi_reduction <minsi>, %select_n3A, %reduce_min3A [1] : vector<2048x256xi32> to vector<2048xi32>
    %reduce_min3A_13 = arith.constant dense<0x7F800000> : vector<2048xf32>
    %reduce_min3A_14 = vector.multi_reduction <minimumf>, %slice3A, %reduce_min3A_13 [1] : vector<2048x256xf32> to vector<2048xf32>
    %broadcast_in_dim3A_15 = vector.shape_cast %reduce_min3A_14 : vector<2048xf32> to vector<2048x1xf32>
    %eq3A_16 = vector.broadcast %broadcast_in_dim3A_15 : vector<2048x1xf32> to vector<2048x256xf32>
    %eq3A_17 = arith.cmpf oeq, %slice3A, %eq3A_16 : vector<2048x256xf32>
    %jit3A_18 = arith.constant 1073741824 : i32
    %broadcast_in_dim3A_19 = vector.broadcast %jit3A_18 : i32 to vector<2048x256xi32>
    %select_n3A_20 = arith.select %eq3A_17, %iota3A, %broadcast_in_dim3A_19 : vector<2048x256xi1>, vector<2048x256xi32>
    %reduce_min3A_21 = arith.constant dense<2147483647> : vector<2048xi32>
    %reduce_min3A_22 = vector.multi_reduction <minsi>, %select_n3A_20, %reduce_min3A_21 [1] : vector<2048x256xi32> to vector<2048xi32>
    %squeeze3A = vector.shape_cast %broadcast_in_dim3A : vector<2048x1xf32> to vector<2048xf32>
    %squeeze3A_23 = vector.shape_cast %broadcast_in_dim3A_15 : vector<2048x1xf32> to vector<2048xf32>
    %neg3A = arith.constant 0.000000e+00 : f32
    %neg3A_24 = vector.broadcast %neg3A : f32 to vector<2048xf32>
    %neg3A_25 = arith.subf %neg3A_24, %squeeze3A_23 : vector<2048xf32>
    %ge3A = arith.cmpf oge, %squeeze3A, %neg3A_25 : vector<2048xf32>
    %add3A = arith.constant 256 : i32
    %add3A_26 = vector.broadcast %add3A : i32 to vector<2048xi32>
    %add3A_27 = arith.addi %add3A_26, %reduce_min3A_22 : vector<2048xi32>
    %select_n3A_28 = arith.select %ge3A, %reduce_min3A_12, %add3A_27 : vector<2048xi1>, vector<2048xi32>
    %slice3A_29 = vector.extract_strided_slice %dot_general3A_8 {offsets = [0, 256], sizes = [2048, 256], strides = [1, 1]} : vector<2048x1024xf32> to vector<2048x256xf32>
    %reduce_max3A_30 = arith.constant dense<0xFF800000> : vector<2048xf32>
    %reduce_max3A_31 = vector.multi_reduction <maximumf>, %slice3A_29, %reduce_max3A_30 [1] : vector<2048x256xf32> to vector<2048xf32>
    %broadcast_in_dim3A_32 = vector.shape_cast %reduce_max3A_31 : vector<2048xf32> to vector<2048x1xf32>
    %eq3A_33 = vector.broadcast %broadcast_in_dim3A_32 : vector<2048x1xf32> to vector<2048x256xf32>
    %eq3A_34 = arith.cmpf oeq, %slice3A_29, %eq3A_33 : vector<2048x256xf32>
    %jit3A_35 = arith.constant 1073741824 : i32
    %broadcast_in_dim3A_36 = vector.broadcast %jit3A_35 : i32 to vector<2048x256xi32>
    %select_n3A_37 = arith.select %eq3A_34, %iota3A, %broadcast_in_dim3A_36 : vector<2048x256xi1>, vector<2048x256xi32>
    %reduce_min3A_38 = arith.constant dense<2147483647> : vector<2048xi32>
    %reduce_min3A_39 = vector.multi_reduction <minsi>, %select_n3A_37, %reduce_min3A_38 [1] : vector<2048x256xi32> to vector<2048xi32>
    %reduce_min3A_40 = arith.constant dense<0x7F800000> : vector<2048xf32>
    %reduce_min3A_41 = vector.multi_reduction <minimumf>, %slice3A_29, %reduce_min3A_40 [1] : vector<2048x256xf32> to vector<2048xf32>
    %broadcast_in_dim3A_42 = vector.shape_cast %reduce_min3A_41 : vector<2048xf32> to vector<2048x1xf32>
    %eq3A_43 = vector.broadcast %broadcast_in_dim3A_42 : vector<2048x1xf32> to vector<2048x256xf32>
    %eq3A_44 = arith.cmpf oeq, %slice3A_29, %eq3A_43 : vector<2048x256xf32>
    %jit3A_45 = arith.constant 1073741824 : i32
    %broadcast_in_dim3A_46 = vector.broadcast %jit3A_45 : i32 to vector<2048x256xi32>
    %select_n3A_47 = arith.select %eq3A_44, %iota3A, %broadcast_in_dim3A_46 : vector<2048x256xi1>, vector<2048x256xi32>
    %reduce_min3A_48 = arith.constant dense<2147483647> : vector<2048xi32>
    %reduce_min3A_49 = vector.multi_reduction <minsi>, %select_n3A_47, %reduce_min3A_48 [1] : vector<2048x256xi32> to vector<2048xi32>
    %squeeze3A_50 = vector.shape_cast %broadcast_in_dim3A_32 : vector<2048x1xf32> to vector<2048xf32>
    %squeeze3A_51 = vector.shape_cast %broadcast_in_dim3A_42 : vector<2048x1xf32> to vector<2048xf32>
    %neg3A_52 = arith.constant 0.000000e+00 : f32
    %neg3A_53 = vector.broadcast %neg3A_52 : f32 to vector<2048xf32>
    %neg3A_54 = arith.subf %neg3A_53, %squeeze3A_51 : vector<2048xf32>
    %ge3A_55 = arith.cmpf oge, %squeeze3A_50, %neg3A_54 : vector<2048xf32>
    %add3A_56 = arith.constant 256 : i32
    %add3A_57 = vector.broadcast %add3A_56 : i32 to vector<2048xi32>
    %add3A_58 = arith.addi %add3A_57, %reduce_min3A_49 : vector<2048xi32>
    %select_n3A_59 = arith.select %ge3A_55, %reduce_min3A_39, %add3A_58 : vector<2048xi1>, vector<2048xi32>
    %slice3A_60 = vector.extract_strided_slice %dot_general3A_8 {offsets = [0, 512], sizes = [2048, 256], strides = [1, 1]} : vector<2048x1024xf32> to vector<2048x256xf32>
    %reduce_max3A_61 = arith.constant dense<0xFF800000> : vector<2048xf32>
    %reduce_max3A_62 = vector.multi_reduction <maximumf>, %slice3A_60, %reduce_max3A_61 [1] : vector<2048x256xf32> to vector<2048xf32>
    %broadcast_in_dim3A_63 = vector.shape_cast %reduce_max3A_62 : vector<2048xf32> to vector<2048x1xf32>
    %eq3A_64 = vector.broadcast %broadcast_in_dim3A_63 : vector<2048x1xf32> to vector<2048x256xf32>
    %eq3A_65 = arith.cmpf oeq, %slice3A_60, %eq3A_64 : vector<2048x256xf32>
    %jit3A_66 = arith.constant 1073741824 : i32
    %broadcast_in_dim3A_67 = vector.broadcast %jit3A_66 : i32 to vector<2048x256xi32>
    %select_n3A_68 = arith.select %eq3A_65, %iota3A, %broadcast_in_dim3A_67 : vector<2048x256xi1>, vector<2048x256xi32>
    %reduce_min3A_69 = arith.constant dense<2147483647> : vector<2048xi32>
    %reduce_min3A_70 = vector.multi_reduction <minsi>, %select_n3A_68, %reduce_min3A_69 [1] : vector<2048x256xi32> to vector<2048xi32>
    %reduce_min3A_71 = arith.constant dense<0x7F800000> : vector<2048xf32>
    %reduce_min3A_72 = vector.multi_reduction <minimumf>, %slice3A_60, %reduce_min3A_71 [1] : vector<2048x256xf32> to vector<2048xf32>
    %broadcast_in_dim3A_73 = vector.shape_cast %reduce_min3A_72 : vector<2048xf32> to vector<2048x1xf32>
    %eq3A_74 = vector.broadcast %broadcast_in_dim3A_73 : vector<2048x1xf32> to vector<2048x256xf32>
    %eq3A_75 = arith.cmpf oeq, %slice3A_60, %eq3A_74 : vector<2048x256xf32>
    %jit3A_76 = arith.constant 1073741824 : i32
    %broadcast_in_dim3A_77 = vector.broadcast %jit3A_76 : i32 to vector<2048x256xi32>
    %select_n3A_78 = arith.select %eq3A_75, %iota3A, %broadcast_in_dim3A_77 : vector<2048x256xi1>, vector<2048x256xi32>
    %reduce_min3A_79 = arith.constant dense<2147483647> : vector<2048xi32>
    %reduce_min3A_80 = vector.multi_reduction <minsi>, %select_n3A_78, %reduce_min3A_79 [1] : vector<2048x256xi32> to vector<2048xi32>
    %squeeze3A_81 = vector.shape_cast %broadcast_in_dim3A_63 : vector<2048x1xf32> to vector<2048xf32>
    %squeeze3A_82 = vector.shape_cast %broadcast_in_dim3A_73 : vector<2048x1xf32> to vector<2048xf32>
    %neg3A_83 = arith.constant 0.000000e+00 : f32
    %neg3A_84 = vector.broadcast %neg3A_83 : f32 to vector<2048xf32>
    %neg3A_85 = arith.subf %neg3A_84, %squeeze3A_82 : vector<2048xf32>
    %ge3A_86 = arith.cmpf oge, %squeeze3A_81, %neg3A_85 : vector<2048xf32>
    %add3A_87 = arith.constant 256 : i32
    %add3A_88 = vector.broadcast %add3A_87 : i32 to vector<2048xi32>
    %add3A_89 = arith.addi %add3A_88, %reduce_min3A_80 : vector<2048xi32>
    %select_n3A_90 = arith.select %ge3A_86, %reduce_min3A_70, %add3A_89 : vector<2048xi1>, vector<2048xi32>
    %slice3A_91 = vector.extract_strided_slice %dot_general3A_8 {offsets = [0, 768], sizes = [2048, 256], strides = [1, 1]} : vector<2048x1024xf32> to vector<2048x256xf32>
    %reduce_max3A_92 = arith.constant dense<0xFF800000> : vector<2048xf32>
    %reduce_max3A_93 = vector.multi_reduction <maximumf>, %slice3A_91, %reduce_max3A_92 [1] : vector<2048x256xf32> to vector<2048xf32>
    %broadcast_in_dim3A_94 = vector.shape_cast %reduce_max3A_93 : vector<2048xf32> to vector<2048x1xf32>
    %eq3A_95 = vector.broadcast %broadcast_in_dim3A_94 : vector<2048x1xf32> to vector<2048x256xf32>
    %eq3A_96 = arith.cmpf oeq, %slice3A_91, %eq3A_95 : vector<2048x256xf32>
    %jit3A_97 = arith.constant 1073741824 : i32
    %broadcast_in_dim3A_98 = vector.broadcast %jit3A_97 : i32 to vector<2048x256xi32>
    %select_n3A_99 = arith.select %eq3A_96, %iota3A, %broadcast_in_dim3A_98 : vector<2048x256xi1>, vector<2048x256xi32>
    %reduce_min3A_100 = arith.constant dense<2147483647> : vector<2048xi32>
    %reduce_min3A_101 = vector.multi_reduction <minsi>, %select_n3A_99, %reduce_min3A_100 [1] : vector<2048x256xi32> to vector<2048xi32>
    %reduce_min3A_102 = arith.constant dense<0x7F800000> : vector<2048xf32>
    %reduce_min3A_103 = vector.multi_reduction <minimumf>, %slice3A_91, %reduce_min3A_102 [1] : vector<2048x256xf32> to vector<2048xf32>
    %broadcast_in_dim3A_104 = vector.shape_cast %reduce_min3A_103 : vector<2048xf32> to vector<2048x1xf32>
    %eq3A_105 = vector.broadcast %broadcast_in_dim3A_104 : vector<2048x1xf32> to vector<2048x256xf32>
    %eq3A_106 = arith.cmpf oeq, %slice3A_91, %eq3A_105 : vector<2048x256xf32>
    %jit3A_107 = arith.constant 1073741824 : i32
    %broadcast_in_dim3A_108 = vector.broadcast %jit3A_107 : i32 to vector<2048x256xi32>
    %select_n3A_109 = arith.select %eq3A_106, %iota3A, %broadcast_in_dim3A_108 : vector<2048x256xi1>, vector<2048x256xi32>
    %reduce_min3A_110 = arith.constant dense<2147483647> : vector<2048xi32>
    %reduce_min3A_111 = vector.multi_reduction <minsi>, %select_n3A_109, %reduce_min3A_110 [1] : vector<2048x256xi32> to vector<2048xi32>
    %squeeze3A_112 = vector.shape_cast %broadcast_in_dim3A_94 : vector<2048x1xf32> to vector<2048xf32>
    %squeeze3A_113 = vector.shape_cast %broadcast_in_dim3A_104 : vector<2048x1xf32> to vector<2048xf32>
    %neg3A_114 = arith.constant 0.000000e+00 : f32
    %neg3A_115 = vector.broadcast %neg3A_114 : f32 to vector<2048xf32>
    %neg3A_116 = arith.subf %neg3A_115, %squeeze3A_113 : vector<2048xf32>
    %ge3A_117 = arith.cmpf oge, %squeeze3A_112, %neg3A_116 : vector<2048xf32>
    %add3A_118 = arith.constant 256 : i32
    %add3A_119 = vector.broadcast %add3A_118 : i32 to vector<2048xi32>
    %add3A_120 = arith.addi %add3A_119, %reduce_min3A_111 : vector<2048xi32>
    %select_n3A_121 = arith.select %ge3A_117, %reduce_min3A_101, %add3A_120 : vector<2048xi1>, vector<2048xi32>
    %stack3A = vector.shape_cast %select_n3A_28 : vector<2048xi32> to vector<1x2048xi32>
    %stack3A_122 = vector.shape_cast %select_n3A_59 : vector<2048xi32> to vector<1x2048xi32>
    %stack3A_123 = vector.shape_cast %select_n3A_90 : vector<2048xi32> to vector<1x2048xi32>
    %stack3A_124 = vector.shape_cast %select_n3A_121 : vector<2048xi32> to vector<1x2048xi32>
    %stack3A_125 = tpu.concatenate %stack3A, %stack3A_122, %stack3A_123, %stack3A_124 in 0 : vector<1x2048xi32>, vector<1x2048xi32>, vector<1x2048xi32>, vector<1x2048xi32> -> vector<4x2048xi32>
    %swap3A = arith.constant 0 : index
    %swap3A_126 = arith.constant 0 : index
    %swap3A_127 = arith.constant 0 : index
    %swap3A_128 = arith.constant 0 : index
    %swap3A_129 = vector.load %arg4[%swap3A, %swap3A_126, %swap3A_127, %swap3A_128] : memref<1x1x4x2048xi32, #tpu.memory_space<vmem>>, vector<1x1x4x2048xi32>
    %swap3A_130 = vector.shape_cast %swap3A_129 : vector<1x1x4x2048xi32> to vector<4x2048xi32>
    %swap3A_131 = vector.shape_cast %stack3A_125 : vector<4x2048xi32> to vector<1x1x4x2048xi32>
    tpu.vector_store %arg4[%swap3A, %swap3A_126, %swap3A_127, %swap3A_128], %swap3A_131 {strides = array<i32>} : memref<1x1x4x2048xi32, #tpu.memory_space<vmem>>, vector<1x1x4x2048xi32>,
    return
  }
  func.func @transform_0(%arg0: i32, %arg1: i32) -> (i32, i32, i32, i32) {
    %c0_i32 = arith.constant 0 : i32
    %c0_i32_0 = arith.constant 0 : i32
    %c0_i32_1 = arith.constant 0 : i32
    return %arg0, %arg1, %c0_i32, %c0_i32_0 : i32, i32, i32, i32
  }
  func.func @transform_1(%arg0: i32, %arg1: i32) -> (i32, i32) {
    %c0_i32 = arith.constant 0 : i32
    %c0_i32_0 = arith.constant 0 : i32
    %c0_i32_1 = arith.constant 0 : i32
    return %c0_i32, %c0_i32_0 : i32, i32
  }
  func.func @transform_2(%arg0: i32, %arg1: i32) -> (i32, i32, i32, i32) {
    %c0_i32 = arith.constant 0 : i32
    %c0_i32_0 = arith.constant 0 : i32
    %c0_i32_1 = arith.constant 0 : i32
    return %arg0, %arg1, %c0_i32, %c0_i32_0 : i32, i32, i32, i32
  }
}

module attributes {stable_mosaic.version = 14 : i64} {
  func.func @_attn_body(%arg0: i32, %arg1: memref<1x2048x64xf32, #tpu.memory_space<vmem>>, %arg2: memref<1x2048x64xf32, #tpu.memory_space<vmem>>, %arg3: memref<1x2048x64xf32, #tpu.memory_space<vmem>>, %arg4: memref<1x2048x64xf32, #tpu.memory_space<vmem>>, %arg5: memref<1x2048x1xf32, #tpu.memory_space<vmem>>) attributes {dimension_semantics = [#tpu.dimension_semantics<arbitrary>], iteration_bounds = array<i64: 256>, scalar_prefetch = 0 : i64, scratch_operands = 0 : i64, tpu.core_type = #tpu.core_type<tc>, window_params = [{transform_indices = @transform_0, window_bounds = array<i64: 1, 2048, 64>}, {transform_indices = @transform_1, window_bounds = array<i64: 1, 2048, 64>}, {transform_indices = @transform_2, window_bounds = array<i64: 1, 2048, 64>}, {transform_indices = @transform_3, window_bounds = array<i64: 1, 2048, 64>}, {transform_indices = @transform_4, window_bounds = array<i64: 1, 2048, 1>}]} {
    %iota3A = tpu.iota {dimensions = array<i32: 0>} : vector<128x256xi32>
    %iota3A_0 = tpu.iota {dimensions = array<i32: 1>} : vector<128x256xi32>
    %lt3A = arith.constant 128 : i32
    %lt3A_1 = vector.broadcast %lt3A : i32 to vector<128x256xi32>
    %lt3A_2 = arith.cmpi slt, %iota3A_0, %lt3A_1 : vector<128x256xi32>
    %jit3A = arith.constant 4 : i32
    %div3A = vector.broadcast %jit3A : i32 to vector<128x256xi32>
    %div3A_3 = arith.divsi %iota3A_0, %div3A : vector<128x256xi32>
    %sign3A = arith.constant 0 : i32
    %sign3A_4 = vector.broadcast %sign3A : i32 to vector<128x256xi32>
    %sign3A_5 = arith.cmpi sgt, %iota3A_0, %sign3A_4 : vector<128x256xi32>
    %sign3A_6 = arith.extui %sign3A_5 : vector<128x256xi1> to vector<128x256xi32>
    %sign3A_7 = arith.constant 0 : i32
    %sign3A_8 = vector.broadcast %sign3A_7 : i32 to vector<128x256xi32>
    %sign3A_9 = arith.cmpi slt, %iota3A_0, %sign3A_8 : vector<128x256xi32>
    %sign3A_10 = arith.extui %sign3A_9 : vector<128x256xi1> to vector<128x256xi32>
    %sign3A_11 = arith.subi %sign3A_6, %sign3A_10 : vector<128x256xi32>
    %sign3A_12 = arith.constant 0 : i32
    %sign3A_13 = arith.cmpi sgt, %jit3A, %sign3A_12 : i32
    %sign3A_14 = arith.extui %sign3A_13 : i1 to i32
    %sign3A_15 = arith.constant 0 : i32
    %sign3A_16 = arith.cmpi slt, %jit3A, %sign3A_15 : i32
    %sign3A_17 = arith.extui %sign3A_16 : i1 to i32
    %sign3A_18 = arith.subi %sign3A_14, %sign3A_17 : i32
    %ne3A = vector.broadcast %sign3A_18 : i32 to vector<128x256xi32>
    %ne3A_19 = arith.cmpi ne, %sign3A_11, %ne3A : vector<128x256xi32>
    %rem3A = vector.broadcast %jit3A : i32 to vector<128x256xi32>
    %rem3A_20 = arith.remsi %iota3A_0, %rem3A : vector<128x256xi32>
    %ne3A_21 = arith.constant 0 : i32
    %ne3A_22 = vector.broadcast %ne3A_21 : i32 to vector<128x256xi32>
    %ne3A_23 = arith.cmpi ne, %rem3A_20, %ne3A_22 : vector<128x256xi32>
    %and3A = arith.andi %ne3A_19, %ne3A_23 : vector<128x256xi1>
    %sub3A = arith.constant 1 : i32
    %sub3A_24 = vector.broadcast %sub3A : i32 to vector<128x256xi32>
    %sub3A_25 = arith.subi %div3A_3, %sub3A_24 : vector<128x256xi32>
    %select_n3A = arith.select %and3A, %sub3A_25, %div3A_3 : vector<128x256xi1>, vector<128x256xi32>
    %jit3A_26 = arith.constant 4 : i32
    %div3A_27 = vector.broadcast %jit3A_26 : i32 to vector<128x256xi32>
    %div3A_28 = arith.divsi %iota3A, %div3A_27 : vector<128x256xi32>
    %sign3A_29 = arith.constant 0 : i32
    %sign3A_30 = vector.broadcast %sign3A_29 : i32 to vector<128x256xi32>
    %sign3A_31 = arith.cmpi sgt, %iota3A, %sign3A_30 : vector<128x256xi32>
    %sign3A_32 = arith.extui %sign3A_31 : vector<128x256xi1> to vector<128x256xi32>
    %sign3A_33 = arith.constant 0 : i32
    %sign3A_34 = vector.broadcast %sign3A_33 : i32 to vector<128x256xi32>
    %sign3A_35 = arith.cmpi slt, %iota3A, %sign3A_34 : vector<128x256xi32>
    %sign3A_36 = arith.extui %sign3A_35 : vector<128x256xi1> to vector<128x256xi32>
    %sign3A_37 = arith.subi %sign3A_32, %sign3A_36 : vector<128x256xi32>
    %sign3A_38 = arith.constant 0 : i32
    %sign3A_39 = arith.cmpi sgt, %jit3A_26, %sign3A_38 : i32
    %sign3A_40 = arith.extui %sign3A_39 : i1 to i32
    %sign3A_41 = arith.constant 0 : i32
    %sign3A_42 = arith.cmpi slt, %jit3A_26, %sign3A_41 : i32
    %sign3A_43 = arith.extui %sign3A_42 : i1 to i32
    %sign3A_44 = arith.subi %sign3A_40, %sign3A_43 : i32
    %ne3A_45 = vector.broadcast %sign3A_44 : i32 to vector<128x256xi32>
    %ne3A_46 = arith.cmpi ne, %sign3A_37, %ne3A_45 : vector<128x256xi32>
    %rem3A_47 = vector.broadcast %jit3A_26 : i32 to vector<128x256xi32>
    %rem3A_48 = arith.remsi %iota3A, %rem3A_47 : vector<128x256xi32>
    %ne3A_49 = arith.constant 0 : i32
    %ne3A_50 = vector.broadcast %ne3A_49 : i32 to vector<128x256xi32>
    %ne3A_51 = arith.cmpi ne, %rem3A_48, %ne3A_50 : vector<128x256xi32>
    %and3A_52 = arith.andi %ne3A_46, %ne3A_51 : vector<128x256xi1>
    %sub3A_53 = arith.constant 1 : i32
    %sub3A_54 = vector.broadcast %sub3A_53 : i32 to vector<128x256xi32>
    %sub3A_55 = arith.subi %div3A_28, %sub3A_54 : vector<128x256xi32>
    %select_n3A_56 = arith.select %and3A_52, %sub3A_55, %div3A_28 : vector<128x256xi1>, vector<128x256xi32>
    %eq3A = arith.cmpi eq, %select_n3A, %select_n3A_56 : vector<128x256xi32>
    %and3A_57 = arith.andi %lt3A_2, %eq3A : vector<128x256xi1>
    %ge3A = arith.constant 128 : i32
    %ge3A_58 = vector.broadcast %ge3A : i32 to vector<128x256xi32>
    %ge3A_59 = arith.cmpi sge, %iota3A_0, %ge3A_58 : vector<128x256xi32>
    %sub3A_60 = arith.constant 128 : i32
    %sub3A_61 = vector.broadcast %sub3A_60 : i32 to vector<128x256xi32>
    %sub3A_62 = arith.subi %iota3A_0, %sub3A_61 : vector<128x256xi32>
    %jit3A_63 = arith.constant 4 : i32
    %div3A_64 = vector.broadcast %jit3A_63 : i32 to vector<128x256xi32>
    %div3A_65 = arith.divsi %sub3A_62, %div3A_64 : vector<128x256xi32>
    %sign3A_66 = arith.constant 0 : i32
    %sign3A_67 = vector.broadcast %sign3A_66 : i32 to vector<128x256xi32>
    %sign3A_68 = arith.cmpi sgt, %sub3A_62, %sign3A_67 : vector<128x256xi32>
    %sign3A_69 = arith.extui %sign3A_68 : vector<128x256xi1> to vector<128x256xi32>
    %sign3A_70 = arith.constant 0 : i32
    %sign3A_71 = vector.broadcast %sign3A_70 : i32 to vector<128x256xi32>
    %sign3A_72 = arith.cmpi slt, %sub3A_62, %sign3A_71 : vector<128x256xi32>
    %sign3A_73 = arith.extui %sign3A_72 : vector<128x256xi1> to vector<128x256xi32>
    %sign3A_74 = arith.subi %sign3A_69, %sign3A_73 : vector<128x256xi32>
    %sign3A_75 = arith.constant 0 : i32
    %sign3A_76 = arith.cmpi sgt, %jit3A_63, %sign3A_75 : i32
    %sign3A_77 = arith.extui %sign3A_76 : i1 to i32
    %sign3A_78 = arith.constant 0 : i32
    %sign3A_79 = arith.cmpi slt, %jit3A_63, %sign3A_78 : i32
    %sign3A_80 = arith.extui %sign3A_79 : i1 to i32
    %sign3A_81 = arith.subi %sign3A_77, %sign3A_80 : i32
    %ne3A_82 = vector.broadcast %sign3A_81 : i32 to vector<128x256xi32>
    %ne3A_83 = arith.cmpi ne, %sign3A_74, %ne3A_82 : vector<128x256xi32>
    %rem3A_84 = vector.broadcast %jit3A_63 : i32 to vector<128x256xi32>
    %rem3A_85 = arith.remsi %sub3A_62, %rem3A_84 : vector<128x256xi32>
    %ne3A_86 = arith.constant 0 : i32
    %ne3A_87 = vector.broadcast %ne3A_86 : i32 to vector<128x256xi32>
    %ne3A_88 = arith.cmpi ne, %rem3A_85, %ne3A_87 : vector<128x256xi32>
    %and3A_89 = arith.andi %ne3A_83, %ne3A_88 : vector<128x256xi1>
    %sub3A_90 = arith.constant 1 : i32
    %sub3A_91 = vector.broadcast %sub3A_90 : i32 to vector<128x256xi32>
    %sub3A_92 = arith.subi %div3A_65, %sub3A_91 : vector<128x256xi32>
    %select_n3A_93 = arith.select %and3A_89, %sub3A_92, %div3A_65 : vector<128x256xi1>, vector<128x256xi32>
    %jit3A_94 = arith.constant 4 : i32
    %div3A_95 = vector.broadcast %jit3A_94 : i32 to vector<128x256xi32>
    %div3A_96 = arith.divsi %iota3A, %div3A_95 : vector<128x256xi32>
    %sign3A_97 = arith.constant 0 : i32
    %sign3A_98 = vector.broadcast %sign3A_97 : i32 to vector<128x256xi32>
    %sign3A_99 = arith.cmpi sgt, %iota3A, %sign3A_98 : vector<128x256xi32>
    %sign3A_100 = arith.extui %sign3A_99 : vector<128x256xi1> to vector<128x256xi32>
    %sign3A_101 = arith.constant 0 : i32
    %sign3A_102 = vector.broadcast %sign3A_101 : i32 to vector<128x256xi32>
    %sign3A_103 = arith.cmpi slt, %iota3A, %sign3A_102 : vector<128x256xi32>
    %sign3A_104 = arith.extui %sign3A_103 : vector<128x256xi1> to vector<128x256xi32>
    %sign3A_105 = arith.subi %sign3A_100, %sign3A_104 : vector<128x256xi32>
    %sign3A_106 = arith.constant 0 : i32
    %sign3A_107 = arith.cmpi sgt, %jit3A_94, %sign3A_106 : i32
    %sign3A_108 = arith.extui %sign3A_107 : i1 to i32
    %sign3A_109 = arith.constant 0 : i32
    %sign3A_110 = arith.cmpi slt, %jit3A_94, %sign3A_109 : i32
    %sign3A_111 = arith.extui %sign3A_110 : i1 to i32
    %sign3A_112 = arith.subi %sign3A_108, %sign3A_111 : i32
    %ne3A_113 = vector.broadcast %sign3A_112 : i32 to vector<128x256xi32>
    %ne3A_114 = arith.cmpi ne, %sign3A_105, %ne3A_113 : vector<128x256xi32>
    %rem3A_115 = vector.broadcast %jit3A_94 : i32 to vector<128x256xi32>
    %rem3A_116 = arith.remsi %iota3A, %rem3A_115 : vector<128x256xi32>
    %ne3A_117 = arith.constant 0 : i32
    %ne3A_118 = vector.broadcast %ne3A_117 : i32 to vector<128x256xi32>
    %ne3A_119 = arith.cmpi ne, %rem3A_116, %ne3A_118 : vector<128x256xi32>
    %and3A_120 = arith.andi %ne3A_114, %ne3A_119 : vector<128x256xi1>
    %sub3A_121 = arith.constant 1 : i32
    %sub3A_122 = vector.broadcast %sub3A_121 : i32 to vector<128x256xi32>
    %sub3A_123 = arith.subi %div3A_96, %sub3A_122 : vector<128x256xi32>
    %select_n3A_124 = arith.select %and3A_120, %sub3A_123, %div3A_96 : vector<128x256xi1>, vector<128x256xi32>
    %eq3A_125 = arith.cmpi eq, %select_n3A_93, %select_n3A_124 : vector<128x256xi32>
    %and3A_126 = arith.andi %ge3A_59, %eq3A_125 : vector<128x256xi1>
    %or3A = arith.ori %and3A_57, %and3A_126 : vector<128x256xi1>
    %eq3A_127 = arith.cmpi eq, %iota3A_0, %iota3A : vector<128x256xi32>
    %scan3A = arith.constant 0 : i32
    %scan3A_128 = arith.constant 16 : i32
    %scan3A_129 = arith.addi %scan3A, %scan3A_128 : i32
    %scan3A_130 = arith.constant 1 : i32
    scf.for %scan3A_132 = %scan3A to %scan3A_129 step %scan3A_130  : i32 {
      %add3A = arith.constant 16 : i32
      %add3A_133 = arith.addi %scan3A_132, %add3A : i32
      %sub3A_134 = arith.constant 1 : i32
      %sub3A_135 = arith.subi %add3A_133, %sub3A_134 : i32
      %rem3A_136 = arith.constant 16 : i32
      %rem3A_137 = arith.remsi %sub3A_135, %rem3A_136 : i32
      %mul3A = arith.constant 128 : i32
      %mul3A_138 = arith.muli %scan3A_132, %mul3A : i32
      %get3A = arith.constant 0 : index
      %get3A_139 = arith.index_cast %mul3A_138 : i32 to index
      %get3A_140 = arith.constant 0 : index
      %get3A_141 = vector.load %arg1[%get3A, %get3A_139, %get3A_140] : memref<1x2048x64xf32, #tpu.memory_space<vmem>>, vector<1x128x64xf32>
      %get3A_142 = vector.shape_cast %get3A_141 : vector<1x128x64xf32> to vector<128x64xf32>
      %mul3A_143 = arith.constant 128 : i32
      %mul3A_144 = arith.muli %scan3A_132, %mul3A_143 : i32
      %get3A_145 = arith.constant 0 : index
      %get3A_146 = arith.index_cast %mul3A_144 : i32 to index
      %get3A_147 = arith.constant 0 : index
      %get3A_148 = vector.load %arg2[%get3A_145, %get3A_146, %get3A_147] : memref<1x2048x64xf32, #tpu.memory_space<vmem>>, vector<1x128x64xf32>
      %get3A_149 = vector.shape_cast %get3A_148 : vector<1x128x64xf32> to vector<128x64xf32>
      %mul3A_150 = arith.constant 128 : i32
      %mul3A_151 = arith.muli %rem3A_137, %mul3A_150 : i32
      %get3A_152 = arith.constant 0 : index
      %get3A_153 = arith.index_cast %mul3A_151 : i32 to index
      %get3A_154 = arith.constant 0 : index
      %get3A_155 = vector.load %arg2[%get3A_152, %get3A_153, %get3A_154] : memref<1x2048x64xf32, #tpu.memory_space<vmem>>, vector<1x128x64xf32>
      %get3A_156 = vector.shape_cast %get3A_155 : vector<1x128x64xf32> to vector<128x64xf32>
      %slice3A = vector.extract_strided_slice %get3A_156 {offsets = [124, 0], sizes = [4, 64], strides = [1, 1]} : vector<128x64xf32> to vector<4x64xf32>
      %slice3A_157 = vector.extract_strided_slice %get3A_149 {offsets = [0, 0], sizes = [124, 64], strides = [1, 1]} : vector<128x64xf32> to vector<124x64xf32>
      %concatenate3A = tpu.concatenate %slice3A, %slice3A_157 in 0 : vector<4x64xf32>, vector<124x64xf32> -> vector<128x64xf32>
      %concatenate3A_158 = tpu.concatenate %get3A_149, %concatenate3A in 0 : vector<128x64xf32>, vector<128x64xf32> -> vector<256x64xf32>
      %mul3A_159 = arith.constant 128 : i32
      %mul3A_160 = arith.muli %scan3A_132, %mul3A_159 : i32
      %get3A_161 = arith.constant 0 : index
      %get3A_162 = arith.index_cast %mul3A_160 : i32 to index
      %get3A_163 = arith.constant 0 : index
      %get3A_164 = vector.load %arg3[%get3A_161, %get3A_162, %get3A_163] : memref<1x2048x64xf32, #tpu.memory_space<vmem>>, vector<1x128x64xf32>
      %get3A_165 = vector.shape_cast %get3A_164 : vector<1x128x64xf32> to vector<128x64xf32>
      %mul3A_166 = arith.constant 128 : i32
      %mul3A_167 = arith.muli %rem3A_137, %mul3A_166 : i32
      %get3A_168 = arith.constant 0 : index
      %get3A_169 = arith.index_cast %mul3A_167 : i32 to index
      %get3A_170 = arith.constant 0 : index
      %get3A_171 = vector.load %arg3[%get3A_168, %get3A_169, %get3A_170] : memref<1x2048x64xf32, #tpu.memory_space<vmem>>, vector<1x128x64xf32>
      %get3A_172 = vector.shape_cast %get3A_171 : vector<1x128x64xf32> to vector<128x64xf32>
      %slice3A_173 = vector.extract_strided_slice %get3A_172 {offsets = [124, 0], sizes = [4, 64], strides = [1, 1]} : vector<128x64xf32> to vector<4x64xf32>
      %slice3A_174 = vector.extract_strided_slice %get3A_165 {offsets = [0, 0], sizes = [124, 64], strides = [1, 1]} : vector<128x64xf32> to vector<124x64xf32>
      %concatenate3A_175 = tpu.concatenate %slice3A_173, %slice3A_174 in 0 : vector<4x64xf32>, vector<124x64xf32> -> vector<128x64xf32>
      %concatenate3A_176 = tpu.concatenate %get3A_165, %concatenate3A_175 in 0 : vector<128x64xf32>, vector<128x64xf32> -> vector<256x64xf32>
      %dot_general3A = arith.constant dense<0.000000e+00> : vector<128x256xf32>
      %dot_general3A_177 = tpu.matmul %get3A_142, %concatenate3A_158, %dot_general3A {dimension_numbers = #tpu.dot_dimension_numbers<[1], [1], [0], [0], [0, 0, 1, 0], [], []>, transpose_lhs_hint = false} : vector<128x64xf32>, vector<256x64xf32>, vector<128x256xf32> -> vector<128x256xf32>
      %mul3A_178 = arith.constant 1.250000e-01 : f32
      %mul3A_179 = vector.broadcast %mul3A_178 : f32 to vector<128x256xf32>
      %mul3A_180 = arith.mulf %dot_general3A_177, %mul3A_179 : vector<128x256xf32>
      %jit3A_181 = arith.constant -1.000000e+05 : f32
      %broadcast_in_dim3A = vector.broadcast %jit3A_181 : f32 to vector<128x256xf32>
      %select_n3A_182 = arith.select %eq3A_127, %broadcast_in_dim3A, %mul3A_180 : vector<128x256xi1>, vector<128x256xf32>
      %jit3A_183 = arith.constant -1.000000e+30 : f32
      %broadcast_in_dim3A_184 = vector.broadcast %jit3A_183 : f32 to vector<128x256xf32>
      %select_n3A_185 = arith.select %or3A, %select_n3A_182, %broadcast_in_dim3A_184 : vector<128x256xi1>, vector<128x256xf32>
      %reduce_max3A = arith.constant dense<0xFF800000> : vector<128xf32>
      %reduce_max3A_186 = vector.multi_reduction <maximumf>, %select_n3A_185, %reduce_max3A [1] : vector<128x256xf32> to vector<128xf32>
      %broadcast_in_dim3A_187 = vector.shape_cast %reduce_max3A_186 : vector<128xf32> to vector<128x1xf32>
      %sub3A_188 = vector.broadcast %broadcast_in_dim3A_187 : vector<128x1xf32> to vector<128x256xf32>
      %sub3A_189 = arith.subf %select_n3A_185, %sub3A_188 : vector<128x256xf32>
      %exp3A = math.exp %sub3A_189 : vector<128x256xf32>
      %jit3A_190 = arith.constant 4 : i32
      %div3A_191 = vector.broadcast %jit3A_190 : i32 to vector<128x256xi32>
      %div3A_192 = arith.divsi %iota3A, %div3A_191 : vector<128x256xi32>
      %sign3A_193 = arith.constant 0 : i32
      %sign3A_194 = vector.broadcast %sign3A_193 : i32 to vector<128x256xi32>
      %sign3A_195 = arith.cmpi sgt, %iota3A, %sign3A_194 : vector<128x256xi32>
      %sign3A_196 = arith.extui %sign3A_195 : vector<128x256xi1> to vector<128x256xi32>
      %sign3A_197 = arith.constant 0 : i32
      %sign3A_198 = vector.broadcast %sign3A_197 : i32 to vector<128x256xi32>
      %sign3A_199 = arith.cmpi slt, %iota3A, %sign3A_198 : vector<128x256xi32>
      %sign3A_200 = arith.extui %sign3A_199 : vector<128x256xi1> to vector<128x256xi32>
      %sign3A_201 = arith.subi %sign3A_196, %sign3A_200 : vector<128x256xi32>
      %sign3A_202 = arith.constant 0 : i32
      %sign3A_203 = arith.cmpi sgt, %jit3A_190, %sign3A_202 : i32
      %sign3A_204 = arith.extui %sign3A_203 : i1 to i32
      %sign3A_205 = arith.constant 0 : i32
      %sign3A_206 = arith.cmpi slt, %jit3A_190, %sign3A_205 : i32
      %sign3A_207 = arith.extui %sign3A_206 : i1 to i32
      %sign3A_208 = arith.subi %sign3A_204, %sign3A_207 : i32
      %ne3A_209 = vector.broadcast %sign3A_208 : i32 to vector<128x256xi32>
      %ne3A_210 = arith.cmpi ne, %sign3A_201, %ne3A_209 : vector<128x256xi32>
      %rem3A_211 = vector.broadcast %jit3A_190 : i32 to vector<128x256xi32>
      %rem3A_212 = arith.remsi %iota3A, %rem3A_211 : vector<128x256xi32>
      %ne3A_213 = arith.constant 0 : i32
      %ne3A_214 = vector.broadcast %ne3A_213 : i32 to vector<128x256xi32>
      %ne3A_215 = arith.cmpi ne, %rem3A_212, %ne3A_214 : vector<128x256xi32>
      %and3A_216 = arith.andi %ne3A_210, %ne3A_215 : vector<128x256xi1>
      %sub3A_217 = arith.constant 1 : i32
      %sub3A_218 = vector.broadcast %sub3A_217 : i32 to vector<128x256xi32>
      %sub3A_219 = arith.subi %div3A_192, %sub3A_218 : vector<128x256xi32>
      %select_n3A_220 = arith.select %and3A_216, %sub3A_219, %div3A_192 : vector<128x256xi1>, vector<128x256xi32>
      %mul3A_221 = arith.constant 4 : i32
      %mul3A_222 = vector.broadcast %mul3A_221 : i32 to vector<128x256xi32>
      %mul3A_223 = arith.muli %select_n3A_220, %mul3A_222 : vector<128x256xi32>
      %add3A_224 = arith.constant 0 : i32
      %add3A_225 = vector.broadcast %add3A_224 : i32 to vector<128x256xi32>
      %add3A_226 = arith.addi %mul3A_223, %add3A_225 : vector<128x256xi32>
      %eq3A_227 = arith.cmpi eq, %iota3A_0, %add3A_226 : vector<128x256xi32>
      %jit3A_228 = arith.constant 0.000000e+00 : f32
      %broadcast_in_dim3A_229 = vector.broadcast %jit3A_228 : f32 to vector<128x256xf32>
      %select_n3A_230 = arith.select %eq3A_227, %exp3A, %broadcast_in_dim3A_229 : vector<128x256xi1>, vector<128x256xf32>
      %reduce_sum3A = arith.constant dense<0.000000e+00> : vector<128xf32>
      %reduce_sum3A_231 = vector.multi_reduction <add>, %select_n3A_230, %reduce_sum3A [1] : vector<128x256xf32> to vector<128xf32>
      %broadcast_in_dim3A_232 = vector.shape_cast %reduce_sum3A_231 : vector<128xf32> to vector<128x1xf32>
      %add3A_233 = arith.constant 1 : i32
      %add3A_234 = vector.broadcast %add3A_233 : i32 to vector<128x256xi32>
      %add3A_235 = arith.addi %mul3A_223, %add3A_234 : vector<128x256xi32>
      %eq3A_236 = arith.cmpi eq, %iota3A_0, %add3A_235 : vector<128x256xi32>
      %jit3A_237 = arith.constant 0.000000e+00 : f32
      %broadcast_in_dim3A_238 = vector.broadcast %jit3A_237 : f32 to vector<128x256xf32>
      %select_n3A_239 = arith.select %eq3A_236, %exp3A, %broadcast_in_dim3A_238 : vector<128x256xi1>, vector<128x256xf32>
      %reduce_sum3A_240 = arith.constant dense<0.000000e+00> : vector<128xf32>
      %reduce_sum3A_241 = vector.multi_reduction <add>, %select_n3A_239, %reduce_sum3A_240 [1] : vector<128x256xf32> to vector<128xf32>
      %broadcast_in_dim3A_242 = vector.shape_cast %reduce_sum3A_241 : vector<128xf32> to vector<128x1xf32>
      %add3A_243 = arith.constant 2 : i32
      %add3A_244 = vector.broadcast %add3A_243 : i32 to vector<128x256xi32>
      %add3A_245 = arith.addi %mul3A_223, %add3A_244 : vector<128x256xi32>
      %eq3A_246 = arith.cmpi eq, %iota3A_0, %add3A_245 : vector<128x256xi32>
      %jit3A_247 = arith.constant 0.000000e+00 : f32
      %broadcast_in_dim3A_248 = vector.broadcast %jit3A_247 : f32 to vector<128x256xf32>
      %select_n3A_249 = arith.select %eq3A_246, %exp3A, %broadcast_in_dim3A_248 : vector<128x256xi1>, vector<128x256xf32>
      %reduce_sum3A_250 = arith.constant dense<0.000000e+00> : vector<128xf32>
      %reduce_sum3A_251 = vector.multi_reduction <add>, %select_n3A_249, %reduce_sum3A_250 [1] : vector<128x256xf32> to vector<128xf32>
      %broadcast_in_dim3A_252 = vector.shape_cast %reduce_sum3A_251 : vector<128xf32> to vector<128x1xf32>
      %add3A_253 = arith.constant 3 : i32
      %add3A_254 = vector.broadcast %add3A_253 : i32 to vector<128x256xi32>
      %add3A_255 = arith.addi %mul3A_223, %add3A_254 : vector<128x256xi32>
      %eq3A_256 = arith.cmpi eq, %iota3A_0, %add3A_255 : vector<128x256xi32>
      %jit3A_257 = arith.constant 0.000000e+00 : f32
      %broadcast_in_dim3A_258 = vector.broadcast %jit3A_257 : f32 to vector<128x256xf32>
      %select_n3A_259 = arith.select %eq3A_256, %exp3A, %broadcast_in_dim3A_258 : vector<128x256xi1>, vector<128x256xf32>
      %reduce_sum3A_260 = arith.constant dense<0.000000e+00> : vector<128xf32>
      %reduce_sum3A_261 = vector.multi_reduction <add>, %select_n3A_259, %reduce_sum3A_260 [1] : vector<128x256xf32> to vector<128xf32>
      %broadcast_in_dim3A_262 = vector.shape_cast %reduce_sum3A_261 : vector<128xf32> to vector<128x1xf32>
      %add3A_263 = arith.constant 128 : i32
      %add3A_264 = vector.broadcast %add3A_263 : i32 to vector<128x256xi32>
      %add3A_265 = arith.addi %add3A_264, %mul3A_223 : vector<128x256xi32>
      %add3A_266 = arith.constant 0 : i32
      %add3A_267 = vector.broadcast %add3A_266 : i32 to vector<128x256xi32>
      %add3A_268 = arith.addi %add3A_265, %add3A_267 : vector<128x256xi32>
      %eq3A_269 = arith.cmpi eq, %iota3A_0, %add3A_268 : vector<128x256xi32>
      %jit3A_270 = arith.constant 0.000000e+00 : f32
      %broadcast_in_dim3A_271 = vector.broadcast %jit3A_270 : f32 to vector<128x256xf32>
      %select_n3A_272 = arith.select %eq3A_269, %exp3A, %broadcast_in_dim3A_271 : vector<128x256xi1>, vector<128x256xf32>
      %reduce_sum3A_273 = arith.constant dense<0.000000e+00> : vector<128xf32>
      %reduce_sum3A_274 = vector.multi_reduction <add>, %select_n3A_272, %reduce_sum3A_273 [1] : vector<128x256xf32> to vector<128xf32>
      %broadcast_in_dim3A_275 = vector.shape_cast %reduce_sum3A_274 : vector<128xf32> to vector<128x1xf32>
      %add3A_276 = arith.constant 128 : i32
      %add3A_277 = vector.broadcast %add3A_276 : i32 to vector<128x256xi32>
      %add3A_278 = arith.addi %add3A_277, %mul3A_223 : vector<128x256xi32>
      %add3A_279 = arith.constant 1 : i32
      %add3A_280 = vector.broadcast %add3A_279 : i32 to vector<128x256xi32>
      %add3A_281 = arith.addi %add3A_278, %add3A_280 : vector<128x256xi32>
      %eq3A_282 = arith.cmpi eq, %iota3A_0, %add3A_281 : vector<128x256xi32>
      %jit3A_283 = arith.constant 0.000000e+00 : f32
      %broadcast_in_dim3A_284 = vector.broadcast %jit3A_283 : f32 to vector<128x256xf32>
      %select_n3A_285 = arith.select %eq3A_282, %exp3A, %broadcast_in_dim3A_284 : vector<128x256xi1>, vector<128x256xf32>
      %reduce_sum3A_286 = arith.constant dense<0.000000e+00> : vector<128xf32>
      %reduce_sum3A_287 = vector.multi_reduction <add>, %select_n3A_285, %reduce_sum3A_286 [1] : vector<128x256xf32> to vector<128xf32>
      %broadcast_in_dim3A_288 = vector.shape_cast %reduce_sum3A_287 : vector<128xf32> to vector<128x1xf32>
      %add3A_289 = arith.constant 128 : i32
      %add3A_290 = vector.broadcast %add3A_289 : i32 to vector<128x256xi32>
      %add3A_291 = arith.addi %add3A_290, %mul3A_223 : vector<128x256xi32>
      %add3A_292 = arith.constant 2 : i32
      %add3A_293 = vector.broadcast %add3A_292 : i32 to vector<128x256xi32>
      %add3A_294 = arith.addi %add3A_291, %add3A_293 : vector<128x256xi32>
      %eq3A_295 = arith.cmpi eq, %iota3A_0, %add3A_294 : vector<128x256xi32>
      %jit3A_296 = arith.constant 0.000000e+00 : f32
      %broadcast_in_dim3A_297 = vector.broadcast %jit3A_296 : f32 to vector<128x256xf32>
      %select_n3A_298 = arith.select %eq3A_295, %exp3A, %broadcast_in_dim3A_297 : vector<128x256xi1>, vector<128x256xf32>
      %reduce_sum3A_299 = arith.constant dense<0.000000e+00> : vector<128xf32>
      %reduce_sum3A_300 = vector.multi_reduction <add>, %select_n3A_298, %reduce_sum3A_299 [1] : vector<128x256xf32> to vector<128xf32>
      %broadcast_in_dim3A_301 = vector.shape_cast %reduce_sum3A_300 : vector<128xf32> to vector<128x1xf32>
      %add3A_302 = arith.constant 128 : i32
      %add3A_303 = vector.broadcast %add3A_302 : i32 to vector<128x256xi32>
      %add3A_304 = arith.addi %add3A_303, %mul3A_223 : vector<128x256xi32>
      %add3A_305 = arith.constant 3 : i32
      %add3A_306 = vector.broadcast %add3A_305 : i32 to vector<128x256xi32>
      %add3A_307 = arith.addi %add3A_304, %add3A_306 : vector<128x256xi32>
      %eq3A_308 = arith.cmpi eq, %iota3A_0, %add3A_307 : vector<128x256xi32>
      %jit3A_309 = arith.constant 0.000000e+00 : f32
      %broadcast_in_dim3A_310 = vector.broadcast %jit3A_309 : f32 to vector<128x256xf32>
      %select_n3A_311 = arith.select %eq3A_308, %exp3A, %broadcast_in_dim3A_310 : vector<128x256xi1>, vector<128x256xf32>
      %reduce_sum3A_312 = arith.constant dense<0.000000e+00> : vector<128xf32>
      %reduce_sum3A_313 = vector.multi_reduction <add>, %select_n3A_311, %reduce_sum3A_312 [1] : vector<128x256xf32> to vector<128xf32>
      %broadcast_in_dim3A_314 = vector.shape_cast %reduce_sum3A_313 : vector<128xf32> to vector<128x1xf32>
      %add3A_315 = arith.addf %broadcast_in_dim3A_232, %broadcast_in_dim3A_242 : vector<128x1xf32>
      %add3A_316 = arith.addf %broadcast_in_dim3A_252, %broadcast_in_dim3A_262 : vector<128x1xf32>
      %add3A_317 = arith.addf %add3A_315, %add3A_316 : vector<128x1xf32>
      %add3A_318 = arith.addf %broadcast_in_dim3A_275, %broadcast_in_dim3A_288 : vector<128x1xf32>
      %add3A_319 = arith.addf %broadcast_in_dim3A_301, %broadcast_in_dim3A_314 : vector<128x1xf32>
      %add3A_320 = arith.addf %add3A_318, %add3A_319 : vector<128x1xf32>
      %add3A_321 = arith.addf %add3A_317, %add3A_320 : vector<128x1xf32>
      %log3A = math.log %add3A_321 : vector<128x1xf32>
      %add3A_322 = arith.addf %broadcast_in_dim3A_187, %log3A : vector<128x1xf32>
      %sub3A_323 = vector.broadcast %add3A_322 : vector<128x1xf32> to vector<128x256xf32>
      %sub3A_324 = arith.subf %select_n3A_185, %sub3A_323 : vector<128x256xf32>
      %exp3A_325 = math.exp %sub3A_324 : vector<128x256xf32>
      %dot_general3A_326 = arith.constant dense<0.000000e+00> : vector<128x64xf32>
      %dot_general3A_327 = tpu.matmul %exp3A_325, %concatenate3A_176, %dot_general3A_326 {dimension_numbers = #tpu.dot_dimension_numbers<[1], [0], [0], [1], [0, 0, 1, 1], [], []>, transpose_lhs_hint = false} : vector<128x256xf32>, vector<256x64xf32>, vector<128x64xf32> -> vector<128x64xf32>
      %mul3A_328 = arith.constant 128 : i32
      %mul3A_329 = arith.muli %scan3A_132, %mul3A_328 : i32
      %swap3A = arith.constant 0 : index
      %swap3A_330 = arith.index_cast %mul3A_329 : i32 to index
      %swap3A_331 = arith.constant 0 : index
      %swap3A_332 = vector.load %arg4[%swap3A, %swap3A_330, %swap3A_331] : memref<1x2048x64xf32, #tpu.memory_space<vmem>>, vector<1x128x64xf32>
      %swap3A_333 = vector.shape_cast %swap3A_332 : vector<1x128x64xf32> to vector<128x64xf32>
      %swap3A_334 = vector.shape_cast %dot_general3A_327 : vector<128x64xf32> to vector<1x128x64xf32>
      tpu.vector_store %arg4[%swap3A, %swap3A_330, %swap3A_331], %swap3A_334 {strides = array<i32>} : memref<1x2048x64xf32, #tpu.memory_space<vmem>>, vector<1x128x64xf32>,
      %mul3A_335 = arith.constant 128 : i32
      %mul3A_336 = arith.muli %scan3A_132, %mul3A_335 : i32
      %swap3A_337 = arith.constant 0 : index
      %swap3A_338 = arith.index_cast %mul3A_336 : i32 to index
      %swap3A_339 = arith.constant 0 : index
      %swap3A_340 = vector.load %arg5[%swap3A_337, %swap3A_338, %swap3A_339] : memref<1x2048x1xf32, #tpu.memory_space<vmem>>, vector<1x128x1xf32>
      %swap3A_341 = vector.shape_cast %swap3A_340 : vector<1x128x1xf32> to vector<128x1xf32>
      %swap3A_342 = vector.shape_cast %add3A_322 : vector<128x1xf32> to vector<1x128x1xf32>
      tpu.vector_store %arg5[%swap3A_337, %swap3A_338, %swap3A_339], %swap3A_342 {strides = array<i32>} : memref<1x2048x1xf32, #tpu.memory_space<vmem>>, vector<1x128x1xf32>,
    }
    %scan3A_131 = arith.constant 16 : i32
    return
  }
  func.func @transform_0(%arg0: i32) -> (i32, i32, i32) {
    %c0_i32 = arith.constant 0 : i32
    %c0_i32_0 = arith.constant 0 : i32
    %c0_i32_1 = arith.constant 0 : i32
    return %arg0, %c0_i32, %c0_i32_0 : i32, i32, i32
  }
  func.func @transform_1(%arg0: i32) -> (i32, i32, i32) {
    %c0_i32 = arith.constant 0 : i32
    %c0_i32_0 = arith.constant 0 : i32
    %c0_i32_1 = arith.constant 0 : i32
    return %arg0, %c0_i32, %c0_i32_0 : i32, i32, i32
  }
  func.func @transform_2(%arg0: i32) -> (i32, i32, i32) {
    %c0_i32 = arith.constant 0 : i32
    %c0_i32_0 = arith.constant 0 : i32
    %c0_i32_1 = arith.constant 0 : i32
    return %arg0, %c0_i32, %c0_i32_0 : i32, i32, i32
  }
  func.func @transform_3(%arg0: i32) -> (i32, i32, i32) {
    %c0_i32 = arith.constant 0 : i32
    %c0_i32_0 = arith.constant 0 : i32
    %c0_i32_1 = arith.constant 0 : i32
    return %arg0, %c0_i32, %c0_i32_0 : i32, i32, i32
  }
  func.func @transform_4(%arg0: i32) -> (i32, i32, i32) {
    %c0_i32 = arith.constant 0 : i32
    %c0_i32_0 = arith.constant 0 : i32
    %c0_i32_1 = arith.constant 0 : i32
    return %arg0, %c0_i32, %c0_i32_0 : i32, i32, i32
  }
}

module attributes {stable_mosaic.version = 14 : i64} {
  func.func @_mmb_body(%arg0: i32, %arg1: memref<256x1024xf32, #tpu.memory_space<vmem>>, %arg2: memref<1024x1024xf32, #tpu.memory_space<vmem>>, %arg3: memref<1x1024xf32, #tpu.memory_space<vmem>>, %arg4: memref<256x1024xf32, #tpu.memory_space<vmem>>) attributes {dimension_semantics = [#tpu.dimension_semantics<arbitrary>], iteration_bounds = array<i64: 32>, scalar_prefetch = 0 : i64, scratch_operands = 0 : i64, tpu.core_type = #tpu.core_type<tc>, window_params = [{transform_indices = @transform_0, window_bounds = array<i64: 256, 1024>}, {pipeline_mode = #tpu.pipeline_mode<synchronous>, transform_indices = @transform_1, window_bounds = array<i64: 1024, 1024>}, {pipeline_mode = #tpu.pipeline_mode<synchronous>, transform_indices = @transform_2, window_bounds = array<i64: 1, 1024>}, {transform_indices = @transform_3, window_bounds = array<i64: 256, 1024>}]} {
    %get3A = arith.constant 0 : index
    %get3A_0 = arith.constant 0 : index
    %get3A_1 = vector.load %arg1[%get3A, %get3A_0] : memref<256x1024xf32, #tpu.memory_space<vmem>>, vector<256x1024xf32>
    %get3A_2 = arith.constant 0 : index
    %get3A_3 = arith.constant 0 : index
    %get3A_4 = vector.load %arg2[%get3A_2, %get3A_3] : memref<1024x1024xf32, #tpu.memory_space<vmem>>, vector<1024x1024xf32>
    %dot_general3A = arith.constant dense<0.000000e+00> : vector<256x1024xf32>
    %dot_general3A_5 = tpu.matmul %get3A_1, %get3A_4, %dot_general3A {dimension_numbers = #tpu.dot_dimension_numbers<[1], [0], [0], [1], [0, 0, 1, 1], [], []>, transpose_lhs_hint = false} : vector<256x1024xf32>, vector<1024x1024xf32>, vector<256x1024xf32> -> vector<256x1024xf32>
    %get3A_6 = arith.constant 0 : index
    %get3A_7 = arith.constant 0 : index
    %get3A_8 = vector.load %arg3[%get3A_6, %get3A_7] : memref<1x1024xf32, #tpu.memory_space<vmem>>, vector<1x1024xf32>
    %add3A = vector.broadcast %get3A_8 : vector<1x1024xf32> to vector<256x1024xf32>
    %add3A_9 = arith.addf %dot_general3A_5, %add3A : vector<256x1024xf32>
    %swap3A = arith.constant 0 : index
    %swap3A_10 = arith.constant 0 : index
    %swap3A_11 = vector.load %arg4[%swap3A, %swap3A_10] : memref<256x1024xf32, #tpu.memory_space<vmem>>, vector<256x1024xf32>
    tpu.vector_store %arg4[%swap3A, %swap3A_10], %add3A_9 {strides = array<i32>} : memref<256x1024xf32, #tpu.memory_space<vmem>>, vector<256x1024xf32>,
    return
  }
  func.func @transform_0(%arg0: i32) -> (i32, i32) {
    %c0_i32 = arith.constant 0 : i32
    %c0_i32_0 = arith.constant 0 : i32
    return %arg0, %c0_i32 : i32, i32
  }
  func.func @transform_1(%arg0: i32) -> (i32, i32) {
    %c0_i32 = arith.constant 0 : i32
    %c0_i32_0 = arith.constant 0 : i32
    %c0_i32_1 = arith.constant 0 : i32
    return %c0_i32, %c0_i32_0 : i32, i32
  }
  func.func @transform_2(%arg0: i32) -> (i32, i32) {
    %c0_i32 = arith.constant 0 : i32
    %c0_i32_0 = arith.constant 0 : i32
    %c0_i32_1 = arith.constant 0 : i32
    return %c0_i32, %c0_i32_0 : i32, i32
  }
  func.func @transform_3(%arg0: i32) -> (i32, i32) {
    %c0_i32 = arith.constant 0 : i32
    %c0_i32_0 = arith.constant 0 : i32
    return %arg0, %c0_i32 : i32, i32
  }
}

module attributes {stable_mosaic.version = 14 : i64} {
  func.func @_mmb_body(%arg0: i32, %arg1: memref<256x1024xf32, #tpu.memory_space<vmem>>, %arg2: memref<1024x2048xf32, #tpu.memory_space<vmem>>, %arg3: memref<1x2048xf32, #tpu.memory_space<vmem>>, %arg4: memref<256x2048xf32, #tpu.memory_space<vmem>>) attributes {dimension_semantics = [#tpu.dimension_semantics<arbitrary>], iteration_bounds = array<i64: 32>, scalar_prefetch = 0 : i64, scratch_operands = 0 : i64, tpu.core_type = #tpu.core_type<tc>, window_params = [{transform_indices = @transform_0, window_bounds = array<i64: 256, 1024>}, {pipeline_mode = #tpu.pipeline_mode<synchronous>, transform_indices = @transform_1, window_bounds = array<i64: 1024, 2048>}, {pipeline_mode = #tpu.pipeline_mode<synchronous>, transform_indices = @transform_2, window_bounds = array<i64: 1, 2048>}, {transform_indices = @transform_3, window_bounds = array<i64: 256, 2048>}]} {
    %get3A = arith.constant 0 : index
    %get3A_0 = arith.constant 0 : index
    %get3A_1 = vector.load %arg1[%get3A, %get3A_0] : memref<256x1024xf32, #tpu.memory_space<vmem>>, vector<256x1024xf32>
    %get3A_2 = arith.constant 0 : index
    %get3A_3 = arith.constant 0 : index
    %get3A_4 = vector.load %arg2[%get3A_2, %get3A_3] : memref<1024x2048xf32, #tpu.memory_space<vmem>>, vector<1024x2048xf32>
    %dot_general3A = arith.constant dense<0.000000e+00> : vector<256x2048xf32>
    %dot_general3A_5 = tpu.matmul %get3A_1, %get3A_4, %dot_general3A {dimension_numbers = #tpu.dot_dimension_numbers<[1], [0], [0], [1], [0, 0, 1, 1], [], []>, transpose_lhs_hint = false} : vector<256x1024xf32>, vector<1024x2048xf32>, vector<256x2048xf32> -> vector<256x2048xf32>
    %get3A_6 = arith.constant 0 : index
    %get3A_7 = arith.constant 0 : index
    %get3A_8 = vector.load %arg3[%get3A_6, %get3A_7] : memref<1x2048xf32, #tpu.memory_space<vmem>>, vector<1x2048xf32>
    %add3A = vector.broadcast %get3A_8 : vector<1x2048xf32> to vector<256x2048xf32>
    %add3A_9 = arith.addf %dot_general3A_5, %add3A : vector<256x2048xf32>
    %swap3A = arith.constant 0 : index
    %swap3A_10 = arith.constant 0 : index
    %swap3A_11 = vector.load %arg4[%swap3A, %swap3A_10] : memref<256x2048xf32, #tpu.memory_space<vmem>>, vector<256x2048xf32>
    tpu.vector_store %arg4[%swap3A, %swap3A_10], %add3A_9 {strides = array<i32>} : memref<256x2048xf32, #tpu.memory_space<vmem>>, vector<256x2048xf32>,
    return
  }
  func.func @transform_0(%arg0: i32) -> (i32, i32) {
    %c0_i32 = arith.constant 0 : i32
    %c0_i32_0 = arith.constant 0 : i32
    return %arg0, %c0_i32 : i32, i32
  }
  func.func @transform_1(%arg0: i32) -> (i32, i32) {
    %c0_i32 = arith.constant 0 : i32
    %c0_i32_0 = arith.constant 0 : i32
    %c0_i32_1 = arith.constant 0 : i32
    return %c0_i32, %c0_i32_0 : i32, i32
  }
  func.func @transform_2(%arg0: i32) -> (i32, i32) {
    %c0_i32 = arith.constant 0 : i32
    %c0_i32_0 = arith.constant 0 : i32
    %c0_i32_1 = arith.constant 0 : i32
    return %c0_i32, %c0_i32_0 : i32, i32
  }
  func.func @transform_3(%arg0: i32) -> (i32, i32) {
    %c0_i32 = arith.constant 0 : i32
    %c0_i32_0 = arith.constant 0 : i32
    return %arg0, %c0_i32 : i32, i32
  }
}

module attributes {stable_mosaic.version = 14 : i64} {
  func.func @_mmb_body(%arg0: i32, %arg1: memref<256x2048xf32, #tpu.memory_space<vmem>>, %arg2: memref<2048x1024xf32, #tpu.memory_space<vmem>>, %arg3: memref<1x1024xf32, #tpu.memory_space<vmem>>, %arg4: memref<256x1024xf32, #tpu.memory_space<vmem>>) attributes {dimension_semantics = [#tpu.dimension_semantics<arbitrary>], iteration_bounds = array<i64: 32>, scalar_prefetch = 0 : i64, scratch_operands = 0 : i64, tpu.core_type = #tpu.core_type<tc>, window_params = [{transform_indices = @transform_0, window_bounds = array<i64: 256, 2048>}, {pipeline_mode = #tpu.pipeline_mode<synchronous>, transform_indices = @transform_1, window_bounds = array<i64: 2048, 1024>}, {pipeline_mode = #tpu.pipeline_mode<synchronous>, transform_indices = @transform_2, window_bounds = array<i64: 1, 1024>}, {transform_indices = @transform_3, window_bounds = array<i64: 256, 1024>}]} {
    %get3A = arith.constant 0 : index
    %get3A_0 = arith.constant 0 : index
    %get3A_1 = vector.load %arg1[%get3A, %get3A_0] : memref<256x2048xf32, #tpu.memory_space<vmem>>, vector<256x2048xf32>
    %get3A_2 = arith.constant 0 : index
    %get3A_3 = arith.constant 0 : index
    %get3A_4 = vector.load %arg2[%get3A_2, %get3A_3] : memref<2048x1024xf32, #tpu.memory_space<vmem>>, vector<2048x1024xf32>
    %dot_general3A = arith.constant dense<0.000000e+00> : vector<256x1024xf32>
    %dot_general3A_5 = tpu.matmul %get3A_1, %get3A_4, %dot_general3A {dimension_numbers = #tpu.dot_dimension_numbers<[1], [0], [0], [1], [0, 0, 1, 1], [], []>, transpose_lhs_hint = false} : vector<256x2048xf32>, vector<2048x1024xf32>, vector<256x1024xf32> -> vector<256x1024xf32>
    %get3A_6 = arith.constant 0 : index
    %get3A_7 = arith.constant 0 : index
    %get3A_8 = vector.load %arg3[%get3A_6, %get3A_7] : memref<1x1024xf32, #tpu.memory_space<vmem>>, vector<1x1024xf32>
    %add3A = vector.broadcast %get3A_8 : vector<1x1024xf32> to vector<256x1024xf32>
    %add3A_9 = arith.addf %dot_general3A_5, %add3A : vector<256x1024xf32>
    %swap3A = arith.constant 0 : index
    %swap3A_10 = arith.constant 0 : index
    %swap3A_11 = vector.load %arg4[%swap3A, %swap3A_10] : memref<256x1024xf32, #tpu.memory_space<vmem>>, vector<256x1024xf32>
    tpu.vector_store %arg4[%swap3A, %swap3A_10], %add3A_9 {strides = array<i32>} : memref<256x1024xf32, #tpu.memory_space<vmem>>, vector<256x1024xf32>,
    return
  }
  func.func @transform_0(%arg0: i32) -> (i32, i32) {
    %c0_i32 = arith.constant 0 : i32
    %c0_i32_0 = arith.constant 0 : i32
    return %arg0, %c0_i32 : i32, i32
  }
  func.func @transform_1(%arg0: i32) -> (i32, i32) {
    %c0_i32 = arith.constant 0 : i32
    %c0_i32_0 = arith.constant 0 : i32
    %c0_i32_1 = arith.constant 0 : i32
    return %c0_i32, %c0_i32_0 : i32, i32
  }
  func.func @transform_2(%arg0: i32) -> (i32, i32) {
    %c0_i32 = arith.constant 0 : i32
    %c0_i32_0 = arith.constant 0 : i32
    %c0_i32_1 = arith.constant 0 : i32
    return %c0_i32, %c0_i32_0 : i32, i32
  }
  func.func @transform_3(%arg0: i32) -> (i32, i32) {
    %c0_i32 = arith.constant 0 : i32
    %c0_i32_0 = arith.constant 0 : i32
    return %arg0, %c0_i32 : i32, i32
  }
}

module attributes {stable_mosaic.version = 14 : i64} {
  func.func @_mmb_body(%arg0: i32, %arg1: memref<256x1024xf32, #tpu.memory_space<vmem>>, %arg2: memref<1024x128xf32, #tpu.memory_space<vmem>>, %arg3: memref<1x128xf32, #tpu.memory_space<vmem>>, %arg4: memref<256x128xf32, #tpu.memory_space<vmem>>) attributes {dimension_semantics = [#tpu.dimension_semantics<arbitrary>], iteration_bounds = array<i64: 32>, scalar_prefetch = 0 : i64, scratch_operands = 0 : i64, tpu.core_type = #tpu.core_type<tc>, window_params = [{transform_indices = @transform_0, window_bounds = array<i64: 256, 1024>}, {pipeline_mode = #tpu.pipeline_mode<synchronous>, transform_indices = @transform_1, window_bounds = array<i64: 1024, 128>}, {pipeline_mode = #tpu.pipeline_mode<synchronous>, transform_indices = @transform_2, window_bounds = array<i64: 1, 128>}, {transform_indices = @transform_3, window_bounds = array<i64: 256, 128>}]} {
    %get3A = arith.constant 0 : index
    %get3A_0 = arith.constant 0 : index
    %get3A_1 = vector.load %arg1[%get3A, %get3A_0] : memref<256x1024xf32, #tpu.memory_space<vmem>>, vector<256x1024xf32>
    %get3A_2 = arith.constant 0 : index
    %get3A_3 = arith.constant 0 : index
    %get3A_4 = vector.load %arg2[%get3A_2, %get3A_3] : memref<1024x128xf32, #tpu.memory_space<vmem>>, vector<1024x128xf32>
    %dot_general3A = arith.constant dense<0.000000e+00> : vector<256x128xf32>
    %dot_general3A_5 = tpu.matmul %get3A_1, %get3A_4, %dot_general3A {dimension_numbers = #tpu.dot_dimension_numbers<[1], [0], [0], [1], [0, 0, 1, 1], [], []>, transpose_lhs_hint = false} : vector<256x1024xf32>, vector<1024x128xf32>, vector<256x128xf32> -> vector<256x128xf32>
    %get3A_6 = arith.constant 0 : index
    %get3A_7 = arith.constant 0 : index
    %get3A_8 = vector.load %arg3[%get3A_6, %get3A_7] : memref<1x128xf32, #tpu.memory_space<vmem>>, vector<1x128xf32>
    %add3A = vector.broadcast %get3A_8 : vector<1x128xf32> to vector<256x128xf32>
    %add3A_9 = arith.addf %dot_general3A_5, %add3A : vector<256x128xf32>
    %swap3A = arith.constant 0 : index
    %swap3A_10 = arith.constant 0 : index
    %swap3A_11 = vector.load %arg4[%swap3A, %swap3A_10] : memref<256x128xf32, #tpu.memory_space<vmem>>, vector<256x128xf32>
    tpu.vector_store %arg4[%swap3A, %swap3A_10], %add3A_9 {strides = array<i32>} : memref<256x128xf32, #tpu.memory_space<vmem>>, vector<256x128xf32>,
    return
  }
  func.func @transform_0(%arg0: i32) -> (i32, i32) {
    %c0_i32 = arith.constant 0 : i32
    %c0_i32_0 = arith.constant 0 : i32
    return %arg0, %c0_i32 : i32, i32
  }
  func.func @transform_1(%arg0: i32) -> (i32, i32) {
    %c0_i32 = arith.constant 0 : i32
    %c0_i32_0 = arith.constant 0 : i32
    %c0_i32_1 = arith.constant 0 : i32
    return %c0_i32, %c0_i32_0 : i32, i32
  }
  func.func @transform_2(%arg0: i32) -> (i32, i32) {
    %c0_i32 = arith.constant 0 : i32
    %c0_i32_0 = arith.constant 0 : i32
    %c0_i32_1 = arith.constant 0 : i32
    return %c0_i32, %c0_i32_0 : i32, i32
  }
  func.func @transform_3(%arg0: i32) -> (i32, i32) {
    %c0_i32 = arith.constant 0 : i32
    %c0_i32_0 = arith.constant 0 : i32
    return %arg0, %c0_i32 : i32, i32
  }
}

</mosaic_0001>

<sc_bundles>
// kernel: gather_offload_async_start.1
scs
__scs_entry_jumppad:
0x0: {  	(pc) =	sbr.rel $0x88, $3  }
0x1: {  	(tag) =	ssettag $0x0;
	lr =	simm.s32 $0x1  }
0x2: {  	[smem:$0x3F8C] =	sst lr;
	_ =	strace $0xD0000000  }
0x3: {  	_ = 	snop  }
0x4: {  	_ = 	snop  }
0x5: {  	_ = 	snop  }
0x6: {  	_ = 	snop  }
0x7: {  	_ = 	snop  }
__scs_overlays_trampoline_lowered:
0x8: {  	[smem:$0x3F9B] =	sst s0  }
0x9: {  	[smem:$0x3F9C] =	sst s1  }
0xa: {  	[smem:$0x3F9D] =	sst s2  }
0xb: {  	[smem:$0x3F9E] =	sst s3  }
0xc: {  	[smem:$0x3F9F] =	sst s4  }
0xd: {  	[smem:$0x3FA0] =	sst s5  }
0xe: {  	[smem:$0x3FA1] =	sst s6  }
0xf: {  	[smem:$0x3FA2] =	sst s7  }
0x10: {  	[smem:$0x3FA3] =	sst s8  }
0x11: {  	[smem:$0x3FA4] =	sst s9;
	s0 =	simm.s32 @!p0 $0x0  }
0x12: {  	s1 =	sld [smem:$0x3F8A];
	s0 =	simm.s32 @p0 $0x1  }
0x13: {  	[smem:$0x3FA5] =	sst s0;
	s0 =	simm.s32 @!p1 $0x0  }
0x14: {  	s2 =	sld [smem:$0x3F89];
	s0 =	simm.s32 @p1 $0x1  }
0x15: {  	[smem:$0x3FA6] =	sst s0;
	s0 =	simm.s32 @!p2 $0x0  }
0x16: {  	s3 =	sld [smem:$0x3FDB];
	s0 =	simm.s32 @p2 $0x1  }
0x17: {  	s4 =	simm.s32 $0x1BF5;
	[smem:$0x3FA8] =	sst s0  }
0x18: {  	s0 =	sld [smem:$0x3F8B];
	_ =	swait.ge [sflag:s4], $0x0  }
0x19: {  	s7 =	sld [smem:$0x3F8C]  }
0x1a: {  	s8 =	sadd.s32 $0xFFFFE003, lr  }
0x1b: {  	s9 =	sadd.s32 $0xFFFFFEF7, lr;
	s5 =	simm.s32 $0xFFFFFFFF;
	p2 =	slt.u32 s8, $0xFFFFF086  }
0x1c: {  	p1 =	slt.u32 s9, $0xF7A;
	s5 =	simm.s32 @!p2 $0x0  }
0x1d: {  	s5 =	simm.s32 @p1 $0x1;
	p0 =	seq.s32 s7, s2  }
0x1e: {  	s7 =	smul.u32 @!p0 $0xF7A, s2;
	p2 =	seq.s32 @!p0 s5, $0x0  }
0x1f: {  	s9 =	smul.u32 $0xF7A, s1;
	s8 =	simm.s32 @!p0 $0x1BF5;
	p2 =	por !p2, p0  }
0x20: {  	[sflag:s8] =	ssyncset.s32 @!p0 $0xFFFFF086;
	s6 =	sadd.s32 @!p0 s3, s7;
	s7 =	simm.s32 @!p0 $0x108  }
0x21: {  	s3 =	sadd.s32 s3, s9;
	s6 =	sadd.s32 @!p0 $0x88, s6;
	s7 =	simm.s32 @p2 $0x1082  }
0x22: {  	[simem:s7], [sflag:s8] =	dma.local @!p0 [hbm:s6], $0xF7A  }
0x23: {  	s9 =	sor.u32 $0xD0000000, s2;
	s6 =	simm.s32 $0x108;
	_ =	swait.ge @!p0 [sflag:s8], $0x0  }
0x24: {  	s3 =	sadd.s32 $0x88, s3;
	s6 =	simm.s32 @!p1 $0x1082;
	[sflag:s4] =	ssyncset.s32 $0xFFFFF086  }
0x25: {  	[simem:s6], [sflag:s4] =	dma.local [hbm:s3], $0xF7A  }
0x26: {  	[smem:$0x3F8C] =	sst s1;
	(tag) =	ssettag s2;
	_ =	strace s9  }
0x27: {  	s1 =	sld [smem:$0x3F9C]  }
0x28: {  	s2 =	sld [smem:$0x3F9D]  }
0x29: {  	s4 =	sld [smem:$0x3F9F]  }
0x2a: {  	p0 =	seq.s32 s5, $0x0;
	s5 =	sld [smem:$0x3FA0]  }
0x2b: {  	s6 =	sld [smem:$0x3FA1]  }
0x2c: {  	s7 =	sld [smem:$0x3FA2]  }
0x2d: {  	s3 =	simm.s32 $0x108;
	s8 =	sld [smem:$0x3FA3]  }
0x2e: {  	s3 =	simm.s32 @!p0 $0x1082;
	s9 =	sld [smem:$0x3FA4]  }
0x2f: {  	lr =	sadd.s32 s0, s3;
	s0 =	sld [smem:$0x3F9B]  }
0x30: {  	s3 =	sld [smem:$0x3F9E]  }
0x31: {  	[smem:$0x3FA7] =	sst s10  }
0x32: {  	s10 =	sld [smem:$0x3FA5];
	_ =	sdelay $0x3  }
0x33: {  	p0 =	seq.s32 s10, $0x1;
	s10 =	sld [smem:$0x3FA7];
	_ =	sdelay $0x3  }
0x34: {  	[smem:$0x3FA7] =	sst s10  }
0x35: {  	s10 =	sld [smem:$0x3FA6];
	_ =	sdelay $0x3  }
0x36: {  	p1 =	seq.s32 s10, $0x1;
	s10 =	sld [smem:$0x3FA7];
	_ =	sdelay $0x3  }
0x37: {  	[smem:$0x3FA7] =	sst s10  }
0x38: {  	s10 =	sld [smem:$0x3FA8]  }
0x39: {  	_ = 	snop;
	(pc) =	sbr.ind lr, $3  }
0x3a: {  	_ = 	snop  }
0x3b: {  	_ = 	snop  }
0x3c: {  	p2 =	seq.s32 s10, $0x1;
	s10 =	sld [smem:$0x3FA7]  }
0x3d: {  	_ =	shalt  }
0x3e: {  	_ =	shalt  }
0x3f: {  	_ =	shalt  }
0x40: {  	_ =	shalt  }
0x41: {  	_ =	shalt  }
0x42: {  	_ =	shalt  }
0x43: {  	_ =	shalt  }
0x44: {  	_ =	shalt  }
0x45: {  	_ =	shalt  }
0x46: {  	_ =	shalt  }
0x47: {  	_ =	shalt  }
0x48: {  	_ =	shalt  }
0x49: {  	_ =	shalt  }
0x4a: {  	_ =	shalt  }
0x4b: {  	_ =	shalt  }
0x4c: {  	_ =	shalt  }
0x4d: {  	_ =	shalt  }
0x4e: {  	_ =	shalt  }
0x4f: {  	_ =	shalt  }
0x50: {  	_ =	shalt  }
0x51: {  	_ =	shalt  }
0x52: {  	_ =	shalt  }
0x53: {  	_ =	shalt  }
0x54: {  	_ =	shalt  }
0x55: {  	_ =	shalt  }
0x56: {  	_ =	shalt  }
0x57: {  	_ =	shalt  }
0x58: {  	_ =	shalt  }
0x59: {  	_ =	shalt  }
0x5a: {  	_ =	shalt  }
0x5b: {  	_ =	shalt  }
0x5c: {  	_ =	shalt  }
0x5d: {  	_ =	shalt  }
0x5e: {  	_ =	shalt  }
0x5f: {  	_ =	shalt  }
0x60: {  	_ =	shalt  }
0x61: {  	_ =	shalt  }
0x62: {  	_ =	shalt  }
0x63: {  	_ =	shalt  }
0x64: {  	_ =	shalt  }
0x65: {  	_ =	shalt  }
0x66: {  	_ =	shalt  }
0x67: {  	_ =	shalt  }
0x68: {  	_ =	shalt  }
0x69: {  	_ =	shalt  }
0x6a: {  	_ =	shalt  }
0x6b: {  	_ =	shalt  }
0x6c: {  	_ =	shalt  }
0x6d: {  	_ =	shalt  }
0x6e: {  	_ =	shalt  }
0x6f: {  	_ =	shalt  }
0x70: {  	_ =	shalt  }
0x71: {  	_ =	shalt  }
0x72: {  	_ =	shalt  }
0x73: {  	_ =	shalt  }
0x74: {  	_ =	shalt  }
0x75: {  	_ =	shalt  }
0x76: {  	_ =	shalt  }
0x77: {  	_ =	shalt  }
0x78: {  	_ =	shalt  }
0x79: {  	_ =	shalt  }
0x7a: {  	_ =	shalt  }
0x7b: {  	_ =	shalt  }
0x7c: {  	_ =	shalt  }
0x7d: {  	_ =	shalt  }
0x7e: {  	_ =	shalt  }
0x7f: {  	_ =	shalt  }
0x80: {  	_ =	shalt  }
0x81: {  	_ =	shalt  }
0x82: {  	_ =	shalt  }
0x83: {  	_ =	shalt  }
0x84: {  	_ =	shalt  }
0x85: {  	_ =	shalt  }
0x86: {  	_ =	shalt  }
0x87: {  	_ =	shalt  }
.Lfunc_end0:
.L_simem_size_0:
called_computation.7_lowered:
.L_overlay_start_0:
0x88: {  	s2 =	sld [smem:$0x3FD9]  }
0x89: {  	s3 =	sld [smem:$0x3FFE];
	_ =	sdelay $0x1  }
0x8a: {  	s1 =	srdreg.scid  }
0x8b: {  	s0 =	sand.u32 $0x1, s1  }
0x8c: {  	s17 =	sshll.u32 s0, $0xA;
	s2 =	sadd.s32 s3, s2  }
0x8d: {  	s2 =	sadd.s32 s2, s17  }
0x8e: {  	[smem:$0x3FB3] =	sst s2  }
0x8f: {  	_ = 	snop  }
0x90: {  	(tm) =	ssettm $0x1  }
0x91: {  	s18 =	sld [smem:$0x3FFB];
	_ =	sdelay $0x3  }
0x92: {  	_ =	strace s18  }
0x93: {  	s2 =	sld [smem:$0x3FFC];
	_ =	sdelay $0x3  }
0x94: {  	_ =	strace s2  }
0x95: {  	s2 =	sld [smem:$0x3FFD];
	_ =	sdelay $0x3  }
0x96: {  	_ =	strace s2  }
0x97: {  	_ =	strace $0x8FFFFFFF  }
0x98: {  	s19 =	sld [smem:$0x3FDB];
	_ =	sdelay $0x1  }
0x99: {  	s20 =	simm.s32 $_scs_section_size  }
0x9a: {  	s4 =	simm.s32 $_size__tile_overlayer_lowered;
	s5 =	simm.s32 $_tile_overlayer_lowered  }
0x9b: {  	s6 =	simm.s32 $0x1BFF;
	s21 =	sshll.u32 s5, $0x1;
	s3 =	sadd.s32 s20, s19  }
0x9c: {  	s22 =	simm.s32 $0x0;
	s4 =	sshll.u32 s4, $0x1;
	s5 =	sadd.s32 s21, s3  }
0x9d: {  	[timem:s22], [sflag:s6] =	dma.local [hbm:s5], s4  }
0x9e: {  	_ =	swait.ge [sflag:s6], s4  }
0x9f: {  	s4 =	ssub.s32 $0x0, s4;
	[sflag:s6] =	ssyncset.done $0x0  }
0xa0: {  	[sflag:s6] =	ssyncadd.s32 s4;
	_ =	sdelay $0x1  }
0xa1: {  	s23 =	simm.s32 $0x1B8B  }
0xa2: {  	_ =	swait.ge [sflag:s23], $0x1  }
0xa3: {  	[sflag:s23] =	ssyncset.done $0x0  }
0xa4: {  	[sflag:s23] =	ssyncadd.s32 $0xFFFFFFFF  }
0xa5: {  	s4 =	sld [smem:$0x0]  }
0xa6: {  	s5 =	sand.u32 $0xFFFFFFFE, s1  }
0xa7: {  	p0 =	sne.s32 s1, s5  }
0xa8: {  	s5 =	sshll.u32 @p0 s5, $0xE  }
0xa9: {  	s5 =	sadd.s32 @p0 $0x11B8D, s5;
	s6 =	sshll.u32 @p0 s4, $0x11  }
0xaa: {  	s5 =	sor.u32 @p0 s6, s5  }
0xab: {  	[sflag:s5] =	ssyncadd.remote.s32 @p0 $0x1;
	_ =	sdelay $0x1  }
0xac: {  	s5 =	simm.s32 @p0 $0x1B8D  }
0xad: {  	_ =	swait.eq @p0 [sflag:s5], $0x1  }
0xae: {  	[sflag:s5] =	ssyncadd.s32 @p0 $0xFFFFFFFF  }
0xaf: {  	s6 =	sshll.u32 @!p0 s1, $0xE  }
0xb0: {  	s6 =	sor.u32 @!p0 $0x4000, s6;
	s5 =	simm.s32 @!p0 $0x1B8D  }
0xb1: {  	s4 =	sshll.u32 @!p0 s4, $0x11;
	s6 =	sadd.s32 @!p0 $0x11B8D, s6;
	_ =	swait.eq @!p0 [sflag:s5], $0x1  }
0xb2: {  	s4 =	sor.u32 @!p0 s4, s6;
	[sflag:s5] =	ssyncadd.s32 @!p0 $0xFFFFFFFF  }
0xb3: {  	s25 =	simm.s32 $0x1B8E;
	s24 =	sld [smem:$0x3FFE];
	[sflag:s4] =	ssyncadd.remote.s32 @!p0 $0x1  }
0xb4: {  	s26 =	simm.s32 $execute0_lowered;
	[smem:$0x3FD2] =	sst s25  }
0xb5: {  	s5 =	sshll.u32 s26, $0x1;
	_ =	strace $0x8000004F;
	[dreg:$0x1] =	wrdreg $0xFFFFFFFF  }
0xb6: {  	s28 =	simm.s32 $_size_execute0_lowered;
	s3 =	sadd.s32 s3, s5;
	[dreg:$0x0] =	wrdreg $0x0  }
0xb7: {  	s5 =	sshll.u32 s28, $0x1;
	[dreg:$0x2] =	wrdreg s3  }
0xb8: {  	[dreg:$0x3] =	wrdreg s5  }
0xb9: {  	[dreg:$0x4] =	wrdreg $0xC0  }
0xba: {  	_ =	task [dreg:s22], $0x5FFFF  }
0xbb: {  	[dreg:$0x1] =	wrdreg $0xFFFFFFFF  }
0xbc: {  	[dreg:$0x0] =	wrdreg $0x60  }
0xbd: {  	[dreg:$0x2] =	wrdreg s24  }
0xbe: {  	[dreg:$0x3] =	wrdreg $0x9  }
0xbf: {  	_ =	task.clear_ibuf [dreg:s22], $0x4FFFF;
	_ =	strace $0x9000004F  }
0xc0: {  	s29 =	simm.s32 $0x9;
	_ =	strace $0x80000051  }
0xc1: {  	_ =	swait.ge [sflag:s29], $0x1  }
0xc2: {  	[sflag:s29] =	ssyncadd.s32 $0xFFFFFFFF  }
0xc3: {  	_ =	strace $0x90000051  }
0xc4: {  	_ =	sfence  }
0xc5: {  	s30 =	sld [smem:$0x0];
	_ =	sdelay $0x2  }
0xc6: {  	s31 =	sshll.u32 s1, $0xD;
	s1 =	sshrl.u32 s1, $0x2  }
0xc7: {  	s4 =	sand.u32 $0x4000, s31;
	s1 =	sadd.s32 s1, s30  }
0xc8: {  	s0 =	sor.u32 s4, s0;
	s1 =	sshll.u32 s1, $0x11  }
0xc9: {  	s0 =	sor.u32 s1, s0  }
0xca: {  	s0 =	sadd.s32 $0x8F2B, s0  }
0xcb: {  	[sflag:s0] =	ssyncadd.remote.s32 $0x1  }
0xcc: {  	_ =	sfence.sel $0xFFFF  }
0xcd: {  	[dreg:$0x0] =	wrdreg $0xFFFFFFFF;
	(pc) =	sbr.abs _section_cstart, $3  }
0xce: {  	[dreg:$0x1] =	wrdreg $0xFFFFFFFF  }
0xcf: {  	_ =	task.clear_ibuf [dreg:s22], $0x2FFFF;
	_ =	strace $0x9FFFFFFF  }
0xd0: {  	(tm) =	ssettm $0x7FFFFFFF  }
0xd1: {  	_ =	shalt  }
tec
execute0_lowered:
.L_overlay_start_1:
0x0: {  	(tag) =	ssettag $0x1  }
0x1: {  	s8 =	rddreg [dreg:$0x0]  }
0x2: {  	s0 =	rddreg [dreg:$0x1];
	_ =	strace $0x80000050;
	s1 =	srdreg.scid  }
0x3: {  	s5 =	simm.s32 $0x1;
	s10 =	simm.s32 $0x3;
	p3 =	por $0x0, $0x0  }
0x4: {  	s11 =	simm.s32 $0x80;
	s2 =	sadd.s32 $0x963600, s8;
	s6 =	sshll.u32 s1, $0x4  }
.Ltmp0:
0x5: {  	s1 =	stileid.u32;
	s6 =	sand.u32 $0x10, s6;
	(pc) =	sbr.rel .LBB2_1-.Ltmp0, $4  }
0x6: {  	s3 =	sadd.s32 $0x273600, s8;
	s4 =	sadd.s32 $0x1363600, s8;
	s7 =	sor.u32 s1, s6  }
0x7: {  	[sflag:s5] =	ssyncpa.u1 $0x0;
	s6 =	simm.s32 $0x2;
	s7 =	sshll.u32 s7, $0xE  }
0x8: {  	s8 =	sadd.s32 $0x283600, s8;
	[sflag:s6] =	ssyncpa.u1 $0x0;
	s9 =	sadd.s32 $0x4000, s7  }
0x9: {  	v0 =	vlaneseq.u32;
	[sflag:s10] =	ssyncpa.u1 $0x0;
	s10 =	simm.s32 $0x0;
	s12 =	smov.u32 s7  }
.LBB2_7:
0xa: {  	p0 =	slt.u32 s10, $0x2;
	s10 =	sadd.s32 $0x1, s10  }
0xb: {  	p2 =	sne.s32 s10, $0x42  }
.Ltmp1:
0xc: {  	_ = 	snop;
	(pc) =	sbr.rel @!p2 .LBB2_8-.Ltmp1, $4  }
0xd: {  	s13 =	simm.s32 @!p0 $0x3  }
0xe: {  	s14 =	sadd.s32 $0x100, s12;
	_ =	swait.ge @!p0 [sflag:s13], $0x8000  }
0xf: {  	s12 =	smov.u32 s7;
	p1 =	slt.s32 s14, s9;
	[sflag:s13] =	ssyncset.done @!p0 $0x0  }
0x10: {  	p3 =	por !p3, !p3;
	s12 =	smov.u32 @p1 s14;
	[sflag:s13] =	ssyncadd.s32 @!p0 $0xFFFF8000  }
.LBB2_1:
0x11: {  	p0 =	sgt.u32 s10, $0x3F  }
0x12: {  	s13 =	sxor.u32 @!p0 $0xFFFFFFFF, s10  }
0x13: {  	s14 =	sshrl.u32 @!p0 s12, $0x3;
	s13 =	sshll.u32 @!p0 s13, $0x8  }
0x14: {  	s16 =	sand.u32 @!p0 $0x7, s12;
	s15 =	sadd.s32 @!p0 s3, s14;
	s13 =	sand.u32 @!p0 $0x100, s13  }
0x15: {  	[tilespmem:s13], [sflag:$0x2] =	stream.linear.gather @!p0 [hbm4b:s15+s16], $0x100, $0x38;
	[tilespmem:$0x10400] =	vst v63  }
0x16: {  	s14 =	sadd.s32 @!p0 s8, s14;
	s13 =	sor.u32 @!p0 $0x200, s13  }
0x17: {  	[tilespmem:s13], [sflag:$0x2] =	stream.linear.gather @!p0 [hbm4b:s14+s16], $0x100, $0x38;
	[tilespmem:$0x10400] =	vst v63  }
0x18: {  	p0 =	seq.s32 s10, $0x0  }
0x19: {  	p1 =	seq.s32 @!p0 s10, $0x41  }
0x1a: {  	p0 =	por p0, p1  }
.Ltmp2:
0x1b: {  	_ = 	snop;
	(pc) =	sbr.rel @p0 .LBB2_7-.Ltmp2, $1  }
0x1c: {  	_ =	sdelay $0x3  }
0x1d: {  	p0 =	por $0x0, $0x0;
	s13 =	simm.s32 $0x1  }
0x1e: {  	s13 =	simm.s32 @!p0 $0x2  }
0x1f: {  	v1 =	vmov s13  }
0x20: {  	s14 =	simm.s32 @!p3 $0x0;
	vm0 =	vgt.u32 v1, v0  }
0x21: {  	s14 =	simm.s32 @p3 $0x1  }
0x22: {  	s13 =	simm.s32 $0x1;
	[smem:$0x7FA] =	sst s14  }
0x23: {  	s13 =	simm.s32 @!p3 $0x0;
	_ =	swait.ge [sflag:s6], $0x200  }
0x24: {  	s13 =	sshll.u32 s13, $0x8;
	[sflag:s6] =	ssyncset.done $0x0  }
0x25: {  	[sflag:s6] =	ssyncadd.s32 $0xFFFFFE00;
	s24 =	sadd.s32 $0x0, s13  }
0x26: {  	v1 =	vld.msk [tilespmem:s24+$0x0 ss:$0x1], vm0;
	_ =	sdelay $0x4  }
0x27: {  	p1 =	por $0x0, $0x0;
	s14 =	simm.s32 $0x1;
	(v2sf) =	vpush v1, $0x1  }
0x28: {  	s14 =	simm.s32 @!p1 $0x2;
	(v2sf) =	vpush v1, $0x0  }
0x29: {  	v2 =	vmov s14  }
0x2a: {  	vm0 =	vgt.u32 v2, v0;
	_ =	sdelay $0x4  }
0x2b: {  	p2 =	por $0x0, $0x0;
	s15 =	simm.s32 $0x1;
	s25 =	sadd.s32 $0x1, s13  }
0x2c: {  	s15 =	simm.s32 @!p2 $0x2;
	v2 =	vld.msk [tilespmem:s25+$0x0 ss:$0x1], vm0  }
0x2d: {  	v3 =	vmov s15  }
0x2e: {  	vm0 =	vgt.u32 v3, v0;
	_ =	sdelay $0x1  }
0x2f: {  	p0 =	por p0, p0  }
0x30: {  	p0 =	por p0, p0;
	(v2sf) =	vpush v2, $0x1  }
0x31: {  	p0 =	por p0, p0;
	(v2sf) =	vpush v2, $0x0;
	s14 =	spop (v2sf)  }
0x32: {  	s26 =	sadd.s32 $0x2, s13;
	s14 =	simm.s32 @p0 $0xFFFFFFFF;
	s16 =	spop (v2sf)  }
0x33: {  	v4 =	vld.msk [tilespmem:s26+$0x0 ss:$0x1], vm0;
	p0 =	seq.s32 s16, s14  }
0x34: {  	v3 =	vshrl.u32 @!p0 v1, $0x6  }
0x35: {  	vm0 =	veq.s32 @!p0 v1, $0x80000000;
	v3 =	vand.u32 @!p0 $0x7FF, v3  }
0x36: {  	v3 =	vsel @!p0 vm0, $0xFFFFFFFF, v3  }
0x37: {  	s28 =	sand.u32 $0x1, s10;
	p4 =	por $0x0, $0x0;
	v5 =	vshll.u32 @!p0 v1, $0x16;
	v1 =	vshll.u32 @!p0 v1, $0x10;
	(v2sf) =	vpush @!p0 v3, $0x0  }
0x38: {  	s20 =	simm.s32 $0x14;
	p6 =	por $0x0, $0x0;
	p2 =	por p2, p2;
	v5 =	vand.u32 @!p0 $0xC00000, v5;
	v1 =	vand.u32 @!p0 $0x3C0000, v1;
	(v2sf) =	vpush v4, $0x1  }
0x39: {  	s22 =	simm.s32 $0x18;
	p2 =	por p2, p2;
	p1 =	por p1, p1;
	v1 =	vor.u32 @!p0 v1, v5  }
0x3a: {  	p5 =	por p2, p2;
	p1 =	por p1, p1;
	s16 =	simm.s32 $0x1;
	v1 =	vsel @!p0 vm0, $0xFFBC0000, v1;
	(v2sf) =	vpush v4, $0x0  }
0x3b: {  	s15 =	sor.u32 $0x200, s13;
	p1 =	por p1, p1;
	s16 =	simm.s32 @!p4 $0x2;
	(v2sf) =	vpush @!p0 v1, $0x0  }
0x3c: {  	s29 =	sadd.s32 $0x3, s13;
	s31 =	sadd.s32 $0x4, s13;
	s14 =	sshll.u32 s28, $0xF;
	v1 =	vmov s16  }
0x3d: {  	s14 =	sor.u32 $0x400, s14;
	s19 =	simm.s32 @!p0 $0x1;
	p4 =	por p4, p4;
	vm0 =	vgt.u32 v1, v0  }
0x3e: {  	p3 =	por p0, p0;
	s18 =	sadd.s32 @!p0 $0x0, s14;
	p2 =	por p4, p4  }
0x3f: {  	p4 =	por p3, p3;
	s23 =	simm.s32 @!p2 $0x0;
	s17 =	spop (v2sf)  }
0x40: {  	s17 =	simm.s32 @p1 $0xFFFFFFFF;
	s21 =	spop (v2sf);
	s16 =	simm.s32 $0x0  }
0x41: {  	p1 =	seq.s32 s21, s17;
	s21 =	simm.s32 $0x1;
	s19 =	smov.u32 @p3 s16  }
0x42: {  	s23 =	simm.s32 @p2 $0x1;
	s21 =	simm.s32 @!p6 $0x2;
	s17 =	sshll.u32 @!p1 s19, $0x9  }
0x43: {  	p2 =	por p6, p6;
	v6 =	vmov s21;
	s21 =	simm.s32 @!p3 $0x80;
	s16 =	sshra.s32 @!p1 s17, $0x2;
	v1 =	vld.msk [tilespmem:s29+$0x0 ss:$0x1], vm0  }
0x44: {  	v3 =	vshrl.u32 @!p1 v2, $0x6;
	s17 =	sadd.s32 @!p1 s16, s14;
	[smem:$0x7FB] =	sst s23;
	s23 =	simm.s32 @!p2 $0x0  }
0x45: {  	v5 =	vshll.u32 @!p1 v2, $0x16;
	v3 =	vand.u32 @!p1 $0x7FF, v3;
	s16 =	sadd.s32 @!p1 $0x1, s19;
	vm0 =	veq.s32 @!p1 v2, $0x80000000;
	s23 =	simm.s32 @p2 $0x1;
	p2 =	por p1, p1  }
0x46: {  	v5 =	vand.u32 @!p1 $0xC00000, v5;
	v2 =	vshll.u32 @!p1 v2, $0x10;
	v3 =	vsel @!p1 vm0, $0xFFFFFFFF, v3;
	[smem:$0x7FC] =	sst s23;
	s24 =	simm.s32 @!p2 $0x0;
	s23 =	spop @!p0 (v2sf)  }
0x47: {  	vm1 =	vgt.u32 v6, v0;
	v2 =	vand.u32 @!p1 $0x3C0000, v2;
	s16 =	smov.u32 @p2 s19;
	s24 =	simm.s32 @p2 $0x1;
	(v2sf) =	vpush @!p1 v3, $0x0;
	s19 =	spop (v2sf)  }
0x48: {  	v2 =	vor.u32 @!p1 v2, v5;
	[smem:$0x7FD] =	sst s24;
	(v2sf) =	vpush v1, $0x1;
	s23 =	sshll.u32 @!p4 s23, $0x7;
	s19 =	simm.s32 @p5 $0xFFFFFFFF  }
0x49: {  	v2 =	vsel @!p1 vm0, $0xFFBC0000, v2;
	s30 =	spop (v2sf);
	(v2sf) =	vpush v1, $0x0;
	s25 =	sand.u32 @!p4 $0xFFFFFC00, s23;
	s23 =	sand.u32 @!p4 $0x380, s23  }
0x4a: {  	p6 =	seq.s32 s30, s19;
	s19 =	spop @!p0 (v2sf);
	(v2sf) =	vpush @!p1 v2, $0x0;
	p0 =	por $0x0, $0x0  }
0x4b: {  	s19 =	sadd.s32 @!p4 s19, s25;
	vm0 =	veq.s32 @!p6 v4, $0x80000000;
	v2 =	vshrl.u32 @!p6 v4, $0x6;
	v3 =	vshll.u32 @!p6 v4, $0x16;
	s24 =	sshll.u32 @!p6 s16, $0x9;
	s25 =	simm.s32 $0x1  }
0x4c: {  	v4 =	vshll.u32 @!p6 v4, $0x10;
	s26 =	sor.u32 @!p4 s23, s19;
	s25 =	simm.s32 @!p0 $0x2;
	v5 =	vand.u32 @!p6 $0x7FF, v2;
	v3 =	vand.u32 @!p6 $0xC00000, v3;
	s23 =	sshra.s32 @!p6 s24, $0x2  }
0x4d: {  	v2 =	vld.msk [tilespmem:s31+$0x0 ss:$0x1], vm1;
	v4 =	vand.u32 @!p6 $0x3C0000, v4;
	s19 =	sadd.s32 @!p6 $0x1, s16;
	v6 =	vmov s25;
	v5 =	vsel @!p6 vm0, $0xFFFFFFFF, v5;
	s23 =	sadd.s32 @!p6 s23, s14;
	s24 =	sshrl.u32 @!p4 s26, $0x3  }
.LBB2_3:
0x4e: {  	p5 =	por p1, p1  }
0x4f: {  	s25 =	smov.u32 s16;
	p1 =	por p6, p6;
	s26 =	sld [smem:$0x7FB]  }
0x50: {  	s16 =	sadd.s32 @!p4 s2, s24;
	s31 =	smov.u32 s20;
	s28 =	sld [smem:$0x7FC]  }
0x51: {  	s20 =	smov.u32 s22;
	s22 =	sadd.s32 $0x4, s22;
	s29 =	sld [smem:$0x7FD]  }
0x52: {  	[tilespmem:s18], [sflag:$0x1] =	stream.strided.gather @!p4 [hbm:s16], $0x80, s21, s21, $0x38;
	[tilespmem:$0x10400] =	vst v63  }
0x53: {  	s18 =	smov.u32 s17;
	s17 =	smov.u32 s23;
	s30 =	sshra.s32 s31, $0x2  }
0x54: {  	s16 =	smov.u32 s19;
	p2 =	seq.s32 s26, $0x1;
	p3 =	seq.s32 s28, $0x1  }
0x55: {  	v3 =	vor.u32 @!p6 v4, v3;
	(v2sf) =	vpush @!p6 v5, $0x0;
	s23 =	sadd.s32 s30, s13;
	p6 =	por p2, p2;
	p2 =	por p3, p3  }
0x56: {  	p3 =	por p0, p0;
	p0 =	seq.s32 s29, $0x1;
	s26 =	simm.s32 @!p2 $0x0  }
0x57: {  	s21 =	simm.s32 @!p0 $0x80;
	p4 =	por p0, p0;
	p0 =	por p1, p1  }
0x58: {  	s26 =	simm.s32 @p2 $0x1;
	s19 =	simm.s32 @!p0 $0x0;
	s16 =	smov.u32 @p0 s25  }
0x59: {  	vm1 =	vgt.u32 v6, v0;
	[smem:$0x7FB] =	sst s26;
	s26 =	simm.s32 @!p3 $0x0;
	s19 =	simm.s32 @p0 $0x1  }
0x5a: {  	p0 =	seq.s32 s20, $0x3FC;
	[smem:$0x7FD] =	sst s19;
	s19 =	spop @!p5 (v2sf)  }
0x5b: {  	s26 =	simm.s32 @p3 $0x1;
	p3 =	sne.s32 s22, $0x400;
	s19 =	sshll.u32 @!p4 s19, $0x7  }
0x5c: {  	(v2sf) =	vpush v2, $0x1;
	v4 =	vmov v2;
	[smem:$0x7FC] =	sst s26;
	s24 =	spop (v2sf);
	s25 =	sand.u32 @!p4 $0xFFFFFC00, s19  }
.Ltmp3:
0x5d: {  	v3 =	vsel @!p1 vm0, $0xFFBC0000, v3;
	(v2sf) =	vpush v4, $0x0;
	s24 =	simm.s32 @p6 $0xFFFFFFFF;
	s31 =	spop (v2sf);
	(pc) =	sbr.rel @p3 .LBB2_3-.Ltmp3, $4  }
0x5e: {  	(v2sf) =	vpush @!p1 v3, $0x0;
	s19 =	sand.u32 @!p4 $0x380, s19;
	s26 =	spop @!p5 (v2sf);
	p6 =	seq.s32 s31, s24  }
0x5f: {  	v2 =	vld.msk [tilespmem:s23+$0x0 ss:$0x1], vm1;
	vm0 =	veq.s32 @!p6 v1, $0x80000000;
	v3 =	vshrl.u32 @!p6 v1, $0x6;
	v5 =	vshll.u32 @!p6 v1, $0x16;
	s23 =	sshll.u32 @!p6 s16, $0x9;
	s24 =	sadd.s32 @!p4 s26, s25;
	s25 =	simm.s32 $0x1  }
0x60: {  	v8 =	vshll.u32 @!p6 v1, $0x10;
	s25 =	simm.s32 @!p0 $0x2;
	v7 =	vand.u32 @!p6 $0x7FF, v3;
	v3 =	vand.u32 @!p6 $0xC00000, v5;
	s23 =	sshra.s32 @!p6 s23, $0x2;
	s24 =	sor.u32 @!p4 s19, s24  }
0x61: {  	v1 =	vmovc v4;
	v4 =	vand.u32 @!p6 $0x3C0000, v8;
	s19 =	sadd.s32 @!p6 $0x1, s16;
	v6 =	vmov s25;
	v5 =	vsel @!p6 vm0, $0xFFFFFFFF, v7;
	s23 =	sadd.s32 @!p6 s23, s14;
	s24 =	sshrl.u32 @!p4 s24, $0x3  }
0x62: {  	_ =	sdelay $0x4  }
0x63: {  	vm1 =	vgt.u32 v6, v0;
	s25 =	sld [smem:$0x7FB];
	_ =	sdelay $0x1  }
0x64: {  	(v2sf) =	vpush @!p6 v5, $0x0  }
0x65: {  	(v2sf) =	vpush v2, $0x1;
	s22 =	spop @!p1 (v2sf);
	p2 =	seq.s32 s25, $0x1  }
0x66: {  	s20 =	sshra.s32 s20, $0x2;
	(v2sf) =	vpush v2, $0x0;
	p3 =	por p2, p2;
	s25 =	spop (v2sf)  }
0x67: {  	s20 =	sadd.s32 s20, s13;
	s25 =	simm.s32 @p3 $0xFFFFFFFF;
	s26 =	spop (v2sf)  }
0x68: {  	v5 =	vld.msk [tilespmem:s20+$0x0 ss:$0x1], vm1;
	p5 =	seq.s32 s26, s25  }
0x69: {  	v3 =	vor.u32 @!p6 v4, v3;
	v4 =	vshrl.u32 @!p5 v1, $0x6  }
0x6a: {  	v3 =	vsel @!p6 vm0, $0xFFBC0000, v3;
	vm0 =	veq.s32 @!p5 v1, $0x80000000;
	v4 =	vand.u32 @!p5 $0x7FF, v4  }
0x6b: {  	s20 =	sadd.s32 @!p4 s2, s24;
	(v2sf) =	vpush @!p6 v3, $0x0;
	v3 =	vsel @!p5 vm0, $0xFFFFFFFF, v4  }
0x6c: {  	[tilespmem:s18], [sflag:$0x1] =	stream.strided.gather @!p4 [hbm:s20], $0x80, s21, s21, $0x38;
	(v2sf) =	vpush @!p5 v3, $0x0;
	[tilespmem:$0x10400] =	vst v63  }
0x6d: {  	s18 =	sld [smem:$0x7FD];
	(v2sf) =	vpush v5, $0x1  }
0x6e: {  	(v2sf) =	vpush v5, $0x0  }
0x6f: {  	s21 =	sld [smem:$0x7FC]  }
0x70: {  	p2 =	seq.s32 s18, $0x1;
	v3 =	vshll.u32 @!p5 v1, $0x16;
	v1 =	vshll.u32 @!p5 v1, $0x10  }
0x71: {  	p3 =	por p2, p2;
	v3 =	vand.u32 @!p5 $0xC00000, v3;
	v1 =	vand.u32 @!p5 $0x3C0000, v1  }
0x72: {  	p4 =	seq.s32 s21, $0x1;
	s20 =	spop @!p1 (v2sf);
	s18 =	sshll.u32 @!p3 s22, $0x7;
	v1 =	vor.u32 @!p5 v1, v3  }
0x73: {  	p4 =	por p4, p4;
	s21 =	sand.u32 @!p3 $0xFFFFFC00, s18;
	s22 =	spop @!p6 (v2sf);
	v1 =	vsel @!p5 vm0, $0xFFBC0000, v1  }
0x74: {  	p1 =	por p4, p4;
	s20 =	sadd.s32 @!p3 s20, s21;
	s21 =	spop (v2sf);
	(v2sf) =	vpush @!p5 v1, $0x0  }
0x75: {  	s18 =	sand.u32 @!p3 $0x380, s18;
	s21 =	simm.s32 @p1 $0xFFFFFFFF;
	s24 =	spop (v2sf)  }
0x76: {  	s18 =	sor.u32 @!p3 s18, s20;
	p1 =	seq.s32 s24, s21  }
0x77: {  	s20 =	simm.s32 @!p2 $0x80;
	p2 =	por p6, p6;
	s18 =	sshrl.u32 @!p3 s18, $0x3;
	vm0 =	veq.s32 @!p1 v2, $0x80000000;
	v1 =	vshrl.u32 @!p1 v2, $0x6  }
0x78: {  	p0 =	por p0, p0;
	p4 =	por p2, p2;
	s18 =	sadd.s32 @!p3 s2, s18;
	v3 =	vshll.u32 @!p1 v2, $0x16;
	v2 =	vshll.u32 @!p1 v2, $0x10;
	v1 =	vand.u32 @!p1 $0x7FF, v1  }
0x79: {  	[tilespmem:s17], [sflag:$0x1] =	stream.strided.gather @!p3 [hbm:s18], $0x80, s20, s20, $0x38;
	v3 =	vand.u32 @!p1 $0xC00000, v3;
	v2 =	vand.u32 @!p1 $0x3C0000, v2;
	v1 =	vsel @!p1 vm0, $0xFFFFFFFF, v1;
	[tilespmem:$0x10400] =	vst v63  }
0x7a: {  	p0 =	por p0, p0;
	s17 =	sshll.u32 @!p4 s22, $0x7;
	v2 =	vor.u32 @!p1 v2, v3;
	(v2sf) =	vpush @!p1 v1, $0x0;
	s18 =	spop @!p6 (v2sf)  }
0x7b: {  	p0 =	por p0, p0;
	s20 =	sand.u32 @!p4 $0xFFFFFC00, s17;
	v1 =	vsel @!p1 vm0, $0xFFBC0000, v2;
	s21 =	spop @!p5 (v2sf)  }
0x7c: {  	s17 =	sand.u32 @!p4 $0x380, s17;
	(v2sf) =	vpush @!p1 v1, $0x0;
	s18 =	sadd.s32 @!p4 s18, s20;
	s20 =	spop (v2sf)  }
0x7d: {  	s17 =	sor.u32 @!p4 s17, s18;
	s20 =	simm.s32 @p0 $0xFFFFFFFF;
	s25 =	spop (v2sf)  }
0x7e: {  	s17 =	sshrl.u32 @!p4 s17, $0x3;
	p0 =	seq.s32 s25, s20  }
0x7f: {  	p3 =	por p5, p5;
	s18 =	simm.s32 @!p2 $0x80;
	s17 =	sadd.s32 @!p4 s2, s17;
	vm0 =	veq.s32 @!p0 v5, $0x80000000;
	v1 =	vshrl.u32 @!p0 v5, $0x6  }
0x80: {  	[tilespmem:s23], [sflag:$0x1] =	stream.strided.gather @!p4 [hbm:s17], $0x80, s18, s18, $0x38;
	v2 =	vshll.u32 @!p0 v5, $0x16;
	v3 =	vshll.u32 @!p0 v5, $0x10;
	v1 =	vand.u32 @!p0 $0x7FF, v1;
	[tilespmem:$0x10400] =	vst v63  }
0x81: {  	p4 =	por p3, p3;
	v2 =	vand.u32 @!p0 $0xC00000, v2;
	v3 =	vand.u32 @!p0 $0x3C0000, v3;
	v1 =	vsel @!p0 vm0, $0xFFFFFFFF, v1  }
0x82: {  	s17 =	sshll.u32 @!p4 s21, $0x7;
	v2 =	vor.u32 @!p0 v3, v2;
	(v2sf) =	vpush @!p0 v1, $0x0  }
0x83: {  	s19 =	smov.u32 @p2 s16;
	s16 =	sand.u32 @!p4 $0xFFFFFC00, s17;
	s18 =	spop @!p5 (v2sf);
	v1 =	vsel @!p0 vm0, $0xFFBC0000, v2  }
0x84: {  	s17 =	sand.u32 @!p4 $0x380, s17;
	s16 =	sadd.s32 @!p4 s18, s16;
	(v2sf) =	vpush @!p0 v1, $0x0  }
0x85: {  	s20 =	sshll.u32 @!p5 s19, $0x9;
	s16 =	sor.u32 @!p4 s17, s16  }
0x86: {  	p2 =	por p1, p1;
	s18 =	sshra.s32 @!p5 s20, $0x2;
	s16 =	sshrl.u32 @!p4 s16, $0x3  }
0x87: {  	s17 =	sadd.s32 @!p5 s18, s14;
	s18 =	simm.s32 @!p3 $0x80;
	s16 =	sadd.s32 @!p4 s2, s16  }
0x88: {  	[tilespmem:s17], [sflag:$0x1] =	stream.strided.gather @!p4 [hbm:s16], $0x80, s18, s18, $0x38;
	[tilespmem:$0x10400] =	vst v63  }
0x89: {  	p4 =	por p2, p2;
	s16 =	spop @!p1 (v2sf)  }
0x8a: {  	s17 =	sadd.s32 @!p5 $0x1, s19;
	s16 =	sshll.u32 @!p4 s16, $0x7  }
0x8b: {  	s17 =	smov.u32 @p3 s19;
	s19 =	spop @!p1 (v2sf);
	s18 =	sand.u32 @!p4 $0xFFFFFC00, s16  }
0x8c: {  	s16 =	sand.u32 @!p4 $0x380, s16;
	s18 =	sadd.s32 @!p4 s19, s18  }
0x8d: {  	s20 =	sshll.u32 @!p1 s17, $0x9;
	s16 =	sor.u32 @!p4 s16, s18  }
0x8e: {  	p3 =	por p0, p0;
	s19 =	sshra.s32 @!p1 s20, $0x2;
	s16 =	sshrl.u32 @!p4 s16, $0x3  }
0x8f: {  	s18 =	sadd.s32 @!p1 s19, s14;
	s19 =	simm.s32 @!p2 $0x80;
	s16 =	sadd.s32 @!p4 s2, s16  }
0x90: {  	[tilespmem:s18], [sflag:$0x1] =	stream.strided.gather @!p4 [hbm:s16], $0x80, s19, s19, $0x38;
	[tilespmem:$0x10400] =	vst v63  }
0x91: {  	p4 =	por p3, p3;
	s18 =	sadd.s32 @!p1 $0x1, s17;
	s16 =	spop @!p0 (v2sf)  }
0x92: {  	s18 =	smov.u32 @p2 s17;
	s16 =	sshll.u32 @!p4 s16, $0x7  }
0x93: {  	s20 =	sshll.u32 @!p0 s18, $0x9;
	s19 =	spop @!p0 (v2sf);
	s17 =	sand.u32 @!p4 $0xFFFFFC00, s16  }
0x94: {  	s16 =	sand.u32 @!p4 $0x380, s16;
	s17 =	sadd.s32 @!p4 s19, s17;
	s19 =	sshra.s32 @!p0 s20, $0x2  }
0x95: {  	s16 =	sor.u32 @!p4 s16, s17;
	s17 =	sadd.s32 @!p0 s19, s14;
	s19 =	sadd.s32 @!p0 $0x1, s18  }
0x96: {  	s16 =	sshrl.u32 @!p4 s16, $0x3;
	s19 =	smov.u32 @p3 s18  }
0x97: {  	s18 =	simm.s32 @!p3 $0x80;
	s16 =	sadd.s32 @!p4 s2, s16;
	s26 =	sshll.u32 s19, $0x7  }
0x98: {  	[tilespmem:s17], [sflag:$0x1] =	stream.strided.gather @!p4 [hbm:s16], $0x80, s18, s18, $0x38;
	[tilespmem:$0x10400] =	vst v63  }
0x99: {  	s16 =	sand.u32 $0x3FFFFF80, s26  }
0x9a: {  	_ =	swait.ge [sflag:s5], s16  }
0x9b: {  	s16 =	ssub.s32 $0x0, s16;
	[sflag:s5] =	ssyncset.done $0x0  }
0x9c: {  	s28 =	sadd.s32 $0x0, s15;
	[sflag:s5] =	ssyncadd.s32 s16  }
0x9d: {  	v1 =	vld.msk [tilespmem:s28+$0x0 ss:$0x1], $0x1;
	_ =	sdelay $0x4  }
0x9e: {  	(v2sf) =	vpush v1, $0x0;
	_ =	sdelay $0xa  }
0x9f: {  	p0 =	por $0x0, $0x0;
	s16 =	simm.s32 $0x1  }
0xa0: {  	s16 =	simm.s32 @!p0 $0x2  }
0xa1: {  	v1 =	vmov s16  }
0xa2: {  	vm15 =	vgt.u32 v1, v0  }
0xa3: {  	s29 =	spop (v2sf)  }
0xa4: {  	s16 =	sshll.u32 s29, $0x4  }
0xa5: {  	s16 =	sand.u32 $0x1FFFFFF0, s16  }
0xa6: {  	s30 =	sadd.s32 $0x0, s14;
	s31 =	sadd.s32 $0x0, s13;
	s16 =	sadd.s32 s4, s16  }
0xa7: {  	[hbm:s16] =	stream.strided.scatter [tilespmem:s30], [sflag:$0x3], $0x80, s11, s11, $0x38;
	[tilespmem:$0x10400] =	vst v63  }
0xa8: {  	s19 =	simm.s32 $0x8;
	s18 =	simm.s32 $0x4;
	v1 =	vld.msk [tilespmem:s31+$0x0 ss:$0x1], vm15  }
0xa9: {  	s17 =	simm.s32 $0x1;
	p0 =	por p0, p0;
	s16 =	simm.s32 $0x0  }
.LBB2_5:
0xaa: {  	p1 =	sne.s32 s19, $0x3FC;
	s20 =	sadd.s32 s17, s15  }
0xab: {  	v2 =	vld.msk [tilespmem:s20+$0x0 ss:$0x1], $0x1;
	_ =	sdelay $0x1  }
0xac: {  	(v2sf) =	vpush v1, $0x1  }
0xad: {  	(v2sf) =	vpush v1, $0x0;
	_ =	sdelay $0x2  }
0xae: {  	(v2sf) =	vpush v2, $0x0;
	_ =	sdelay $0x9  }
0xaf: {  	p2 =	seq.s32 s18, $0x3FC;
	s18 =	smov.u32 s19;
	s20 =	simm.s32 $0x1  }
0xb0: {  	s20 =	simm.s32 @!p2 $0x2;
	s21 =	spop (v2sf)  }
0xb1: {  	s21 =	simm.s32 @p0 $0xFFFFFFFF;
	s22 =	spop (v2sf);
	p0 =	por p2, p2  }
0xb2: {  	v1 =	vmov s20;
	s20 =	simm.s32 $0x1;
	p2 =	sne.s32 s22, s21  }
0xb3: {  	vm0 =	vgt.u32 v1, v0;
	s20 =	simm.s32 @!p2 $0x0  }
0xb4: {  	s21 =	spop (v2sf);
	s16 =	sadd.s32 s20, s16  }
0xb5: {  	s20 =	sshll.u32 s21, $0x4;
	s21 =	sshll.u32 s16, $0x9  }
0xb6: {  	s17 =	sadd.s32 s17, s13;
	s20 =	sand.u32 $0x1FFFFFF0, s20;
	s21 =	sshra.s32 s21, $0x2  }
.Ltmp4:
0xb7: {  	s21 =	sadd.s32 s21, s14;
	s20 =	sadd.s32 s4, s20;
	(pc) =	sbr.rel @p1 .LBB2_5-.Ltmp4, $3  }
0xb8: {  	[hbm:s20] =	stream.strided.scatter [tilespmem:s21], [sflag:$0x3], $0x80, s11, s11, $0x38;
	[tilespmem:$0x10400] =	vst v63  }
0xb9: {  	v1 =	vld.msk [tilespmem:s17+$0x0 ss:$0x1], vm0;
	_ =	sdelay $0x1  }
0xba: {  	s19 =	sadd.s32 $0x4, s19;
	s17 =	sshra.s32 s18, $0x2  }
0xbb: {  	s15 =	sadd.s32 s17, s15  }
0xbc: {  	v2 =	vld.msk [tilespmem:s15+$0x0 ss:$0x1], $0x1  }
0xbd: {  	(v2sf) =	vpush v1, $0x1  }
0xbe: {  	(v2sf) =	vpush v1, $0x0;
	_ =	sdelay $0x2  }
0xbf: {  	(v2sf) =	vpush v2, $0x0;
	_ =	sdelay $0xa  }
0xc0: {  	p1 =	seq.s32 s18, $0x3FC;
	s15 =	simm.s32 $0x1;
	s18 =	spop (v2sf)  }
0xc1: {  	s15 =	simm.s32 @!p1 $0x2;
	s18 =	simm.s32 @p0 $0xFFFFFFFF;
	s19 =	spop (v2sf)  }
0xc2: {  	v1 =	vmov s15;
	s15 =	simm.s32 $0x1;
	p0 =	sne.s32 s19, s18  }
0xc3: {  	vm0 =	vgt.u32 v1, v0;
	s15 =	simm.s32 @!p0 $0x0  }
0xc4: {  	s26 =	spop (v2sf);
	s15 =	sadd.s32 s15, s16  }
0xc5: {  	s28 =	sshll.u32 s26, $0x4;
	s15 =	sshll.u32 s15, $0x9  }
0xc6: {  	s16 =	sand.u32 $0x1FFFFFF0, s28;
	s15 =	sshra.s32 s15, $0x2  }
0xc7: {  	s13 =	sadd.s32 s17, s13;
	s14 =	sadd.s32 s15, s14;
	s29 =	sadd.s32 s4, s16  }
0xc8: {  	[hbm:s29] =	stream.strided.scatter [tilespmem:s14], [sflag:$0x3], $0x80, s11, s11, $0x38;
	[tilespmem:$0x10400] =	vst v63  }
0xc9: {  	v1 =	vld.msk [tilespmem:s13+$0x0 ss:$0x1], vm0;
	_ =	sdelay $0x4  }
0xca: {  	(v2sf) =	vpush v1, $0x1  }
0xcb: {  	(v2sf) =	vpush v1, $0x0;
	_ =	sdelay $0xa  }
.Ltmp5:
0xcc: {  	_ = 	snop;
	(pc) =	sbr.rel .LBB2_7-.Ltmp5, $3  }
0xcd: {  	s13 =	sld [smem:$0x7FA];
	_ =	sdelay $0x1  }
0xce: {  	s30 =	spop (v2sf)  }
0xcf: {  	p3 =	seq.s32 s13, $0x1;
	s31 =	spop (v2sf)  }
.LBB2_8:
0xd0: {  	_ =	sfence.sel $0x180000  }
0xd1: {  	s2 =	simm.s32 $0x2;
	[bflag:$0x0] =	sbarrier.arrive $0xFFFF  }
0xd2: {  	s30 =	simm.s32 $0x3;
	[sflag:s2] =	ssyncpa.u1 $0x1  }
0xd3: {  	s31 =	simm.s32 $0x1;
	[sflag:s30] =	ssyncpa.u1 $0x1  }
0xd4: {  	[sflag:s31] =	ssyncpa.u1 $0x1  }
0xd5: {  	p0 =	sne.s32 s1, $0x0;
	_ =	strace $0x90000050  }
0xd6: {  	s0 =	sadd.s32 @!p0 $0x100000, s0;
	[bflag:$0x2] =	sbarrier.arrive $0xFFFF  }
0xd7: {  	[sflag:s0] =	ssyncadd.tile.s32 @!p0 $0x1;
	_ =	shalt  }
.Lfunc_end2:
_tile_overlayer_lowered:
.L_overlay_start_2:
0xd8: {  	(tag) =	ssettag $0x2  }
0xd9: {  	s0 =	rddreg [dreg:$0x0];
	s2 =	stileid.u32  }
0xda: {  	s1 =	rddreg [dreg:$0x1];
	p0 =	sne.s32 s2, $0x0  }
0xdb: {  	s3 =	rddreg [dreg:$0x2];
	[bflag:$0x3] =	sbarrier.arrive $0xFFFF;
	s2 =	simm.s32 @!p0 $0x1C01  }
0xdc: {  	[timem:s3], [sflag:s2] =	dma.local @!p0 [hbm:s0], s1  }
0xdd: {  	s0 =	simm.s32 @!p0 $0x1  }
0xde: {  	_ =	swait.ge @!p0 [sflag:s0], s1  }
0xdf: {  	s1 =	ssub.s32 @!p0 $0x0, s1;
	[sflag:s0] =	ssyncset.done @!p0 $0x0  }
0xe0: {  	[sflag:s0] =	ssyncadd.s32 @!p0 s1  }
0xe1: {  	[bflag:$0x3] =	sbarrier.arrive $0xFFFF  }
0xe2: {  	_ =	shalt  }

// kernel: gather_offload_async_start.2
scs
__scs_entry_jumppad:
0x0: {  	(pc) =	sbr.rel $0x88, $3  }
0x1: {  	(tag) =	ssettag $0x0;
	lr =	simm.s32 $0x1  }
0x2: {  	[smem:$0x3F8C] =	sst lr;
	_ =	strace $0xD0000000  }
0x3: {  	_ = 	snop  }
0x4: {  	_ = 	snop  }
0x5: {  	_ = 	snop  }
0x6: {  	_ = 	snop  }
0x7: {  	_ = 	snop  }
__scs_overlays_trampoline_lowered:
0x8: {  	[smem:$0x3F9B] =	sst s0  }
0x9: {  	[smem:$0x3F9C] =	sst s1  }
0xa: {  	[smem:$0x3F9D] =	sst s2  }
0xb: {  	[smem:$0x3F9E] =	sst s3  }
0xc: {  	[smem:$0x3F9F] =	sst s4  }
0xd: {  	[smem:$0x3FA0] =	sst s5  }
0xe: {  	[smem:$0x3FA1] =	sst s6  }
0xf: {  	[smem:$0x3FA2] =	sst s7  }
0x10: {  	[smem:$0x3FA3] =	sst s8  }
0x11: {  	[smem:$0x3FA4] =	sst s9;
	s0 =	simm.s32 @!p0 $0x0  }
0x12: {  	s1 =	sld [smem:$0x3F8A];
	s0 =	simm.s32 @p0 $0x1  }
0x13: {  	[smem:$0x3FA5] =	sst s0;
	s0 =	simm.s32 @!p1 $0x0  }
0x14: {  	s2 =	sld [smem:$0x3F89];
	s0 =	simm.s32 @p1 $0x1  }
0x15: {  	[smem:$0x3FA6] =	sst s0;
	s0 =	simm.s32 @!p2 $0x0  }
0x16: {  	s3 =	sld [smem:$0x3FDB];
	s0 =	simm.s32 @p2 $0x1  }
0x17: {  	s4 =	simm.s32 $0x1BF5;
	[smem:$0x3FA8] =	sst s0  }
0x18: {  	s0 =	sld [smem:$0x3F8B];
	_ =	swait.ge [sflag:s4], $0x0  }
0x19: {  	s7 =	sld [smem:$0x3F8C]  }
0x1a: {  	s8 =	sadd.s32 $0xFFFFE003, lr  }
0x1b: {  	s9 =	sadd.s32 $0xFFFFFEF7, lr;
	s5 =	simm.s32 $0xFFFFFFFF;
	p2 =	slt.u32 s8, $0xFFFFF086  }
0x1c: {  	p1 =	slt.u32 s9, $0xF7A;
	s5 =	simm.s32 @!p2 $0x0  }
0x1d: {  	s5 =	simm.s32 @p1 $0x1;
	p0 =	seq.s32 s7, s2  }
0x1e: {  	s7 =	smul.u32 @!p0 $0xF7A, s2;
	p2 =	seq.s32 @!p0 s5, $0x0  }
0x1f: {  	s9 =	smul.u32 $0xF7A, s1;
	s8 =	simm.s32 @!p0 $0x1BF5;
	p2 =	por !p2, p0  }
0x20: {  	[sflag:s8] =	ssyncset.s32 @!p0 $0xFFFFF086;
	s6 =	sadd.s32 @!p0 s3, s7;
	s7 =	simm.s32 @!p0 $0x108  }
0x21: {  	s3 =	sadd.s32 s3, s9;
	s6 =	sadd.s32 @!p0 $0x88, s6;
	s7 =	simm.s32 @p2 $0x1082  }
0x22: {  	[simem:s7], [sflag:s8] =	dma.local @!p0 [hbm:s6], $0xF7A  }
0x23: {  	s9 =	sor.u32 $0xD0000000, s2;
	s6 =	simm.s32 $0x108;
	_ =	swait.ge @!p0 [sflag:s8], $0x0  }
0x24: {  	s3 =	sadd.s32 $0x88, s3;
	s6 =	simm.s32 @!p1 $0x1082;
	[sflag:s4] =	ssyncset.s32 $0xFFFFF086  }
0x25: {  	[simem:s6], [sflag:s4] =	dma.local [hbm:s3], $0xF7A  }
0x26: {  	[smem:$0x3F8C] =	sst s1;
	(tag) =	ssettag s2;
	_ =	strace s9  }
0x27: {  	s1 =	sld [smem:$0x3F9C]  }
0x28: {  	s2 =	sld [smem:$0x3F9D]  }
0x29: {  	s4 =	sld [smem:$0x3F9F]  }
0x2a: {  	p0 =	seq.s32 s5, $0x0;
	s5 =	sld [smem:$0x3FA0]  }
0x2b: {  	s6 =	sld [smem:$0x3FA1]  }
0x2c: {  	s7 =	sld [smem:$0x3FA2]  }
0x2d: {  	s3 =	simm.s32 $0x108;
	s8 =	sld [smem:$0x3FA3]  }
0x2e: {  	s3 =	simm.s32 @!p0 $0x1082;
	s9 =	sld [smem:$0x3FA4]  }
0x2f: {  	lr =	sadd.s32 s0, s3;
	s0 =	sld [smem:$0x3F9B]  }
0x30: {  	s3 =	sld [smem:$0x3F9E]  }
0x31: {  	[smem:$0x3FA7] =	sst s10  }
0x32: {  	s10 =	sld [smem:$0x3FA5];
	_ =	sdelay $0x3  }
0x33: {  	p0 =	seq.s32 s10, $0x1;
	s10 =	sld [smem:$0x3FA7];
	_ =	sdelay $0x3  }
0x34: {  	[smem:$0x3FA7] =	sst s10  }
0x35: {  	s10 =	sld [smem:$0x3FA6];
	_ =	sdelay $0x3  }
0x36: {  	p1 =	seq.s32 s10, $0x1;
	s10 =	sld [smem:$0x3FA7];
	_ =	sdelay $0x3  }
0x37: {  	[smem:$0x3FA7] =	sst s10  }
0x38: {  	s10 =	sld [smem:$0x3FA8]  }
0x39: {  	_ = 	snop;
	(pc) =	sbr.ind lr, $3  }
0x3a: {  	_ = 	snop  }
0x3b: {  	_ = 	snop  }
0x3c: {  	p2 =	seq.s32 s10, $0x1;
	s10 =	sld [smem:$0x3FA7]  }
0x3d: {  	_ =	shalt  }
0x3e: {  	_ =	shalt  }
0x3f: {  	_ =	shalt  }
0x40: {  	_ =	shalt  }
0x41: {  	_ =	shalt  }
0x42: {  	_ =	shalt  }
0x43: {  	_ =	shalt  }
0x44: {  	_ =	shalt  }
0x45: {  	_ =	shalt  }
0x46: {  	_ =	shalt  }
0x47: {  	_ =	shalt  }
0x48: {  	_ =	shalt  }
0x49: {  	_ =	shalt  }
0x4a: {  	_ =	shalt  }
0x4b: {  	_ =	shalt  }
0x4c: {  	_ =	shalt  }
0x4d: {  	_ =	shalt  }
0x4e: {  	_ =	shalt  }
0x4f: {  	_ =	shalt  }
0x50: {  	_ =	shalt  }
0x51: {  	_ =	shalt  }
0x52: {  	_ =	shalt  }
0x53: {  	_ =	shalt  }
0x54: {  	_ =	shalt  }
0x55: {  	_ =	shalt  }
0x56: {  	_ =	shalt  }
0x57: {  	_ =	shalt  }
0x58: {  	_ =	shalt  }
0x59: {  	_ =	shalt  }
0x5a: {  	_ =	shalt  }
0x5b: {  	_ =	shalt  }
0x5c: {  	_ =	shalt  }
0x5d: {  	_ =	shalt  }
0x5e: {  	_ =	shalt  }
0x5f: {  	_ =	shalt  }
0x60: {  	_ =	shalt  }
0x61: {  	_ =	shalt  }
0x62: {  	_ =	shalt  }
0x63: {  	_ =	shalt  }
0x64: {  	_ =	shalt  }
0x65: {  	_ =	shalt  }
0x66: {  	_ =	shalt  }
0x67: {  	_ =	shalt  }
0x68: {  	_ =	shalt  }
0x69: {  	_ =	shalt  }
0x6a: {  	_ =	shalt  }
0x6b: {  	_ =	shalt  }
0x6c: {  	_ =	shalt  }
0x6d: {  	_ =	shalt  }
0x6e: {  	_ =	shalt  }
0x6f: {  	_ =	shalt  }
0x70: {  	_ =	shalt  }
0x71: {  	_ =	shalt  }
0x72: {  	_ =	shalt  }
0x73: {  	_ =	shalt  }
0x74: {  	_ =	shalt  }
0x75: {  	_ =	shalt  }
0x76: {  	_ =	shalt  }
0x77: {  	_ =	shalt  }
0x78: {  	_ =	shalt  }
0x79: {  	_ =	shalt  }
0x7a: {  	_ =	shalt  }
0x7b: {  	_ =	shalt  }
0x7c: {  	_ =	shalt  }
0x7d: {  	_ =	shalt  }
0x7e: {  	_ =	shalt  }
0x7f: {  	_ =	shalt  }
0x80: {  	_ =	shalt  }
0x81: {  	_ =	shalt  }
0x82: {  	_ =	shalt  }
0x83: {  	_ =	shalt  }
0x84: {  	_ =	shalt  }
0x85: {  	_ =	shalt  }
0x86: {  	_ =	shalt  }
0x87: {  	_ =	shalt  }
.Lfunc_end0:
.L_simem_size_0:
called_computation.8_lowered:
.L_overlay_start_0:
0x88: {  	s2 =	sld [smem:$0x3FD9]  }
0x89: {  	s3 =	sld [smem:$0x3FFE];
	_ =	sdelay $0x1  }
0x8a: {  	s1 =	srdreg.scid  }
0x8b: {  	s0 =	sand.u32 $0x1, s1  }
0x8c: {  	s17 =	sshll.u32 s0, $0xA;
	s2 =	sadd.s32 s3, s2  }
0x8d: {  	s2 =	sadd.s32 s2, s17  }
0x8e: {  	[smem:$0x3FB3] =	sst s2  }
0x8f: {  	_ = 	snop  }
0x90: {  	(tm) =	ssettm $0x1  }
0x91: {  	s18 =	sld [smem:$0x3FFB];
	_ =	sdelay $0x3  }
0x92: {  	_ =	strace s18  }
0x93: {  	s2 =	sld [smem:$0x3FFC];
	_ =	sdelay $0x3  }
0x94: {  	_ =	strace s2  }
0x95: {  	s2 =	sld [smem:$0x3FFD];
	_ =	sdelay $0x3  }
0x96: {  	_ =	strace s2  }
0x97: {  	_ =	strace $0x8FFFFFFF  }
0x98: {  	s19 =	sld [smem:$0x3FDB];
	_ =	sdelay $0x1  }
0x99: {  	s20 =	simm.s32 $_scs_section_size  }
0x9a: {  	s4 =	simm.s32 $_size__tile_overlayer_lowered;
	s5 =	simm.s32 $_tile_overlayer_lowered  }
0x9b: {  	s6 =	simm.s32 $0x1BFF;
	s21 =	sshll.u32 s5, $0x1;
	s3 =	sadd.s32 s20, s19  }
0x9c: {  	s22 =	simm.s32 $0x0;
	s4 =	sshll.u32 s4, $0x1;
	s5 =	sadd.s32 s21, s3  }
0x9d: {  	[timem:s22], [sflag:s6] =	dma.local [hbm:s5], s4  }
0x9e: {  	_ =	swait.ge [sflag:s6], s4  }
0x9f: {  	s4 =	ssub.s32 $0x0, s4;
	[sflag:s6] =	ssyncset.done $0x0  }
0xa0: {  	[sflag:s6] =	ssyncadd.s32 s4;
	_ =	sdelay $0x1  }
0xa1: {  	s23 =	simm.s32 $0x1B8B  }
0xa2: {  	_ =	swait.ge [sflag:s23], $0x1  }
0xa3: {  	[sflag:s23] =	ssyncset.done $0x0  }
0xa4: {  	[sflag:s23] =	ssyncadd.s32 $0xFFFFFFFF  }
0xa5: {  	s4 =	sld [smem:$0x0]  }
0xa6: {  	s5 =	sand.u32 $0xFFFFFFFE, s1  }
0xa7: {  	p0 =	sne.s32 s1, s5  }
0xa8: {  	s5 =	sshll.u32 @p0 s5, $0xE  }
0xa9: {  	s5 =	sadd.s32 @p0 $0x11B8D, s5;
	s6 =	sshll.u32 @p0 s4, $0x11  }
0xaa: {  	s5 =	sor.u32 @p0 s6, s5  }
0xab: {  	[sflag:s5] =	ssyncadd.remote.s32 @p0 $0x1;
	_ =	sdelay $0x1  }
0xac: {  	s5 =	simm.s32 @p0 $0x1B8D  }
0xad: {  	_ =	swait.eq @p0 [sflag:s5], $0x1  }
0xae: {  	[sflag:s5] =	ssyncadd.s32 @p0 $0xFFFFFFFF  }
0xaf: {  	s6 =	sshll.u32 @!p0 s1, $0xE  }
0xb0: {  	s6 =	sor.u32 @!p0 $0x4000, s6;
	s5 =	simm.s32 @!p0 $0x1B8D  }
0xb1: {  	s4 =	sshll.u32 @!p0 s4, $0x11;
	s6 =	sadd.s32 @!p0 $0x11B8D, s6;
	_ =	swait.eq @!p0 [sflag:s5], $0x1  }
0xb2: {  	s4 =	sor.u32 @!p0 s4, s6;
	[sflag:s5] =	ssyncadd.s32 @!p0 $0xFFFFFFFF  }
0xb3: {  	s25 =	simm.s32 $0x1B8E;
	s24 =	sld [smem:$0x3FFE];
	[sflag:s4] =	ssyncadd.remote.s32 @!p0 $0x1  }
0xb4: {  	s26 =	simm.s32 $execute0_lowered;
	[smem:$0x3FD2] =	sst s25  }
0xb5: {  	s5 =	sshll.u32 s26, $0x1;
	_ =	strace $0x80000055;
	[dreg:$0x1] =	wrdreg $0xFFFFFFFF  }
0xb6: {  	s28 =	simm.s32 $_size_execute0_lowered;
	s3 =	sadd.s32 s3, s5;
	[dreg:$0x0] =	wrdreg $0x0  }
0xb7: {  	s5 =	sshll.u32 s28, $0x1;
	[dreg:$0x2] =	wrdreg s3  }
0xb8: {  	[dreg:$0x3] =	wrdreg s5  }
0xb9: {  	[dreg:$0x4] =	wrdreg $0xC0  }
0xba: {  	_ =	task [dreg:s22], $0x5FFFF  }
0xbb: {  	[dreg:$0x1] =	wrdreg $0xFFFFFFFF  }
0xbc: {  	[dreg:$0x0] =	wrdreg $0x60  }
0xbd: {  	[dreg:$0x2] =	wrdreg s24  }
0xbe: {  	[dreg:$0x3] =	wrdreg $0x9  }
0xbf: {  	_ =	task.clear_ibuf [dreg:s22], $0x4FFFF;
	_ =	strace $0x90000055  }
0xc0: {  	s29 =	simm.s32 $0x9;
	_ =	strace $0x80000057  }
0xc1: {  	_ =	swait.ge [sflag:s29], $0x1  }
0xc2: {  	[sflag:s29] =	ssyncadd.s32 $0xFFFFFFFF  }
0xc3: {  	_ =	strace $0x90000057  }
0xc4: {  	_ =	sfence  }
0xc5: {  	s30 =	sld [smem:$0x0];
	_ =	sdelay $0x2  }
0xc6: {  	s31 =	sshll.u32 s1, $0xD;
	s1 =	sshrl.u32 s1, $0x2  }
0xc7: {  	s4 =	sand.u32 $0x4000, s31;
	s1 =	sadd.s32 s1, s30  }
0xc8: {  	s0 =	sor.u32 s4, s0;
	s1 =	sshll.u32 s1, $0x11  }
0xc9: {  	s0 =	sor.u32 s1, s0  }
0xca: {  	s0 =	sadd.s32 $0x8F2B, s0  }
0xcb: {  	[sflag:s0] =	ssyncadd.remote.s32 $0x1  }
0xcc: {  	_ =	sfence.sel $0xFFFF  }
0xcd: {  	[dreg:$0x0] =	wrdreg $0xFFFFFFFF;
	(pc) =	sbr.abs _section_cstart, $3  }
0xce: {  	[dreg:$0x1] =	wrdreg $0xFFFFFFFF  }
0xcf: {  	_ =	task.clear_ibuf [dreg:s22], $0x2FFFF;
	_ =	strace $0x9FFFFFFF  }
0xd0: {  	(tm) =	ssettm $0x7FFFFFFF  }
0xd1: {  	_ =	shalt  }
tec
execute0_lowered:
.L_overlay_start_1:
0x0: {  	(tag) =	ssettag $0x1  }
0x1: {  	s7 =	rddreg [dreg:$0x0]  }
0x2: {  	s0 =	rddreg [dreg:$0x1];
	_ =	strace $0x80000056  }
0x3: {  	s1 =	srdreg.scid;
	s4 =	simm.s32 $0x1;
	s9 =	simm.s32 $0x3  }
0x4: {  	s11 =	simm.s32 $0x0;
	p0 =	por $0x0, $0x0;
	s5 =	sshll.u32 s1, $0x4  }
.Ltmp0:
0x5: {  	s1 =	stileid.u32;
	s5 =	sand.u32 $0x10, s5;
	(pc) =	sbr.rel .LBB2_1-.Ltmp0, $4  }
0x6: {  	s2 =	sadd.s32 $0x2363600, s7;
	s3 =	sadd.s32 $0x243600, s7;
	s6 =	sor.u32 s1, s5  }
0x7: {  	[sflag:s4] =	ssyncpa.u1 $0x0;
	s5 =	simm.s32 $0x2;
	s6 =	sshll.u32 s6, $0xE  }
0x8: {  	s7 =	sadd.s32 $0x363600, s7;
	[sflag:s5] =	ssyncpa.u1 $0x0;
	s8 =	sadd.s32 $0x4000, s6  }
0x9: {  	vm0 =	vmmov $0xff;
	vm1 =	vcmask $0x3F20;
	[sflag:s9] =	ssyncpa.u1 $0x0;
	s10 =	smov.u32 s6;
	s9 =	simm.s32 $0x0  }
.LBB2_7:
0xa: {  	p1 =	slt.u32 s9, $0x2;
	s11 =	sadd.s32 $0x100, s10  }
0xb: {  	s13 =	smov.u32 s6;
	s9 =	sadd.s32 $0x1, s9;
	p2 =	slt.s32 s11, s8  }
0xc: {  	s13 =	smov.u32 @p2 s11;
	p2 =	sne.s32 s9, $0x42  }
.Ltmp1:
0xd: {  	_ = 	snop;
	(pc) =	sbr.rel @!p2 .LBB2_8-.Ltmp1, $4  }
0xe: {  	s12 =	simm.s32 @!p1 $0x3  }
0xf: {  	_ =	swait.ge @!p1 [sflag:s12], $0x8000  }
0x10: {  	p0 =	por !p0, !p0;
	[sflag:s12] =	ssyncset.done @!p1 $0x0  }
0x11: {  	s11 =	smov.u32 s10;
	s10 =	smov.u32 s13;
	[sflag:s12] =	ssyncadd.s32 @!p1 $0xFFFF8000  }
.LBB2_1:
0x12: {  	p1 =	sgt.u32 s9, $0x3F  }
0x13: {  	s12 =	sxor.u32 @!p1 $0xFFFFFFFF, s9  }
0x14: {  	s13 =	sshrl.u32 @!p1 s10, $0x3;
	s12 =	sshll.u32 @!p1 s12, $0x8  }
0x15: {  	s14 =	sand.u32 @!p1 $0x7, s10;
	s13 =	sadd.s32 @!p1 s3, s13;
	s12 =	sand.u32 @!p1 $0x100, s12  }
0x16: {  	[tilespmem:s12], [sflag:$0x2] =	stream.linear.gather @!p1 [hbm4b:s13+s14], $0x100, $0x38;
	[tilespmem:$0x10200] =	vst v63  }
0x17: {  	p1 =	seq.s32 s9, $0x0  }
0x18: {  	p2 =	seq.s32 @!p1 s9, $0x41  }
0x19: {  	p1 =	por p1, p2  }
.Ltmp2:
0x1a: {  	_ = 	snop;
	(pc) =	sbr.rel @p1 .LBB2_7-.Ltmp2, $1  }
0x1b: {  	_ =	sdelay $0x3  }
0x1c: {  	s12 =	simm.s32 $0x1  }
0x1d: {  	_ =	swait.ge [sflag:s5], $0x100;
	s12 =	simm.s32 @!p0 $0x0  }
0x1e: {  	[sflag:s5] =	ssyncset.done $0x0;
	s14 =	sshll.u32 s12, $0x8  }
0x1f: {  	[sflag:s5] =	ssyncadd.s32 $0xFFFFFF00;
	s13 =	sadd.s32 $0x0, s14  }
0x20: {  	v0 =	vld.msk [tilespmem:s13+$0x0 ss:$0x1], $0xffff;
	_ =	sdelay $0x4  }
0x21: {  	vm2 =	veq.s32 v0, $0x80000000  }
0x22: {  	v1 =	vshll.u32 v0, $0x18;
	v2 =	vshll.u32 v0, $0x12;
	v3 =	vshll.u32 v0, $0xC  }
0x23: {  	v0 =	vshrl.u32 v0, $0x1;
	v1 =	vand.u32 $0x3000000, v1;
	v2 =	vand.u32 $0xF00000, v2  }
0x24: {  	v0 =	vand.u32 $0x3FF80, v0;
	v1 =	vor.u32 v2, v1;
	v2 =	vand.u32 $0xC0000, v3  }
0x25: {  	v0 =	vsel vm2, $0xFFFFFF80, v0;
	v1 =	vor.u32 v2, v1  }
0x26: {  	v2 =	vand.u32 $0xFFFFFC00, v0;
	v1 =	vsel vm2, $0xFEEC0000, v1  }
0x27: {  	v0 =	vand.u32 $0x380, v0;
	v1 =	vadd.s32 v2, v1  }
0x28: {  	v0 =	vor.u32 v0, v1  }
0x29: {  	v0 =	vshrl.u32 v0, $0x3;
	_ =	sdelay $0x2  }
0x2a: {  	s12 =	sshll.u32 s12, $0xF  }
0x2b: {  	s12 =	sor.u32 $0x200, s12  }
0x2c: {  	[tilespmem:s12], [sflag:$0x1] =	stream.indirect_vreg.gather [hbm:s2], $0x80, v0, vm0, $0x38;
	[tilespmem:$0x10200] =	vst v63  }
0x2d: {  	s15 =	sadd.s32 $0x10, s14;
	s13 =	sadd.s32 $0x400, s12  }
0x2e: {  	[tilespmem:s13], [sflag:$0x1] =	stream.indirect_vreg.gather [hbm:s2], $0x80, v0, vm1, $0x38;
	[tilespmem:$0x10200] =	vst v63  }
0x2f: {  	s16 =	simm.s32 $0x80;
	v0 =	vld.msk [tilespmem:s15+$0x0 ss:$0x1], $0xffff;
	s15 =	smov.u32 s12  }
.LBB2_3:
0x30: {  	p1 =	sne.s32 s16, $0x3C0;
	_ =	sdelay $0x4  }
0x31: {  	vm2 =	veq.s32 v0, $0x80000000  }
0x32: {  	v1 =	vshll.u32 v0, $0x18;
	v2 =	vshll.u32 v0, $0x12;
	v3 =	vshll.u32 v0, $0xC  }
0x33: {  	v0 =	vshrl.u32 v0, $0x1;
	v1 =	vand.u32 $0x3000000, v1;
	v2 =	vand.u32 $0xF00000, v2  }
0x34: {  	v0 =	vand.u32 $0x3FF80, v0;
	v1 =	vor.u32 v2, v1;
	v2 =	vand.u32 $0xC0000, v3  }
0x35: {  	v0 =	vsel vm2, $0xFFFFFF80, v0;
	v1 =	vor.u32 v2, v1  }
0x36: {  	v2 =	vand.u32 $0xFFFFFC00, v0;
	v1 =	vsel vm2, $0xFEEC0000, v1  }
0x37: {  	v0 =	vand.u32 $0x380, v0;
	v1 =	vadd.s32 v2, v1  }
0x38: {  	v0 =	vor.u32 v0, v1  }
0x39: {  	v0 =	vshrl.u32 v0, $0x3;
	_ =	sdelay $0x3  }
.Ltmp3:
0x3a: {  	s17 =	sshra.s32 s16, $0x2;
	s15 =	sadd.s32 $0x800, s15;
	(pc) =	sbr.rel @p1 .LBB2_3-.Ltmp3, $4  }
0x3b: {  	[tilespmem:s15], [sflag:$0x1] =	stream.indirect_vreg.gather [hbm:s2], $0x80, v0, vm0, $0x38;
	[tilespmem:$0x10200] =	vst v63  }
0x3c: {  	s17 =	sadd.s32 s17, s14;
	s18 =	sadd.s32 $0x400, s15  }
0x3d: {  	[tilespmem:s18], [sflag:$0x1] =	stream.indirect_vreg.gather [hbm:s2], $0x80, v0, vm1, $0x38;
	[tilespmem:$0x10200] =	vst v63  }
0x3e: {  	s16 =	sadd.s32 $0x40, s16;
	v0 =	vld.msk [tilespmem:s17+$0x0 ss:$0x1], $0xffff  }
0x3f: {  	_ =	sdelay $0x3  }
0x40: {  	vm2 =	veq.s32 v0, $0x80000000  }
0x41: {  	v1 =	vshll.u32 v0, $0x18;
	v2 =	vshll.u32 v0, $0x12;
	v3 =	vshll.u32 v0, $0xC  }
0x42: {  	v61 =	vshrl.u32 v0, $0x1;
	v1 =	vand.u32 $0x3000000, v1;
	v2 =	vand.u32 $0xF00000, v2  }
0x43: {  	v62 =	vand.u32 $0xC0000, v3;
	v0 =	vand.u32 $0x3FF80, v61;
	v1 =	vor.u32 v2, v1  }
0x44: {  	v0 =	vsel vm2, $0xFFFFFF80, v0;
	v1 =	vor.u32 v62, v1  }
0x45: {  	v63 =	vand.u32 $0xFFFFFC00, v0;
	v1 =	vsel vm2, $0xFEEC0000, v1  }
0x46: {  	v0 =	vand.u32 $0x380, v0;
	v1 =	vadd.s32 v63, v1  }
0x47: {  	v0 =	vor.u32 v0, v1  }
0x48: {  	v0 =	vshrl.u32 v0, $0x3;
	_ =	sdelay $0x3  }
0x49: {  	s14 =	sadd.s32 $0x800, s15  }
0x4a: {  	[tilespmem:s14], [sflag:$0x1] =	stream.indirect_vreg.gather [hbm:s2], $0x80, v0, vm0, $0x38;
	[tilespmem:$0x10200] =	vst v63  }
0x4b: {  	s14 =	sadd.s32 $0x400, s14  }
0x4c: {  	[tilespmem:s14], [sflag:$0x1] =	stream.indirect_vreg.gather [hbm:s2], $0x80, v0, vm1, $0x38;
	[tilespmem:$0x10200] =	vst v63  }
0x4d: {  	s11 =	sshll.u32 s11, $0x4;
	_ =	swait.ge [sflag:s4], $0x8000  }
0x4e: {  	s11 =	sadd.s32 s11, s7;
	[sflag:s4] =	ssyncset.done $0x0  }
0x4f: {  	s15 =	sadd.s32 $0x0, s11;
	s14 =	simm.s32 $0x80;
	[sflag:s4] =	ssyncadd.s32 $0xFFFF8000  }
.LBB2_5:
0x50: {  	[hbm:s15] =	stream.linear.scatter [tilespmem:s12], [sflag:$0x3], $0x400, $0x38;
	[tilespmem:$0x10200] =	vst v63  }
0x51: {  	s15 =	smov.u32 s14;
	s12 =	smov.u32 s13;
	p1 =	sne.s32 s14, $0xF80  }
.Ltmp4:
0x52: {  	s14 =	sadd.s32 $0x80, s14;
	(pc) =	sbr.rel @p1 .LBB2_5-.Ltmp4, $2  }
0x53: {  	_ =	sdelay $0x2  }
0x54: {  	s13 =	sadd.s32 $0x400, s13;
	s15 =	sadd.s32 s15, s11  }
.Ltmp5:
0x55: {  	(pc) =	sbr.rel .LBB2_7-.Ltmp5, $2  }
0x56: {  	_ =	sdelay $0x2  }
0x57: {  	[hbm:s15] =	stream.linear.scatter [tilespmem:s12], [sflag:$0x3], $0x400, $0x38;
	[tilespmem:$0x10200] =	vst v63  }
.LBB2_8:
0x58: {  	_ =	sfence.sel $0x180000  }
0x59: {  	s2 =	simm.s32 $0x2;
	[bflag:$0x0] =	sbarrier.arrive $0xFFFF  }
0x5a: {  	s30 =	simm.s32 $0x3;
	[sflag:s2] =	ssyncpa.u1 $0x1  }
0x5b: {  	s31 =	simm.s32 $0x1;
	[sflag:s30] =	ssyncpa.u1 $0x1  }
0x5c: {  	[sflag:s31] =	ssyncpa.u1 $0x1  }
0x5d: {  	p0 =	sne.s32 s1, $0x0;
	_ =	strace $0x90000056  }
0x5e: {  	s0 =	sadd.s32 @!p0 $0x100000, s0;
	[bflag:$0x2] =	sbarrier.arrive $0xFFFF  }
0x5f: {  	[sflag:s0] =	ssyncadd.tile.s32 @!p0 $0x1;
	_ =	shalt  }
.Lfunc_end2:
_tile_overlayer_lowered:
.L_overlay_start_2:
0x60: {  	(tag) =	ssettag $0x2  }
0x61: {  	s0 =	rddreg [dreg:$0x0];
	s2 =	stileid.u32  }
0x62: {  	s1 =	rddreg [dreg:$0x1];
	p0 =	sne.s32 s2, $0x0  }
0x63: {  	s3 =	rddreg [dreg:$0x2];
	[bflag:$0x3] =	sbarrier.arrive $0xFFFF;
	s2 =	simm.s32 @!p0 $0x1C01  }
0x64: {  	[timem:s3], [sflag:s2] =	dma.local @!p0 [hbm:s0], s1  }
0x65: {  	s0 =	simm.s32 @!p0 $0x1  }
0x66: {  	_ =	swait.ge @!p0 [sflag:s0], s1  }
0x67: {  	s1 =	ssub.s32 @!p0 $0x0, s1;
	[sflag:s0] =	ssyncset.done @!p0 $0x0  }
0x68: {  	[sflag:s0] =	ssyncadd.s32 @!p0 s1  }
0x69: {  	[bflag:$0x3] =	sbarrier.arrive $0xFFFF  }
0x6a: {  	_ =	shalt  }

// kernel: gather_offload_async_start.3
scs
__scs_entry_jumppad:
0x0: {  	(pc) =	sbr.rel $0x88, $3  }
0x1: {  	(tag) =	ssettag $0x0;
	lr =	simm.s32 $0x1  }
0x2: {  	[smem:$0x3F8C] =	sst lr;
	_ =	strace $0xD0000000  }
0x3: {  	_ = 	snop  }
0x4: {  	_ = 	snop  }
0x5: {  	_ = 	snop  }
0x6: {  	_ = 	snop  }
0x7: {  	_ = 	snop  }
__scs_overlays_trampoline_lowered:
0x8: {  	[smem:$0x3F9B] =	sst s0  }
0x9: {  	[smem:$0x3F9C] =	sst s1  }
0xa: {  	[smem:$0x3F9D] =	sst s2  }
0xb: {  	[smem:$0x3F9E] =	sst s3  }
0xc: {  	[smem:$0x3F9F] =	sst s4  }
0xd: {  	[smem:$0x3FA0] =	sst s5  }
0xe: {  	[smem:$0x3FA1] =	sst s6  }
0xf: {  	[smem:$0x3FA2] =	sst s7  }
0x10: {  	[smem:$0x3FA3] =	sst s8  }
0x11: {  	[smem:$0x3FA4] =	sst s9;
	s0 =	simm.s32 @!p0 $0x0  }
0x12: {  	s1 =	sld [smem:$0x3F8A];
	s0 =	simm.s32 @p0 $0x1  }
0x13: {  	[smem:$0x3FA5] =	sst s0;
	s0 =	simm.s32 @!p1 $0x0  }
0x14: {  	s2 =	sld [smem:$0x3F89];
	s0 =	simm.s32 @p1 $0x1  }
0x15: {  	[smem:$0x3FA6] =	sst s0;
	s0 =	simm.s32 @!p2 $0x0  }
0x16: {  	s3 =	sld [smem:$0x3FDB];
	s0 =	simm.s32 @p2 $0x1  }
0x17: {  	s4 =	simm.s32 $0x1BF5;
	[smem:$0x3FA8] =	sst s0  }
0x18: {  	s0 =	sld [smem:$0x3F8B];
	_ =	swait.ge [sflag:s4], $0x0  }
0x19: {  	s7 =	sld [smem:$0x3F8C]  }
0x1a: {  	s8 =	sadd.s32 $0xFFFFE003, lr  }
0x1b: {  	s9 =	sadd.s32 $0xFFFFFEF7, lr;
	s5 =	simm.s32 $0xFFFFFFFF;
	p2 =	slt.u32 s8, $0xFFFFF086  }
0x1c: {  	p1 =	slt.u32 s9, $0xF7A;
	s5 =	simm.s32 @!p2 $0x0  }
0x1d: {  	s5 =	simm.s32 @p1 $0x1;
	p0 =	seq.s32 s7, s2  }
0x1e: {  	s7 =	smul.u32 @!p0 $0xF7A, s2;
	p2 =	seq.s32 @!p0 s5, $0x0  }
0x1f: {  	s9 =	smul.u32 $0xF7A, s1;
	s8 =	simm.s32 @!p0 $0x1BF5;
	p2 =	por !p2, p0  }
0x20: {  	[sflag:s8] =	ssyncset.s32 @!p0 $0xFFFFF086;
	s6 =	sadd.s32 @!p0 s3, s7;
	s7 =	simm.s32 @!p0 $0x108  }
0x21: {  	s3 =	sadd.s32 s3, s9;
	s6 =	sadd.s32 @!p0 $0x88, s6;
	s7 =	simm.s32 @p2 $0x1082  }
0x22: {  	[simem:s7], [sflag:s8] =	dma.local @!p0 [hbm:s6], $0xF7A  }
0x23: {  	s9 =	sor.u32 $0xD0000000, s2;
	s6 =	simm.s32 $0x108;
	_ =	swait.ge @!p0 [sflag:s8], $0x0  }
0x24: {  	s3 =	sadd.s32 $0x88, s3;
	s6 =	simm.s32 @!p1 $0x1082;
	[sflag:s4] =	ssyncset.s32 $0xFFFFF086  }
0x25: {  	[simem:s6], [sflag:s4] =	dma.local [hbm:s3], $0xF7A  }
0x26: {  	[smem:$0x3F8C] =	sst s1;
	(tag) =	ssettag s2;
	_ =	strace s9  }
0x27: {  	s1 =	sld [smem:$0x3F9C]  }
0x28: {  	s2 =	sld [smem:$0x3F9D]  }
0x29: {  	s4 =	sld [smem:$0x3F9F]  }
0x2a: {  	p0 =	seq.s32 s5, $0x0;
	s5 =	sld [smem:$0x3FA0]  }
0x2b: {  	s6 =	sld [smem:$0x3FA1]  }
0x2c: {  	s7 =	sld [smem:$0x3FA2]  }
0x2d: {  	s3 =	simm.s32 $0x108;
	s8 =	sld [smem:$0x3FA3]  }
0x2e: {  	s3 =	simm.s32 @!p0 $0x1082;
	s9 =	sld [smem:$0x3FA4]  }
0x2f: {  	lr =	sadd.s32 s0, s3;
	s0 =	sld [smem:$0x3F9B]  }
0x30: {  	s3 =	sld [smem:$0x3F9E]  }
0x31: {  	[smem:$0x3FA7] =	sst s10  }
0x32: {  	s10 =	sld [smem:$0x3FA5];
	_ =	sdelay $0x3  }
0x33: {  	p0 =	seq.s32 s10, $0x1;
	s10 =	sld [smem:$0x3FA7];
	_ =	sdelay $0x3  }
0x34: {  	[smem:$0x3FA7] =	sst s10  }
0x35: {  	s10 =	sld [smem:$0x3FA6];
	_ =	sdelay $0x3  }
0x36: {  	p1 =	seq.s32 s10, $0x1;
	s10 =	sld [smem:$0x3FA7];
	_ =	sdelay $0x3  }
0x37: {  	[smem:$0x3FA7] =	sst s10  }
0x38: {  	s10 =	sld [smem:$0x3FA8]  }
0x39: {  	_ = 	snop;
	(pc) =	sbr.ind lr, $3  }
0x3a: {  	_ = 	snop  }
0x3b: {  	_ = 	snop  }
0x3c: {  	p2 =	seq.s32 s10, $0x1;
	s10 =	sld [smem:$0x3FA7]  }
0x3d: {  	_ =	shalt  }
0x3e: {  	_ =	shalt  }
0x3f: {  	_ =	shalt  }
0x40: {  	_ =	shalt  }
0x41: {  	_ =	shalt  }
0x42: {  	_ =	shalt  }
0x43: {  	_ =	shalt  }
0x44: {  	_ =	shalt  }
0x45: {  	_ =	shalt  }
0x46: {  	_ =	shalt  }
0x47: {  	_ =	shalt  }
0x48: {  	_ =	shalt  }
0x49: {  	_ =	shalt  }
0x4a: {  	_ =	shalt  }
0x4b: {  	_ =	shalt  }
0x4c: {  	_ =	shalt  }
0x4d: {  	_ =	shalt  }
0x4e: {  	_ =	shalt  }
0x4f: {  	_ =	shalt  }
0x50: {  	_ =	shalt  }
0x51: {  	_ =	shalt  }
0x52: {  	_ =	shalt  }
0x53: {  	_ =	shalt  }
0x54: {  	_ =	shalt  }
0x55: {  	_ =	shalt  }
0x56: {  	_ =	shalt  }
0x57: {  	_ =	shalt  }
0x58: {  	_ =	shalt  }
0x59: {  	_ =	shalt  }
0x5a: {  	_ =	shalt  }
0x5b: {  	_ =	shalt  }
0x5c: {  	_ =	shalt  }
0x5d: {  	_ =	shalt  }
0x5e: {  	_ =	shalt  }
0x5f: {  	_ =	shalt  }
0x60: {  	_ =	shalt  }
0x61: {  	_ =	shalt  }
0x62: {  	_ =	shalt  }
0x63: {  	_ =	shalt  }
0x64: {  	_ =	shalt  }
0x65: {  	_ =	shalt  }
0x66: {  	_ =	shalt  }
0x67: {  	_ =	shalt  }
0x68: {  	_ =	shalt  }
0x69: {  	_ =	shalt  }
0x6a: {  	_ =	shalt  }
0x6b: {  	_ =	shalt  }
0x6c: {  	_ =	shalt  }
0x6d: {  	_ =	shalt  }
0x6e: {  	_ =	shalt  }
0x6f: {  	_ =	shalt  }
0x70: {  	_ =	shalt  }
0x71: {  	_ =	shalt  }
0x72: {  	_ =	shalt  }
0x73: {  	_ =	shalt  }
0x74: {  	_ =	shalt  }
0x75: {  	_ =	shalt  }
0x76: {  	_ =	shalt  }
0x77: {  	_ =	shalt  }
0x78: {  	_ =	shalt  }
0x79: {  	_ =	shalt  }
0x7a: {  	_ =	shalt  }
0x7b: {  	_ =	shalt  }
0x7c: {  	_ =	shalt  }
0x7d: {  	_ =	shalt  }
0x7e: {  	_ =	shalt  }
0x7f: {  	_ =	shalt  }
0x80: {  	_ =	shalt  }
0x81: {  	_ =	shalt  }
0x82: {  	_ =	shalt  }
0x83: {  	_ =	shalt  }
0x84: {  	_ =	shalt  }
0x85: {  	_ =	shalt  }
0x86: {  	_ =	shalt  }
0x87: {  	_ =	shalt  }
.Lfunc_end0:
.L_simem_size_0:
called_computation.9_lowered:
.L_overlay_start_0:
0x88: {  	s2 =	sld [smem:$0x3FD9]  }
0x89: {  	s3 =	sld [smem:$0x3FFE];
	_ =	sdelay $0x1  }
0x8a: {  	s1 =	srdreg.scid  }
0x8b: {  	s0 =	sand.u32 $0x1, s1  }
0x8c: {  	s16 =	sshll.u32 s0, $0xA;
	s2 =	sadd.s32 s3, s2  }
0x8d: {  	s2 =	sadd.s32 s2, s16  }
0x8e: {  	[smem:$0x3FB3] =	sst s2  }
0x8f: {  	_ = 	snop  }
0x90: {  	(tm) =	ssettm $0x1  }
0x91: {  	s17 =	sld [smem:$0x3FFB];
	_ =	sdelay $0x3  }
0x92: {  	_ =	strace s17  }
0x93: {  	s2 =	sld [smem:$0x3FFC];
	_ =	sdelay $0x3  }
0x94: {  	_ =	strace s2  }
0x95: {  	s2 =	sld [smem:$0x3FFD];
	_ =	sdelay $0x3  }
0x96: {  	_ =	strace s2  }
0x97: {  	_ =	strace $0x8FFFFFFF  }
0x98: {  	s18 =	sld [smem:$0x3FDB];
	_ =	sdelay $0x1  }
0x99: {  	s19 =	simm.s32 $_scs_section_size  }
0x9a: {  	s4 =	simm.s32 $_size__tile_overlayer_lowered;
	s5 =	simm.s32 $_tile_overlayer_lowered  }
0x9b: {  	s22 =	simm.s32 $0x1BFF;
	s21 =	sshll.u32 s5, $0x1;
	s2 =	sadd.s32 s19, s18  }
0x9c: {  	s6 =	simm.s32 $0x0;
	s20 =	sshll.u32 s4, $0x1;
	s4 =	sadd.s32 s21, s2  }
0x9d: {  	[timem:s6], [sflag:s22] =	dma.local [hbm:s4], s20  }
0x9e: {  	_ =	swait.ge [sflag:s22], s20  }
0x9f: {  	s3 =	ssub.s32 $0x0, s20;
	[sflag:s22] =	ssyncset.done $0x0  }
0xa0: {  	[sflag:s22] =	ssyncadd.s32 s3;
	_ =	sdelay $0x1  }
0xa1: {  	s23 =	simm.s32 $0x1B8B  }
0xa2: {  	_ =	swait.ge [sflag:s23], $0x1  }
0xa3: {  	[sflag:s23] =	ssyncset.done $0x0  }
0xa4: {  	s25 =	simm.s32 $0x1B8E;
	s24 =	sld [smem:$0x3FFE];
	[sflag:s23] =	ssyncadd.s32 $0xFFFFFFFF  }
0xa5: {  	s26 =	simm.s32 $execute0_lowered;
	[smem:$0x3FD2] =	sst s25  }
0xa6: {  	s4 =	sshll.u32 s26, $0x1;
	_ =	strace $0x80000052;
	[dreg:$0x1] =	wrdreg $0xFFFFFFFF  }
0xa7: {  	s28 =	simm.s32 $_size_execute0_lowered;
	s2 =	sadd.s32 s2, s4;
	[dreg:$0x0] =	wrdreg $0x0  }
0xa8: {  	s4 =	sshll.u32 s28, $0x1;
	[dreg:$0x2] =	wrdreg s2  }
0xa9: {  	[dreg:$0x3] =	wrdreg s4  }
0xaa: {  	[dreg:$0x4] =	wrdreg $0xC0  }
0xab: {  	_ =	task [dreg:s6], $0x5FFFF  }
0xac: {  	[dreg:$0x1] =	wrdreg $0xFFFFFFFF  }
0xad: {  	[dreg:$0x0] =	wrdreg $0x60  }
0xae: {  	[dreg:$0x2] =	wrdreg s24  }
0xaf: {  	[dreg:$0x3] =	wrdreg $0xA  }
0xb0: {  	_ =	task.clear_ibuf [dreg:s6], $0x4FFFF;
	_ =	strace $0x90000052  }
0xb1: {  	s29 =	simm.s32 $0xA;
	_ =	strace $0x80000054  }
0xb2: {  	_ =	swait.ge [sflag:s29], $0x1  }
0xb3: {  	[sflag:s29] =	ssyncadd.s32 $0xFFFFFFFF  }
0xb4: {  	_ =	strace $0x90000054  }
0xb5: {  	_ =	sfence  }
0xb6: {  	s30 =	sld [smem:$0x0];
	_ =	sdelay $0x2  }
0xb7: {  	s31 =	sshll.u32 s1, $0xD;
	s1 =	sshrl.u32 s1, $0x2  }
0xb8: {  	s3 =	sand.u32 $0x4000, s31;
	s1 =	sadd.s32 s1, s30  }
0xb9: {  	s0 =	sor.u32 s3, s0;
	s1 =	sshll.u32 s1, $0x11  }
0xba: {  	s0 =	sor.u32 s1, s0  }
0xbb: {  	s0 =	sadd.s32 $0x8F2B, s0  }
0xbc: {  	[sflag:s0] =	ssyncadd.remote.s32 $0x1  }
0xbd: {  	_ =	sfence.sel $0xFFFF  }
0xbe: {  	[dreg:$0x0] =	wrdreg $0xFFFFFFFF;
	(pc) =	sbr.abs _section_cstart, $3  }
0xbf: {  	[dreg:$0x1] =	wrdreg $0xFFFFFFFF  }
0xc0: {  	_ =	task.clear_ibuf [dreg:s6], $0x2FFFF;
	_ =	strace $0x9FFFFFFF  }
0xc1: {  	(tm) =	ssettm $0x7FFFFFFF  }
tec
execute0_lowered:
.L_overlay_start_1:
0x0: {  	(tag) =	ssettag $0x1  }
0x1: {  	s0 =	srdreg.scid;
	s5 =	rddreg [dreg:$0x0]  }
0x2: {  	s1 =	stileid.u32;
	s6 =	simm.s32 $0x1;
	s9 =	simm.s32 $0x1  }
0x3: {  	s10 =	simm.s32 $0x3;
	s13 =	simm.s32 $0x0;
	s2 =	sshll.u32 s0, $0xD  }
0x4: {  	s12 =	simm.s32 $0x0;
	s3 =	sshll.u32 s1, $0xE;
	s4 =	sand.u32 $0x2000, s2  }
0x5: {  	s0 =	rddreg [dreg:$0x1];
	_ =	strace $0x80000053;
	s3 =	sor.u32 s3, s4  }
0x6: {  	s2 =	sadd.s32 $0x253600, s5;
	[sflag:s6] =	ssyncpa.u1 $0x0;
	s8 =	ssub.s32 $0x80000, s3  }
.Ltmp0:
0x7: {  	s4 =	sadd.s32 $0x293600, s5;
	s7 =	sand.u32 $0x3E000, s8;
	(pc) =	sbr.rel .LBB2_1-.Ltmp0, $4  }
0x8: {  	s5 =	sadd.s32 $0x263600, s5;
	s11 =	smov.u32 s3;
	p0 =	sne.s32 s7, $0x0  }
0x9: {  	s8 =	sshrl.u32 s8, $0x12;
	s7 =	simm.s32 $0x2;
	s9 =	simm.s32 @!p0 $0x0  }
0xa: {  	[sflag:s7] =	ssyncpa.u1 $0x0;
	p0 =	por $0x0, $0x0;
	s8 =	sadd.s32 s9, s8  }
0xb: {  	vm0 =	vmmov $0xffff;
	[sflag:s10] =	ssyncpa.u1 $0x0;
	s10 =	simm.s32 $0x0;
	s9 =	sadd.s32 $0x1, s8  }
.LBB2_4:
0xc: {  	v2 =	vand.u32 $0x3, v2;
	v3 =	vand.u32 $0x60000, v3;
	v4 =	vand.u32 $0x1E000, v4  }
0xd: {  	v1 =	vand.u32 $0x7FF, v1;
	v2 =	vsel vm1, $0xFFFFFFFF, v2;
	v3 =	vor.u32 v4, v3  }
0xe: {  	v1 =	vsel vm1, $0xFFFFFFFF, v1;
	v3 =	vsel vm1, $0xFFFDE000, v3;
	v63 =	vand.u32 $0xFFFFE000, v2  }
0xf: {  	v5 =	vand.u32 $0x7F, v1;
	v1 =	vshll.u32 v1, $0x2;
	v3 =	vadd.s32 v63, v3  }
0x10: {  	v2 =	vshll.u32 v2, $0x7;
	v1 =	vand.u32 $0xFFFFFE00, v1;
	v3 =	vor.u32 v5, v3  }
0x11: {  	v2 =	vand.u32 $0x180, v2;
	v1 =	vadd.s32 v1, v3  }
0x12: {  	v1 =	vor.u32 v2, v1;
	_ =	sdelay $0x1  }
0x13: {  	(ifvalue) =	ssetifvalue $0x7FFFFFFF;
	s14 =	sadd.s32 $0x10, s14  }
0x14: {  	[tilespmem:s14], [sflag:$0x1] =	stream.indirect_vreg.gather [hbm4b:s2+s10], $0x1, v0, vm0, $0x4038;
	[tilespmem:$0x8000] =	vst v63  }
0x15: {  	(ifvalue) =	ssetifvalue $0x7FFFFFFF;
	s14 =	sadd.s32 $0x10, s14  }
0x16: {  	[tilespmem:s14], [sflag:$0x1] =	stream.indirect_vreg.gather [hbm4b:s2+s10], $0x1, v1, vm0, $0x4038;
	[tilespmem:$0x8000] =	vst v63  }
0x17: {  	_ =	swait.ge [sflag:s6], $0x2000  }
0x18: {  	s30 =	sshrl.u32 s13, $0x3;
	[sflag:s6] =	ssyncset.done $0x0  }
0x19: {  	s31 =	sand.u32 $0x7, s13;
	s14 =	sadd.s32 s5, s30;
	[sflag:s6] =	ssyncadd.s32 $0xFFFFE000  }
0x1a: {  	[hbm4b:s14+s31] =	stream.linear.scatter [tilespmem:s15], [sflag:$0x3], $0x2000, $0x38;
	[tilespmem:$0x8000] =	vst v63  }
.LBB2_5:
0x1b: {  	s15 =	sadd.s32 $0x40000, s11  }
0x1c: {  	p2 =	sgt.s32 s15, $0x7FFFF  }
0x1d: {  	s15 =	smov.u32 @p2 s3;
	p2 =	sne.s32 s12, s9  }
.Ltmp1:
0x1e: {  	p1 =	slt.u32 s12, $0x2;
	(pc) =	sbr.rel @!p2 .LBB2_6-.Ltmp1, $4  }
0x1f: {  	s14 =	simm.s32 @!p1 $0x3  }
0x20: {  	s16 =	sadd.s32 $0x1, s12;
	_ =	swait.ge @!p1 [sflag:s14], $0x2000  }
0x21: {  	s13 =	smov.u32 s11;
	p0 =	por !p0, !p0;
	[sflag:s14] =	ssyncset.done @!p1 $0x0  }
0x22: {  	s12 =	smov.u32 s16;
	s11 =	smov.u32 s15;
	[sflag:s14] =	ssyncadd.s32 @!p1 $0xFFFFE000  }
.LBB2_1:
0x23: {  	p1 =	sge.u32 s12, s8  }
0x24: {  	s14 =	sxor.u32 @!p1 $0xFFFFFFFF, s12  }
0x25: {  	s31 =	sadd.s32 $0xFFFFFFFF, s12;
	s15 =	sshrl.u32 @!p1 s11, $0x3;
	s14 =	sshll.u32 @!p1 s14, $0xD  }
0x26: {  	s16 =	sand.u32 @!p1 $0x7, s11;
	s15 =	sadd.s32 @!p1 s4, s15;
	s14 =	sand.u32 @!p1 $0x2000, s14  }
0x27: {  	[tilespmem:s14], [sflag:$0x2] =	stream.linear.gather @!p1 [hbm4b:s15+s16], $0x2000, $0x38;
	[tilespmem:$0x8000] =	vst v63  }
0x28: {  	p1 =	sge.u32 s31, s8  }
.Ltmp2:
0x29: {  	_ = 	snop;
	(pc) =	sbr.rel @p1 .LBB2_5-.Ltmp2, $1  }
0x2a: {  	_ =	sdelay $0x3  }
0x2b: {  	s14 =	simm.s32 $0x1  }
0x2c: {  	_ =	swait.ge [sflag:s7], $0x2000;
	s14 =	simm.s32 @!p0 $0x0  }
0x2d: {  	[sflag:s7] =	ssyncset.done $0x0;
	s14 =	sshll.u32 s14, $0xD  }
0x2e: {  	[sflag:s7] =	ssyncadd.s32 $0xFFFFE000;
	(ifvalue) =	ssetifvalue $0x7FFFFFFF;
	v0 =	vld.msk [tilespmem:s14+$0x0 ss:$0x1], $0xffff;
	_ =	sdelay $0x4  }
0x2f: {  	s15 =	sadd.s32 $0x10, s14;
	vm1 =	veq.s32 v0, $0x80000000;
	v1 =	vshrl.u32 v0, $0x8  }
0x30: {  	v4 =	vld.msk [tilespmem:s15+$0x0 ss:$0x1], $0xffff;
	v2 =	vshrl.u32 v0, $0x6;
	v3 =	vshll.u32 v0, $0x11;
	v0 =	vshll.u32 v0, $0xB  }
0x31: {  	v3 =	vand.u32 $0x60000, v3;
	v0 =	vand.u32 $0x1E000, v0  }
0x32: {  	v2 =	vand.u32 $0x3, v2;
	v1 =	vand.u32 $0x7FF, v1;
	v0 =	vor.u32 v0, v3  }
0x33: {  	v2 =	vsel vm1, $0xFFFFFFFF, v2;
	v1 =	vsel vm1, $0xFFFFFFFF, v1;
	v0 =	vsel vm1, $0xFFFDE000, v0  }
0x34: {  	v3 =	vand.u32 $0xFFFFE000, v2;
	v5 =	vand.u32 $0x7F, v1;
	v1 =	vshll.u32 v1, $0x2  }
0x35: {  	v2 =	vshll.u32 v2, $0x7;
	vm1 =	veq.s32 v4, $0x80000000;
	v0 =	vadd.s32 v3, v0  }
0x36: {  	v1 =	vand.u32 $0xFFFFFE00, v1;
	v2 =	vand.u32 $0x180, v2;
	v0 =	vor.u32 v5, v0  }
0x37: {  	v3 =	vshll.u32 v4, $0x11;
	v0 =	vadd.s32 v1, v0;
	v1 =	vshrl.u32 v4, $0x8  }
0x38: {  	v0 =	vor.u32 v2, v0;
	v2 =	vshrl.u32 v4, $0x6;
	v4 =	vshll.u32 v4, $0xB  }
0x39: {  	s17 =	sadd.s32 $0x10, s15;
	v3 =	vand.u32 $0x60000, v3;
	v2 =	vand.u32 $0x3, v2;
	v4 =	vand.u32 $0x1E000, v4  }
0x3a: {  	v5 =	vld.msk [tilespmem:s17+$0x0 ss:$0x1], $0xffff;
	v1 =	vand.u32 $0x7FF, v1;
	v2 =	vsel vm1, $0xFFFFFFFF, v2;
	v3 =	vor.u32 v4, v3  }
0x3b: {  	v1 =	vsel vm1, $0xFFFFFFFF, v1;
	v3 =	vsel vm1, $0xFFFDE000, v3;
	v4 =	vand.u32 $0xFFFFE000, v2  }
0x3c: {  	v6 =	vand.u32 $0x7F, v1;
	v1 =	vshll.u32 v1, $0x2;
	v3 =	vadd.s32 v4, v3  }
0x3d: {  	s31 =	sshll.u32 s12, $0xD;
	s14 =	sor.u32 $0x4000, s14;
	(ifvalue) =	ssetifvalue $0x7FFFFFFF;
	v1 =	vand.u32 $0xFFFFFE00, v1;
	v2 =	vshll.u32 v2, $0x7;
	v3 =	vor.u32 v6, v3  }
0x3e: {  	[tilespmem:s14], [sflag:$0x1] =	stream.indirect_vreg.gather [hbm4b:s2+s10], $0x1, v0, vm0, $0x4038;
	v0 =	vand.u32 $0x180, v2;
	v2 =	vadd.s32 v1, v3;
	[tilespmem:$0x8000] =	vst v63  }
0x3f: {  	s15 =	sand.u32 $0x2000, s31;
	vm1 =	veq.s32 v5, $0x80000000;
	v4 =	vshll.u32 v5, $0xB;
	v0 =	vor.u32 v0, v2  }
0x40: {  	s16 =	simm.s32 $0x20;
	s15 =	sor.u32 $0x4000, s15;
	s17 =	sadd.s32 $0x10, s17;
	v1 =	vshrl.u32 v5, $0x8;
	v3 =	vshll.u32 v5, $0x11;
	v2 =	vshrl.u32 v5, $0x6  }
.LBB2_3:
0x41: {  	v5 =	vld.msk [tilespmem:s17+$0x0 ss:$0x1], $0xffff;
	v2 =	vand.u32 $0x3, v2;
	v3 =	vand.u32 $0x60000, v3;
	v4 =	vand.u32 $0x1E000, v4  }
0x42: {  	s16 =	sadd.s32 $0x10, s16;
	v1 =	vand.u32 $0x7FF, v1;
	v2 =	vsel vm1, $0xFFFFFFFF, v2;
	v3 =	vor.u32 v4, v3  }
0x43: {  	s14 =	sadd.s32 $0x10, s14;
	p1 =	slt.u32 s16, $0x1FF0;
	v1 =	vsel vm1, $0xFFFFFFFF, v1;
	v3 =	vsel vm1, $0xFFFDE000, v3;
	v4 =	vand.u32 $0xFFFFE000, v2;
	(ifvalue) =	ssetifvalue $0x7FFFFFFF  }
0x44: {  	[tilespmem:s14], [sflag:$0x1] =	stream.indirect_vreg.gather [hbm4b:s2+s10], $0x1, v0, vm0, $0x4038;
	[tilespmem:$0x8000] =	vst v63  }
.Ltmp3:
0x45: {  	v6 =	vand.u32 $0x7F, v1;
	v1 =	vshll.u32 v1, $0x2;
	v3 =	vadd.s32 v4, v3;
	(pc) =	sbr.rel @p1 .LBB2_3-.Ltmp3, $4  }
0x46: {  	v0 =	vand.u32 $0xFFFFFE00, v1;
	v1 =	vshll.u32 v2, $0x7;
	v2 =	vor.u32 v6, v3  }
0x47: {  	v3 =	vand.u32 $0x180, v1;
	v0 =	vadd.s32 v0, v2  }
0x48: {  	vm1 =	veq.s32 v5, $0x80000000;
	v1 =	vshrl.u32 v5, $0x8;
	v0 =	vor.u32 v3, v0  }
0x49: {  	s17 =	sadd.s32 $0x10, s17;
	v2 =	vshrl.u32 v5, $0x6;
	v4 =	vshll.u32 v5, $0xB;
	v3 =	vshll.u32 v5, $0x11  }
.Ltmp4:
0x4a: {  	_ = 	snop;
	(pc) =	sbr.rel .LBB2_4-.Ltmp4, $1  }
0x4b: {  	_ =	sdelay $0x3  }
.LBB2_6:
0x4c: {  	_ =	sfence.sel $0x180000  }
0x4d: {  	s2 =	simm.s32 $0x2;
	[bflag:$0x0] =	sbarrier.arrive $0xFFFF  }
0x4e: {  	s30 =	simm.s32 $0x3;
	[sflag:s2] =	ssyncpa.u1 $0x1  }
0x4f: {  	s31 =	simm.s32 $0x1;
	[sflag:s30] =	ssyncpa.u1 $0x1  }
0x50: {  	[sflag:s31] =	ssyncpa.u1 $0x1  }
0x51: {  	p0 =	sne.s32 s1, $0x0;
	_ =	strace $0x90000053  }
0x52: {  	s0 =	sadd.s32 @!p0 $0x100000, s0;
	[bflag:$0x2] =	sbarrier.arrive $0xFFFF  }
0x53: {  	[sflag:s0] =	ssyncadd.tile.s32 @!p0 $0x1;
	_ =	shalt  }
.Lfunc_end2:
_tile_overlayer_lowered:
.L_overlay_start_2:
0x54: {  	(tag) =	ssettag $0x2  }
0x55: {  	s0 =	rddreg [dreg:$0x0];
	s2 =	stileid.u32  }
0x56: {  	s1 =	rddreg [dreg:$0x1];
	p0 =	sne.s32 s2, $0x0  }
0x57: {  	s3 =	rddreg [dreg:$0x2];
	[bflag:$0x3] =	sbarrier.arrive $0xFFFF;
	s2 =	simm.s32 @!p0 $0x1C01  }
0x58: {  	[timem:s3], [sflag:s2] =	dma.local @!p0 [hbm:s0], s1  }
0x59: {  	s0 =	simm.s32 @!p0 $0x1  }
0x5a: {  	_ =	swait.ge @!p0 [sflag:s0], s1  }
0x5b: {  	s1 =	ssub.s32 @!p0 $0x0, s1;
	[sflag:s0] =	ssyncset.done @!p0 $0x0  }
0x5c: {  	[sflag:s0] =	ssyncadd.s32 @!p0 s1  }
0x5d: {  	[bflag:$0x3] =	sbarrier.arrive $0xFFFF  }
0x5e: {  	_ =	shalt  }

// kernel: gather_offload_async_start.4
scs
__scs_entry_jumppad:
0x0: {  	(pc) =	sbr.rel $0x88, $3  }
0x1: {  	(tag) =	ssettag $0x0;
	lr =	simm.s32 $0x1  }
0x2: {  	[smem:$0x3F8C] =	sst lr;
	_ =	strace $0xD0000000  }
0x3: {  	_ = 	snop  }
0x4: {  	_ = 	snop  }
0x5: {  	_ = 	snop  }
0x6: {  	_ = 	snop  }
0x7: {  	_ = 	snop  }
__scs_overlays_trampoline_lowered:
0x8: {  	[smem:$0x3F9B] =	sst s0  }
0x9: {  	[smem:$0x3F9C] =	sst s1  }
0xa: {  	[smem:$0x3F9D] =	sst s2  }
0xb: {  	[smem:$0x3F9E] =	sst s3  }
0xc: {  	[smem:$0x3F9F] =	sst s4  }
0xd: {  	[smem:$0x3FA0] =	sst s5  }
0xe: {  	[smem:$0x3FA1] =	sst s6  }
0xf: {  	[smem:$0x3FA2] =	sst s7  }
0x10: {  	[smem:$0x3FA3] =	sst s8  }
0x11: {  	[smem:$0x3FA4] =	sst s9;
	s0 =	simm.s32 @!p0 $0x0  }
0x12: {  	s1 =	sld [smem:$0x3F8A];
	s0 =	simm.s32 @p0 $0x1  }
0x13: {  	[smem:$0x3FA5] =	sst s0;
	s0 =	simm.s32 @!p1 $0x0  }
0x14: {  	s2 =	sld [smem:$0x3F89];
	s0 =	simm.s32 @p1 $0x1  }
0x15: {  	[smem:$0x3FA6] =	sst s0;
	s0 =	simm.s32 @!p2 $0x0  }
0x16: {  	s3 =	sld [smem:$0x3FDB];
	s0 =	simm.s32 @p2 $0x1  }
0x17: {  	s4 =	simm.s32 $0x1BF5;
	[smem:$0x3FA8] =	sst s0  }
0x18: {  	s0 =	sld [smem:$0x3F8B];
	_ =	swait.ge [sflag:s4], $0x0  }
0x19: {  	s7 =	sld [smem:$0x3F8C]  }
0x1a: {  	s8 =	sadd.s32 $0xFFFFE003, lr  }
0x1b: {  	s9 =	sadd.s32 $0xFFFFFEF7, lr;
	s5 =	simm.s32 $0xFFFFFFFF;
	p2 =	slt.u32 s8, $0xFFFFF086  }
0x1c: {  	p1 =	slt.u32 s9, $0xF7A;
	s5 =	simm.s32 @!p2 $0x0  }
0x1d: {  	s5 =	simm.s32 @p1 $0x1;
	p0 =	seq.s32 s7, s2  }
0x1e: {  	s7 =	smul.u32 @!p0 $0xF7A, s2;
	p2 =	seq.s32 @!p0 s5, $0x0  }
0x1f: {  	s9 =	smul.u32 $0xF7A, s1;
	s8 =	simm.s32 @!p0 $0x1BF5;
	p2 =	por !p2, p0  }
0x20: {  	[sflag:s8] =	ssyncset.s32 @!p0 $0xFFFFF086;
	s6 =	sadd.s32 @!p0 s3, s7;
	s7 =	simm.s32 @!p0 $0x108  }
0x21: {  	s3 =	sadd.s32 s3, s9;
	s6 =	sadd.s32 @!p0 $0x88, s6;
	s7 =	simm.s32 @p2 $0x1082  }
0x22: {  	[simem:s7], [sflag:s8] =	dma.local @!p0 [hbm:s6], $0xF7A  }
0x23: {  	s9 =	sor.u32 $0xD0000000, s2;
	s6 =	simm.s32 $0x108;
	_ =	swait.ge @!p0 [sflag:s8], $0x0  }
0x24: {  	s3 =	sadd.s32 $0x88, s3;
	s6 =	simm.s32 @!p1 $0x1082;
	[sflag:s4] =	ssyncset.s32 $0xFFFFF086  }
0x25: {  	[simem:s6], [sflag:s4] =	dma.local [hbm:s3], $0xF7A  }
0x26: {  	[smem:$0x3F8C] =	sst s1;
	(tag) =	ssettag s2;
	_ =	strace s9  }
0x27: {  	s1 =	sld [smem:$0x3F9C]  }
0x28: {  	s2 =	sld [smem:$0x3F9D]  }
0x29: {  	s4 =	sld [smem:$0x3F9F]  }
0x2a: {  	p0 =	seq.s32 s5, $0x0;
	s5 =	sld [smem:$0x3FA0]  }
0x2b: {  	s6 =	sld [smem:$0x3FA1]  }
0x2c: {  	s7 =	sld [smem:$0x3FA2]  }
0x2d: {  	s3 =	simm.s32 $0x108;
	s8 =	sld [smem:$0x3FA3]  }
0x2e: {  	s3 =	simm.s32 @!p0 $0x1082;
	s9 =	sld [smem:$0x3FA4]  }
0x2f: {  	lr =	sadd.s32 s0, s3;
	s0 =	sld [smem:$0x3F9B]  }
0x30: {  	s3 =	sld [smem:$0x3F9E]  }
0x31: {  	[smem:$0x3FA7] =	sst s10  }
0x32: {  	s10 =	sld [smem:$0x3FA5];
	_ =	sdelay $0x3  }
0x33: {  	p0 =	seq.s32 s10, $0x1;
	s10 =	sld [smem:$0x3FA7];
	_ =	sdelay $0x3  }
0x34: {  	[smem:$0x3FA7] =	sst s10  }
0x35: {  	s10 =	sld [smem:$0x3FA6];
	_ =	sdelay $0x3  }
0x36: {  	p1 =	seq.s32 s10, $0x1;
	s10 =	sld [smem:$0x3FA7];
	_ =	sdelay $0x3  }
0x37: {  	[smem:$0x3FA7] =	sst s10  }
0x38: {  	s10 =	sld [smem:$0x3FA8]  }
0x39: {  	_ = 	snop;
	(pc) =	sbr.ind lr, $3  }
0x3a: {  	_ = 	snop  }
0x3b: {  	_ = 	snop  }
0x3c: {  	p2 =	seq.s32 s10, $0x1;
	s10 =	sld [smem:$0x3FA7]  }
0x3d: {  	_ =	shalt  }
0x3e: {  	_ =	shalt  }
0x3f: {  	_ =	shalt  }
0x40: {  	_ =	shalt  }
0x41: {  	_ =	shalt  }
0x42: {  	_ =	shalt  }
0x43: {  	_ =	shalt  }
0x44: {  	_ =	shalt  }
0x45: {  	_ =	shalt  }
0x46: {  	_ =	shalt  }
0x47: {  	_ =	shalt  }
0x48: {  	_ =	shalt  }
0x49: {  	_ =	shalt  }
0x4a: {  	_ =	shalt  }
0x4b: {  	_ =	shalt  }
0x4c: {  	_ =	shalt  }
0x4d: {  	_ =	shalt  }
0x4e: {  	_ =	shalt  }
0x4f: {  	_ =	shalt  }
0x50: {  	_ =	shalt  }
0x51: {  	_ =	shalt  }
0x52: {  	_ =	shalt  }
0x53: {  	_ =	shalt  }
0x54: {  	_ =	shalt  }
0x55: {  	_ =	shalt  }
0x56: {  	_ =	shalt  }
0x57: {  	_ =	shalt  }
0x58: {  	_ =	shalt  }
0x59: {  	_ =	shalt  }
0x5a: {  	_ =	shalt  }
0x5b: {  	_ =	shalt  }
0x5c: {  	_ =	shalt  }
0x5d: {  	_ =	shalt  }
0x5e: {  	_ =	shalt  }
0x5f: {  	_ =	shalt  }
0x60: {  	_ =	shalt  }
0x61: {  	_ =	shalt  }
0x62: {  	_ =	shalt  }
0x63: {  	_ =	shalt  }
0x64: {  	_ =	shalt  }
0x65: {  	_ =	shalt  }
0x66: {  	_ =	shalt  }
0x67: {  	_ =	shalt  }
0x68: {  	_ =	shalt  }
0x69: {  	_ =	shalt  }
0x6a: {  	_ =	shalt  }
0x6b: {  	_ =	shalt  }
0x6c: {  	_ =	shalt  }
0x6d: {  	_ =	shalt  }
0x6e: {  	_ =	shalt  }
0x6f: {  	_ =	shalt  }
0x70: {  	_ =	shalt  }
0x71: {  	_ =	shalt  }
0x72: {  	_ =	shalt  }
0x73: {  	_ =	shalt  }
0x74: {  	_ =	shalt  }
0x75: {  	_ =	shalt  }
0x76: {  	_ =	shalt  }
0x77: {  	_ =	shalt  }
0x78: {  	_ =	shalt  }
0x79: {  	_ =	shalt  }
0x7a: {  	_ =	shalt  }
0x7b: {  	_ =	shalt  }
0x7c: {  	_ =	shalt  }
0x7d: {  	_ =	shalt  }
0x7e: {  	_ =	shalt  }
0x7f: {  	_ =	shalt  }
0x80: {  	_ =	shalt  }
0x81: {  	_ =	shalt  }
0x82: {  	_ =	shalt  }
0x83: {  	_ =	shalt  }
0x84: {  	_ =	shalt  }
0x85: {  	_ =	shalt  }
0x86: {  	_ =	shalt  }
0x87: {  	_ =	shalt  }
.Lfunc_end0:
.L_simem_size_0:
called_computation.10_lowered:
.L_overlay_start_0:
0x88: {  	s2 =	sld [smem:$0x3FD9]  }
0x89: {  	s3 =	sld [smem:$0x3FFE];
	_ =	sdelay $0x1  }
0x8a: {  	s1 =	srdreg.scid  }
0x8b: {  	s0 =	sand.u32 $0x1, s1  }
0x8c: {  	s17 =	sshll.u32 s0, $0xA;
	s2 =	sadd.s32 s3, s2  }
0x8d: {  	s2 =	sadd.s32 s2, s17  }
0x8e: {  	[smem:$0x3FB3] =	sst s2  }
0x8f: {  	_ = 	snop  }
0x90: {  	(tm) =	ssettm $0x1  }
0x91: {  	s18 =	sld [smem:$0x3FFB];
	_ =	sdelay $0x3  }
0x92: {  	_ =	strace s18  }
0x93: {  	s2 =	sld [smem:$0x3FFC];
	_ =	sdelay $0x3  }
0x94: {  	_ =	strace s2  }
0x95: {  	s2 =	sld [smem:$0x3FFD];
	_ =	sdelay $0x3  }
0x96: {  	_ =	strace s2  }
0x97: {  	_ =	strace $0x8FFFFFFF  }
0x98: {  	s19 =	sld [smem:$0x3FDB];
	_ =	sdelay $0x1  }
0x99: {  	s20 =	simm.s32 $_scs_section_size  }
0x9a: {  	s4 =	simm.s32 $_size__tile_overlayer_lowered;
	s5 =	simm.s32 $_tile_overlayer_lowered  }
0x9b: {  	s6 =	simm.s32 $0x1BFF;
	s21 =	sshll.u32 s5, $0x1;
	s3 =	sadd.s32 s20, s19  }
0x9c: {  	s22 =	simm.s32 $0x0;
	s4 =	sshll.u32 s4, $0x1;
	s5 =	sadd.s32 s21, s3  }
0x9d: {  	[timem:s22], [sflag:s6] =	dma.local [hbm:s5], s4  }
0x9e: {  	_ =	swait.ge [sflag:s6], s4  }
0x9f: {  	s4 =	ssub.s32 $0x0, s4;
	[sflag:s6] =	ssyncset.done $0x0  }
0xa0: {  	[sflag:s6] =	ssyncadd.s32 s4;
	_ =	sdelay $0x1  }
0xa1: {  	s23 =	simm.s32 $0x1B8B  }
0xa2: {  	_ =	swait.ge [sflag:s23], $0x1  }
0xa3: {  	[sflag:s23] =	ssyncset.done $0x0  }
0xa4: {  	[sflag:s23] =	ssyncadd.s32 $0xFFFFFFFF  }
0xa5: {  	s4 =	sld [smem:$0x0]  }
0xa6: {  	s5 =	sand.u32 $0xFFFFFFFE, s1  }
0xa7: {  	p0 =	sne.s32 s1, s5  }
0xa8: {  	s5 =	sshll.u32 @p0 s5, $0xE  }
0xa9: {  	s5 =	sadd.s32 @p0 $0x11B8D, s5;
	s6 =	sshll.u32 @p0 s4, $0x11  }
0xaa: {  	s5 =	sor.u32 @p0 s6, s5  }
0xab: {  	[sflag:s5] =	ssyncadd.remote.s32 @p0 $0x1;
	_ =	sdelay $0x1  }
0xac: {  	s5 =	simm.s32 @p0 $0x1B8D  }
0xad: {  	_ =	swait.eq @p0 [sflag:s5], $0x1  }
0xae: {  	[sflag:s5] =	ssyncadd.s32 @p0 $0xFFFFFFFF  }
0xaf: {  	s6 =	sshll.u32 @!p0 s1, $0xE  }
0xb0: {  	s6 =	sor.u32 @!p0 $0x4000, s6;
	s5 =	simm.s32 @!p0 $0x1B8D  }
0xb1: {  	s4 =	sshll.u32 @!p0 s4, $0x11;
	s6 =	sadd.s32 @!p0 $0x11B8D, s6;
	_ =	swait.eq @!p0 [sflag:s5], $0x1  }
0xb2: {  	s4 =	sor.u32 @!p0 s4, s6;
	[sflag:s5] =	ssyncadd.s32 @!p0 $0xFFFFFFFF  }
0xb3: {  	s25 =	simm.s32 $0x1B8E;
	s24 =	sld [smem:$0x3FFE];
	[sflag:s4] =	ssyncadd.remote.s32 @!p0 $0x1  }
0xb4: {  	s26 =	simm.s32 $execute0_lowered;
	[smem:$0x3FD2] =	sst s25  }
0xb5: {  	s5 =	sshll.u32 s26, $0x1;
	_ =	strace $0x80000061;
	[dreg:$0x1] =	wrdreg $0xFFFFFFFF  }
0xb6: {  	s28 =	simm.s32 $_size_execute0_lowered;
	s3 =	sadd.s32 s3, s5;
	[dreg:$0x0] =	wrdreg $0x0  }
0xb7: {  	s5 =	sshll.u32 s28, $0x1;
	[dreg:$0x2] =	wrdreg s3  }
0xb8: {  	[dreg:$0x3] =	wrdreg s5  }
0xb9: {  	[dreg:$0x4] =	wrdreg $0xC0  }
0xba: {  	_ =	task [dreg:s22], $0x5FFFF  }
0xbb: {  	[dreg:$0x1] =	wrdreg $0xFFFFFFFF  }
0xbc: {  	[dreg:$0x0] =	wrdreg $0x60  }
0xbd: {  	[dreg:$0x2] =	wrdreg s24  }
0xbe: {  	[dreg:$0x3] =	wrdreg $0xA  }
0xbf: {  	_ =	task.clear_ibuf [dreg:s22], $0x4FFFF;
	_ =	strace $0x90000061  }
0xc0: {  	s29 =	simm.s32 $0xA;
	_ =	strace $0x80000063  }
0xc1: {  	_ =	swait.ge [sflag:s29], $0x1  }
0xc2: {  	[sflag:s29] =	ssyncadd.s32 $0xFFFFFFFF  }
0xc3: {  	_ =	strace $0x90000063  }
0xc4: {  	_ =	sfence  }
0xc5: {  	s30 =	sld [smem:$0x0];
	_ =	sdelay $0x2  }
0xc6: {  	s31 =	sshll.u32 s1, $0xD;
	s1 =	sshrl.u32 s1, $0x2  }
0xc7: {  	s4 =	sand.u32 $0x4000, s31;
	s1 =	sadd.s32 s1, s30  }
0xc8: {  	s0 =	sor.u32 s4, s0;
	s1 =	sshll.u32 s1, $0x11  }
0xc9: {  	s0 =	sor.u32 s1, s0  }
0xca: {  	s0 =	sadd.s32 $0x8F2B, s0  }
0xcb: {  	[sflag:s0] =	ssyncadd.remote.s32 $0x1  }
0xcc: {  	_ =	sfence.sel $0xFFFF  }
0xcd: {  	[dreg:$0x0] =	wrdreg $0xFFFFFFFF;
	(pc) =	sbr.abs _section_cstart, $3  }
0xce: {  	[dreg:$0x1] =	wrdreg $0xFFFFFFFF  }
0xcf: {  	_ =	task.clear_ibuf [dreg:s22], $0x2FFFF;
	_ =	strace $0x9FFFFFFF  }
0xd0: {  	(tm) =	ssettm $0x7FFFFFFF  }
0xd1: {  	_ =	shalt  }
tec
execute0_lowered:
.L_overlay_start_1:
0x0: {  	(tag) =	ssettag $0x1  }
0x1: {  	s8 =	rddreg [dreg:$0x0]  }
0x2: {  	s0 =	rddreg [dreg:$0x1];
	_ =	strace $0x80000062;
	s1 =	srdreg.scid  }
0x3: {  	s5 =	simm.s32 $0x1;
	s10 =	simm.s32 $0x3;
	p3 =	por $0x0, $0x0  }
0x4: {  	s11 =	simm.s32 $0x80;
	s2 =	sadd.s32 $0x763600, s8;
	s6 =	sshll.u32 s1, $0x4  }
.Ltmp0:
0x5: {  	s1 =	stileid.u32;
	s6 =	sand.u32 $0x10, s6;
	(pc) =	sbr.rel .LBB2_1-.Ltmp0, $4  }
0x6: {  	s3 =	sadd.s32 $0x253E00, s8;
	s4 =	sadd.s32 $0xD63600, s8;
	s7 =	sor.u32 s1, s6  }
0x7: {  	[sflag:s5] =	ssyncpa.u1 $0x0;
	s6 =	simm.s32 $0x2;
	s7 =	sshll.u32 s7, $0xE  }
0x8: {  	s8 =	sadd.s32 $0x275000, s8;
	[sflag:s6] =	ssyncpa.u1 $0x0;
	s9 =	sadd.s32 $0x4000, s7  }
0x9: {  	v0 =	vlaneseq.u32;
	[sflag:s10] =	ssyncpa.u1 $0x0;
	s10 =	simm.s32 $0x0;
	s12 =	smov.u32 s7  }
.LBB2_7:
0xa: {  	p0 =	slt.u32 s10, $0x2;
	s10 =	sadd.s32 $0x1, s10  }
0xb: {  	p2 =	sne.s32 s10, $0x42  }
.Ltmp1:
0xc: {  	_ = 	snop;
	(pc) =	sbr.rel @!p2 .LBB2_8-.Ltmp1, $4  }
0xd: {  	s13 =	simm.s32 @!p0 $0x3  }
0xe: {  	s14 =	sadd.s32 $0x100, s12;
	_ =	swait.ge @!p0 [sflag:s13], $0x8000  }
0xf: {  	s12 =	smov.u32 s7;
	p1 =	slt.s32 s14, s9;
	[sflag:s13] =	ssyncset.done @!p0 $0x0  }
0x10: {  	p3 =	por !p3, !p3;
	s12 =	smov.u32 @p1 s14;
	[sflag:s13] =	ssyncadd.s32 @!p0 $0xFFFF8000  }
.LBB2_1:
0x11: {  	p0 =	sgt.u32 s10, $0x3F  }
0x12: {  	s13 =	sxor.u32 @!p0 $0xFFFFFFFF, s10  }
0x13: {  	s14 =	sshrl.u32 @!p0 s12, $0x3;
	s13 =	sshll.u32 @!p0 s13, $0x8  }
0x14: {  	s16 =	sand.u32 @!p0 $0x7, s12;
	s15 =	sadd.s32 @!p0 s3, s14;
	s13 =	sand.u32 @!p0 $0x100, s13  }
0x15: {  	[tilespmem:s13], [sflag:$0x2] =	stream.linear.gather @!p0 [hbm4b:s15+s16], $0x100, $0x38;
	[tilespmem:$0x10400] =	vst v63  }
0x16: {  	s14 =	sadd.s32 @!p0 s8, s14;
	s13 =	sor.u32 @!p0 $0x200, s13  }
0x17: {  	[tilespmem:s13], [sflag:$0x2] =	stream.linear.gather @!p0 [hbm4b:s14+s16], $0x100, $0x38;
	[tilespmem:$0x10400] =	vst v63  }
0x18: {  	p0 =	seq.s32 s10, $0x0  }
0x19: {  	p1 =	seq.s32 @!p0 s10, $0x41  }
0x1a: {  	p0 =	por p0, p1  }
.Ltmp2:
0x1b: {  	_ = 	snop;
	(pc) =	sbr.rel @p0 .LBB2_7-.Ltmp2, $1  }
0x1c: {  	_ =	sdelay $0x3  }
0x1d: {  	p0 =	por $0x0, $0x0;
	s13 =	simm.s32 $0x1  }
0x1e: {  	s13 =	simm.s32 @!p0 $0x2  }
0x1f: {  	v1 =	vmov s13  }
0x20: {  	s14 =	simm.s32 @!p3 $0x0;
	vm0 =	vgt.u32 v1, v0  }
0x21: {  	s14 =	simm.s32 @p3 $0x1  }
0x22: {  	s13 =	simm.s32 $0x1;
	[smem:$0x7FA] =	sst s14  }
0x23: {  	s13 =	simm.s32 @!p3 $0x0;
	_ =	swait.ge [sflag:s6], $0x200  }
0x24: {  	s13 =	sshll.u32 s13, $0x8;
	[sflag:s6] =	ssyncset.done $0x0  }
0x25: {  	[sflag:s6] =	ssyncadd.s32 $0xFFFFFE00;
	s24 =	sadd.s32 $0x0, s13  }
0x26: {  	v1 =	vld.msk [tilespmem:s24+$0x0 ss:$0x1], vm0;
	_ =	sdelay $0x4  }
0x27: {  	p1 =	por $0x0, $0x0;
	s14 =	simm.s32 $0x1;
	(v2sf) =	vpush v1, $0x1  }
0x28: {  	s14 =	simm.s32 @!p1 $0x2;
	(v2sf) =	vpush v1, $0x0  }
0x29: {  	v2 =	vmov s14  }
0x2a: {  	vm0 =	vgt.u32 v2, v0;
	_ =	sdelay $0x4  }
0x2b: {  	p2 =	por $0x0, $0x0;
	s15 =	simm.s32 $0x1;
	s25 =	sadd.s32 $0x1, s13  }
0x2c: {  	s15 =	simm.s32 @!p2 $0x2;
	v2 =	vld.msk [tilespmem:s25+$0x0 ss:$0x1], vm0  }
0x2d: {  	v3 =	vmov s15  }
0x2e: {  	vm0 =	vgt.u32 v3, v0;
	_ =	sdelay $0x1  }
0x2f: {  	p0 =	por p0, p0  }
0x30: {  	p0 =	por p0, p0;
	(v2sf) =	vpush v2, $0x1  }
0x31: {  	p0 =	por p0, p0;
	(v2sf) =	vpush v2, $0x0;
	s14 =	spop (v2sf)  }
0x32: {  	s26 =	sadd.s32 $0x2, s13;
	s14 =	simm.s32 @p0 $0xFFFFFFFF;
	s16 =	spop (v2sf)  }
0x33: {  	v4 =	vld.msk [tilespmem:s26+$0x0 ss:$0x1], vm0;
	p0 =	seq.s32 s16, s14  }
0x34: {  	v3 =	vshrl.u32 @!p0 v1, $0x6  }
0x35: {  	vm0 =	veq.s32 @!p0 v1, $0x80000000;
	v3 =	vand.u32 @!p0 $0x7FF, v3  }
0x36: {  	v3 =	vsel @!p0 vm0, $0xFFFFFFFF, v3  }
0x37: {  	s28 =	sand.u32 $0x1, s10;
	p4 =	por $0x0, $0x0;
	v5 =	vshll.u32 @!p0 v1, $0x16;
	v1 =	vshll.u32 @!p0 v1, $0x10;
	(v2sf) =	vpush @!p0 v3, $0x0  }
0x38: {  	s20 =	simm.s32 $0x14;
	p6 =	por $0x0, $0x0;
	p2 =	por p2, p2;
	v5 =	vand.u32 @!p0 $0xC00000, v5;
	v1 =	vand.u32 @!p0 $0x3C0000, v1;
	(v2sf) =	vpush v4, $0x1  }
0x39: {  	s22 =	simm.s32 $0x18;
	p2 =	por p2, p2;
	p1 =	por p1, p1;
	v1 =	vor.u32 @!p0 v1, v5  }
0x3a: {  	p5 =	por p2, p2;
	p1 =	por p1, p1;
	s16 =	simm.s32 $0x1;
	v1 =	vsel @!p0 vm0, $0xFFBC0000, v1;
	(v2sf) =	vpush v4, $0x0  }
0x3b: {  	s15 =	sor.u32 $0x200, s13;
	p1 =	por p1, p1;
	s16 =	simm.s32 @!p4 $0x2;
	(v2sf) =	vpush @!p0 v1, $0x0  }
0x3c: {  	s29 =	sadd.s32 $0x3, s13;
	s31 =	sadd.s32 $0x4, s13;
	s14 =	sshll.u32 s28, $0xF;
	v1 =	vmov s16  }
0x3d: {  	s14 =	sor.u32 $0x400, s14;
	s19 =	simm.s32 @!p0 $0x1;
	p4 =	por p4, p4;
	vm0 =	vgt.u32 v1, v0  }
0x3e: {  	p3 =	por p0, p0;
	s18 =	sadd.s32 @!p0 $0x0, s14;
	p2 =	por p4, p4  }
0x3f: {  	p4 =	por p3, p3;
	s23 =	simm.s32 @!p2 $0x0;
	s17 =	spop (v2sf)  }
0x40: {  	s17 =	simm.s32 @p1 $0xFFFFFFFF;
	s21 =	spop (v2sf);
	s16 =	simm.s32 $0x0  }
0x41: {  	p1 =	seq.s32 s21, s17;
	s21 =	simm.s32 $0x1;
	s19 =	smov.u32 @p3 s16  }
0x42: {  	s23 =	simm.s32 @p2 $0x1;
	s21 =	simm.s32 @!p6 $0x2;
	s17 =	sshll.u32 @!p1 s19, $0x9  }
0x43: {  	p2 =	por p6, p6;
	v6 =	vmov s21;
	s21 =	simm.s32 @!p3 $0x80;
	s16 =	sshra.s32 @!p1 s17, $0x2;
	v1 =	vld.msk [tilespmem:s29+$0x0 ss:$0x1], vm0  }
0x44: {  	v3 =	vshrl.u32 @!p1 v2, $0x6;
	s17 =	sadd.s32 @!p1 s16, s14;
	[smem:$0x7FB] =	sst s23;
	s23 =	simm.s32 @!p2 $0x0  }
0x45: {  	v5 =	vshll.u32 @!p1 v2, $0x16;
	v3 =	vand.u32 @!p1 $0x7FF, v3;
	s16 =	sadd.s32 @!p1 $0x1, s19;
	vm0 =	veq.s32 @!p1 v2, $0x80000000;
	s23 =	simm.s32 @p2 $0x1;
	p2 =	por p1, p1  }
0x46: {  	v5 =	vand.u32 @!p1 $0xC00000, v5;
	v2 =	vshll.u32 @!p1 v2, $0x10;
	v3 =	vsel @!p1 vm0, $0xFFFFFFFF, v3;
	[smem:$0x7FC] =	sst s23;
	s24 =	simm.s32 @!p2 $0x0;
	s23 =	spop @!p0 (v2sf)  }
0x47: {  	vm1 =	vgt.u32 v6, v0;
	v2 =	vand.u32 @!p1 $0x3C0000, v2;
	s16 =	smov.u32 @p2 s19;
	s24 =	simm.s32 @p2 $0x1;
	(v2sf) =	vpush @!p1 v3, $0x0;
	s19 =	spop (v2sf)  }
0x48: {  	v2 =	vor.u32 @!p1 v2, v5;
	[smem:$0x7FD] =	sst s24;
	(v2sf) =	vpush v1, $0x1;
	s23 =	sshll.u32 @!p4 s23, $0x7;
	s19 =	simm.s32 @p5 $0xFFFFFFFF  }
0x49: {  	v2 =	vsel @!p1 vm0, $0xFFBC0000, v2;
	s30 =	spop (v2sf);
	(v2sf) =	vpush v1, $0x0;
	s25 =	sand.u32 @!p4 $0xFFFFFC00, s23;
	s23 =	sand.u32 @!p4 $0x380, s23  }
0x4a: {  	p6 =	seq.s32 s30, s19;
	s19 =	spop @!p0 (v2sf);
	(v2sf) =	vpush @!p1 v2, $0x0;
	p0 =	por $0x0, $0x0  }
0x4b: {  	s19 =	sadd.s32 @!p4 s19, s25;
	vm0 =	veq.s32 @!p6 v4, $0x80000000;
	v2 =	vshrl.u32 @!p6 v4, $0x6;
	v3 =	vshll.u32 @!p6 v4, $0x16;
	s24 =	sshll.u32 @!p6 s16, $0x9;
	s25 =	simm.s32 $0x1  }
0x4c: {  	v4 =	vshll.u32 @!p6 v4, $0x10;
	s26 =	sor.u32 @!p4 s23, s19;
	s25 =	simm.s32 @!p0 $0x2;
	v5 =	vand.u32 @!p6 $0x7FF, v2;
	v3 =	vand.u32 @!p6 $0xC00000, v3;
	s23 =	sshra.s32 @!p6 s24, $0x2  }
0x4d: {  	v2 =	vld.msk [tilespmem:s31+$0x0 ss:$0x1], vm1;
	v4 =	vand.u32 @!p6 $0x3C0000, v4;
	s19 =	sadd.s32 @!p6 $0x1, s16;
	v6 =	vmov s25;
	v5 =	vsel @!p6 vm0, $0xFFFFFFFF, v5;
	s23 =	sadd.s32 @!p6 s23, s14;
	s24 =	sshrl.u32 @!p4 s26, $0x3  }
.LBB2_3:
0x4e: {  	p5 =	por p1, p1  }
0x4f: {  	s25 =	smov.u32 s16;
	p1 =	por p6, p6;
	s26 =	sld [smem:$0x7FB]  }
0x50: {  	s16 =	sadd.s32 @!p4 s2, s24;
	s31 =	smov.u32 s20;
	s28 =	sld [smem:$0x7FC]  }
0x51: {  	s20 =	smov.u32 s22;
	s22 =	sadd.s32 $0x4, s22;
	s29 =	sld [smem:$0x7FD]  }
0x52: {  	[tilespmem:s18], [sflag:$0x1] =	stream.strided.gather @!p4 [hbm:s16], $0x80, s21, s21, $0x38;
	[tilespmem:$0x10400] =	vst v63  }
0x53: {  	s18 =	smov.u32 s17;
	s17 =	smov.u32 s23;
	s30 =	sshra.s32 s31, $0x2  }
0x54: {  	s16 =	smov.u32 s19;
	p2 =	seq.s32 s26, $0x1;
	p3 =	seq.s32 s28, $0x1  }
0x55: {  	v3 =	vor.u32 @!p6 v4, v3;
	(v2sf) =	vpush @!p6 v5, $0x0;
	s23 =	sadd.s32 s30, s13;
	p6 =	por p2, p2;
	p2 =	por p3, p3  }
0x56: {  	p3 =	por p0, p0;
	p0 =	seq.s32 s29, $0x1;
	s26 =	simm.s32 @!p2 $0x0  }
0x57: {  	s21 =	simm.s32 @!p0 $0x80;
	p4 =	por p0, p0;
	p0 =	por p1, p1  }
0x58: {  	s26 =	simm.s32 @p2 $0x1;
	s19 =	simm.s32 @!p0 $0x0;
	s16 =	smov.u32 @p0 s25  }
0x59: {  	vm1 =	vgt.u32 v6, v0;
	[smem:$0x7FB] =	sst s26;
	s26 =	simm.s32 @!p3 $0x0;
	s19 =	simm.s32 @p0 $0x1  }
0x5a: {  	p0 =	seq.s32 s20, $0x3FC;
	[smem:$0x7FD] =	sst s19;
	s19 =	spop @!p5 (v2sf)  }
0x5b: {  	s26 =	simm.s32 @p3 $0x1;
	p3 =	sne.s32 s22, $0x400;
	s19 =	sshll.u32 @!p4 s19, $0x7  }
0x5c: {  	(v2sf) =	vpush v2, $0x1;
	v4 =	vmov v2;
	[smem:$0x7FC] =	sst s26;
	s24 =	spop (v2sf);
	s25 =	sand.u32 @!p4 $0xFFFFFC00, s19  }
.Ltmp3:
0x5d: {  	v3 =	vsel @!p1 vm0, $0xFFBC0000, v3;
	(v2sf) =	vpush v4, $0x0;
	s24 =	simm.s32 @p6 $0xFFFFFFFF;
	s31 =	spop (v2sf);
	(pc) =	sbr.rel @p3 .LBB2_3-.Ltmp3, $4  }
0x5e: {  	(v2sf) =	vpush @!p1 v3, $0x0;
	s19 =	sand.u32 @!p4 $0x380, s19;
	s26 =	spop @!p5 (v2sf);
	p6 =	seq.s32 s31, s24  }
0x5f: {  	v2 =	vld.msk [tilespmem:s23+$0x0 ss:$0x1], vm1;
	vm0 =	veq.s32 @!p6 v1, $0x80000000;
	v3 =	vshrl.u32 @!p6 v1, $0x6;
	v5 =	vshll.u32 @!p6 v1, $0x16;
	s23 =	sshll.u32 @!p6 s16, $0x9;
	s24 =	sadd.s32 @!p4 s26, s25;
	s25 =	simm.s32 $0x1  }
0x60: {  	v8 =	vshll.u32 @!p6 v1, $0x10;
	s25 =	simm.s32 @!p0 $0x2;
	v7 =	vand.u32 @!p6 $0x7FF, v3;
	v3 =	vand.u32 @!p6 $0xC00000, v5;
	s23 =	sshra.s32 @!p6 s23, $0x2;
	s24 =	sor.u32 @!p4 s19, s24  }
0x61: {  	v1 =	vmovc v4;
	v4 =	vand.u32 @!p6 $0x3C0000, v8;
	s19 =	sadd.s32 @!p6 $0x1, s16;
	v6 =	vmov s25;
	v5 =	vsel @!p6 vm0, $0xFFFFFFFF, v7;
	s23 =	sadd.s32 @!p6 s23, s14;
	s24 =	sshrl.u32 @!p4 s24, $0x3  }
0x62: {  	_ =	sdelay $0x4  }
0x63: {  	vm1 =	vgt.u32 v6, v0;
	s25 =	sld [smem:$0x7FB];
	_ =	sdelay $0x1  }
0x64: {  	(v2sf) =	vpush @!p6 v5, $0x0  }
0x65: {  	(v2sf) =	vpush v2, $0x1;
	s22 =	spop @!p1 (v2sf);
	p2 =	seq.s32 s25, $0x1  }
0x66: {  	s20 =	sshra.s32 s20, $0x2;
	(v2sf) =	vpush v2, $0x0;
	p3 =	por p2, p2;
	s25 =	spop (v2sf)  }
0x67: {  	s20 =	sadd.s32 s20, s13;
	s25 =	simm.s32 @p3 $0xFFFFFFFF;
	s26 =	spop (v2sf)  }
0x68: {  	v5 =	vld.msk [tilespmem:s20+$0x0 ss:$0x1], vm1;
	p5 =	seq.s32 s26, s25  }
0x69: {  	v3 =	vor.u32 @!p6 v4, v3;
	v4 =	vshrl.u32 @!p5 v1, $0x6  }
0x6a: {  	v3 =	vsel @!p6 vm0, $0xFFBC0000, v3;
	vm0 =	veq.s32 @!p5 v1, $0x80000000;
	v4 =	vand.u32 @!p5 $0x7FF, v4  }
0x6b: {  	s20 =	sadd.s32 @!p4 s2, s24;
	(v2sf) =	vpush @!p6 v3, $0x0;
	v3 =	vsel @!p5 vm0, $0xFFFFFFFF, v4  }
0x6c: {  	[tilespmem:s18], [sflag:$0x1] =	stream.strided.gather @!p4 [hbm:s20], $0x80, s21, s21, $0x38;
	(v2sf) =	vpush @!p5 v3, $0x0;
	[tilespmem:$0x10400] =	vst v63  }
0x6d: {  	s18 =	sld [smem:$0x7FD];
	(v2sf) =	vpush v5, $0x1  }
0x6e: {  	(v2sf) =	vpush v5, $0x0  }
0x6f: {  	s21 =	sld [smem:$0x7FC]  }
0x70: {  	p2 =	seq.s32 s18, $0x1;
	v3 =	vshll.u32 @!p5 v1, $0x16;
	v1 =	vshll.u32 @!p5 v1, $0x10  }
0x71: {  	p3 =	por p2, p2;
	v3 =	vand.u32 @!p5 $0xC00000, v3;
	v1 =	vand.u32 @!p5 $0x3C0000, v1  }
0x72: {  	p4 =	seq.s32 s21, $0x1;
	s20 =	spop @!p1 (v2sf);
	s18 =	sshll.u32 @!p3 s22, $0x7;
	v1 =	vor.u32 @!p5 v1, v3  }
0x73: {  	p4 =	por p4, p4;
	s21 =	sand.u32 @!p3 $0xFFFFFC00, s18;
	s22 =	spop @!p6 (v2sf);
	v1 =	vsel @!p5 vm0, $0xFFBC0000, v1  }
0x74: {  	p1 =	por p4, p4;
	s20 =	sadd.s32 @!p3 s20, s21;
	s21 =	spop (v2sf);
	(v2sf) =	vpush @!p5 v1, $0x0  }
0x75: {  	s18 =	sand.u32 @!p3 $0x380, s18;
	s21 =	simm.s32 @p1 $0xFFFFFFFF;
	s24 =	spop (v2sf)  }
0x76: {  	s18 =	sor.u32 @!p3 s18, s20;
	p1 =	seq.s32 s24, s21  }
0x77: {  	s20 =	simm.s32 @!p2 $0x80;
	p2 =	por p6, p6;
	s18 =	sshrl.u32 @!p3 s18, $0x3;
	vm0 =	veq.s32 @!p1 v2, $0x80000000;
	v1 =	vshrl.u32 @!p1 v2, $0x6  }
0x78: {  	p0 =	por p0, p0;
	p4 =	por p2, p2;
	s18 =	sadd.s32 @!p3 s2, s18;
	v3 =	vshll.u32 @!p1 v2, $0x16;
	v2 =	vshll.u32 @!p1 v2, $0x10;
	v1 =	vand.u32 @!p1 $0x7FF, v1  }
0x79: {  	[tilespmem:s17], [sflag:$0x1] =	stream.strided.gather @!p3 [hbm:s18], $0x80, s20, s20, $0x38;
	v3 =	vand.u32 @!p1 $0xC00000, v3;
	v2 =	vand.u32 @!p1 $0x3C0000, v2;
	v1 =	vsel @!p1 vm0, $0xFFFFFFFF, v1;
	[tilespmem:$0x10400] =	vst v63  }
0x7a: {  	p0 =	por p0, p0;
	s17 =	sshll.u32 @!p4 s22, $0x7;
	v2 =	vor.u32 @!p1 v2, v3;
	(v2sf) =	vpush @!p1 v1, $0x0;
	s18 =	spop @!p6 (v2sf)  }
0x7b: {  	p0 =	por p0, p0;
	s20 =	sand.u32 @!p4 $0xFFFFFC00, s17;
	v1 =	vsel @!p1 vm0, $0xFFBC0000, v2;
	s21 =	spop @!p5 (v2sf)  }
0x7c: {  	s17 =	sand.u32 @!p4 $0x380, s17;
	(v2sf) =	vpush @!p1 v1, $0x0;
	s18 =	sadd.s32 @!p4 s18, s20;
	s20 =	spop (v2sf)  }
0x7d: {  	s17 =	sor.u32 @!p4 s17, s18;
	s20 =	simm.s32 @p0 $0xFFFFFFFF;
	s25 =	spop (v2sf)  }
0x7e: {  	s17 =	sshrl.u32 @!p4 s17, $0x3;
	p0 =	seq.s32 s25, s20  }
0x7f: {  	p3 =	por p5, p5;
	s18 =	simm.s32 @!p2 $0x80;
	s17 =	sadd.s32 @!p4 s2, s17;
	vm0 =	veq.s32 @!p0 v5, $0x80000000;
	v1 =	vshrl.u32 @!p0 v5, $0x6  }
0x80: {  	[tilespmem:s23], [sflag:$0x1] =	stream.strided.gather @!p4 [hbm:s17], $0x80, s18, s18, $0x38;
	v2 =	vshll.u32 @!p0 v5, $0x16;
	v3 =	vshll.u32 @!p0 v5, $0x10;
	v1 =	vand.u32 @!p0 $0x7FF, v1;
	[tilespmem:$0x10400] =	vst v63  }
0x81: {  	p4 =	por p3, p3;
	v2 =	vand.u32 @!p0 $0xC00000, v2;
	v3 =	vand.u32 @!p0 $0x3C0000, v3;
	v1 =	vsel @!p0 vm0, $0xFFFFFFFF, v1  }
0x82: {  	s17 =	sshll.u32 @!p4 s21, $0x7;
	v2 =	vor.u32 @!p0 v3, v2;
	(v2sf) =	vpush @!p0 v1, $0x0  }
0x83: {  	s19 =	smov.u32 @p2 s16;
	s16 =	sand.u32 @!p4 $0xFFFFFC00, s17;
	s18 =	spop @!p5 (v2sf);
	v1 =	vsel @!p0 vm0, $0xFFBC0000, v2  }
0x84: {  	s17 =	sand.u32 @!p4 $0x380, s17;
	s16 =	sadd.s32 @!p4 s18, s16;
	(v2sf) =	vpush @!p0 v1, $0x0  }
0x85: {  	s20 =	sshll.u32 @!p5 s19, $0x9;
	s16 =	sor.u32 @!p4 s17, s16  }
0x86: {  	p2 =	por p1, p1;
	s18 =	sshra.s32 @!p5 s20, $0x2;
	s16 =	sshrl.u32 @!p4 s16, $0x3  }
0x87: {  	s17 =	sadd.s32 @!p5 s18, s14;
	s18 =	simm.s32 @!p3 $0x80;
	s16 =	sadd.s32 @!p4 s2, s16  }
0x88: {  	[tilespmem:s17], [sflag:$0x1] =	stream.strided.gather @!p4 [hbm:s16], $0x80, s18, s18, $0x38;
	[tilespmem:$0x10400] =	vst v63  }
0x89: {  	p4 =	por p2, p2;
	s16 =	spop @!p1 (v2sf)  }
0x8a: {  	s17 =	sadd.s32 @!p5 $0x1, s19;
	s16 =	sshll.u32 @!p4 s16, $0x7  }
0x8b: {  	s17 =	smov.u32 @p3 s19;
	s19 =	spop @!p1 (v2sf);
	s18 =	sand.u32 @!p4 $0xFFFFFC00, s16  }
0x8c: {  	s16 =	sand.u32 @!p4 $0x380, s16;
	s18 =	sadd.s32 @!p4 s19, s18  }
0x8d: {  	s20 =	sshll.u32 @!p1 s17, $0x9;
	s16 =	sor.u32 @!p4 s16, s18  }
0x8e: {  	p3 =	por p0, p0;
	s19 =	sshra.s32 @!p1 s20, $0x2;
	s16 =	sshrl.u32 @!p4 s16, $0x3  }
0x8f: {  	s18 =	sadd.s32 @!p1 s19, s14;
	s19 =	simm.s32 @!p2 $0x80;
	s16 =	sadd.s32 @!p4 s2, s16  }
0x90: {  	[tilespmem:s18], [sflag:$0x1] =	stream.strided.gather @!p4 [hbm:s16], $0x80, s19, s19, $0x38;
	[tilespmem:$0x10400] =	vst v63  }
0x91: {  	p4 =	por p3, p3;
	s18 =	sadd.s32 @!p1 $0x1, s17;
	s16 =	spop @!p0 (v2sf)  }
0x92: {  	s18 =	smov.u32 @p2 s17;
	s16 =	sshll.u32 @!p4 s16, $0x7  }
0x93: {  	s20 =	sshll.u32 @!p0 s18, $0x9;
	s19 =	spop @!p0 (v2sf);
	s17 =	sand.u32 @!p4 $0xFFFFFC00, s16  }
0x94: {  	s16 =	sand.u32 @!p4 $0x380, s16;
	s17 =	sadd.s32 @!p4 s19, s17;
	s19 =	sshra.s32 @!p0 s20, $0x2  }
0x95: {  	s16 =	sor.u32 @!p4 s16, s17;
	s17 =	sadd.s32 @!p0 s19, s14;
	s19 =	sadd.s32 @!p0 $0x1, s18  }
0x96: {  	s16 =	sshrl.u32 @!p4 s16, $0x3;
	s19 =	smov.u32 @p3 s18  }
0x97: {  	s18 =	simm.s32 @!p3 $0x80;
	s16 =	sadd.s32 @!p4 s2, s16;
	s26 =	sshll.u32 s19, $0x7  }
0x98: {  	[tilespmem:s17], [sflag:$0x1] =	stream.strided.gather @!p4 [hbm:s16], $0x80, s18, s18, $0x38;
	[tilespmem:$0x10400] =	vst v63  }
0x99: {  	s16 =	sand.u32 $0x3FFFFF80, s26  }
0x9a: {  	_ =	swait.ge [sflag:s5], s16  }
0x9b: {  	s16 =	ssub.s32 $0x0, s16;
	[sflag:s5] =	ssyncset.done $0x0  }
0x9c: {  	s28 =	sadd.s32 $0x0, s15;
	[sflag:s5] =	ssyncadd.s32 s16  }
0x9d: {  	v1 =	vld.msk [tilespmem:s28+$0x0 ss:$0x1], $0x1;
	_ =	sdelay $0x4  }
0x9e: {  	(v2sf) =	vpush v1, $0x0;
	_ =	sdelay $0xa  }
0x9f: {  	p0 =	por $0x0, $0x0;
	s16 =	simm.s32 $0x1  }
0xa0: {  	s16 =	simm.s32 @!p0 $0x2  }
0xa1: {  	v1 =	vmov s16  }
0xa2: {  	vm15 =	vgt.u32 v1, v0  }
0xa3: {  	s29 =	spop (v2sf)  }
0xa4: {  	s16 =	sshll.u32 s29, $0x4  }
0xa5: {  	s16 =	sand.u32 $0x1FFFFFF0, s16  }
0xa6: {  	s30 =	sadd.s32 $0x0, s14;
	s31 =	sadd.s32 $0x0, s13;
	s16 =	sadd.s32 s4, s16  }
0xa7: {  	[hbm:s16] =	stream.strided.scatter [tilespmem:s30], [sflag:$0x3], $0x80, s11, s11, $0x38;
	[tilespmem:$0x10400] =	vst v63  }
0xa8: {  	s19 =	simm.s32 $0x8;
	s18 =	simm.s32 $0x4;
	v1 =	vld.msk [tilespmem:s31+$0x0 ss:$0x1], vm15  }
0xa9: {  	s17 =	simm.s32 $0x1;
	p0 =	por p0, p0;
	s16 =	simm.s32 $0x0  }
.LBB2_5:
0xaa: {  	p1 =	sne.s32 s19, $0x3FC;
	s20 =	sadd.s32 s17, s15  }
0xab: {  	v2 =	vld.msk [tilespmem:s20+$0x0 ss:$0x1], $0x1;
	_ =	sdelay $0x1  }
0xac: {  	(v2sf) =	vpush v1, $0x1  }
0xad: {  	(v2sf) =	vpush v1, $0x0;
	_ =	sdelay $0x2  }
0xae: {  	(v2sf) =	vpush v2, $0x0;
	_ =	sdelay $0x9  }
0xaf: {  	p2 =	seq.s32 s18, $0x3FC;
	s18 =	smov.u32 s19;
	s20 =	simm.s32 $0x1  }
0xb0: {  	s20 =	simm.s32 @!p2 $0x2;
	s21 =	spop (v2sf)  }
0xb1: {  	s21 =	simm.s32 @p0 $0xFFFFFFFF;
	s22 =	spop (v2sf);
	p0 =	por p2, p2  }
0xb2: {  	v1 =	vmov s20;
	s20 =	simm.s32 $0x1;
	p2 =	sne.s32 s22, s21  }
0xb3: {  	vm0 =	vgt.u32 v1, v0;
	s20 =	simm.s32 @!p2 $0x0  }
0xb4: {  	s21 =	spop (v2sf);
	s16 =	sadd.s32 s20, s16  }
0xb5: {  	s20 =	sshll.u32 s21, $0x4;
	s21 =	sshll.u32 s16, $0x9  }
0xb6: {  	s17 =	sadd.s32 s17, s13;
	s20 =	sand.u32 $0x1FFFFFF0, s20;
	s21 =	sshra.s32 s21, $0x2  }
.Ltmp4:
0xb7: {  	s21 =	sadd.s32 s21, s14;
	s20 =	sadd.s32 s4, s20;
	(pc) =	sbr.rel @p1 .LBB2_5-.Ltmp4, $3  }
0xb8: {  	[hbm:s20] =	stream.strided.scatter [tilespmem:s21], [sflag:$0x3], $0x80, s11, s11, $0x38;
	[tilespmem:$0x10400] =	vst v63  }
0xb9: {  	v1 =	vld.msk [tilespmem:s17+$0x0 ss:$0x1], vm0;
	_ =	sdelay $0x1  }
0xba: {  	s19 =	sadd.s32 $0x4, s19;
	s17 =	sshra.s32 s18, $0x2  }
0xbb: {  	s15 =	sadd.s32 s17, s15  }
0xbc: {  	v2 =	vld.msk [tilespmem:s15+$0x0 ss:$0x1], $0x1  }
0xbd: {  	(v2sf) =	vpush v1, $0x1  }
0xbe: {  	(v2sf) =	vpush v1, $0x0;
	_ =	sdelay $0x2  }
0xbf: {  	(v2sf) =	vpush v2, $0x0;
	_ =	sdelay $0xa  }
0xc0: {  	p1 =	seq.s32 s18, $0x3FC;
	s15 =	simm.s32 $0x1;
	s18 =	spop (v2sf)  }
0xc1: {  	s15 =	simm.s32 @!p1 $0x2;
	s18 =	simm.s32 @p0 $0xFFFFFFFF;
	s19 =	spop (v2sf)  }
0xc2: {  	v1 =	vmov s15;
	s15 =	simm.s32 $0x1;
	p0 =	sne.s32 s19, s18  }
0xc3: {  	vm0 =	vgt.u32 v1, v0;
	s15 =	simm.s32 @!p0 $0x0  }
0xc4: {  	s26 =	spop (v2sf);
	s15 =	sadd.s32 s15, s16  }
0xc5: {  	s28 =	sshll.u32 s26, $0x4;
	s15 =	sshll.u32 s15, $0x9  }
0xc6: {  	s16 =	sand.u32 $0x1FFFFFF0, s28;
	s15 =	sshra.s32 s15, $0x2  }
0xc7: {  	s13 =	sadd.s32 s17, s13;
	s14 =	sadd.s32 s15, s14;
	s29 =	sadd.s32 s4, s16  }
0xc8: {  	[hbm:s29] =	stream.strided.scatter [tilespmem:s14], [sflag:$0x3], $0x80, s11, s11, $0x38;
	[tilespmem:$0x10400] =	vst v63  }
0xc9: {  	v1 =	vld.msk [tilespmem:s13+$0x0 ss:$0x1], vm0;
	_ =	sdelay $0x4  }
0xca: {  	(v2sf) =	vpush v1, $0x1  }
0xcb: {  	(v2sf) =	vpush v1, $0x0;
	_ =	sdelay $0xa  }
.Ltmp5:
0xcc: {  	_ = 	snop;
	(pc) =	sbr.rel .LBB2_7-.Ltmp5, $3  }
0xcd: {  	s13 =	sld [smem:$0x7FA];
	_ =	sdelay $0x1  }
0xce: {  	s30 =	spop (v2sf)  }
0xcf: {  	p3 =	seq.s32 s13, $0x1;
	s31 =	spop (v2sf)  }
.LBB2_8:
0xd0: {  	_ =	sfence.sel $0x180000  }
0xd1: {  	s2 =	simm.s32 $0x2;
	[bflag:$0x0] =	sbarrier.arrive $0xFFFF  }
0xd2: {  	s30 =	simm.s32 $0x3;
	[sflag:s2] =	ssyncpa.u1 $0x1  }
0xd3: {  	s31 =	simm.s32 $0x1;
	[sflag:s30] =	ssyncpa.u1 $0x1  }
0xd4: {  	[sflag:s31] =	ssyncpa.u1 $0x1  }
0xd5: {  	p0 =	sne.s32 s1, $0x0;
	_ =	strace $0x90000062  }
0xd6: {  	s0 =	sadd.s32 @!p0 $0x100000, s0;
	[bflag:$0x2] =	sbarrier.arrive $0xFFFF  }
0xd7: {  	[sflag:s0] =	ssyncadd.tile.s32 @!p0 $0x1;
	_ =	shalt  }
.Lfunc_end2:
_tile_overlayer_lowered:
.L_overlay_start_2:
0xd8: {  	(tag) =	ssettag $0x2  }
0xd9: {  	s0 =	rddreg [dreg:$0x0];
	s2 =	stileid.u32  }
0xda: {  	s1 =	rddreg [dreg:$0x1];
	p0 =	sne.s32 s2, $0x0  }
0xdb: {  	s3 =	rddreg [dreg:$0x2];
	[bflag:$0x3] =	sbarrier.arrive $0xFFFF;
	s2 =	simm.s32 @!p0 $0x1C01  }
0xdc: {  	[timem:s3], [sflag:s2] =	dma.local @!p0 [hbm:s0], s1  }
0xdd: {  	s0 =	simm.s32 @!p0 $0x1  }
0xde: {  	_ =	swait.ge @!p0 [sflag:s0], s1  }
0xdf: {  	s1 =	ssub.s32 @!p0 $0x0, s1;
	[sflag:s0] =	ssyncset.done @!p0 $0x0  }
0xe0: {  	[sflag:s0] =	ssyncadd.s32 @!p0 s1  }
0xe1: {  	[bflag:$0x3] =	sbarrier.arrive $0xFFFF  }
0xe2: {  	_ =	shalt  }

// kernel: gather_offload_async_start.5
scs
__scs_entry_jumppad:
0x0: {  	(pc) =	sbr.rel $0x88, $3  }
0x1: {  	(tag) =	ssettag $0x0;
	lr =	simm.s32 $0x1  }
0x2: {  	[smem:$0x3F8C] =	sst lr;
	_ =	strace $0xD0000000  }
0x3: {  	_ = 	snop  }
0x4: {  	_ = 	snop  }
0x5: {  	_ = 	snop  }
0x6: {  	_ = 	snop  }
0x7: {  	_ = 	snop  }
__scs_overlays_trampoline_lowered:
0x8: {  	[smem:$0x3F9B] =	sst s0  }
0x9: {  	[smem:$0x3F9C] =	sst s1  }
0xa: {  	[smem:$0x3F9D] =	sst s2  }
0xb: {  	[smem:$0x3F9E] =	sst s3  }
0xc: {  	[smem:$0x3F9F] =	sst s4  }
0xd: {  	[smem:$0x3FA0] =	sst s5  }
0xe: {  	[smem:$0x3FA1] =	sst s6  }
0xf: {  	[smem:$0x3FA2] =	sst s7  }
0x10: {  	[smem:$0x3FA3] =	sst s8  }
0x11: {  	[smem:$0x3FA4] =	sst s9;
	s0 =	simm.s32 @!p0 $0x0  }
0x12: {  	s1 =	sld [smem:$0x3F8A];
	s0 =	simm.s32 @p0 $0x1  }
0x13: {  	[smem:$0x3FA5] =	sst s0;
	s0 =	simm.s32 @!p1 $0x0  }
0x14: {  	s2 =	sld [smem:$0x3F89];
	s0 =	simm.s32 @p1 $0x1  }
0x15: {  	[smem:$0x3FA6] =	sst s0;
	s0 =	simm.s32 @!p2 $0x0  }
0x16: {  	s3 =	sld [smem:$0x3FDB];
	s0 =	simm.s32 @p2 $0x1  }
0x17: {  	s4 =	simm.s32 $0x1BF5;
	[smem:$0x3FA8] =	sst s0  }
0x18: {  	s0 =	sld [smem:$0x3F8B];
	_ =	swait.ge [sflag:s4], $0x0  }
0x19: {  	s7 =	sld [smem:$0x3F8C]  }
0x1a: {  	s8 =	sadd.s32 $0xFFFFE003, lr  }
0x1b: {  	s9 =	sadd.s32 $0xFFFFFEF7, lr;
	s5 =	simm.s32 $0xFFFFFFFF;
	p2 =	slt.u32 s8, $0xFFFFF086  }
0x1c: {  	p1 =	slt.u32 s9, $0xF7A;
	s5 =	simm.s32 @!p2 $0x0  }
0x1d: {  	s5 =	simm.s32 @p1 $0x1;
	p0 =	seq.s32 s7, s2  }
0x1e: {  	s7 =	smul.u32 @!p0 $0xF7A, s2;
	p2 =	seq.s32 @!p0 s5, $0x0  }
0x1f: {  	s9 =	smul.u32 $0xF7A, s1;
	s8 =	simm.s32 @!p0 $0x1BF5;
	p2 =	por !p2, p0  }
0x20: {  	[sflag:s8] =	ssyncset.s32 @!p0 $0xFFFFF086;
	s6 =	sadd.s32 @!p0 s3, s7;
	s7 =	simm.s32 @!p0 $0x108  }
0x21: {  	s3 =	sadd.s32 s3, s9;
	s6 =	sadd.s32 @!p0 $0x88, s6;
	s7 =	simm.s32 @p2 $0x1082  }
0x22: {  	[simem:s7], [sflag:s8] =	dma.local @!p0 [hbm:s6], $0xF7A  }
0x23: {  	s9 =	sor.u32 $0xD0000000, s2;
	s6 =	simm.s32 $0x108;
	_ =	swait.ge @!p0 [sflag:s8], $0x0  }
0x24: {  	s3 =	sadd.s32 $0x88, s3;
	s6 =	simm.s32 @!p1 $0x1082;
	[sflag:s4] =	ssyncset.s32 $0xFFFFF086  }
0x25: {  	[simem:s6], [sflag:s4] =	dma.local [hbm:s3], $0xF7A  }
0x26: {  	[smem:$0x3F8C] =	sst s1;
	(tag) =	ssettag s2;
	_ =	strace s9  }
0x27: {  	s1 =	sld [smem:$0x3F9C]  }
0x28: {  	s2 =	sld [smem:$0x3F9D]  }
0x29: {  	s4 =	sld [smem:$0x3F9F]  }
0x2a: {  	p0 =	seq.s32 s5, $0x0;
	s5 =	sld [smem:$0x3FA0]  }
0x2b: {  	s6 =	sld [smem:$0x3FA1]  }
0x2c: {  	s7 =	sld [smem:$0x3FA2]  }
0x2d: {  	s3 =	simm.s32 $0x108;
	s8 =	sld [smem:$0x3FA3]  }
0x2e: {  	s3 =	simm.s32 @!p0 $0x1082;
	s9 =	sld [smem:$0x3FA4]  }
0x2f: {  	lr =	sadd.s32 s0, s3;
	s0 =	sld [smem:$0x3F9B]  }
0x30: {  	s3 =	sld [smem:$0x3F9E]  }
0x31: {  	[smem:$0x3FA7] =	sst s10  }
0x32: {  	s10 =	sld [smem:$0x3FA5];
	_ =	sdelay $0x3  }
0x33: {  	p0 =	seq.s32 s10, $0x1;
	s10 =	sld [smem:$0x3FA7];
	_ =	sdelay $0x3  }
0x34: {  	[smem:$0x3FA7] =	sst s10  }
0x35: {  	s10 =	sld [smem:$0x3FA6];
	_ =	sdelay $0x3  }
0x36: {  	p1 =	seq.s32 s10, $0x1;
	s10 =	sld [smem:$0x3FA7];
	_ =	sdelay $0x3  }
0x37: {  	[smem:$0x3FA7] =	sst s10  }
0x38: {  	s10 =	sld [smem:$0x3FA8]  }
0x39: {  	_ = 	snop;
	(pc) =	sbr.ind lr, $3  }
0x3a: {  	_ = 	snop  }
0x3b: {  	_ = 	snop  }
0x3c: {  	p2 =	seq.s32 s10, $0x1;
	s10 =	sld [smem:$0x3FA7]  }
0x3d: {  	_ =	shalt  }
0x3e: {  	_ =	shalt  }
0x3f: {  	_ =	shalt  }
0x40: {  	_ =	shalt  }
0x41: {  	_ =	shalt  }
0x42: {  	_ =	shalt  }
0x43: {  	_ =	shalt  }
0x44: {  	_ =	shalt  }
0x45: {  	_ =	shalt  }
0x46: {  	_ =	shalt  }
0x47: {  	_ =	shalt  }
0x48: {  	_ =	shalt  }
0x49: {  	_ =	shalt  }
0x4a: {  	_ =	shalt  }
0x4b: {  	_ =	shalt  }
0x4c: {  	_ =	shalt  }
0x4d: {  	_ =	shalt  }
0x4e: {  	_ =	shalt  }
0x4f: {  	_ =	shalt  }
0x50: {  	_ =	shalt  }
0x51: {  	_ =	shalt  }
0x52: {  	_ =	shalt  }
0x53: {  	_ =	shalt  }
0x54: {  	_ =	shalt  }
0x55: {  	_ =	shalt  }
0x56: {  	_ =	shalt  }
0x57: {  	_ =	shalt  }
0x58: {  	_ =	shalt  }
0x59: {  	_ =	shalt  }
0x5a: {  	_ =	shalt  }
0x5b: {  	_ =	shalt  }
0x5c: {  	_ =	shalt  }
0x5d: {  	_ =	shalt  }
0x5e: {  	_ =	shalt  }
0x5f: {  	_ =	shalt  }
0x60: {  	_ =	shalt  }
0x61: {  	_ =	shalt  }
0x62: {  	_ =	shalt  }
0x63: {  	_ =	shalt  }
0x64: {  	_ =	shalt  }
0x65: {  	_ =	shalt  }
0x66: {  	_ =	shalt  }
0x67: {  	_ =	shalt  }
0x68: {  	_ =	shalt  }
0x69: {  	_ =	shalt  }
0x6a: {  	_ =	shalt  }
0x6b: {  	_ =	shalt  }
0x6c: {  	_ =	shalt  }
0x6d: {  	_ =	shalt  }
0x6e: {  	_ =	shalt  }
0x6f: {  	_ =	shalt  }
0x70: {  	_ =	shalt  }
0x71: {  	_ =	shalt  }
0x72: {  	_ =	shalt  }
0x73: {  	_ =	shalt  }
0x74: {  	_ =	shalt  }
0x75: {  	_ =	shalt  }
0x76: {  	_ =	shalt  }
0x77: {  	_ =	shalt  }
0x78: {  	_ =	shalt  }
0x79: {  	_ =	shalt  }
0x7a: {  	_ =	shalt  }
0x7b: {  	_ =	shalt  }
0x7c: {  	_ =	shalt  }
0x7d: {  	_ =	shalt  }
0x7e: {  	_ =	shalt  }
0x7f: {  	_ =	shalt  }
0x80: {  	_ =	shalt  }
0x81: {  	_ =	shalt  }
0x82: {  	_ =	shalt  }
0x83: {  	_ =	shalt  }
0x84: {  	_ =	shalt  }
0x85: {  	_ =	shalt  }
0x86: {  	_ =	shalt  }
0x87: {  	_ =	shalt  }
.Lfunc_end0:
.L_simem_size_0:
called_computation.11_lowered:
.L_overlay_start_0:
0x88: {  	s2 =	sld [smem:$0x3FD9]  }
0x89: {  	s3 =	sld [smem:$0x3FFE];
	_ =	sdelay $0x1  }
0x8a: {  	s1 =	srdreg.scid  }
0x8b: {  	s0 =	sand.u32 $0x1, s1  }
0x8c: {  	s17 =	sshll.u32 s0, $0xA;
	s2 =	sadd.s32 s3, s2  }
0x8d: {  	s2 =	sadd.s32 s2, s17  }
0x8e: {  	[smem:$0x3FB3] =	sst s2  }
0x8f: {  	_ = 	snop  }
0x90: {  	(tm) =	ssettm $0x1  }
0x91: {  	s18 =	sld [smem:$0x3FFB];
	_ =	sdelay $0x3  }
0x92: {  	_ =	strace s18  }
0x93: {  	s2 =	sld [smem:$0x3FFC];
	_ =	sdelay $0x3  }
0x94: {  	_ =	strace s2  }
0x95: {  	s2 =	sld [smem:$0x3FFD];
	_ =	sdelay $0x3  }
0x96: {  	_ =	strace s2  }
0x97: {  	_ =	strace $0x8FFFFFFF  }
0x98: {  	s19 =	sld [smem:$0x3FDB];
	_ =	sdelay $0x1  }
0x99: {  	s20 =	simm.s32 $_scs_section_size  }
0x9a: {  	s4 =	simm.s32 $_size__tile_overlayer_lowered;
	s5 =	simm.s32 $_tile_overlayer_lowered  }
0x9b: {  	s6 =	simm.s32 $0x1BFF;
	s21 =	sshll.u32 s5, $0x1;
	s3 =	sadd.s32 s20, s19  }
0x9c: {  	s22 =	simm.s32 $0x0;
	s4 =	sshll.u32 s4, $0x1;
	s5 =	sadd.s32 s21, s3  }
0x9d: {  	[timem:s22], [sflag:s6] =	dma.local [hbm:s5], s4  }
0x9e: {  	_ =	swait.ge [sflag:s6], s4  }
0x9f: {  	s4 =	ssub.s32 $0x0, s4;
	[sflag:s6] =	ssyncset.done $0x0  }
0xa0: {  	[sflag:s6] =	ssyncadd.s32 s4;
	_ =	sdelay $0x1  }
0xa1: {  	s23 =	simm.s32 $0x1B8B  }
0xa2: {  	_ =	swait.ge [sflag:s23], $0x1  }
0xa3: {  	[sflag:s23] =	ssyncset.done $0x0  }
0xa4: {  	[sflag:s23] =	ssyncadd.s32 $0xFFFFFFFF  }
0xa5: {  	s4 =	sld [smem:$0x0]  }
0xa6: {  	s5 =	sand.u32 $0xFFFFFFFE, s1  }
0xa7: {  	p0 =	sne.s32 s1, s5  }
0xa8: {  	s5 =	sshll.u32 @p0 s5, $0xE  }
0xa9: {  	s5 =	sadd.s32 @p0 $0x11B8D, s5;
	s6 =	sshll.u32 @p0 s4, $0x11  }
0xaa: {  	s5 =	sor.u32 @p0 s6, s5  }
0xab: {  	[sflag:s5] =	ssyncadd.remote.s32 @p0 $0x1;
	_ =	sdelay $0x1  }
0xac: {  	s5 =	simm.s32 @p0 $0x1B8D  }
0xad: {  	_ =	swait.eq @p0 [sflag:s5], $0x1  }
0xae: {  	[sflag:s5] =	ssyncadd.s32 @p0 $0xFFFFFFFF  }
0xaf: {  	s6 =	sshll.u32 @!p0 s1, $0xE  }
0xb0: {  	s6 =	sor.u32 @!p0 $0x4000, s6;
	s5 =	simm.s32 @!p0 $0x1B8D  }
0xb1: {  	s4 =	sshll.u32 @!p0 s4, $0x11;
	s6 =	sadd.s32 @!p0 $0x11B8D, s6;
	_ =	swait.eq @!p0 [sflag:s5], $0x1  }
0xb2: {  	s4 =	sor.u32 @!p0 s4, s6;
	[sflag:s5] =	ssyncadd.s32 @!p0 $0xFFFFFFFF  }
0xb3: {  	s25 =	simm.s32 $0x1B8E;
	s24 =	sld [smem:$0x3FFE];
	[sflag:s4] =	ssyncadd.remote.s32 @!p0 $0x1  }
0xb4: {  	s26 =	simm.s32 $execute0_lowered;
	[smem:$0x3FD2] =	sst s25  }
0xb5: {  	s5 =	sshll.u32 s26, $0x1;
	_ =	strace $0x80000064;
	[dreg:$0x1] =	wrdreg $0xFFFFFFFF  }
0xb6: {  	s28 =	simm.s32 $_size_execute0_lowered;
	s3 =	sadd.s32 s3, s5;
	[dreg:$0x0] =	wrdreg $0x0  }
0xb7: {  	s5 =	sshll.u32 s28, $0x1;
	[dreg:$0x2] =	wrdreg s3  }
0xb8: {  	[dreg:$0x3] =	wrdreg s5  }
0xb9: {  	[dreg:$0x4] =	wrdreg $0xC0  }
0xba: {  	_ =	task [dreg:s22], $0x5FFFF  }
0xbb: {  	[dreg:$0x1] =	wrdreg $0xFFFFFFFF  }
0xbc: {  	[dreg:$0x0] =	wrdreg $0x60  }
0xbd: {  	[dreg:$0x2] =	wrdreg s24  }
0xbe: {  	[dreg:$0x3] =	wrdreg $0x9  }
0xbf: {  	_ =	task.clear_ibuf [dreg:s22], $0x4FFFF;
	_ =	strace $0x90000064  }
0xc0: {  	s29 =	simm.s32 $0x9;
	_ =	strace $0x80000066  }
0xc1: {  	_ =	swait.ge [sflag:s29], $0x1  }
0xc2: {  	[sflag:s29] =	ssyncadd.s32 $0xFFFFFFFF  }
0xc3: {  	_ =	strace $0x90000066  }
0xc4: {  	_ =	sfence  }
0xc5: {  	s30 =	sld [smem:$0x0];
	_ =	sdelay $0x2  }
0xc6: {  	s31 =	sshll.u32 s1, $0xD;
	s1 =	sshrl.u32 s1, $0x2  }
0xc7: {  	s4 =	sand.u32 $0x4000, s31;
	s1 =	sadd.s32 s1, s30  }
0xc8: {  	s0 =	sor.u32 s4, s0;
	s1 =	sshll.u32 s1, $0x11  }
0xc9: {  	s0 =	sor.u32 s1, s0  }
0xca: {  	s0 =	sadd.s32 $0x8F2B, s0  }
0xcb: {  	[sflag:s0] =	ssyncadd.remote.s32 $0x1  }
0xcc: {  	_ =	sfence.sel $0xFFFF  }
0xcd: {  	[dreg:$0x0] =	wrdreg $0xFFFFFFFF;
	(pc) =	sbr.abs _section_cstart, $3  }
0xce: {  	[dreg:$0x1] =	wrdreg $0xFFFFFFFF  }
0xcf: {  	_ =	task.clear_ibuf [dreg:s22], $0x2FFFF;
	_ =	strace $0x9FFFFFFF  }
0xd0: {  	(tm) =	ssettm $0x7FFFFFFF  }
0xd1: {  	_ =	shalt  }
tec
execute0_lowered:
.L_overlay_start_1:
0x0: {  	(tag) =	ssettag $0x1  }
0x1: {  	s8 =	rddreg [dreg:$0x0]  }
0x2: {  	s0 =	rddreg [dreg:$0x1];
	_ =	strace $0x80000065;
	s1 =	srdreg.scid  }
0x3: {  	s5 =	simm.s32 $0x1;
	s10 =	simm.s32 $0x3;
	p3 =	por $0x0, $0x0  }
0x4: {  	s11 =	simm.s32 $0x80;
	s2 =	sadd.s32 $0xB63600, s8;
	s6 =	sshll.u32 s1, $0x4  }
.Ltmp0:
0x5: {  	s1 =	stileid.u32;
	s6 =	sand.u32 $0x10, s6;
	(pc) =	sbr.rel .LBB2_1-.Ltmp0, $4  }
0x6: {  	s3 =	sadd.s32 $0x285000, s8;
	s4 =	sadd.s32 $0x1563600, s8;
	s7 =	sor.u32 s1, s6  }
0x7: {  	[sflag:s5] =	ssyncpa.u1 $0x0;
	s6 =	simm.s32 $0x2;
	s7 =	sshll.u32 s7, $0xE  }
0x8: {  	s8 =	sadd.s32 $0x295000, s8;
	[sflag:s6] =	ssyncpa.u1 $0x0;
	s9 =	sadd.s32 $0x4000, s7  }
0x9: {  	v0 =	vlaneseq.u32;
	[sflag:s10] =	ssyncpa.u1 $0x0;
	s10 =	simm.s32 $0x0;
	s12 =	smov.u32 s7  }
.LBB2_7:
0xa: {  	p0 =	slt.u32 s10, $0x2;
	s10 =	sadd.s32 $0x1, s10  }
0xb: {  	p2 =	sne.s32 s10, $0x42  }
.Ltmp1:
0xc: {  	_ = 	snop;
	(pc) =	sbr.rel @!p2 .LBB2_8-.Ltmp1, $4  }
0xd: {  	s13 =	simm.s32 @!p0 $0x3  }
0xe: {  	s14 =	sadd.s32 $0x100, s12;
	_ =	swait.ge @!p0 [sflag:s13], $0x8000  }
0xf: {  	s12 =	smov.u32 s7;
	p1 =	slt.s32 s14, s9;
	[sflag:s13] =	ssyncset.done @!p0 $0x0  }
0x10: {  	p3 =	por !p3, !p3;
	s12 =	smov.u32 @p1 s14;
	[sflag:s13] =	ssyncadd.s32 @!p0 $0xFFFF8000  }
.LBB2_1:
0x11: {  	p0 =	sgt.u32 s10, $0x3F  }
0x12: {  	s13 =	sxor.u32 @!p0 $0xFFFFFFFF, s10  }
0x13: {  	s14 =	sshrl.u32 @!p0 s12, $0x3;
	s13 =	sshll.u32 @!p0 s13, $0x8  }
0x14: {  	s16 =	sand.u32 @!p0 $0x7, s12;
	s15 =	sadd.s32 @!p0 s3, s14;
	s13 =	sand.u32 @!p0 $0x100, s13  }
0x15: {  	[tilespmem:s13], [sflag:$0x2] =	stream.linear.gather @!p0 [hbm4b:s15+s16], $0x100, $0x38;
	[tilespmem:$0x10400] =	vst v63  }
0x16: {  	s14 =	sadd.s32 @!p0 s8, s14;
	s13 =	sor.u32 @!p0 $0x200, s13  }
0x17: {  	[tilespmem:s13], [sflag:$0x2] =	stream.linear.gather @!p0 [hbm4b:s14+s16], $0x100, $0x38;
	[tilespmem:$0x10400] =	vst v63  }
0x18: {  	p0 =	seq.s32 s10, $0x0  }
0x19: {  	p1 =	seq.s32 @!p0 s10, $0x41  }
0x1a: {  	p0 =	por p0, p1  }
.Ltmp2:
0x1b: {  	_ = 	snop;
	(pc) =	sbr.rel @p0 .LBB2_7-.Ltmp2, $1  }
0x1c: {  	_ =	sdelay $0x3  }
0x1d: {  	p0 =	por $0x0, $0x0;
	s13 =	simm.s32 $0x1  }
0x1e: {  	s13 =	simm.s32 @!p0 $0x2  }
0x1f: {  	v1 =	vmov s13  }
0x20: {  	s14 =	simm.s32 @!p3 $0x0;
	vm0 =	vgt.u32 v1, v0  }
0x21: {  	s14 =	simm.s32 @p3 $0x1  }
0x22: {  	s13 =	simm.s32 $0x1;
	[smem:$0x7FA] =	sst s14  }
0x23: {  	s13 =	simm.s32 @!p3 $0x0;
	_ =	swait.ge [sflag:s6], $0x200  }
0x24: {  	s13 =	sshll.u32 s13, $0x8;
	[sflag:s6] =	ssyncset.done $0x0  }
0x25: {  	[sflag:s6] =	ssyncadd.s32 $0xFFFFFE00;
	s24 =	sadd.s32 $0x0, s13  }
0x26: {  	v1 =	vld.msk [tilespmem:s24+$0x0 ss:$0x1], vm0;
	_ =	sdelay $0x4  }
0x27: {  	p1 =	por $0x0, $0x0;
	s14 =	simm.s32 $0x1;
	(v2sf) =	vpush v1, $0x1  }
0x28: {  	s14 =	simm.s32 @!p1 $0x2;
	(v2sf) =	vpush v1, $0x0  }
0x29: {  	v2 =	vmov s14  }
0x2a: {  	vm0 =	vgt.u32 v2, v0;
	_ =	sdelay $0x4  }
0x2b: {  	p2 =	por $0x0, $0x0;
	s15 =	simm.s32 $0x1;
	s25 =	sadd.s32 $0x1, s13  }
0x2c: {  	s15 =	simm.s32 @!p2 $0x2;
	v2 =	vld.msk [tilespmem:s25+$0x0 ss:$0x1], vm0  }
0x2d: {  	v3 =	vmov s15  }
0x2e: {  	vm0 =	vgt.u32 v3, v0;
	_ =	sdelay $0x1  }
0x2f: {  	p0 =	por p0, p0  }
0x30: {  	p0 =	por p0, p0;
	(v2sf) =	vpush v2, $0x1  }
0x31: {  	p0 =	por p0, p0;
	(v2sf) =	vpush v2, $0x0;
	s14 =	spop (v2sf)  }
0x32: {  	s26 =	sadd.s32 $0x2, s13;
	s14 =	simm.s32 @p0 $0xFFFFFFFF;
	s16 =	spop (v2sf)  }
0x33: {  	v4 =	vld.msk [tilespmem:s26+$0x0 ss:$0x1], vm0;
	p0 =	seq.s32 s16, s14  }
0x34: {  	v3 =	vshrl.u32 @!p0 v1, $0x6  }
0x35: {  	vm0 =	veq.s32 @!p0 v1, $0x80000000;
	v3 =	vand.u32 @!p0 $0x7FF, v3  }
0x36: {  	v3 =	vsel @!p0 vm0, $0xFFFFFFFF, v3  }
0x37: {  	s28 =	sand.u32 $0x1, s10;
	p4 =	por $0x0, $0x0;
	v5 =	vshll.u32 @!p0 v1, $0x16;
	v1 =	vshll.u32 @!p0 v1, $0x10;
	(v2sf) =	vpush @!p0 v3, $0x0  }
0x38: {  	s20 =	simm.s32 $0x14;
	p6 =	por $0x0, $0x0;
	p2 =	por p2, p2;
	v5 =	vand.u32 @!p0 $0xC00000, v5;
	v1 =	vand.u32 @!p0 $0x3C0000, v1;
	(v2sf) =	vpush v4, $0x1  }
0x39: {  	s22 =	simm.s32 $0x18;
	p2 =	por p2, p2;
	p1 =	por p1, p1;
	v1 =	vor.u32 @!p0 v1, v5  }
0x3a: {  	p5 =	por p2, p2;
	p1 =	por p1, p1;
	s16 =	simm.s32 $0x1;
	v1 =	vsel @!p0 vm0, $0xFFBC0000, v1;
	(v2sf) =	vpush v4, $0x0  }
0x3b: {  	s15 =	sor.u32 $0x200, s13;
	p1 =	por p1, p1;
	s16 =	simm.s32 @!p4 $0x2;
	(v2sf) =	vpush @!p0 v1, $0x0  }
0x3c: {  	s29 =	sadd.s32 $0x3, s13;
	s31 =	sadd.s32 $0x4, s13;
	s14 =	sshll.u32 s28, $0xF;
	v1 =	vmov s16  }
0x3d: {  	s14 =	sor.u32 $0x400, s14;
	s19 =	simm.s32 @!p0 $0x1;
	p4 =	por p4, p4;
	vm0 =	vgt.u32 v1, v0  }
0x3e: {  	p3 =	por p0, p0;
	s18 =	sadd.s32 @!p0 $0x0, s14;
	p2 =	por p4, p4  }
0x3f: {  	p4 =	por p3, p3;
	s23 =	simm.s32 @!p2 $0x0;
	s17 =	spop (v2sf)  }
0x40: {  	s17 =	simm.s32 @p1 $0xFFFFFFFF;
	s21 =	spop (v2sf);
	s16 =	simm.s32 $0x0  }
0x41: {  	p1 =	seq.s32 s21, s17;
	s21 =	simm.s32 $0x1;
	s19 =	smov.u32 @p3 s16  }
0x42: {  	s23 =	simm.s32 @p2 $0x1;
	s21 =	simm.s32 @!p6 $0x2;
	s17 =	sshll.u32 @!p1 s19, $0x9  }
0x43: {  	p2 =	por p6, p6;
	v6 =	vmov s21;
	s21 =	simm.s32 @!p3 $0x80;
	s16 =	sshra.s32 @!p1 s17, $0x2;
	v1 =	vld.msk [tilespmem:s29+$0x0 ss:$0x1], vm0  }
0x44: {  	v3 =	vshrl.u32 @!p1 v2, $0x6;
	s17 =	sadd.s32 @!p1 s16, s14;
	[smem:$0x7FB] =	sst s23;
	s23 =	simm.s32 @!p2 $0x0  }
0x45: {  	v5 =	vshll.u32 @!p1 v2, $0x16;
	v3 =	vand.u32 @!p1 $0x7FF, v3;
	s16 =	sadd.s32 @!p1 $0x1, s19;
	vm0 =	veq.s32 @!p1 v2, $0x80000000;
	s23 =	simm.s32 @p2 $0x1;
	p2 =	por p1, p1  }
0x46: {  	v5 =	vand.u32 @!p1 $0xC00000, v5;
	v2 =	vshll.u32 @!p1 v2, $0x10;
	v3 =	vsel @!p1 vm0, $0xFFFFFFFF, v3;
	[smem:$0x7FC] =	sst s23;
	s24 =	simm.s32 @!p2 $0x0;
	s23 =	spop @!p0 (v2sf)  }
0x47: {  	vm1 =	vgt.u32 v6, v0;
	v2 =	vand.u32 @!p1 $0x3C0000, v2;
	s16 =	smov.u32 @p2 s19;
	s24 =	simm.s32 @p2 $0x1;
	(v2sf) =	vpush @!p1 v3, $0x0;
	s19 =	spop (v2sf)  }
0x48: {  	v2 =	vor.u32 @!p1 v2, v5;
	[smem:$0x7FD] =	sst s24;
	(v2sf) =	vpush v1, $0x1;
	s23 =	sshll.u32 @!p4 s23, $0x7;
	s19 =	simm.s32 @p5 $0xFFFFFFFF  }
0x49: {  	v2 =	vsel @!p1 vm0, $0xFFBC0000, v2;
	s30 =	spop (v2sf);
	(v2sf) =	vpush v1, $0x0;
	s25 =	sand.u32 @!p4 $0xFFFFFC00, s23;
	s23 =	sand.u32 @!p4 $0x380, s23  }
0x4a: {  	p6 =	seq.s32 s30, s19;
	s19 =	spop @!p0 (v2sf);
	(v2sf) =	vpush @!p1 v2, $0x0;
	p0 =	por $0x0, $0x0  }
0x4b: {  	s19 =	sadd.s32 @!p4 s19, s25;
	vm0 =	veq.s32 @!p6 v4, $0x80000000;
	v2 =	vshrl.u32 @!p6 v4, $0x6;
	v3 =	vshll.u32 @!p6 v4, $0x16;
	s24 =	sshll.u32 @!p6 s16, $0x9;
	s25 =	simm.s32 $0x1  }
0x4c: {  	v4 =	vshll.u32 @!p6 v4, $0x10;
	s26 =	sor.u32 @!p4 s23, s19;
	s25 =	simm.s32 @!p0 $0x2;
	v5 =	vand.u32 @!p6 $0x7FF, v2;
	v3 =	vand.u32 @!p6 $0xC00000, v3;
	s23 =	sshra.s32 @!p6 s24, $0x2  }
0x4d: {  	v2 =	vld.msk [tilespmem:s31+$0x0 ss:$0x1], vm1;
	v4 =	vand.u32 @!p6 $0x3C0000, v4;
	s19 =	sadd.s32 @!p6 $0x1, s16;
	v6 =	vmov s25;
	v5 =	vsel @!p6 vm0, $0xFFFFFFFF, v5;
	s23 =	sadd.s32 @!p6 s23, s14;
	s24 =	sshrl.u32 @!p4 s26, $0x3  }
.LBB2_3:
0x4e: {  	p5 =	por p1, p1  }
0x4f: {  	s25 =	smov.u32 s16;
	p1 =	por p6, p6;
	s26 =	sld [smem:$0x7FB]  }
0x50: {  	s16 =	sadd.s32 @!p4 s2, s24;
	s31 =	smov.u32 s20;
	s28 =	sld [smem:$0x7FC]  }
0x51: {  	s20 =	smov.u32 s22;
	s22 =	sadd.s32 $0x4, s22;
	s29 =	sld [smem:$0x7FD]  }
0x52: {  	[tilespmem:s18], [sflag:$0x1] =	stream.strided.gather @!p4 [hbm:s16], $0x80, s21, s21, $0x38;
	[tilespmem:$0x10400] =	vst v63  }
0x53: {  	s18 =	smov.u32 s17;
	s17 =	smov.u32 s23;
	s30 =	sshra.s32 s31, $0x2  }
0x54: {  	s16 =	smov.u32 s19;
	p2 =	seq.s32 s26, $0x1;
	p3 =	seq.s32 s28, $0x1  }
0x55: {  	v3 =	vor.u32 @!p6 v4, v3;
	(v2sf) =	vpush @!p6 v5, $0x0;
	s23 =	sadd.s32 s30, s13;
	p6 =	por p2, p2;
	p2 =	por p3, p3  }
0x56: {  	p3 =	por p0, p0;
	p0 =	seq.s32 s29, $0x1;
	s26 =	simm.s32 @!p2 $0x0  }
0x57: {  	s21 =	simm.s32 @!p0 $0x80;
	p4 =	por p0, p0;
	p0 =	por p1, p1  }
0x58: {  	s26 =	simm.s32 @p2 $0x1;
	s19 =	simm.s32 @!p0 $0x0;
	s16 =	smov.u32 @p0 s25  }
0x59: {  	vm1 =	vgt.u32 v6, v0;
	[smem:$0x7FB] =	sst s26;
	s26 =	simm.s32 @!p3 $0x0;
	s19 =	simm.s32 @p0 $0x1  }
0x5a: {  	p0 =	seq.s32 s20, $0x3FC;
	[smem:$0x7FD] =	sst s19;
	s19 =	spop @!p5 (v2sf)  }
0x5b: {  	s26 =	simm.s32 @p3 $0x1;
	p3 =	sne.s32 s22, $0x400;
	s19 =	sshll.u32 @!p4 s19, $0x7  }
0x5c: {  	(v2sf) =	vpush v2, $0x1;
	v4 =	vmov v2;
	[smem:$0x7FC] =	sst s26;
	s24 =	spop (v2sf);
	s25 =	sand.u32 @!p4 $0xFFFFFC00, s19  }
.Ltmp3:
0x5d: {  	v3 =	vsel @!p1 vm0, $0xFFBC0000, v3;
	(v2sf) =	vpush v4, $0x0;
	s24 =	simm.s32 @p6 $0xFFFFFFFF;
	s31 =	spop (v2sf);
	(pc) =	sbr.rel @p3 .LBB2_3-.Ltmp3, $4  }
0x5e: {  	(v2sf) =	vpush @!p1 v3, $0x0;
	s19 =	sand.u32 @!p4 $0x380, s19;
	s26 =	spop @!p5 (v2sf);
	p6 =	seq.s32 s31, s24  }
0x5f: {  	v2 =	vld.msk [tilespmem:s23+$0x0 ss:$0x1], vm1;
	vm0 =	veq.s32 @!p6 v1, $0x80000000;
	v3 =	vshrl.u32 @!p6 v1, $0x6;
	v5 =	vshll.u32 @!p6 v1, $0x16;
	s23 =	sshll.u32 @!p6 s16, $0x9;
	s24 =	sadd.s32 @!p4 s26, s25;
	s25 =	simm.s32 $0x1  }
0x60: {  	v8 =	vshll.u32 @!p6 v1, $0x10;
	s25 =	simm.s32 @!p0 $0x2;
	v7 =	vand.u32 @!p6 $0x7FF, v3;
	v3 =	vand.u32 @!p6 $0xC00000, v5;
	s23 =	sshra.s32 @!p6 s23, $0x2;
	s24 =	sor.u32 @!p4 s19, s24  }
0x61: {  	v1 =	vmovc v4;
	v4 =	vand.u32 @!p6 $0x3C0000, v8;
	s19 =	sadd.s32 @!p6 $0x1, s16;
	v6 =	vmov s25;
	v5 =	vsel @!p6 vm0, $0xFFFFFFFF, v7;
	s23 =	sadd.s32 @!p6 s23, s14;
	s24 =	sshrl.u32 @!p4 s24, $0x3  }
0x62: {  	_ =	sdelay $0x4  }
0x63: {  	vm1 =	vgt.u32 v6, v0;
	s25 =	sld [smem:$0x7FB];
	_ =	sdelay $0x1  }
0x64: {  	(v2sf) =	vpush @!p6 v5, $0x0  }
0x65: {  	(v2sf) =	vpush v2, $0x1;
	s22 =	spop @!p1 (v2sf);
	p2 =	seq.s32 s25, $0x1  }
0x66: {  	s20 =	sshra.s32 s20, $0x2;
	(v2sf) =	vpush v2, $0x0;
	p3 =	por p2, p2;
	s25 =	spop (v2sf)  }
0x67: {  	s20 =	sadd.s32 s20, s13;
	s25 =	simm.s32 @p3 $0xFFFFFFFF;
	s26 =	spop (v2sf)  }
0x68: {  	v5 =	vld.msk [tilespmem:s20+$0x0 ss:$0x1], vm1;
	p5 =	seq.s32 s26, s25  }
0x69: {  	v3 =	vor.u32 @!p6 v4, v3;
	v4 =	vshrl.u32 @!p5 v1, $0x6  }
0x6a: {  	v3 =	vsel @!p6 vm0, $0xFFBC0000, v3;
	vm0 =	veq.s32 @!p5 v1, $0x80000000;
	v4 =	vand.u32 @!p5 $0x7FF, v4  }
0x6b: {  	s20 =	sadd.s32 @!p4 s2, s24;
	(v2sf) =	vpush @!p6 v3, $0x0;
	v3 =	vsel @!p5 vm0, $0xFFFFFFFF, v4  }
0x6c: {  	[tilespmem:s18], [sflag:$0x1] =	stream.strided.gather @!p4 [hbm:s20], $0x80, s21, s21, $0x38;
	(v2sf) =	vpush @!p5 v3, $0x0;
	[tilespmem:$0x10400] =	vst v63  }
0x6d: {  	s18 =	sld [smem:$0x7FD];
	(v2sf) =	vpush v5, $0x1  }
0x6e: {  	(v2sf) =	vpush v5, $0x0  }
0x6f: {  	s21 =	sld [smem:$0x7FC]  }
0x70: {  	p2 =	seq.s32 s18, $0x1;
	v3 =	vshll.u32 @!p5 v1, $0x16;
	v1 =	vshll.u32 @!p5 v1, $0x10  }
0x71: {  	p3 =	por p2, p2;
	v3 =	vand.u32 @!p5 $0xC00000, v3;
	v1 =	vand.u32 @!p5 $0x3C0000, v1  }
0x72: {  	p4 =	seq.s32 s21, $0x1;
	s20 =	spop @!p1 (v2sf);
	s18 =	sshll.u32 @!p3 s22, $0x7;
	v1 =	vor.u32 @!p5 v1, v3  }
0x73: {  	p4 =	por p4, p4;
	s21 =	sand.u32 @!p3 $0xFFFFFC00, s18;
	s22 =	spop @!p6 (v2sf);
	v1 =	vsel @!p5 vm0, $0xFFBC0000, v1  }
0x74: {  	p1 =	por p4, p4;
	s20 =	sadd.s32 @!p3 s20, s21;
	s21 =	spop (v2sf);
	(v2sf) =	vpush @!p5 v1, $0x0  }
0x75: {  	s18 =	sand.u32 @!p3 $0x380, s18;
	s21 =	simm.s32 @p1 $0xFFFFFFFF;
	s24 =	spop (v2sf)  }
0x76: {  	s18 =	sor.u32 @!p3 s18, s20;
	p1 =	seq.s32 s24, s21  }
0x77: {  	s20 =	simm.s32 @!p2 $0x80;
	p2 =	por p6, p6;
	s18 =	sshrl.u32 @!p3 s18, $0x3;
	vm0 =	veq.s32 @!p1 v2, $0x80000000;
	v1 =	vshrl.u32 @!p1 v2, $0x6  }
0x78: {  	p0 =	por p0, p0;
	p4 =	por p2, p2;
	s18 =	sadd.s32 @!p3 s2, s18;
	v3 =	vshll.u32 @!p1 v2, $0x16;
	v2 =	vshll.u32 @!p1 v2, $0x10;
	v1 =	vand.u32 @!p1 $0x7FF, v1  }
0x79: {  	[tilespmem:s17], [sflag:$0x1] =	stream.strided.gather @!p3 [hbm:s18], $0x80, s20, s20, $0x38;
	v3 =	vand.u32 @!p1 $0xC00000, v3;
	v2 =	vand.u32 @!p1 $0x3C0000, v2;
	v1 =	vsel @!p1 vm0, $0xFFFFFFFF, v1;
	[tilespmem:$0x10400] =	vst v63  }
0x7a: {  	p0 =	por p0, p0;
	s17 =	sshll.u32 @!p4 s22, $0x7;
	v2 =	vor.u32 @!p1 v2, v3;
	(v2sf) =	vpush @!p1 v1, $0x0;
	s18 =	spop @!p6 (v2sf)  }
0x7b: {  	p0 =	por p0, p0;
	s20 =	sand.u32 @!p4 $0xFFFFFC00, s17;
	v1 =	vsel @!p1 vm0, $0xFFBC0000, v2;
	s21 =	spop @!p5 (v2sf)  }
0x7c: {  	s17 =	sand.u32 @!p4 $0x380, s17;
	(v2sf) =	vpush @!p1 v1, $0x0;
	s18 =	sadd.s32 @!p4 s18, s20;
	s20 =	spop (v2sf)  }
0x7d: {  	s17 =	sor.u32 @!p4 s17, s18;
	s20 =	simm.s32 @p0 $0xFFFFFFFF;
	s25 =	spop (v2sf)  }
0x7e: {  	s17 =	sshrl.u32 @!p4 s17, $0x3;
	p0 =	seq.s32 s25, s20  }
0x7f: {  	p3 =	por p5, p5;
	s18 =	simm.s32 @!p2 $0x80;
	s17 =	sadd.s32 @!p4 s2, s17;
	vm0 =	veq.s32 @!p0 v5, $0x80000000;
	v1 =	vshrl.u32 @!p0 v5, $0x6  }
0x80: {  	[tilespmem:s23], [sflag:$0x1] =	stream.strided.gather @!p4 [hbm:s17], $0x80, s18, s18, $0x38;
	v2 =	vshll.u32 @!p0 v5, $0x16;
	v3 =	vshll.u32 @!p0 v5, $0x10;
	v1 =	vand.u32 @!p0 $0x7FF, v1;
	[tilespmem:$0x10400] =	vst v63  }
0x81: {  	p4 =	por p3, p3;
	v2 =	vand.u32 @!p0 $0xC00000, v2;
	v3 =	vand.u32 @!p0 $0x3C0000, v3;
	v1 =	vsel @!p0 vm0, $0xFFFFFFFF, v1  }
0x82: {  	s17 =	sshll.u32 @!p4 s21, $0x7;
	v2 =	vor.u32 @!p0 v3, v2;
	(v2sf) =	vpush @!p0 v1, $0x0  }
0x83: {  	s19 =	smov.u32 @p2 s16;
	s16 =	sand.u32 @!p4 $0xFFFFFC00, s17;
	s18 =	spop @!p5 (v2sf);
	v1 =	vsel @!p0 vm0, $0xFFBC0000, v2  }
0x84: {  	s17 =	sand.u32 @!p4 $0x380, s17;
	s16 =	sadd.s32 @!p4 s18, s16;
	(v2sf) =	vpush @!p0 v1, $0x0  }
0x85: {  	s20 =	sshll.u32 @!p5 s19, $0x9;
	s16 =	sor.u32 @!p4 s17, s16  }
0x86: {  	p2 =	por p1, p1;
	s18 =	sshra.s32 @!p5 s20, $0x2;
	s16 =	sshrl.u32 @!p4 s16, $0x3  }
0x87: {  	s17 =	sadd.s32 @!p5 s18, s14;
	s18 =	simm.s32 @!p3 $0x80;
	s16 =	sadd.s32 @!p4 s2, s16  }
0x88: {  	[tilespmem:s17], [sflag:$0x1] =	stream.strided.gather @!p4 [hbm:s16], $0x80, s18, s18, $0x38;
	[tilespmem:$0x10400] =	vst v63  }
0x89: {  	p4 =	por p2, p2;
	s16 =	spop @!p1 (v2sf)  }
0x8a: {  	s17 =	sadd.s32 @!p5 $0x1, s19;
	s16 =	sshll.u32 @!p4 s16, $0x7  }
0x8b: {  	s17 =	smov.u32 @p3 s19;
	s19 =	spop @!p1 (v2sf);
	s18 =	sand.u32 @!p4 $0xFFFFFC00, s16  }
0x8c: {  	s16 =	sand.u32 @!p4 $0x380, s16;
	s18 =	sadd.s32 @!p4 s19, s18  }
0x8d: {  	s20 =	sshll.u32 @!p1 s17, $0x9;
	s16 =	sor.u32 @!p4 s16, s18  }
0x8e: {  	p3 =	por p0, p0;
	s19 =	sshra.s32 @!p1 s20, $0x2;
	s16 =	sshrl.u32 @!p4 s16, $0x3  }
0x8f: {  	s18 =	sadd.s32 @!p1 s19, s14;
	s19 =	simm.s32 @!p2 $0x80;
	s16 =	sadd.s32 @!p4 s2, s16  }
0x90: {  	[tilespmem:s18], [sflag:$0x1] =	stream.strided.gather @!p4 [hbm:s16], $0x80, s19, s19, $0x38;
	[tilespmem:$0x10400] =	vst v63  }
0x91: {  	p4 =	por p3, p3;
	s18 =	sadd.s32 @!p1 $0x1, s17;
	s16 =	spop @!p0 (v2sf)  }
0x92: {  	s18 =	smov.u32 @p2 s17;
	s16 =	sshll.u32 @!p4 s16, $0x7  }
0x93: {  	s20 =	sshll.u32 @!p0 s18, $0x9;
	s19 =	spop @!p0 (v2sf);
	s17 =	sand.u32 @!p4 $0xFFFFFC00, s16  }
0x94: {  	s16 =	sand.u32 @!p4 $0x380, s16;
	s17 =	sadd.s32 @!p4 s19, s17;
	s19 =	sshra.s32 @!p0 s20, $0x2  }
0x95: {  	s16 =	sor.u32 @!p4 s16, s17;
	s17 =	sadd.s32 @!p0 s19, s14;
	s19 =	sadd.s32 @!p0 $0x1, s18  }
0x96: {  	s16 =	sshrl.u32 @!p4 s16, $0x3;
	s19 =	smov.u32 @p3 s18  }
0x97: {  	s18 =	simm.s32 @!p3 $0x80;
	s16 =	sadd.s32 @!p4 s2, s16;
	s26 =	sshll.u32 s19, $0x7  }
0x98: {  	[tilespmem:s17], [sflag:$0x1] =	stream.strided.gather @!p4 [hbm:s16], $0x80, s18, s18, $0x38;
	[tilespmem:$0x10400] =	vst v63  }
0x99: {  	s16 =	sand.u32 $0x3FFFFF80, s26  }
0x9a: {  	_ =	swait.ge [sflag:s5], s16  }
0x9b: {  	s16 =	ssub.s32 $0x0, s16;
	[sflag:s5] =	ssyncset.done $0x0  }
0x9c: {  	s28 =	sadd.s32 $0x0, s15;
	[sflag:s5] =	ssyncadd.s32 s16  }
0x9d: {  	v1 =	vld.msk [tilespmem:s28+$0x0 ss:$0x1], $0x1;
	_ =	sdelay $0x4  }
0x9e: {  	(v2sf) =	vpush v1, $0x0;
	_ =	sdelay $0xa  }
0x9f: {  	p0 =	por $0x0, $0x0;
	s16 =	simm.s32 $0x1  }
0xa0: {  	s16 =	simm.s32 @!p0 $0x2  }
0xa1: {  	v1 =	vmov s16  }
0xa2: {  	vm15 =	vgt.u32 v1, v0  }
0xa3: {  	s29 =	spop (v2sf)  }
0xa4: {  	s16 =	sshll.u32 s29, $0x4  }
0xa5: {  	s16 =	sand.u32 $0x1FFFFFF0, s16  }
0xa6: {  	s30 =	sadd.s32 $0x0, s14;
	s31 =	sadd.s32 $0x0, s13;
	s16 =	sadd.s32 s4, s16  }
0xa7: {  	[hbm:s16] =	stream.strided.scatter [tilespmem:s30], [sflag:$0x3], $0x80, s11, s11, $0x38;
	[tilespmem:$0x10400] =	vst v63  }
0xa8: {  	s19 =	simm.s32 $0x8;
	s18 =	simm.s32 $0x4;
	v1 =	vld.msk [tilespmem:s31+$0x0 ss:$0x1], vm15  }
0xa9: {  	s17 =	simm.s32 $0x1;
	p0 =	por p0, p0;
	s16 =	simm.s32 $0x0  }
.LBB2_5:
0xaa: {  	p1 =	sne.s32 s19, $0x3FC;
	s20 =	sadd.s32 s17, s15  }
0xab: {  	v2 =	vld.msk [tilespmem:s20+$0x0 ss:$0x1], $0x1;
	_ =	sdelay $0x1  }
0xac: {  	(v2sf) =	vpush v1, $0x1  }
0xad: {  	(v2sf) =	vpush v1, $0x0;
	_ =	sdelay $0x2  }
0xae: {  	(v2sf) =	vpush v2, $0x0;
	_ =	sdelay $0x9  }
0xaf: {  	p2 =	seq.s32 s18, $0x3FC;
	s18 =	smov.u32 s19;
	s20 =	simm.s32 $0x1  }
0xb0: {  	s20 =	simm.s32 @!p2 $0x2;
	s21 =	spop (v2sf)  }
0xb1: {  	s21 =	simm.s32 @p0 $0xFFFFFFFF;
	s22 =	spop (v2sf);
	p0 =	por p2, p2  }
0xb2: {  	v1 =	vmov s20;
	s20 =	simm.s32 $0x1;
	p2 =	sne.s32 s22, s21  }
0xb3: {  	vm0 =	vgt.u32 v1, v0;
	s20 =	simm.s32 @!p2 $0x0  }
0xb4: {  	s21 =	spop (v2sf);
	s16 =	sadd.s32 s20, s16  }
0xb5: {  	s20 =	sshll.u32 s21, $0x4;
	s21 =	sshll.u32 s16, $0x9  }
0xb6: {  	s17 =	sadd.s32 s17, s13;
	s20 =	sand.u32 $0x1FFFFFF0, s20;
	s21 =	sshra.s32 s21, $0x2  }
.Ltmp4:
0xb7: {  	s21 =	sadd.s32 s21, s14;
	s20 =	sadd.s32 s4, s20;
	(pc) =	sbr.rel @p1 .LBB2_5-.Ltmp4, $3  }
0xb8: {  	[hbm:s20] =	stream.strided.scatter [tilespmem:s21], [sflag:$0x3], $0x80, s11, s11, $0x38;
	[tilespmem:$0x10400] =	vst v63  }
0xb9: {  	v1 =	vld.msk [tilespmem:s17+$0x0 ss:$0x1], vm0;
	_ =	sdelay $0x1  }
0xba: {  	s19 =	sadd.s32 $0x4, s19;
	s17 =	sshra.s32 s18, $0x2  }
0xbb: {  	s15 =	sadd.s32 s17, s15  }
0xbc: {  	v2 =	vld.msk [tilespmem:s15+$0x0 ss:$0x1], $0x1  }
0xbd: {  	(v2sf) =	vpush v1, $0x1  }
0xbe: {  	(v2sf) =	vpush v1, $0x0;
	_ =	sdelay $0x2  }
0xbf: {  	(v2sf) =	vpush v2, $0x0;
	_ =	sdelay $0xa  }
0xc0: {  	p1 =	seq.s32 s18, $0x3FC;
	s15 =	simm.s32 $0x1;
	s18 =	spop (v2sf)  }
0xc1: {  	s15 =	simm.s32 @!p1 $0x2;
	s18 =	simm.s32 @p0 $0xFFFFFFFF;
	s19 =	spop (v2sf)  }
0xc2: {  	v1 =	vmov s15;
	s15 =	simm.s32 $0x1;
	p0 =	sne.s32 s19, s18  }
0xc3: {  	vm0 =	vgt.u32 v1, v0;
	s15 =	simm.s32 @!p0 $0x0  }
0xc4: {  	s26 =	spop (v2sf);
	s15 =	sadd.s32 s15, s16  }
0xc5: {  	s28 =	sshll.u32 s26, $0x4;
	s15 =	sshll.u32 s15, $0x9  }
0xc6: {  	s16 =	sand.u32 $0x1FFFFFF0, s28;
	s15 =	sshra.s32 s15, $0x2  }
0xc7: {  	s13 =	sadd.s32 s17, s13;
	s14 =	sadd.s32 s15, s14;
	s29 =	sadd.s32 s4, s16  }
0xc8: {  	[hbm:s29] =	stream.strided.scatter [tilespmem:s14], [sflag:$0x3], $0x80, s11, s11, $0x38;
	[tilespmem:$0x10400] =	vst v63  }
0xc9: {  	v1 =	vld.msk [tilespmem:s13+$0x0 ss:$0x1], vm0;
	_ =	sdelay $0x4  }
0xca: {  	(v2sf) =	vpush v1, $0x1  }
0xcb: {  	(v2sf) =	vpush v1, $0x0;
	_ =	sdelay $0xa  }
.Ltmp5:
0xcc: {  	_ = 	snop;
	(pc) =	sbr.rel .LBB2_7-.Ltmp5, $3  }
0xcd: {  	s13 =	sld [smem:$0x7FA];
	_ =	sdelay $0x1  }
0xce: {  	s30 =	spop (v2sf)  }
0xcf: {  	p3 =	seq.s32 s13, $0x1;
	s31 =	spop (v2sf)  }
.LBB2_8:
0xd0: {  	_ =	sfence.sel $0x180000  }
0xd1: {  	s2 =	simm.s32 $0x2;
	[bflag:$0x0] =	sbarrier.arrive $0xFFFF  }
0xd2: {  	s30 =	simm.s32 $0x3;
	[sflag:s2] =	ssyncpa.u1 $0x1  }
0xd3: {  	s31 =	simm.s32 $0x1;
	[sflag:s30] =	ssyncpa.u1 $0x1  }
0xd4: {  	[sflag:s31] =	ssyncpa.u1 $0x1  }
0xd5: {  	p0 =	sne.s32 s1, $0x0;
	_ =	strace $0x90000065  }
0xd6: {  	s0 =	sadd.s32 @!p0 $0x100000, s0;
	[bflag:$0x2] =	sbarrier.arrive $0xFFFF  }
0xd7: {  	[sflag:s0] =	ssyncadd.tile.s32 @!p0 $0x1;
	_ =	shalt  }
.Lfunc_end2:
_tile_overlayer_lowered:
.L_overlay_start_2:
0xd8: {  	(tag) =	ssettag $0x2  }
0xd9: {  	s0 =	rddreg [dreg:$0x0];
	s2 =	stileid.u32  }
0xda: {  	s1 =	rddreg [dreg:$0x1];
	p0 =	sne.s32 s2, $0x0  }
0xdb: {  	s3 =	rddreg [dreg:$0x2];
	[bflag:$0x3] =	sbarrier.arrive $0xFFFF;
	s2 =	simm.s32 @!p0 $0x1C01  }
0xdc: {  	[timem:s3], [sflag:s2] =	dma.local @!p0 [hbm:s0], s1  }
0xdd: {  	s0 =	simm.s32 @!p0 $0x1  }
0xde: {  	_ =	swait.ge @!p0 [sflag:s0], s1  }
0xdf: {  	s1 =	ssub.s32 @!p0 $0x0, s1;
	[sflag:s0] =	ssyncset.done @!p0 $0x0  }
0xe0: {  	[sflag:s0] =	ssyncadd.s32 @!p0 s1  }
0xe1: {  	[bflag:$0x3] =	sbarrier.arrive $0xFFFF  }
0xe2: {  	_ =	shalt  }

// kernel: gather_offload_async_start.6
scs
__scs_entry_jumppad:
0x0: {  	(pc) =	sbr.rel $0x88, $3  }
0x1: {  	(tag) =	ssettag $0x0;
	lr =	simm.s32 $0x1  }
0x2: {  	[smem:$0x3F8C] =	sst lr;
	_ =	strace $0xD0000000  }
0x3: {  	_ = 	snop  }
0x4: {  	_ = 	snop  }
0x5: {  	_ = 	snop  }
0x6: {  	_ = 	snop  }
0x7: {  	_ = 	snop  }
__scs_overlays_trampoline_lowered:
0x8: {  	[smem:$0x3F9B] =	sst s0  }
0x9: {  	[smem:$0x3F9C] =	sst s1  }
0xa: {  	[smem:$0x3F9D] =	sst s2  }
0xb: {  	[smem:$0x3F9E] =	sst s3  }
0xc: {  	[smem:$0x3F9F] =	sst s4  }
0xd: {  	[smem:$0x3FA0] =	sst s5  }
0xe: {  	[smem:$0x3FA1] =	sst s6  }
0xf: {  	[smem:$0x3FA2] =	sst s7  }
0x10: {  	[smem:$0x3FA3] =	sst s8  }
0x11: {  	[smem:$0x3FA4] =	sst s9;
	s0 =	simm.s32 @!p0 $0x0  }
0x12: {  	s1 =	sld [smem:$0x3F8A];
	s0 =	simm.s32 @p0 $0x1  }
0x13: {  	[smem:$0x3FA5] =	sst s0;
	s0 =	simm.s32 @!p1 $0x0  }
0x14: {  	s2 =	sld [smem:$0x3F89];
	s0 =	simm.s32 @p1 $0x1  }
0x15: {  	[smem:$0x3FA6] =	sst s0;
	s0 =	simm.s32 @!p2 $0x0  }
0x16: {  	s3 =	sld [smem:$0x3FDB];
	s0 =	simm.s32 @p2 $0x1  }
0x17: {  	s4 =	simm.s32 $0x1BF5;
	[smem:$0x3FA8] =	sst s0  }
0x18: {  	s0 =	sld [smem:$0x3F8B];
	_ =	swait.ge [sflag:s4], $0x0  }
0x19: {  	s7 =	sld [smem:$0x3F8C]  }
0x1a: {  	s8 =	sadd.s32 $0xFFFFE003, lr  }
0x1b: {  	s9 =	sadd.s32 $0xFFFFFEF7, lr;
	s5 =	simm.s32 $0xFFFFFFFF;
	p2 =	slt.u32 s8, $0xFFFFF086  }
0x1c: {  	p1 =	slt.u32 s9, $0xF7A;
	s5 =	simm.s32 @!p2 $0x0  }
0x1d: {  	s5 =	simm.s32 @p1 $0x1;
	p0 =	seq.s32 s7, s2  }
0x1e: {  	s7 =	smul.u32 @!p0 $0xF7A, s2;
	p2 =	seq.s32 @!p0 s5, $0x0  }
0x1f: {  	s9 =	smul.u32 $0xF7A, s1;
	s8 =	simm.s32 @!p0 $0x1BF5;
	p2 =	por !p2, p0  }
0x20: {  	[sflag:s8] =	ssyncset.s32 @!p0 $0xFFFFF086;
	s6 =	sadd.s32 @!p0 s3, s7;
	s7 =	simm.s32 @!p0 $0x108  }
0x21: {  	s3 =	sadd.s32 s3, s9;
	s6 =	sadd.s32 @!p0 $0x88, s6;
	s7 =	simm.s32 @p2 $0x1082  }
0x22: {  	[simem:s7], [sflag:s8] =	dma.local @!p0 [hbm:s6], $0xF7A  }
0x23: {  	s9 =	sor.u32 $0xD0000000, s2;
	s6 =	simm.s32 $0x108;
	_ =	swait.ge @!p0 [sflag:s8], $0x0  }
0x24: {  	s3 =	sadd.s32 $0x88, s3;
	s6 =	simm.s32 @!p1 $0x1082;
	[sflag:s4] =	ssyncset.s32 $0xFFFFF086  }
0x25: {  	[simem:s6], [sflag:s4] =	dma.local [hbm:s3], $0xF7A  }
0x26: {  	[smem:$0x3F8C] =	sst s1;
	(tag) =	ssettag s2;
	_ =	strace s9  }
0x27: {  	s1 =	sld [smem:$0x3F9C]  }
0x28: {  	s2 =	sld [smem:$0x3F9D]  }
0x29: {  	s4 =	sld [smem:$0x3F9F]  }
0x2a: {  	p0 =	seq.s32 s5, $0x0;
	s5 =	sld [smem:$0x3FA0]  }
0x2b: {  	s6 =	sld [smem:$0x3FA1]  }
0x2c: {  	s7 =	sld [smem:$0x3FA2]  }
0x2d: {  	s3 =	simm.s32 $0x108;
	s8 =	sld [smem:$0x3FA3]  }
0x2e: {  	s3 =	simm.s32 @!p0 $0x1082;
	s9 =	sld [smem:$0x3FA4]  }
0x2f: {  	lr =	sadd.s32 s0, s3;
	s0 =	sld [smem:$0x3F9B]  }
0x30: {  	s3 =	sld [smem:$0x3F9E]  }
0x31: {  	[smem:$0x3FA7] =	sst s10  }
0x32: {  	s10 =	sld [smem:$0x3FA5];
	_ =	sdelay $0x3  }
0x33: {  	p0 =	seq.s32 s10, $0x1;
	s10 =	sld [smem:$0x3FA7];
	_ =	sdelay $0x3  }
0x34: {  	[smem:$0x3FA7] =	sst s10  }
0x35: {  	s10 =	sld [smem:$0x3FA6];
	_ =	sdelay $0x3  }
0x36: {  	p1 =	seq.s32 s10, $0x1;
	s10 =	sld [smem:$0x3FA7];
	_ =	sdelay $0x3  }
0x37: {  	[smem:$0x3FA7] =	sst s10  }
0x38: {  	s10 =	sld [smem:$0x3FA8]  }
0x39: {  	_ = 	snop;
	(pc) =	sbr.ind lr, $3  }
0x3a: {  	_ = 	snop  }
0x3b: {  	_ = 	snop  }
0x3c: {  	p2 =	seq.s32 s10, $0x1;
	s10 =	sld [smem:$0x3FA7]  }
0x3d: {  	_ =	shalt  }
0x3e: {  	_ =	shalt  }
0x3f: {  	_ =	shalt  }
0x40: {  	_ =	shalt  }
0x41: {  	_ =	shalt  }
0x42: {  	_ =	shalt  }
0x43: {  	_ =	shalt  }
0x44: {  	_ =	shalt  }
0x45: {  	_ =	shalt  }
0x46: {  	_ =	shalt  }
0x47: {  	_ =	shalt  }
0x48: {  	_ =	shalt  }
0x49: {  	_ =	shalt  }
0x4a: {  	_ =	shalt  }
0x4b: {  	_ =	shalt  }
0x4c: {  	_ =	shalt  }
0x4d: {  	_ =	shalt  }
0x4e: {  	_ =	shalt  }
0x4f: {  	_ =	shalt  }
0x50: {  	_ =	shalt  }
0x51: {  	_ =	shalt  }
0x52: {  	_ =	shalt  }
0x53: {  	_ =	shalt  }
0x54: {  	_ =	shalt  }
0x55: {  	_ =	shalt  }
0x56: {  	_ =	shalt  }
0x57: {  	_ =	shalt  }
0x58: {  	_ =	shalt  }
0x59: {  	_ =	shalt  }
0x5a: {  	_ =	shalt  }
0x5b: {  	_ =	shalt  }
0x5c: {  	_ =	shalt  }
0x5d: {  	_ =	shalt  }
0x5e: {  	_ =	shalt  }
0x5f: {  	_ =	shalt  }
0x60: {  	_ =	shalt  }
0x61: {  	_ =	shalt  }
0x62: {  	_ =	shalt  }
0x63: {  	_ =	shalt  }
0x64: {  	_ =	shalt  }
0x65: {  	_ =	shalt  }
0x66: {  	_ =	shalt  }
0x67: {  	_ =	shalt  }
0x68: {  	_ =	shalt  }
0x69: {  	_ =	shalt  }
0x6a: {  	_ =	shalt  }
0x6b: {  	_ =	shalt  }
0x6c: {  	_ =	shalt  }
0x6d: {  	_ =	shalt  }
0x6e: {  	_ =	shalt  }
0x6f: {  	_ =	shalt  }
0x70: {  	_ =	shalt  }
0x71: {  	_ =	shalt  }
0x72: {  	_ =	shalt  }
0x73: {  	_ =	shalt  }
0x74: {  	_ =	shalt  }
0x75: {  	_ =	shalt  }
0x76: {  	_ =	shalt  }
0x77: {  	_ =	shalt  }
0x78: {  	_ =	shalt  }
0x79: {  	_ =	shalt  }
0x7a: {  	_ =	shalt  }
0x7b: {  	_ =	shalt  }
0x7c: {  	_ =	shalt  }
0x7d: {  	_ =	shalt  }
0x7e: {  	_ =	shalt  }
0x7f: {  	_ =	shalt  }
0x80: {  	_ =	shalt  }
0x81: {  	_ =	shalt  }
0x82: {  	_ =	shalt  }
0x83: {  	_ =	shalt  }
0x84: {  	_ =	shalt  }
0x85: {  	_ =	shalt  }
0x86: {  	_ =	shalt  }
0x87: {  	_ =	shalt  }
.Lfunc_end0:
.L_simem_size_0:
called_computation.12_lowered:
.L_overlay_start_0:
0x88: {  	s2 =	sld [smem:$0x3FD9]  }
0x89: {  	s3 =	sld [smem:$0x3FFE];
	_ =	sdelay $0x1  }
0x8a: {  	s1 =	srdreg.scid  }
0x8b: {  	s0 =	sand.u32 $0x1, s1  }
0x8c: {  	s17 =	sshll.u32 s0, $0xA;
	s2 =	sadd.s32 s3, s2  }
0x8d: {  	s2 =	sadd.s32 s2, s17  }
0x8e: {  	[smem:$0x3FB3] =	sst s2  }
0x8f: {  	_ = 	snop  }
0x90: {  	(tm) =	ssettm $0x1  }
0x91: {  	s18 =	sld [smem:$0x3FFB];
	_ =	sdelay $0x3  }
0x92: {  	_ =	strace s18  }
0x93: {  	s2 =	sld [smem:$0x3FFC];
	_ =	sdelay $0x3  }
0x94: {  	_ =	strace s2  }
0x95: {  	s2 =	sld [smem:$0x3FFD];
	_ =	sdelay $0x3  }
0x96: {  	_ =	strace s2  }
0x97: {  	_ =	strace $0x8FFFFFFF  }
0x98: {  	s19 =	sld [smem:$0x3FDB];
	_ =	sdelay $0x1  }
0x99: {  	s20 =	simm.s32 $_scs_section_size  }
0x9a: {  	s4 =	simm.s32 $_size__tile_overlayer_lowered;
	s5 =	simm.s32 $_tile_overlayer_lowered  }
0x9b: {  	s6 =	simm.s32 $0x1BFF;
	s21 =	sshll.u32 s5, $0x1;
	s3 =	sadd.s32 s20, s19  }
0x9c: {  	s22 =	simm.s32 $0x0;
	s4 =	sshll.u32 s4, $0x1;
	s5 =	sadd.s32 s21, s3  }
0x9d: {  	[timem:s22], [sflag:s6] =	dma.local [hbm:s5], s4  }
0x9e: {  	_ =	swait.ge [sflag:s6], s4  }
0x9f: {  	s4 =	ssub.s32 $0x0, s4;
	[sflag:s6] =	ssyncset.done $0x0  }
0xa0: {  	[sflag:s6] =	ssyncadd.s32 s4;
	_ =	sdelay $0x1  }
0xa1: {  	s23 =	simm.s32 $0x1B8B  }
0xa2: {  	_ =	swait.ge [sflag:s23], $0x1  }
0xa3: {  	[sflag:s23] =	ssyncset.done $0x0  }
0xa4: {  	[sflag:s23] =	ssyncadd.s32 $0xFFFFFFFF  }
0xa5: {  	s4 =	sld [smem:$0x0]  }
0xa6: {  	s5 =	sand.u32 $0xFFFFFFFE, s1  }
0xa7: {  	p0 =	sne.s32 s1, s5  }
0xa8: {  	s5 =	sshll.u32 @p0 s5, $0xE  }
0xa9: {  	s5 =	sadd.s32 @p0 $0x11B8D, s5;
	s6 =	sshll.u32 @p0 s4, $0x11  }
0xaa: {  	s5 =	sor.u32 @p0 s6, s5  }
0xab: {  	[sflag:s5] =	ssyncadd.remote.s32 @p0 $0x1;
	_ =	sdelay $0x1  }
0xac: {  	s5 =	simm.s32 @p0 $0x1B8D  }
0xad: {  	_ =	swait.eq @p0 [sflag:s5], $0x1  }
0xae: {  	[sflag:s5] =	ssyncadd.s32 @p0 $0xFFFFFFFF  }
0xaf: {  	s6 =	sshll.u32 @!p0 s1, $0xE  }
0xb0: {  	s6 =	sor.u32 @!p0 $0x4000, s6;
	s5 =	simm.s32 @!p0 $0x1B8D  }
0xb1: {  	s4 =	sshll.u32 @!p0 s4, $0x11;
	s6 =	sadd.s32 @!p0 $0x11B8D, s6;
	_ =	swait.eq @!p0 [sflag:s5], $0x1  }
0xb2: {  	s4 =	sor.u32 @!p0 s4, s6;
	[sflag:s5] =	ssyncadd.s32 @!p0 $0xFFFFFFFF  }
0xb3: {  	s25 =	simm.s32 $0x1B8E;
	s24 =	sld [smem:$0x3FFE];
	[sflag:s4] =	ssyncadd.remote.s32 @!p0 $0x1  }
0xb4: {  	s26 =	simm.s32 $execute0_lowered;
	[smem:$0x3FD2] =	sst s25  }
0xb5: {  	s5 =	sshll.u32 s26, $0x1;
	_ =	strace $0x8000006A;
	[dreg:$0x1] =	wrdreg $0xFFFFFFFF  }
0xb6: {  	s28 =	simm.s32 $_size_execute0_lowered;
	s3 =	sadd.s32 s3, s5;
	[dreg:$0x0] =	wrdreg $0x0  }
0xb7: {  	s5 =	sshll.u32 s28, $0x1;
	[dreg:$0x2] =	wrdreg s3  }
0xb8: {  	[dreg:$0x3] =	wrdreg s5  }
0xb9: {  	[dreg:$0x4] =	wrdreg $0xC0  }
0xba: {  	_ =	task [dreg:s22], $0x5FFFF  }
0xbb: {  	[dreg:$0x1] =	wrdreg $0xFFFFFFFF  }
0xbc: {  	[dreg:$0x0] =	wrdreg $0x60  }
0xbd: {  	[dreg:$0x2] =	wrdreg s24  }
0xbe: {  	[dreg:$0x3] =	wrdreg $0x9  }
0xbf: {  	_ =	task.clear_ibuf [dreg:s22], $0x4FFFF;
	_ =	strace $0x9000006A  }
0xc0: {  	s29 =	simm.s32 $0x9;
	_ =	strace $0x8000006C  }
0xc1: {  	_ =	swait.ge [sflag:s29], $0x1  }
0xc2: {  	[sflag:s29] =	ssyncadd.s32 $0xFFFFFFFF  }
0xc3: {  	_ =	strace $0x9000006C  }
0xc4: {  	_ =	sfence  }
0xc5: {  	s30 =	sld [smem:$0x0];
	_ =	sdelay $0x2  }
0xc6: {  	s31 =	sshll.u32 s1, $0xD;
	s1 =	sshrl.u32 s1, $0x2  }
0xc7: {  	s4 =	sand.u32 $0x4000, s31;
	s1 =	sadd.s32 s1, s30  }
0xc8: {  	s0 =	sor.u32 s4, s0;
	s1 =	sshll.u32 s1, $0x11  }
0xc9: {  	s0 =	sor.u32 s1, s0  }
0xca: {  	s0 =	sadd.s32 $0x8F2B, s0  }
0xcb: {  	[sflag:s0] =	ssyncadd.remote.s32 $0x1  }
0xcc: {  	_ =	sfence.sel $0xFFFF  }
0xcd: {  	[dreg:$0x0] =	wrdreg $0xFFFFFFFF;
	(pc) =	sbr.abs _section_cstart, $3  }
0xce: {  	[dreg:$0x1] =	wrdreg $0xFFFFFFFF  }
0xcf: {  	_ =	task.clear_ibuf [dreg:s22], $0x2FFFF;
	_ =	strace $0x9FFFFFFF  }
0xd0: {  	(tm) =	ssettm $0x7FFFFFFF  }
0xd1: {  	_ =	shalt  }
tec
execute0_lowered:
.L_overlay_start_1:
0x0: {  	(tag) =	ssettag $0x1  }
0x1: {  	s7 =	rddreg [dreg:$0x0]  }
0x2: {  	s0 =	rddreg [dreg:$0x1];
	_ =	strace $0x8000006B  }
0x3: {  	s1 =	srdreg.scid;
	s4 =	simm.s32 $0x1;
	s9 =	simm.s32 $0x3  }
0x4: {  	s11 =	simm.s32 $0x0;
	p0 =	por $0x0, $0x0;
	s5 =	sshll.u32 s1, $0x4  }
.Ltmp0:
0x5: {  	s1 =	stileid.u32;
	s5 =	sand.u32 $0x10, s5;
	(pc) =	sbr.rel .LBB2_1-.Ltmp0, $4  }
0x6: {  	s2 =	sadd.s32 $0x2563600, s7;
	s3 =	sadd.s32 $0x233E00, s7;
	s6 =	sor.u32 s1, s5  }
0x7: {  	[sflag:s4] =	ssyncpa.u1 $0x0;
	s5 =	simm.s32 $0x2;
	s6 =	sshll.u32 s6, $0xE  }
0x8: {  	s7 =	sadd.s32 $0x2E3600, s7;
	[sflag:s5] =	ssyncpa.u1 $0x0;
	s8 =	sadd.s32 $0x4000, s6  }
0x9: {  	vm0 =	vmmov $0xff;
	vm1 =	vcmask $0x3F20;
	[sflag:s9] =	ssyncpa.u1 $0x0;
	s10 =	smov.u32 s6;
	s9 =	simm.s32 $0x0  }
.LBB2_7:
0xa: {  	p1 =	slt.u32 s9, $0x2;
	s11 =	sadd.s32 $0x100, s10  }
0xb: {  	s13 =	smov.u32 s6;
	s9 =	sadd.s32 $0x1, s9;
	p2 =	slt.s32 s11, s8  }
0xc: {  	s13 =	smov.u32 @p2 s11;
	p2 =	sne.s32 s9, $0x42  }
.Ltmp1:
0xd: {  	_ = 	snop;
	(pc) =	sbr.rel @!p2 .LBB2_8-.Ltmp1, $4  }
0xe: {  	s12 =	simm.s32 @!p1 $0x3  }
0xf: {  	_ =	swait.ge @!p1 [sflag:s12], $0x8000  }
0x10: {  	p0 =	por !p0, !p0;
	[sflag:s12] =	ssyncset.done @!p1 $0x0  }
0x11: {  	s11 =	smov.u32 s10;
	s10 =	smov.u32 s13;
	[sflag:s12] =	ssyncadd.s32 @!p1 $0xFFFF8000  }
.LBB2_1:
0x12: {  	p1 =	sgt.u32 s9, $0x3F  }
0x13: {  	s12 =	sxor.u32 @!p1 $0xFFFFFFFF, s9  }
0x14: {  	s13 =	sshrl.u32 @!p1 s10, $0x3;
	s12 =	sshll.u32 @!p1 s12, $0x8  }
0x15: {  	s14 =	sand.u32 @!p1 $0x7, s10;
	s13 =	sadd.s32 @!p1 s3, s13;
	s12 =	sand.u32 @!p1 $0x100, s12  }
0x16: {  	[tilespmem:s12], [sflag:$0x2] =	stream.linear.gather @!p1 [hbm4b:s13+s14], $0x100, $0x38;
	[tilespmem:$0x10200] =	vst v63  }
0x17: {  	p1 =	seq.s32 s9, $0x0  }
0x18: {  	p2 =	seq.s32 @!p1 s9, $0x41  }
0x19: {  	p1 =	por p1, p2  }
.Ltmp2:
0x1a: {  	_ = 	snop;
	(pc) =	sbr.rel @p1 .LBB2_7-.Ltmp2, $1  }
0x1b: {  	_ =	sdelay $0x3  }
0x1c: {  	s12 =	simm.s32 $0x1  }
0x1d: {  	_ =	swait.ge [sflag:s5], $0x100;
	s12 =	simm.s32 @!p0 $0x0  }
0x1e: {  	[sflag:s5] =	ssyncset.done $0x0;
	s14 =	sshll.u32 s12, $0x8  }
0x1f: {  	[sflag:s5] =	ssyncadd.s32 $0xFFFFFF00;
	s13 =	sadd.s32 $0x0, s14  }
0x20: {  	v0 =	vld.msk [tilespmem:s13+$0x0 ss:$0x1], $0xffff;
	_ =	sdelay $0x4  }
0x21: {  	vm2 =	veq.s32 v0, $0x80000000  }
0x22: {  	v1 =	vshll.u32 v0, $0x18;
	v2 =	vshll.u32 v0, $0x12;
	v3 =	vshll.u32 v0, $0xC  }
0x23: {  	v0 =	vshrl.u32 v0, $0x1;
	v1 =	vand.u32 $0x3000000, v1;
	v2 =	vand.u32 $0xF00000, v2  }
0x24: {  	v0 =	vand.u32 $0x3FF80, v0;
	v1 =	vor.u32 v2, v1;
	v2 =	vand.u32 $0xC0000, v3  }
0x25: {  	v0 =	vsel vm2, $0xFFFFFF80, v0;
	v1 =	vor.u32 v2, v1  }
0x26: {  	v2 =	vand.u32 $0xFFFFFC00, v0;
	v1 =	vsel vm2, $0xFEEC0000, v1  }
0x27: {  	v0 =	vand.u32 $0x380, v0;
	v1 =	vadd.s32 v2, v1  }
0x28: {  	v0 =	vor.u32 v0, v1  }
0x29: {  	v0 =	vshrl.u32 v0, $0x3;
	_ =	sdelay $0x2  }
0x2a: {  	s12 =	sshll.u32 s12, $0xF  }
0x2b: {  	s12 =	sor.u32 $0x200, s12  }
0x2c: {  	[tilespmem:s12], [sflag:$0x1] =	stream.indirect_vreg.gather [hbm:s2], $0x80, v0, vm0, $0x38;
	[tilespmem:$0x10200] =	vst v63  }
0x2d: {  	s15 =	sadd.s32 $0x10, s14;
	s13 =	sadd.s32 $0x400, s12  }
0x2e: {  	[tilespmem:s13], [sflag:$0x1] =	stream.indirect_vreg.gather [hbm:s2], $0x80, v0, vm1, $0x38;
	[tilespmem:$0x10200] =	vst v63  }
0x2f: {  	s16 =	simm.s32 $0x80;
	v0 =	vld.msk [tilespmem:s15+$0x0 ss:$0x1], $0xffff;
	s15 =	smov.u32 s12  }
.LBB2_3:
0x30: {  	p1 =	sne.s32 s16, $0x3C0;
	_ =	sdelay $0x4  }
0x31: {  	vm2 =	veq.s32 v0, $0x80000000  }
0x32: {  	v1 =	vshll.u32 v0, $0x18;
	v2 =	vshll.u32 v0, $0x12;
	v3 =	vshll.u32 v0, $0xC  }
0x33: {  	v0 =	vshrl.u32 v0, $0x1;
	v1 =	vand.u32 $0x3000000, v1;
	v2 =	vand.u32 $0xF00000, v2  }
0x34: {  	v0 =	vand.u32 $0x3FF80, v0;
	v1 =	vor.u32 v2, v1;
	v2 =	vand.u32 $0xC0000, v3  }
0x35: {  	v0 =	vsel vm2, $0xFFFFFF80, v0;
	v1 =	vor.u32 v2, v1  }
0x36: {  	v2 =	vand.u32 $0xFFFFFC00, v0;
	v1 =	vsel vm2, $0xFEEC0000, v1  }
0x37: {  	v0 =	vand.u32 $0x380, v0;
	v1 =	vadd.s32 v2, v1  }
0x38: {  	v0 =	vor.u32 v0, v1  }
0x39: {  	v0 =	vshrl.u32 v0, $0x3;
	_ =	sdelay $0x3  }
.Ltmp3:
0x3a: {  	s17 =	sshra.s32 s16, $0x2;
	s15 =	sadd.s32 $0x800, s15;
	(pc) =	sbr.rel @p1 .LBB2_3-.Ltmp3, $4  }
0x3b: {  	[tilespmem:s15], [sflag:$0x1] =	stream.indirect_vreg.gather [hbm:s2], $0x80, v0, vm0, $0x38;
	[tilespmem:$0x10200] =	vst v63  }
0x3c: {  	s17 =	sadd.s32 s17, s14;
	s18 =	sadd.s32 $0x400, s15  }
0x3d: {  	[tilespmem:s18], [sflag:$0x1] =	stream.indirect_vreg.gather [hbm:s2], $0x80, v0, vm1, $0x38;
	[tilespmem:$0x10200] =	vst v63  }
0x3e: {  	s16 =	sadd.s32 $0x40, s16;
	v0 =	vld.msk [tilespmem:s17+$0x0 ss:$0x1], $0xffff  }
0x3f: {  	_ =	sdelay $0x3  }
0x40: {  	vm2 =	veq.s32 v0, $0x80000000  }
0x41: {  	v1 =	vshll.u32 v0, $0x18;
	v2 =	vshll.u32 v0, $0x12;
	v3 =	vshll.u32 v0, $0xC  }
0x42: {  	v61 =	vshrl.u32 v0, $0x1;
	v1 =	vand.u32 $0x3000000, v1;
	v2 =	vand.u32 $0xF00000, v2  }
0x43: {  	v62 =	vand.u32 $0xC0000, v3;
	v0 =	vand.u32 $0x3FF80, v61;
	v1 =	vor.u32 v2, v1  }
0x44: {  	v0 =	vsel vm2, $0xFFFFFF80, v0;
	v1 =	vor.u32 v62, v1  }
0x45: {  	v63 =	vand.u32 $0xFFFFFC00, v0;
	v1 =	vsel vm2, $0xFEEC0000, v1  }
0x46: {  	v0 =	vand.u32 $0x380, v0;
	v1 =	vadd.s32 v63, v1  }
0x47: {  	v0 =	vor.u32 v0, v1  }
0x48: {  	v0 =	vshrl.u32 v0, $0x3;
	_ =	sdelay $0x3  }
0x49: {  	s14 =	sadd.s32 $0x800, s15  }
0x4a: {  	[tilespmem:s14], [sflag:$0x1] =	stream.indirect_vreg.gather [hbm:s2], $0x80, v0, vm0, $0x38;
	[tilespmem:$0x10200] =	vst v63  }
0x4b: {  	s14 =	sadd.s32 $0x400, s14  }
0x4c: {  	[tilespmem:s14], [sflag:$0x1] =	stream.indirect_vreg.gather [hbm:s2], $0x80, v0, vm1, $0x38;
	[tilespmem:$0x10200] =	vst v63  }
0x4d: {  	s11 =	sshll.u32 s11, $0x4;
	_ =	swait.ge [sflag:s4], $0x8000  }
0x4e: {  	s11 =	sadd.s32 s11, s7;
	[sflag:s4] =	ssyncset.done $0x0  }
0x4f: {  	s15 =	sadd.s32 $0x0, s11;
	s14 =	simm.s32 $0x80;
	[sflag:s4] =	ssyncadd.s32 $0xFFFF8000  }
.LBB2_5:
0x50: {  	[hbm:s15] =	stream.linear.scatter [tilespmem:s12], [sflag:$0x3], $0x400, $0x38;
	[tilespmem:$0x10200] =	vst v63  }
0x51: {  	s15 =	smov.u32 s14;
	s12 =	smov.u32 s13;
	p1 =	sne.s32 s14, $0xF80  }
.Ltmp4:
0x52: {  	s14 =	sadd.s32 $0x80, s14;
	(pc) =	sbr.rel @p1 .LBB2_5-.Ltmp4, $2  }
0x53: {  	_ =	sdelay $0x2  }
0x54: {  	s13 =	sadd.s32 $0x400, s13;
	s15 =	sadd.s32 s15, s11  }
.Ltmp5:
0x55: {  	(pc) =	sbr.rel .LBB2_7-.Ltmp5, $2  }
0x56: {  	_ =	sdelay $0x2  }
0x57: {  	[hbm:s15] =	stream.linear.scatter [tilespmem:s12], [sflag:$0x3], $0x400, $0x38;
	[tilespmem:$0x10200] =	vst v63  }
.LBB2_8:
0x58: {  	_ =	sfence.sel $0x180000  }
0x59: {  	s2 =	simm.s32 $0x2;
	[bflag:$0x0] =	sbarrier.arrive $0xFFFF  }
0x5a: {  	s30 =	simm.s32 $0x3;
	[sflag:s2] =	ssyncpa.u1 $0x1  }
0x5b: {  	s31 =	simm.s32 $0x1;
	[sflag:s30] =	ssyncpa.u1 $0x1  }
0x5c: {  	[sflag:s31] =	ssyncpa.u1 $0x1  }
0x5d: {  	p0 =	sne.s32 s1, $0x0;
	_ =	strace $0x9000006B  }
0x5e: {  	s0 =	sadd.s32 @!p0 $0x100000, s0;
	[bflag:$0x2] =	sbarrier.arrive $0xFFFF  }
0x5f: {  	[sflag:s0] =	ssyncadd.tile.s32 @!p0 $0x1;
	_ =	shalt  }
.Lfunc_end2:
_tile_overlayer_lowered:
.L_overlay_start_2:
0x60: {  	(tag) =	ssettag $0x2  }
0x61: {  	s0 =	rddreg [dreg:$0x0];
	s2 =	stileid.u32  }
0x62: {  	s1 =	rddreg [dreg:$0x1];
	p0 =	sne.s32 s2, $0x0  }
0x63: {  	s3 =	rddreg [dreg:$0x2];
	[bflag:$0x3] =	sbarrier.arrive $0xFFFF;
	s2 =	simm.s32 @!p0 $0x1C01  }
0x64: {  	[timem:s3], [sflag:s2] =	dma.local @!p0 [hbm:s0], s1  }
0x65: {  	s0 =	simm.s32 @!p0 $0x1  }
0x66: {  	_ =	swait.ge @!p0 [sflag:s0], s1  }
0x67: {  	s1 =	ssub.s32 @!p0 $0x0, s1;
	[sflag:s0] =	ssyncset.done @!p0 $0x0  }
0x68: {  	[sflag:s0] =	ssyncadd.s32 @!p0 s1  }
0x69: {  	[bflag:$0x3] =	sbarrier.arrive $0xFFFF  }
0x6a: {  	_ =	shalt  }

// kernel: gather_offload_async_start.7
scs
__scs_entry_jumppad:
0x0: {  	(pc) =	sbr.rel $0x88, $3  }
0x1: {  	(tag) =	ssettag $0x0;
	lr =	simm.s32 $0x1  }
0x2: {  	[smem:$0x3F8C] =	sst lr;
	_ =	strace $0xD0000000  }
0x3: {  	_ = 	snop  }
0x4: {  	_ = 	snop  }
0x5: {  	_ = 	snop  }
0x6: {  	_ = 	snop  }
0x7: {  	_ = 	snop  }
__scs_overlays_trampoline_lowered:
0x8: {  	[smem:$0x3F9B] =	sst s0  }
0x9: {  	[smem:$0x3F9C] =	sst s1  }
0xa: {  	[smem:$0x3F9D] =	sst s2  }
0xb: {  	[smem:$0x3F9E] =	sst s3  }
0xc: {  	[smem:$0x3F9F] =	sst s4  }
0xd: {  	[smem:$0x3FA0] =	sst s5  }
0xe: {  	[smem:$0x3FA1] =	sst s6  }
0xf: {  	[smem:$0x3FA2] =	sst s7  }
0x10: {  	[smem:$0x3FA3] =	sst s8  }
0x11: {  	[smem:$0x3FA4] =	sst s9;
	s0 =	simm.s32 @!p0 $0x0  }
0x12: {  	s1 =	sld [smem:$0x3F8A];
	s0 =	simm.s32 @p0 $0x1  }
0x13: {  	[smem:$0x3FA5] =	sst s0;
	s0 =	simm.s32 @!p1 $0x0  }
0x14: {  	s2 =	sld [smem:$0x3F89];
	s0 =	simm.s32 @p1 $0x1  }
0x15: {  	[smem:$0x3FA6] =	sst s0;
	s0 =	simm.s32 @!p2 $0x0  }
0x16: {  	s3 =	sld [smem:$0x3FDB];
	s0 =	simm.s32 @p2 $0x1  }
0x17: {  	s4 =	simm.s32 $0x1BF5;
	[smem:$0x3FA8] =	sst s0  }
0x18: {  	s0 =	sld [smem:$0x3F8B];
	_ =	swait.ge [sflag:s4], $0x0  }
0x19: {  	s7 =	sld [smem:$0x3F8C]  }
0x1a: {  	s8 =	sadd.s32 $0xFFFFE003, lr  }
0x1b: {  	s9 =	sadd.s32 $0xFFFFFEF7, lr;
	s5 =	simm.s32 $0xFFFFFFFF;
	p2 =	slt.u32 s8, $0xFFFFF086  }
0x1c: {  	p1 =	slt.u32 s9, $0xF7A;
	s5 =	simm.s32 @!p2 $0x0  }
0x1d: {  	s5 =	simm.s32 @p1 $0x1;
	p0 =	seq.s32 s7, s2  }
0x1e: {  	s7 =	smul.u32 @!p0 $0xF7A, s2;
	p2 =	seq.s32 @!p0 s5, $0x0  }
0x1f: {  	s9 =	smul.u32 $0xF7A, s1;
	s8 =	simm.s32 @!p0 $0x1BF5;
	p2 =	por !p2, p0  }
0x20: {  	[sflag:s8] =	ssyncset.s32 @!p0 $0xFFFFF086;
	s6 =	sadd.s32 @!p0 s3, s7;
	s7 =	simm.s32 @!p0 $0x108  }
0x21: {  	s3 =	sadd.s32 s3, s9;
	s6 =	sadd.s32 @!p0 $0x88, s6;
	s7 =	simm.s32 @p2 $0x1082  }
0x22: {  	[simem:s7], [sflag:s8] =	dma.local @!p0 [hbm:s6], $0xF7A  }
0x23: {  	s9 =	sor.u32 $0xD0000000, s2;
	s6 =	simm.s32 $0x108;
	_ =	swait.ge @!p0 [sflag:s8], $0x0  }
0x24: {  	s3 =	sadd.s32 $0x88, s3;
	s6 =	simm.s32 @!p1 $0x1082;
	[sflag:s4] =	ssyncset.s32 $0xFFFFF086  }
0x25: {  	[simem:s6], [sflag:s4] =	dma.local [hbm:s3], $0xF7A  }
0x26: {  	[smem:$0x3F8C] =	sst s1;
	(tag) =	ssettag s2;
	_ =	strace s9  }
0x27: {  	s1 =	sld [smem:$0x3F9C]  }
0x28: {  	s2 =	sld [smem:$0x3F9D]  }
0x29: {  	s4 =	sld [smem:$0x3F9F]  }
0x2a: {  	p0 =	seq.s32 s5, $0x0;
	s5 =	sld [smem:$0x3FA0]  }
0x2b: {  	s6 =	sld [smem:$0x3FA1]  }
0x2c: {  	s7 =	sld [smem:$0x3FA2]  }
0x2d: {  	s3 =	simm.s32 $0x108;
	s8 =	sld [smem:$0x3FA3]  }
0x2e: {  	s3 =	simm.s32 @!p0 $0x1082;
	s9 =	sld [smem:$0x3FA4]  }
0x2f: {  	lr =	sadd.s32 s0, s3;
	s0 =	sld [smem:$0x3F9B]  }
0x30: {  	s3 =	sld [smem:$0x3F9E]  }
0x31: {  	[smem:$0x3FA7] =	sst s10  }
0x32: {  	s10 =	sld [smem:$0x3FA5];
	_ =	sdelay $0x3  }
0x33: {  	p0 =	seq.s32 s10, $0x1;
	s10 =	sld [smem:$0x3FA7];
	_ =	sdelay $0x3  }
0x34: {  	[smem:$0x3FA7] =	sst s10  }
0x35: {  	s10 =	sld [smem:$0x3FA6];
	_ =	sdelay $0x3  }
0x36: {  	p1 =	seq.s32 s10, $0x1;
	s10 =	sld [smem:$0x3FA7];
	_ =	sdelay $0x3  }
0x37: {  	[smem:$0x3FA7] =	sst s10  }
0x38: {  	s10 =	sld [smem:$0x3FA8]  }
0x39: {  	_ = 	snop;
	(pc) =	sbr.ind lr, $3  }
0x3a: {  	_ = 	snop  }
0x3b: {  	_ = 	snop  }
0x3c: {  	p2 =	seq.s32 s10, $0x1;
	s10 =	sld [smem:$0x3FA7]  }
0x3d: {  	_ =	shalt  }
0x3e: {  	_ =	shalt  }
0x3f: {  	_ =	shalt  }
0x40: {  	_ =	shalt  }
0x41: {  	_ =	shalt  }
0x42: {  	_ =	shalt  }
0x43: {  	_ =	shalt  }
0x44: {  	_ =	shalt  }
0x45: {  	_ =	shalt  }
0x46: {  	_ =	shalt  }
0x47: {  	_ =	shalt  }
0x48: {  	_ =	shalt  }
0x49: {  	_ =	shalt  }
0x4a: {  	_ =	shalt  }
0x4b: {  	_ =	shalt  }
0x4c: {  	_ =	shalt  }
0x4d: {  	_ =	shalt  }
0x4e: {  	_ =	shalt  }
0x4f: {  	_ =	shalt  }
0x50: {  	_ =	shalt  }
0x51: {  	_ =	shalt  }
0x52: {  	_ =	shalt  }
0x53: {  	_ =	shalt  }
0x54: {  	_ =	shalt  }
0x55: {  	_ =	shalt  }
0x56: {  	_ =	shalt  }
0x57: {  	_ =	shalt  }
0x58: {  	_ =	shalt  }
0x59: {  	_ =	shalt  }
0x5a: {  	_ =	shalt  }
0x5b: {  	_ =	shalt  }
0x5c: {  	_ =	shalt  }
0x5d: {  	_ =	shalt  }
0x5e: {  	_ =	shalt  }
0x5f: {  	_ =	shalt  }
0x60: {  	_ =	shalt  }
0x61: {  	_ =	shalt  }
0x62: {  	_ =	shalt  }
0x63: {  	_ =	shalt  }
0x64: {  	_ =	shalt  }
0x65: {  	_ =	shalt  }
0x66: {  	_ =	shalt  }
0x67: {  	_ =	shalt  }
0x68: {  	_ =	shalt  }
0x69: {  	_ =	shalt  }
0x6a: {  	_ =	shalt  }
0x6b: {  	_ =	shalt  }
0x6c: {  	_ =	shalt  }
0x6d: {  	_ =	shalt  }
0x6e: {  	_ =	shalt  }
0x6f: {  	_ =	shalt  }
0x70: {  	_ =	shalt  }
0x71: {  	_ =	shalt  }
0x72: {  	_ =	shalt  }
0x73: {  	_ =	shalt  }
0x74: {  	_ =	shalt  }
0x75: {  	_ =	shalt  }
0x76: {  	_ =	shalt  }
0x77: {  	_ =	shalt  }
0x78: {  	_ =	shalt  }
0x79: {  	_ =	shalt  }
0x7a: {  	_ =	shalt  }
0x7b: {  	_ =	shalt  }
0x7c: {  	_ =	shalt  }
0x7d: {  	_ =	shalt  }
0x7e: {  	_ =	shalt  }
0x7f: {  	_ =	shalt  }
0x80: {  	_ =	shalt  }
0x81: {  	_ =	shalt  }
0x82: {  	_ =	shalt  }
0x83: {  	_ =	shalt  }
0x84: {  	_ =	shalt  }
0x85: {  	_ =	shalt  }
0x86: {  	_ =	shalt  }
0x87: {  	_ =	shalt  }
.Lfunc_end0:
.L_simem_size_0:
called_computation.13_lowered:
.L_overlay_start_0:
0x88: {  	s2 =	sld [smem:$0x3FD9]  }
0x89: {  	s3 =	sld [smem:$0x3FFE];
	_ =	sdelay $0x1  }
0x8a: {  	s1 =	srdreg.scid  }
0x8b: {  	s0 =	sand.u32 $0x1, s1  }
0x8c: {  	s16 =	sshll.u32 s0, $0xA;
	s2 =	sadd.s32 s3, s2  }
0x8d: {  	s2 =	sadd.s32 s2, s16  }
0x8e: {  	[smem:$0x3FB3] =	sst s2  }
0x8f: {  	_ = 	snop  }
0x90: {  	(tm) =	ssettm $0x1  }
0x91: {  	s17 =	sld [smem:$0x3FFB];
	_ =	sdelay $0x3  }
0x92: {  	_ =	strace s17  }
0x93: {  	s2 =	sld [smem:$0x3FFC];
	_ =	sdelay $0x3  }
0x94: {  	_ =	strace s2  }
0x95: {  	s2 =	sld [smem:$0x3FFD];
	_ =	sdelay $0x3  }
0x96: {  	_ =	strace s2  }
0x97: {  	_ =	strace $0x8FFFFFFF  }
0x98: {  	s18 =	sld [smem:$0x3FDB];
	_ =	sdelay $0x1  }
0x99: {  	s19 =	simm.s32 $_scs_section_size  }
0x9a: {  	s4 =	simm.s32 $_size__tile_overlayer_lowered;
	s5 =	simm.s32 $_tile_overlayer_lowered  }
0x9b: {  	s22 =	simm.s32 $0x1BFF;
	s21 =	sshll.u32 s5, $0x1;
	s2 =	sadd.s32 s19, s18  }
0x9c: {  	s6 =	simm.s32 $0x0;
	s20 =	sshll.u32 s4, $0x1;
	s4 =	sadd.s32 s21, s2  }
0x9d: {  	[timem:s6], [sflag:s22] =	dma.local [hbm:s4], s20  }
0x9e: {  	_ =	swait.ge [sflag:s22], s20  }
0x9f: {  	s3 =	ssub.s32 $0x0, s20;
	[sflag:s22] =	ssyncset.done $0x0  }
0xa0: {  	[sflag:s22] =	ssyncadd.s32 s3;
	_ =	sdelay $0x1  }
0xa1: {  	s23 =	simm.s32 $0x1B8B  }
0xa2: {  	_ =	swait.ge [sflag:s23], $0x1  }
0xa3: {  	[sflag:s23] =	ssyncset.done $0x0  }
0xa4: {  	s25 =	simm.s32 $0x1B8E;
	s24 =	sld [smem:$0x3FFE];
	[sflag:s23] =	ssyncadd.s32 $0xFFFFFFFF  }
0xa5: {  	s26 =	simm.s32 $execute0_lowered;
	[smem:$0x3FD2] =	sst s25  }
0xa6: {  	s4 =	sshll.u32 s26, $0x1;
	_ =	strace $0x80000067;
	[dreg:$0x1] =	wrdreg $0xFFFFFFFF  }
0xa7: {  	s28 =	simm.s32 $_size_execute0_lowered;
	s2 =	sadd.s32 s2, s4;
	[dreg:$0x0] =	wrdreg $0x0  }
0xa8: {  	s4 =	sshll.u32 s28, $0x1;
	[dreg:$0x2] =	wrdreg s2  }
0xa9: {  	[dreg:$0x3] =	wrdreg s4  }
0xaa: {  	[dreg:$0x4] =	wrdreg $0xC0  }
0xab: {  	_ =	task [dreg:s6], $0x5FFFF  }
0xac: {  	[dreg:$0x1] =	wrdreg $0xFFFFFFFF  }
0xad: {  	[dreg:$0x0] =	wrdreg $0x60  }
0xae: {  	[dreg:$0x2] =	wrdreg s24  }
0xaf: {  	[dreg:$0x3] =	wrdreg $0xA  }
0xb0: {  	_ =	task.clear_ibuf [dreg:s6], $0x4FFFF;
	_ =	strace $0x90000067  }
0xb1: {  	s29 =	simm.s32 $0xA;
	_ =	strace $0x80000069  }
0xb2: {  	_ =	swait.ge [sflag:s29], $0x1  }
0xb3: {  	[sflag:s29] =	ssyncadd.s32 $0xFFFFFFFF  }
0xb4: {  	_ =	strace $0x90000069  }
0xb5: {  	_ =	sfence  }
0xb6: {  	s30 =	sld [smem:$0x0];
	_ =	sdelay $0x2  }
0xb7: {  	s31 =	sshll.u32 s1, $0xD;
	s1 =	sshrl.u32 s1, $0x2  }
0xb8: {  	s3 =	sand.u32 $0x4000, s31;
	s1 =	sadd.s32 s1, s30  }
0xb9: {  	s0 =	sor.u32 s3, s0;
	s1 =	sshll.u32 s1, $0x11  }
0xba: {  	s0 =	sor.u32 s1, s0  }
0xbb: {  	s0 =	sadd.s32 $0x8F2B, s0  }
0xbc: {  	[sflag:s0] =	ssyncadd.remote.s32 $0x1  }
0xbd: {  	_ =	sfence.sel $0xFFFF  }
0xbe: {  	[dreg:$0x0] =	wrdreg $0xFFFFFFFF;
	(pc) =	sbr.abs _section_cstart, $3  }
0xbf: {  	[dreg:$0x1] =	wrdreg $0xFFFFFFFF  }
0xc0: {  	_ =	task.clear_ibuf [dreg:s6], $0x2FFFF;
	_ =	strace $0x9FFFFFFF  }
0xc1: {  	(tm) =	ssettm $0x7FFFFFFF  }
tec
execute0_lowered:
.L_overlay_start_1:
0x0: {  	(tag) =	ssettag $0x1  }
0x1: {  	s0 =	srdreg.scid;
	s5 =	rddreg [dreg:$0x0]  }
0x2: {  	s1 =	stileid.u32;
	s6 =	simm.s32 $0x1;
	s9 =	simm.s32 $0x1  }
0x3: {  	s10 =	simm.s32 $0x3;
	s13 =	simm.s32 $0x0;
	s2 =	sshll.u32 s0, $0xD  }
0x4: {  	s12 =	simm.s32 $0x0;
	s3 =	sshll.u32 s1, $0xE;
	s4 =	sand.u32 $0x2000, s2  }
0x5: {  	s0 =	rddreg [dreg:$0x1];
	_ =	strace $0x80000068;
	s3 =	sor.u32 s3, s4  }
0x6: {  	s2 =	sadd.s32 $0x253E00, s5;
	[sflag:s6] =	ssyncpa.u1 $0x0;
	s8 =	ssub.s32 $0x80000, s3  }
.Ltmp0:
0x7: {  	s4 =	sadd.s32 $0x243E00, s5;
	s7 =	sand.u32 $0x3E000, s8;
	(pc) =	sbr.rel .LBB2_1-.Ltmp0, $4  }
0x8: {  	s5 =	sadd.s32 $0x275000, s5;
	s11 =	smov.u32 s3;
	p0 =	sne.s32 s7, $0x0  }
0x9: {  	s8 =	sshrl.u32 s8, $0x12;
	s7 =	simm.s32 $0x2;
	s9 =	simm.s32 @!p0 $0x0  }
0xa: {  	[sflag:s7] =	ssyncpa.u1 $0x0;
	p0 =	por $0x0, $0x0;
	s8 =	sadd.s32 s9, s8  }
0xb: {  	vm0 =	vmmov $0xffff;
	[sflag:s10] =	ssyncpa.u1 $0x0;
	s10 =	simm.s32 $0x0;
	s9 =	sadd.s32 $0x1, s8  }
.LBB2_4:
0xc: {  	v2 =	vand.u32 $0x3, v2;
	v3 =	vand.u32 $0x60000, v3;
	v4 =	vand.u32 $0x1E000, v4  }
0xd: {  	v1 =	vand.u32 $0x7FF, v1;
	v2 =	vsel vm1, $0xFFFFFFFF, v2;
	v3 =	vor.u32 v4, v3  }
0xe: {  	v1 =	vsel vm1, $0xFFFFFFFF, v1;
	v3 =	vsel vm1, $0xFFFDE000, v3;
	v63 =	vand.u32 $0xFFFFE000, v2  }
0xf: {  	v5 =	vand.u32 $0x7F, v1;
	v1 =	vshll.u32 v1, $0x2;
	v3 =	vadd.s32 v63, v3  }
0x10: {  	v2 =	vshll.u32 v2, $0x7;
	v1 =	vand.u32 $0xFFFFFE00, v1;
	v3 =	vor.u32 v5, v3  }
0x11: {  	v2 =	vand.u32 $0x180, v2;
	v1 =	vadd.s32 v1, v3  }
0x12: {  	v1 =	vor.u32 v2, v1;
	_ =	sdelay $0x1  }
0x13: {  	(ifvalue) =	ssetifvalue $0x7FFFFFFF;
	s14 =	sadd.s32 $0x10, s14  }
0x14: {  	[tilespmem:s14], [sflag:$0x1] =	stream.indirect_vreg.gather [hbm4b:s2+s10], $0x1, v0, vm0, $0x4038;
	[tilespmem:$0x8000] =	vst v63  }
0x15: {  	(ifvalue) =	ssetifvalue $0x7FFFFFFF;
	s14 =	sadd.s32 $0x10, s14  }
0x16: {  	[tilespmem:s14], [sflag:$0x1] =	stream.indirect_vreg.gather [hbm4b:s2+s10], $0x1, v1, vm0, $0x4038;
	[tilespmem:$0x8000] =	vst v63  }
0x17: {  	_ =	swait.ge [sflag:s6], $0x2000  }
0x18: {  	s30 =	sshrl.u32 s13, $0x3;
	[sflag:s6] =	ssyncset.done $0x0  }
0x19: {  	s31 =	sand.u32 $0x7, s13;
	s14 =	sadd.s32 s5, s30;
	[sflag:s6] =	ssyncadd.s32 $0xFFFFE000  }
0x1a: {  	[hbm4b:s14+s31] =	stream.linear.scatter [tilespmem:s15], [sflag:$0x3], $0x2000, $0x38;
	[tilespmem:$0x8000] =	vst v63  }
.LBB2_5:
0x1b: {  	s15 =	sadd.s32 $0x40000, s11  }
0x1c: {  	p2 =	sgt.s32 s15, $0x7FFFF  }
0x1d: {  	s15 =	smov.u32 @p2 s3;
	p2 =	sne.s32 s12, s9  }
.Ltmp1:
0x1e: {  	p1 =	slt.u32 s12, $0x2;
	(pc) =	sbr.rel @!p2 .LBB2_6-.Ltmp1, $4  }
0x1f: {  	s14 =	simm.s32 @!p1 $0x3  }
0x20: {  	s16 =	sadd.s32 $0x1, s12;
	_ =	swait.ge @!p1 [sflag:s14], $0x2000  }
0x21: {  	s13 =	smov.u32 s11;
	p0 =	por !p0, !p0;
	[sflag:s14] =	ssyncset.done @!p1 $0x0  }
0x22: {  	s12 =	smov.u32 s16;
	s11 =	smov.u32 s15;
	[sflag:s14] =	ssyncadd.s32 @!p1 $0xFFFFE000  }
.LBB2_1:
0x23: {  	p1 =	sge.u32 s12, s8  }
0x24: {  	s14 =	sxor.u32 @!p1 $0xFFFFFFFF, s12  }
0x25: {  	s31 =	sadd.s32 $0xFFFFFFFF, s12;
	s15 =	sshrl.u32 @!p1 s11, $0x3;
	s14 =	sshll.u32 @!p1 s14, $0xD  }
0x26: {  	s16 =	sand.u32 @!p1 $0x7, s11;
	s15 =	sadd.s32 @!p1 s4, s15;
	s14 =	sand.u32 @!p1 $0x2000, s14  }
0x27: {  	[tilespmem:s14], [sflag:$0x2] =	stream.linear.gather @!p1 [hbm4b:s15+s16], $0x2000, $0x38;
	[tilespmem:$0x8000] =	vst v63  }
0x28: {  	p1 =	sge.u32 s31, s8  }
.Ltmp2:
0x29: {  	_ = 	snop;
	(pc) =	sbr.rel @p1 .LBB2_5-.Ltmp2, $1  }
0x2a: {  	_ =	sdelay $0x3  }
0x2b: {  	s14 =	simm.s32 $0x1  }
0x2c: {  	_ =	swait.ge [sflag:s7], $0x2000;
	s14 =	simm.s32 @!p0 $0x0  }
0x2d: {  	[sflag:s7] =	ssyncset.done $0x0;
	s14 =	sshll.u32 s14, $0xD  }
0x2e: {  	[sflag:s7] =	ssyncadd.s32 $0xFFFFE000;
	(ifvalue) =	ssetifvalue $0x7FFFFFFF;
	v0 =	vld.msk [tilespmem:s14+$0x0 ss:$0x1], $0xffff;
	_ =	sdelay $0x4  }
0x2f: {  	s15 =	sadd.s32 $0x10, s14;
	vm1 =	veq.s32 v0, $0x80000000;
	v1 =	vshrl.u32 v0, $0x8  }
0x30: {  	v4 =	vld.msk [tilespmem:s15+$0x0 ss:$0x1], $0xffff;
	v2 =	vshrl.u32 v0, $0x6;
	v3 =	vshll.u32 v0, $0x11;
	v0 =	vshll.u32 v0, $0xB  }
0x31: {  	v3 =	vand.u32 $0x60000, v3;
	v0 =	vand.u32 $0x1E000, v0  }
0x32: {  	v2 =	vand.u32 $0x3, v2;
	v1 =	vand.u32 $0x7FF, v1;
	v0 =	vor.u32 v0, v3  }
0x33: {  	v2 =	vsel vm1, $0xFFFFFFFF, v2;
	v1 =	vsel vm1, $0xFFFFFFFF, v1;
	v0 =	vsel vm1, $0xFFFDE000, v0  }
0x34: {  	v3 =	vand.u32 $0xFFFFE000, v2;
	v5 =	vand.u32 $0x7F, v1;
	v1 =	vshll.u32 v1, $0x2  }
0x35: {  	v2 =	vshll.u32 v2, $0x7;
	vm1 =	veq.s32 v4, $0x80000000;
	v0 =	vadd.s32 v3, v0  }
0x36: {  	v1 =	vand.u32 $0xFFFFFE00, v1;
	v2 =	vand.u32 $0x180, v2;
	v0 =	vor.u32 v5, v0  }
0x37: {  	v3 =	vshll.u32 v4, $0x11;
	v0 =	vadd.s32 v1, v0;
	v1 =	vshrl.u32 v4, $0x8  }
0x38: {  	v0 =	vor.u32 v2, v0;
	v2 =	vshrl.u32 v4, $0x6;
	v4 =	vshll.u32 v4, $0xB  }
0x39: {  	s17 =	sadd.s32 $0x10, s15;
	v3 =	vand.u32 $0x60000, v3;
	v2 =	vand.u32 $0x3, v2;
	v4 =	vand.u32 $0x1E000, v4  }
0x3a: {  	v5 =	vld.msk [tilespmem:s17+$0x0 ss:$0x1], $0xffff;
	v1 =	vand.u32 $0x7FF, v1;
	v2 =	vsel vm1, $0xFFFFFFFF, v2;
	v3 =	vor.u32 v4, v3  }
0x3b: {  	v1 =	vsel vm1, $0xFFFFFFFF, v1;
	v3 =	vsel vm1, $0xFFFDE000, v3;
	v4 =	vand.u32 $0xFFFFE000, v2  }
0x3c: {  	v6 =	vand.u32 $0x7F, v1;
	v1 =	vshll.u32 v1, $0x2;
	v3 =	vadd.s32 v4, v3  }
0x3d: {  	s31 =	sshll.u32 s12, $0xD;
	s14 =	sor.u32 $0x4000, s14;
	(ifvalue) =	ssetifvalue $0x7FFFFFFF;
	v1 =	vand.u32 $0xFFFFFE00, v1;
	v2 =	vshll.u32 v2, $0x7;
	v3 =	vor.u32 v6, v3  }
0x3e: {  	[tilespmem:s14], [sflag:$0x1] =	stream.indirect_vreg.gather [hbm4b:s2+s10], $0x1, v0, vm0, $0x4038;
	v0 =	vand.u32 $0x180, v2;
	v2 =	vadd.s32 v1, v3;
	[tilespmem:$0x8000] =	vst v63  }
0x3f: {  	s15 =	sand.u32 $0x2000, s31;
	vm1 =	veq.s32 v5, $0x80000000;
	v4 =	vshll.u32 v5, $0xB;
	v0 =	vor.u32 v0, v2  }
0x40: {  	s16 =	simm.s32 $0x20;
	s15 =	sor.u32 $0x4000, s15;
	s17 =	sadd.s32 $0x10, s17;
	v1 =	vshrl.u32 v5, $0x8;
	v3 =	vshll.u32 v5, $0x11;
	v2 =	vshrl.u32 v5, $0x6  }
.LBB2_3:
0x41: {  	v5 =	vld.msk [tilespmem:s17+$0x0 ss:$0x1], $0xffff;
	v2 =	vand.u32 $0x3, v2;
	v3 =	vand.u32 $0x60000, v3;
	v4 =	vand.u32 $0x1E000, v4  }
0x42: {  	s16 =	sadd.s32 $0x10, s16;
	v1 =	vand.u32 $0x7FF, v1;
	v2 =	vsel vm1, $0xFFFFFFFF, v2;
	v3 =	vor.u32 v4, v3  }
0x43: {  	s14 =	sadd.s32 $0x10, s14;
	p1 =	slt.u32 s16, $0x1FF0;
	v1 =	vsel vm1, $0xFFFFFFFF, v1;
	v3 =	vsel vm1, $0xFFFDE000, v3;
	v4 =	vand.u32 $0xFFFFE000, v2;
	(ifvalue) =	ssetifvalue $0x7FFFFFFF  }
0x44: {  	[tilespmem:s14], [sflag:$0x1] =	stream.indirect_vreg.gather [hbm4b:s2+s10], $0x1, v0, vm0, $0x4038;
	[tilespmem:$0x8000] =	vst v63  }
.Ltmp3:
0x45: {  	v6 =	vand.u32 $0x7F, v1;
	v1 =	vshll.u32 v1, $0x2;
	v3 =	vadd.s32 v4, v3;
	(pc) =	sbr.rel @p1 .LBB2_3-.Ltmp3, $4  }
0x46: {  	v0 =	vand.u32 $0xFFFFFE00, v1;
	v1 =	vshll.u32 v2, $0x7;
	v2 =	vor.u32 v6, v3  }
0x47: {  	v3 =	vand.u32 $0x180, v1;
	v0 =	vadd.s32 v0, v2  }
0x48: {  	vm1 =	veq.s32 v5, $0x80000000;
	v1 =	vshrl.u32 v5, $0x8;
	v0 =	vor.u32 v3, v0  }
0x49: {  	s17 =	sadd.s32 $0x10, s17;
	v2 =	vshrl.u32 v5, $0x6;
	v4 =	vshll.u32 v5, $0xB;
	v3 =	vshll.u32 v5, $0x11  }
.Ltmp4:
0x4a: {  	_ = 	snop;
	(pc) =	sbr.rel .LBB2_4-.Ltmp4, $1  }
0x4b: {  	_ =	sdelay $0x3  }
.LBB2_6:
0x4c: {  	_ =	sfence.sel $0x180000  }
0x4d: {  	s2 =	simm.s32 $0x2;
	[bflag:$0x0] =	sbarrier.arrive $0xFFFF  }
0x4e: {  	s30 =	simm.s32 $0x3;
	[sflag:s2] =	ssyncpa.u1 $0x1  }
0x4f: {  	s31 =	simm.s32 $0x1;
	[sflag:s30] =	ssyncpa.u1 $0x1  }
0x50: {  	[sflag:s31] =	ssyncpa.u1 $0x1  }
0x51: {  	p0 =	sne.s32 s1, $0x0;
	_ =	strace $0x90000068  }
0x52: {  	s0 =	sadd.s32 @!p0 $0x100000, s0;
	[bflag:$0x2] =	sbarrier.arrive $0xFFFF  }
0x53: {  	[sflag:s0] =	ssyncadd.tile.s32 @!p0 $0x1;
	_ =	shalt  }
.Lfunc_end2:
_tile_overlayer_lowered:
.L_overlay_start_2:
0x54: {  	(tag) =	ssettag $0x2  }
0x55: {  	s0 =	rddreg [dreg:$0x0];
	s2 =	stileid.u32  }
0x56: {  	s1 =	rddreg [dreg:$0x1];
	p0 =	sne.s32 s2, $0x0  }
0x57: {  	s3 =	rddreg [dreg:$0x2];
	[bflag:$0x3] =	sbarrier.arrive $0xFFFF;
	s2 =	simm.s32 @!p0 $0x1C01  }
0x58: {  	[timem:s3], [sflag:s2] =	dma.local @!p0 [hbm:s0], s1  }
0x59: {  	s0 =	simm.s32 @!p0 $0x1  }
0x5a: {  	_ =	swait.ge @!p0 [sflag:s0], s1  }
0x5b: {  	s1 =	ssub.s32 @!p0 $0x0, s1;
	[sflag:s0] =	ssyncset.done @!p0 $0x0  }
0x5c: {  	[sflag:s0] =	ssyncadd.s32 @!p0 s1  }
0x5d: {  	[bflag:$0x3] =	sbarrier.arrive $0xFFFF  }
0x5e: {  	_ =	shalt  }

// kernel: gather_offload_async_start
scs
__scs_entry_jumppad:
0x0: {  	(pc) =	sbr.rel $0x88, $3  }
0x1: {  	(tag) =	ssettag $0x0;
	lr =	simm.s32 $0x1  }
0x2: {  	[smem:$0x3F8C] =	sst lr;
	_ =	strace $0xD0000000  }
0x3: {  	_ = 	snop  }
0x4: {  	_ = 	snop  }
0x5: {  	_ = 	snop  }
0x6: {  	_ = 	snop  }
0x7: {  	_ = 	snop  }
__scs_overlays_trampoline_lowered:
0x8: {  	[smem:$0x3F9B] =	sst s0  }
0x9: {  	[smem:$0x3F9C] =	sst s1  }
0xa: {  	[smem:$0x3F9D] =	sst s2  }
0xb: {  	[smem:$0x3F9E] =	sst s3  }
0xc: {  	[smem:$0x3F9F] =	sst s4  }
0xd: {  	[smem:$0x3FA0] =	sst s5  }
0xe: {  	[smem:$0x3FA1] =	sst s6  }
0xf: {  	[smem:$0x3FA2] =	sst s7  }
0x10: {  	[smem:$0x3FA3] =	sst s8  }
0x11: {  	[smem:$0x3FA4] =	sst s9;
	s0 =	simm.s32 @!p0 $0x0  }
0x12: {  	s1 =	sld [smem:$0x3F8A];
	s0 =	simm.s32 @p0 $0x1  }
0x13: {  	[smem:$0x3FA5] =	sst s0;
	s0 =	simm.s32 @!p1 $0x0  }
0x14: {  	s2 =	sld [smem:$0x3F89];
	s0 =	simm.s32 @p1 $0x1  }
0x15: {  	[smem:$0x3FA6] =	sst s0;
	s0 =	simm.s32 @!p2 $0x0  }
0x16: {  	s3 =	sld [smem:$0x3FDB];
	s0 =	simm.s32 @p2 $0x1  }
0x17: {  	s4 =	simm.s32 $0x1BF5;
	[smem:$0x3FA8] =	sst s0  }
0x18: {  	s0 =	sld [smem:$0x3F8B];
	_ =	swait.ge [sflag:s4], $0x0  }
0x19: {  	s7 =	sld [smem:$0x3F8C]  }
0x1a: {  	s8 =	sadd.s32 $0xFFFFE003, lr  }
0x1b: {  	s9 =	sadd.s32 $0xFFFFFEF7, lr;
	s5 =	simm.s32 $0xFFFFFFFF;
	p2 =	slt.u32 s8, $0xFFFFF086  }
0x1c: {  	p1 =	slt.u32 s9, $0xF7A;
	s5 =	simm.s32 @!p2 $0x0  }
0x1d: {  	s5 =	simm.s32 @p1 $0x1;
	p0 =	seq.s32 s7, s2  }
0x1e: {  	s7 =	smul.u32 @!p0 $0xF7A, s2;
	p2 =	seq.s32 @!p0 s5, $0x0  }
0x1f: {  	s9 =	smul.u32 $0xF7A, s1;
	s8 =	simm.s32 @!p0 $0x1BF5;
	p2 =	por !p2, p0  }
0x20: {  	[sflag:s8] =	ssyncset.s32 @!p0 $0xFFFFF086;
	s6 =	sadd.s32 @!p0 s3, s7;
	s7 =	simm.s32 @!p0 $0x108  }
0x21: {  	s3 =	sadd.s32 s3, s9;
	s6 =	sadd.s32 @!p0 $0x88, s6;
	s7 =	simm.s32 @p2 $0x1082  }
0x22: {  	[simem:s7], [sflag:s8] =	dma.local @!p0 [hbm:s6], $0xF7A  }
0x23: {  	s9 =	sor.u32 $0xD0000000, s2;
	s6 =	simm.s32 $0x108;
	_ =	swait.ge @!p0 [sflag:s8], $0x0  }
0x24: {  	s3 =	sadd.s32 $0x88, s3;
	s6 =	simm.s32 @!p1 $0x1082;
	[sflag:s4] =	ssyncset.s32 $0xFFFFF086  }
0x25: {  	[simem:s6], [sflag:s4] =	dma.local [hbm:s3], $0xF7A  }
0x26: {  	[smem:$0x3F8C] =	sst s1;
	(tag) =	ssettag s2;
	_ =	strace s9  }
0x27: {  	s1 =	sld [smem:$0x3F9C]  }
0x28: {  	s2 =	sld [smem:$0x3F9D]  }
0x29: {  	s4 =	sld [smem:$0x3F9F]  }
0x2a: {  	p0 =	seq.s32 s5, $0x0;
	s5 =	sld [smem:$0x3FA0]  }
0x2b: {  	s6 =	sld [smem:$0x3FA1]  }
0x2c: {  	s7 =	sld [smem:$0x3FA2]  }
0x2d: {  	s3 =	simm.s32 $0x108;
	s8 =	sld [smem:$0x3FA3]  }
0x2e: {  	s3 =	simm.s32 @!p0 $0x1082;
	s9 =	sld [smem:$0x3FA4]  }
0x2f: {  	lr =	sadd.s32 s0, s3;
	s0 =	sld [smem:$0x3F9B]  }
0x30: {  	s3 =	sld [smem:$0x3F9E]  }
0x31: {  	[smem:$0x3FA7] =	sst s10  }
0x32: {  	s10 =	sld [smem:$0x3FA5];
	_ =	sdelay $0x3  }
0x33: {  	p0 =	seq.s32 s10, $0x1;
	s10 =	sld [smem:$0x3FA7];
	_ =	sdelay $0x3  }
0x34: {  	[smem:$0x3FA7] =	sst s10  }
0x35: {  	s10 =	sld [smem:$0x3FA6];
	_ =	sdelay $0x3  }
0x36: {  	p1 =	seq.s32 s10, $0x1;
	s10 =	sld [smem:$0x3FA7];
	_ =	sdelay $0x3  }
0x37: {  	[smem:$0x3FA7] =	sst s10  }
0x38: {  	s10 =	sld [smem:$0x3FA8]  }
0x39: {  	_ = 	snop;
	(pc) =	sbr.ind lr, $3  }
0x3a: {  	_ = 	snop  }
0x3b: {  	_ = 	snop  }
0x3c: {  	p2 =	seq.s32 s10, $0x1;
	s10 =	sld [smem:$0x3FA7]  }
0x3d: {  	_ =	shalt  }
0x3e: {  	_ =	shalt  }
0x3f: {  	_ =	shalt  }
0x40: {  	_ =	shalt  }
0x41: {  	_ =	shalt  }
0x42: {  	_ =	shalt  }
0x43: {  	_ =	shalt  }
0x44: {  	_ =	shalt  }
0x45: {  	_ =	shalt  }
0x46: {  	_ =	shalt  }
0x47: {  	_ =	shalt  }
0x48: {  	_ =	shalt  }
0x49: {  	_ =	shalt  }
0x4a: {  	_ =	shalt  }
0x4b: {  	_ =	shalt  }
0x4c: {  	_ =	shalt  }
0x4d: {  	_ =	shalt  }
0x4e: {  	_ =	shalt  }
0x4f: {  	_ =	shalt  }
0x50: {  	_ =	shalt  }
0x51: {  	_ =	shalt  }
0x52: {  	_ =	shalt  }
0x53: {  	_ =	shalt  }
0x54: {  	_ =	shalt  }
0x55: {  	_ =	shalt  }
0x56: {  	_ =	shalt  }
0x57: {  	_ =	shalt  }
0x58: {  	_ =	shalt  }
0x59: {  	_ =	shalt  }
0x5a: {  	_ =	shalt  }
0x5b: {  	_ =	shalt  }
0x5c: {  	_ =	shalt  }
0x5d: {  	_ =	shalt  }
0x5e: {  	_ =	shalt  }
0x5f: {  	_ =	shalt  }
0x60: {  	_ =	shalt  }
0x61: {  	_ =	shalt  }
0x62: {  	_ =	shalt  }
0x63: {  	_ =	shalt  }
0x64: {  	_ =	shalt  }
0x65: {  	_ =	shalt  }
0x66: {  	_ =	shalt  }
0x67: {  	_ =	shalt  }
0x68: {  	_ =	shalt  }
0x69: {  	_ =	shalt  }
0x6a: {  	_ =	shalt  }
0x6b: {  	_ =	shalt  }
0x6c: {  	_ =	shalt  }
0x6d: {  	_ =	shalt  }
0x6e: {  	_ =	shalt  }
0x6f: {  	_ =	shalt  }
0x70: {  	_ =	shalt  }
0x71: {  	_ =	shalt  }
0x72: {  	_ =	shalt  }
0x73: {  	_ =	shalt  }
0x74: {  	_ =	shalt  }
0x75: {  	_ =	shalt  }
0x76: {  	_ =	shalt  }
0x77: {  	_ =	shalt  }
0x78: {  	_ =	shalt  }
0x79: {  	_ =	shalt  }
0x7a: {  	_ =	shalt  }
0x7b: {  	_ =	shalt  }
0x7c: {  	_ =	shalt  }
0x7d: {  	_ =	shalt  }
0x7e: {  	_ =	shalt  }
0x7f: {  	_ =	shalt  }
0x80: {  	_ =	shalt  }
0x81: {  	_ =	shalt  }
0x82: {  	_ =	shalt  }
0x83: {  	_ =	shalt  }
0x84: {  	_ =	shalt  }
0x85: {  	_ =	shalt  }
0x86: {  	_ =	shalt  }
0x87: {  	_ =	shalt  }
.Lfunc_end0:
.L_simem_size_0:
called_computation.6_lowered:
.L_overlay_start_0:
0x88: {  	s2 =	sld [smem:$0x3FD9]  }
0x89: {  	s3 =	sld [smem:$0x3FFE];
	_ =	sdelay $0x1  }
0x8a: {  	s1 =	srdreg.scid  }
0x8b: {  	s0 =	sand.u32 $0x1, s1  }
0x8c: {  	s17 =	sshll.u32 s0, $0xA;
	s2 =	sadd.s32 s3, s2  }
0x8d: {  	s2 =	sadd.s32 s2, s17  }
0x8e: {  	[smem:$0x3FB3] =	sst s2  }
0x8f: {  	_ = 	snop  }
0x90: {  	(tm) =	ssettm $0x1  }
0x91: {  	s18 =	sld [smem:$0x3FFB];
	_ =	sdelay $0x3  }
0x92: {  	_ =	strace s18  }
0x93: {  	s2 =	sld [smem:$0x3FFC];
	_ =	sdelay $0x3  }
0x94: {  	_ =	strace s2  }
0x95: {  	s2 =	sld [smem:$0x3FFD];
	_ =	sdelay $0x3  }
0x96: {  	_ =	strace s2  }
0x97: {  	_ =	strace $0x8FFFFFFF  }
0x98: {  	s19 =	sld [smem:$0x3FDB];
	_ =	sdelay $0x1  }
0x99: {  	s20 =	simm.s32 $_scs_section_size  }
0x9a: {  	s4 =	simm.s32 $_size__tile_overlayer_lowered;
	s5 =	simm.s32 $_tile_overlayer_lowered  }
0x9b: {  	s6 =	simm.s32 $0x1BFF;
	s21 =	sshll.u32 s5, $0x1;
	s3 =	sadd.s32 s20, s19  }
0x9c: {  	s22 =	simm.s32 $0x0;
	s4 =	sshll.u32 s4, $0x1;
	s5 =	sadd.s32 s21, s3  }
0x9d: {  	[timem:s22], [sflag:s6] =	dma.local [hbm:s5], s4  }
0x9e: {  	_ =	swait.ge [sflag:s6], s4  }
0x9f: {  	s4 =	ssub.s32 $0x0, s4;
	[sflag:s6] =	ssyncset.done $0x0  }
0xa0: {  	[sflag:s6] =	ssyncadd.s32 s4;
	_ =	sdelay $0x1  }
0xa1: {  	s23 =	simm.s32 $0x1B8B  }
0xa2: {  	_ =	swait.ge [sflag:s23], $0x1  }
0xa3: {  	[sflag:s23] =	ssyncset.done $0x0  }
0xa4: {  	[sflag:s23] =	ssyncadd.s32 $0xFFFFFFFF  }
0xa5: {  	s4 =	sld [smem:$0x0]  }
0xa6: {  	s5 =	sand.u32 $0xFFFFFFFE, s1  }
0xa7: {  	p0 =	sne.s32 s1, s5  }
0xa8: {  	s5 =	sshll.u32 @p0 s5, $0xE  }
0xa9: {  	s5 =	sadd.s32 @p0 $0x11B8D, s5;
	s6 =	sshll.u32 @p0 s4, $0x11  }
0xaa: {  	s5 =	sor.u32 @p0 s6, s5  }
0xab: {  	[sflag:s5] =	ssyncadd.remote.s32 @p0 $0x1;
	_ =	sdelay $0x1  }
0xac: {  	s5 =	simm.s32 @p0 $0x1B8D  }
0xad: {  	_ =	swait.eq @p0 [sflag:s5], $0x1  }
0xae: {  	[sflag:s5] =	ssyncadd.s32 @p0 $0xFFFFFFFF  }
0xaf: {  	s6 =	sshll.u32 @!p0 s1, $0xE  }
0xb0: {  	s6 =	sor.u32 @!p0 $0x4000, s6;
	s5 =	simm.s32 @!p0 $0x1B8D  }
0xb1: {  	s4 =	sshll.u32 @!p0 s4, $0x11;
	s6 =	sadd.s32 @!p0 $0x11B8D, s6;
	_ =	swait.eq @!p0 [sflag:s5], $0x1  }
0xb2: {  	s4 =	sor.u32 @!p0 s4, s6;
	[sflag:s5] =	ssyncadd.s32 @!p0 $0xFFFFFFFF  }
0xb3: {  	s25 =	simm.s32 $0x1B8E;
	s24 =	sld [smem:$0x3FFE];
	[sflag:s4] =	ssyncadd.remote.s32 @!p0 $0x1  }
0xb4: {  	s26 =	simm.s32 $execute0_lowered;
	[smem:$0x3FD2] =	sst s25  }
0xb5: {  	s5 =	sshll.u32 s26, $0x1;
	_ =	strace $0x8000004C;
	[dreg:$0x1] =	wrdreg $0xFFFFFFFF  }
0xb6: {  	s28 =	simm.s32 $_size_execute0_lowered;
	s3 =	sadd.s32 s3, s5;
	[dreg:$0x0] =	wrdreg $0x0  }
0xb7: {  	s5 =	sshll.u32 s28, $0x1;
	[dreg:$0x2] =	wrdreg s3  }
0xb8: {  	[dreg:$0x3] =	wrdreg s5  }
0xb9: {  	[dreg:$0x4] =	wrdreg $0xC0  }
0xba: {  	_ =	task [dreg:s22], $0x5FFFF  }
0xbb: {  	[dreg:$0x1] =	wrdreg $0xFFFFFFFF  }
0xbc: {  	[dreg:$0x0] =	wrdreg $0x60  }
0xbd: {  	[dreg:$0x2] =	wrdreg s24  }
0xbe: {  	[dreg:$0x3] =	wrdreg $0xA  }
0xbf: {  	_ =	task.clear_ibuf [dreg:s22], $0x4FFFF;
	_ =	strace $0x9000004C  }
0xc0: {  	s29 =	simm.s32 $0xA;
	_ =	strace $0x8000004E  }
0xc1: {  	_ =	swait.ge [sflag:s29], $0x1  }
0xc2: {  	[sflag:s29] =	ssyncadd.s32 $0xFFFFFFFF  }
0xc3: {  	_ =	strace $0x9000004E  }
0xc4: {  	_ =	sfence  }
0xc5: {  	s30 =	sld [smem:$0x0];
	_ =	sdelay $0x2  }
0xc6: {  	s31 =	sshll.u32 s1, $0xD;
	s1 =	sshrl.u32 s1, $0x2  }
0xc7: {  	s4 =	sand.u32 $0x4000, s31;
	s1 =	sadd.s32 s1, s30  }
0xc8: {  	s0 =	sor.u32 s4, s0;
	s1 =	sshll.u32 s1, $0x11  }
0xc9: {  	s0 =	sor.u32 s1, s0  }
0xca: {  	s0 =	sadd.s32 $0x8F2B, s0  }
0xcb: {  	[sflag:s0] =	ssyncadd.remote.s32 $0x1  }
0xcc: {  	_ =	sfence.sel $0xFFFF  }
0xcd: {  	[dreg:$0x0] =	wrdreg $0xFFFFFFFF;
	(pc) =	sbr.abs _section_cstart, $3  }
0xce: {  	[dreg:$0x1] =	wrdreg $0xFFFFFFFF  }
0xcf: {  	_ =	task.clear_ibuf [dreg:s22], $0x2FFFF;
	_ =	strace $0x9FFFFFFF  }
0xd0: {  	(tm) =	ssettm $0x7FFFFFFF  }
0xd1: {  	_ =	shalt  }
tec
execute0_lowered:
.L_overlay_start_1:
0x0: {  	(tag) =	ssettag $0x1  }
0x1: {  	s8 =	rddreg [dreg:$0x0]  }
0x2: {  	s0 =	rddreg [dreg:$0x1];
	_ =	strace $0x8000004D;
	s1 =	srdreg.scid  }
0x3: {  	s5 =	simm.s32 $0x1;
	s10 =	simm.s32 $0x3;
	p3 =	por $0x0, $0x0  }
0x4: {  	s11 =	simm.s32 $0x80;
	s2 =	sadd.s32 $0x563600, s8;
	s6 =	sshll.u32 s1, $0x4  }
.Ltmp0:
0x5: {  	s1 =	stileid.u32;
	s6 =	sand.u32 $0x10, s6;
	(pc) =	sbr.rel .LBB2_1-.Ltmp0, $4  }
0x6: {  	s3 =	sadd.s32 $0x253600, s8;
	s4 =	sadd.s32 $0xB63600, s8;
	s7 =	sor.u32 s1, s6  }
0x7: {  	[sflag:s5] =	ssyncpa.u1 $0x0;
	s6 =	simm.s32 $0x2;
	s7 =	sshll.u32 s7, $0xE  }
0x8: {  	s8 =	sadd.s32 $0x263600, s8;
	[sflag:s6] =	ssyncpa.u1 $0x0;
	s9 =	sadd.s32 $0x4000, s7  }
0x9: {  	v0 =	vlaneseq.u32;
	[sflag:s10] =	ssyncpa.u1 $0x0;
	s10 =	simm.s32 $0x0;
	s12 =	smov.u32 s7  }
.LBB2_7:
0xa: {  	p0 =	slt.u32 s10, $0x2;
	s10 =	sadd.s32 $0x1, s10  }
0xb: {  	p2 =	sne.s32 s10, $0x42  }
.Ltmp1:
0xc: {  	_ = 	snop;
	(pc) =	sbr.rel @!p2 .LBB2_8-.Ltmp1, $4  }
0xd: {  	s13 =	simm.s32 @!p0 $0x3  }
0xe: {  	s14 =	sadd.s32 $0x100, s12;
	_ =	swait.ge @!p0 [sflag:s13], $0x8000  }
0xf: {  	s12 =	smov.u32 s7;
	p1 =	slt.s32 s14, s9;
	[sflag:s13] =	ssyncset.done @!p0 $0x0  }
0x10: {  	p3 =	por !p3, !p3;
	s12 =	smov.u32 @p1 s14;
	[sflag:s13] =	ssyncadd.s32 @!p0 $0xFFFF8000  }
.LBB2_1:
0x11: {  	p0 =	sgt.u32 s10, $0x3F  }
0x12: {  	s13 =	sxor.u32 @!p0 $0xFFFFFFFF, s10  }
0x13: {  	s14 =	sshrl.u32 @!p0 s12, $0x3;
	s13 =	sshll.u32 @!p0 s13, $0x8  }
0x14: {  	s16 =	sand.u32 @!p0 $0x7, s12;
	s15 =	sadd.s32 @!p0 s3, s14;
	s13 =	sand.u32 @!p0 $0x100, s13  }
0x15: {  	[tilespmem:s13], [sflag:$0x2] =	stream.linear.gather @!p0 [hbm4b:s15+s16], $0x100, $0x38;
	[tilespmem:$0x10400] =	vst v63  }
0x16: {  	s14 =	sadd.s32 @!p0 s8, s14;
	s13 =	sor.u32 @!p0 $0x200, s13  }
0x17: {  	[tilespmem:s13], [sflag:$0x2] =	stream.linear.gather @!p0 [hbm4b:s14+s16], $0x100, $0x38;
	[tilespmem:$0x10400] =	vst v63  }
0x18: {  	p0 =	seq.s32 s10, $0x0  }
0x19: {  	p1 =	seq.s32 @!p0 s10, $0x41  }
0x1a: {  	p0 =	por p0, p1  }
.Ltmp2:
0x1b: {  	_ = 	snop;
	(pc) =	sbr.rel @p0 .LBB2_7-.Ltmp2, $1  }
0x1c: {  	_ =	sdelay $0x3  }
0x1d: {  	p0 =	por $0x0, $0x0;
	s13 =	simm.s32 $0x1  }
0x1e: {  	s13 =	simm.s32 @!p0 $0x2  }
0x1f: {  	v1 =	vmov s13  }
0x20: {  	s14 =	simm.s32 @!p3 $0x0;
	vm0 =	vgt.u32 v1, v0  }
0x21: {  	s14 =	simm.s32 @p3 $0x1  }
0x22: {  	s13 =	simm.s32 $0x1;
	[smem:$0x7FA] =	sst s14  }
0x23: {  	s13 =	simm.s32 @!p3 $0x0;
	_ =	swait.ge [sflag:s6], $0x200  }
0x24: {  	s13 =	sshll.u32 s13, $0x8;
	[sflag:s6] =	ssyncset.done $0x0  }
0x25: {  	[sflag:s6] =	ssyncadd.s32 $0xFFFFFE00;
	s24 =	sadd.s32 $0x0, s13  }
0x26: {  	v1 =	vld.msk [tilespmem:s24+$0x0 ss:$0x1], vm0;
	_ =	sdelay $0x4  }
0x27: {  	p1 =	por $0x0, $0x0;
	s14 =	simm.s32 $0x1;
	(v2sf) =	vpush v1, $0x1  }
0x28: {  	s14 =	simm.s32 @!p1 $0x2;
	(v2sf) =	vpush v1, $0x0  }
0x29: {  	v2 =	vmov s14  }
0x2a: {  	vm0 =	vgt.u32 v2, v0;
	_ =	sdelay $0x4  }
0x2b: {  	p2 =	por $0x0, $0x0;
	s15 =	simm.s32 $0x1;
	s25 =	sadd.s32 $0x1, s13  }
0x2c: {  	s15 =	simm.s32 @!p2 $0x2;
	v2 =	vld.msk [tilespmem:s25+$0x0 ss:$0x1], vm0  }
0x2d: {  	v3 =	vmov s15  }
0x2e: {  	vm0 =	vgt.u32 v3, v0;
	_ =	sdelay $0x1  }
0x2f: {  	p0 =	por p0, p0  }
0x30: {  	p0 =	por p0, p0;
	(v2sf) =	vpush v2, $0x1  }
0x31: {  	p0 =	por p0, p0;
	(v2sf) =	vpush v2, $0x0;
	s14 =	spop (v2sf)  }
0x32: {  	s26 =	sadd.s32 $0x2, s13;
	s14 =	simm.s32 @p0 $0xFFFFFFFF;
	s16 =	spop (v2sf)  }
0x33: {  	v4 =	vld.msk [tilespmem:s26+$0x0 ss:$0x1], vm0;
	p0 =	seq.s32 s16, s14  }
0x34: {  	v3 =	vshrl.u32 @!p0 v1, $0x6  }
0x35: {  	vm0 =	veq.s32 @!p0 v1, $0x80000000;
	v3 =	vand.u32 @!p0 $0x7FF, v3  }
0x36: {  	v3 =	vsel @!p0 vm0, $0xFFFFFFFF, v3  }
0x37: {  	s28 =	sand.u32 $0x1, s10;
	p4 =	por $0x0, $0x0;
	v5 =	vshll.u32 @!p0 v1, $0x16;
	v1 =	vshll.u32 @!p0 v1, $0x10;
	(v2sf) =	vpush @!p0 v3, $0x0  }
0x38: {  	s20 =	simm.s32 $0x14;
	p6 =	por $0x0, $0x0;
	p2 =	por p2, p2;
	v5 =	vand.u32 @!p0 $0xC00000, v5;
	v1 =	vand.u32 @!p0 $0x3C0000, v1;
	(v2sf) =	vpush v4, $0x1  }
0x39: {  	s22 =	simm.s32 $0x18;
	p2 =	por p2, p2;
	p1 =	por p1, p1;
	v1 =	vor.u32 @!p0 v1, v5  }
0x3a: {  	p5 =	por p2, p2;
	p1 =	por p1, p1;
	s16 =	simm.s32 $0x1;
	v1 =	vsel @!p0 vm0, $0xFFBC0000, v1;
	(v2sf) =	vpush v4, $0x0  }
0x3b: {  	s15 =	sor.u32 $0x200, s13;
	p1 =	por p1, p1;
	s16 =	simm.s32 @!p4 $0x2;
	(v2sf) =	vpush @!p0 v1, $0x0  }
0x3c: {  	s29 =	sadd.s32 $0x3, s13;
	s31 =	sadd.s32 $0x4, s13;
	s14 =	sshll.u32 s28, $0xF;
	v1 =	vmov s16  }
0x3d: {  	s14 =	sor.u32 $0x400, s14;
	s19 =	simm.s32 @!p0 $0x1;
	p4 =	por p4, p4;
	vm0 =	vgt.u32 v1, v0  }
0x3e: {  	p3 =	por p0, p0;
	s18 =	sadd.s32 @!p0 $0x0, s14;
	p2 =	por p4, p4  }
0x3f: {  	p4 =	por p3, p3;
	s23 =	simm.s32 @!p2 $0x0;
	s17 =	spop (v2sf)  }
0x40: {  	s17 =	simm.s32 @p1 $0xFFFFFFFF;
	s21 =	spop (v2sf);
	s16 =	simm.s32 $0x0  }
0x41: {  	p1 =	seq.s32 s21, s17;
	s21 =	simm.s32 $0x1;
	s19 =	smov.u32 @p3 s16  }
0x42: {  	s23 =	simm.s32 @p2 $0x1;
	s21 =	simm.s32 @!p6 $0x2;
	s17 =	sshll.u32 @!p1 s19, $0x9  }
0x43: {  	p2 =	por p6, p6;
	v6 =	vmov s21;
	s21 =	simm.s32 @!p3 $0x80;
	s16 =	sshra.s32 @!p1 s17, $0x2;
	v1 =	vld.msk [tilespmem:s29+$0x0 ss:$0x1], vm0  }
0x44: {  	v3 =	vshrl.u32 @!p1 v2, $0x6;
	s17 =	sadd.s32 @!p1 s16, s14;
	[smem:$0x7FB] =	sst s23;
	s23 =	simm.s32 @!p2 $0x0  }
0x45: {  	v5 =	vshll.u32 @!p1 v2, $0x16;
	v3 =	vand.u32 @!p1 $0x7FF, v3;
	s16 =	sadd.s32 @!p1 $0x1, s19;
	vm0 =	veq.s32 @!p1 v2, $0x80000000;
	s23 =	simm.s32 @p2 $0x1;
	p2 =	por p1, p1  }
0x46: {  	v5 =	vand.u32 @!p1 $0xC00000, v5;
	v2 =	vshll.u32 @!p1 v2, $0x10;
	v3 =	vsel @!p1 vm0, $0xFFFFFFFF, v3;
	[smem:$0x7FC] =	sst s23;
	s24 =	simm.s32 @!p2 $0x0;
	s23 =	spop @!p0 (v2sf)  }
0x47: {  	vm1 =	vgt.u32 v6, v0;
	v2 =	vand.u32 @!p1 $0x3C0000, v2;
	s16 =	smov.u32 @p2 s19;
	s24 =	simm.s32 @p2 $0x1;
	(v2sf) =	vpush @!p1 v3, $0x0;
	s19 =	spop (v2sf)  }
0x48: {  	v2 =	vor.u32 @!p1 v2, v5;
	[smem:$0x7FD] =	sst s24;
	(v2sf) =	vpush v1, $0x1;
	s23 =	sshll.u32 @!p4 s23, $0x7;
	s19 =	simm.s32 @p5 $0xFFFFFFFF  }
0x49: {  	v2 =	vsel @!p1 vm0, $0xFFBC0000, v2;
	s30 =	spop (v2sf);
	(v2sf) =	vpush v1, $0x0;
	s25 =	sand.u32 @!p4 $0xFFFFFC00, s23;
	s23 =	sand.u32 @!p4 $0x380, s23  }
0x4a: {  	p6 =	seq.s32 s30, s19;
	s19 =	spop @!p0 (v2sf);
	(v2sf) =	vpush @!p1 v2, $0x0;
	p0 =	por $0x0, $0x0  }
0x4b: {  	s19 =	sadd.s32 @!p4 s19, s25;
	vm0 =	veq.s32 @!p6 v4, $0x80000000;
	v2 =	vshrl.u32 @!p6 v4, $0x6;
	v3 =	vshll.u32 @!p6 v4, $0x16;
	s24 =	sshll.u32 @!p6 s16, $0x9;
	s25 =	simm.s32 $0x1  }
0x4c: {  	v4 =	vshll.u32 @!p6 v4, $0x10;
	s26 =	sor.u32 @!p4 s23, s19;
	s25 =	simm.s32 @!p0 $0x2;
	v5 =	vand.u32 @!p6 $0x7FF, v2;
	v3 =	vand.u32 @!p6 $0xC00000, v3;
	s23 =	sshra.s32 @!p6 s24, $0x2  }
0x4d: {  	v2 =	vld.msk [tilespmem:s31+$0x0 ss:$0x1], vm1;
	v4 =	vand.u32 @!p6 $0x3C0000, v4;
	s19 =	sadd.s32 @!p6 $0x1, s16;
	v6 =	vmov s25;
	v5 =	vsel @!p6 vm0, $0xFFFFFFFF, v5;
	s23 =	sadd.s32 @!p6 s23, s14;
	s24 =	sshrl.u32 @!p4 s26, $0x3  }
.LBB2_3:
0x4e: {  	p5 =	por p1, p1  }
0x4f: {  	s25 =	smov.u32 s16;
	p1 =	por p6, p6;
	s26 =	sld [smem:$0x7FB]  }
0x50: {  	s16 =	sadd.s32 @!p4 s2, s24;
	s31 =	smov.u32 s20;
	s28 =	sld [smem:$0x7FC]  }
0x51: {  	s20 =	smov.u32 s22;
	s22 =	sadd.s32 $0x4, s22;
	s29 =	sld [smem:$0x7FD]  }
0x52: {  	[tilespmem:s18], [sflag:$0x1] =	stream.strided.gather @!p4 [hbm:s16], $0x80, s21, s21, $0x38;
	[tilespmem:$0x10400] =	vst v63  }
0x53: {  	s18 =	smov.u32 s17;
	s17 =	smov.u32 s23;
	s30 =	sshra.s32 s31, $0x2  }
0x54: {  	s16 =	smov.u32 s19;
	p2 =	seq.s32 s26, $0x1;
	p3 =	seq.s32 s28, $0x1  }
0x55: {  	v3 =	vor.u32 @!p6 v4, v3;
	(v2sf) =	vpush @!p6 v5, $0x0;
	s23 =	sadd.s32 s30, s13;
	p6 =	por p2, p2;
	p2 =	por p3, p3  }
0x56: {  	p3 =	por p0, p0;
	p0 =	seq.s32 s29, $0x1;
	s26 =	simm.s32 @!p2 $0x0  }
0x57: {  	s21 =	simm.s32 @!p0 $0x80;
	p4 =	por p0, p0;
	p0 =	por p1, p1  }
0x58: {  	s26 =	simm.s32 @p2 $0x1;
	s19 =	simm.s32 @!p0 $0x0;
	s16 =	smov.u32 @p0 s25  }
0x59: {  	vm1 =	vgt.u32 v6, v0;
	[smem:$0x7FB] =	sst s26;
	s26 =	simm.s32 @!p3 $0x0;
	s19 =	simm.s32 @p0 $0x1  }
0x5a: {  	p0 =	seq.s32 s20, $0x3FC;
	[smem:$0x7FD] =	sst s19;
	s19 =	spop @!p5 (v2sf)  }
0x5b: {  	s26 =	simm.s32 @p3 $0x1;
	p3 =	sne.s32 s22, $0x400;
	s19 =	sshll.u32 @!p4 s19, $0x7  }
0x5c: {  	(v2sf) =	vpush v2, $0x1;
	v4 =	vmov v2;
	[smem:$0x7FC] =	sst s26;
	s24 =	spop (v2sf);
	s25 =	sand.u32 @!p4 $0xFFFFFC00, s19  }
.Ltmp3:
0x5d: {  	v3 =	vsel @!p1 vm0, $0xFFBC0000, v3;
	(v2sf) =	vpush v4, $0x0;
	s24 =	simm.s32 @p6 $0xFFFFFFFF;
	s31 =	spop (v2sf);
	(pc) =	sbr.rel @p3 .LBB2_3-.Ltmp3, $4  }
0x5e: {  	(v2sf) =	vpush @!p1 v3, $0x0;
	s19 =	sand.u32 @!p4 $0x380, s19;
	s26 =	spop @!p5 (v2sf);
	p6 =	seq.s32 s31, s24  }
0x5f: {  	v2 =	vld.msk [tilespmem:s23+$0x0 ss:$0x1], vm1;
	vm0 =	veq.s32 @!p6 v1, $0x80000000;
	v3 =	vshrl.u32 @!p6 v1, $0x6;
	v5 =	vshll.u32 @!p6 v1, $0x16;
	s23 =	sshll.u32 @!p6 s16, $0x9;
	s24 =	sadd.s32 @!p4 s26, s25;
	s25 =	simm.s32 $0x1  }
0x60: {  	v8 =	vshll.u32 @!p6 v1, $0x10;
	s25 =	simm.s32 @!p0 $0x2;
	v7 =	vand.u32 @!p6 $0x7FF, v3;
	v3 =	vand.u32 @!p6 $0xC00000, v5;
	s23 =	sshra.s32 @!p6 s23, $0x2;
	s24 =	sor.u32 @!p4 s19, s24  }
0x61: {  	v1 =	vmovc v4;
	v4 =	vand.u32 @!p6 $0x3C0000, v8;
	s19 =	sadd.s32 @!p6 $0x1, s16;
	v6 =	vmov s25;
	v5 =	vsel @!p6 vm0, $0xFFFFFFFF, v7;
	s23 =	sadd.s32 @!p6 s23, s14;
	s24 =	sshrl.u32 @!p4 s24, $0x3  }
0x62: {  	_ =	sdelay $0x4  }
0x63: {  	vm1 =	vgt.u32 v6, v0;
	s25 =	sld [smem:$0x7FB];
	_ =	sdelay $0x1  }
0x64: {  	(v2sf) =	vpush @!p6 v5, $0x0  }
0x65: {  	(v2sf) =	vpush v2, $0x1;
	s22 =	spop @!p1 (v2sf);
	p2 =	seq.s32 s25, $0x1  }
0x66: {  	s20 =	sshra.s32 s20, $0x2;
	(v2sf) =	vpush v2, $0x0;
	p3 =	por p2, p2;
	s25 =	spop (v2sf)  }
0x67: {  	s20 =	sadd.s32 s20, s13;
	s25 =	simm.s32 @p3 $0xFFFFFFFF;
	s26 =	spop (v2sf)  }
0x68: {  	v5 =	vld.msk [tilespmem:s20+$0x0 ss:$0x1], vm1;
	p5 =	seq.s32 s26, s25  }
0x69: {  	v3 =	vor.u32 @!p6 v4, v3;
	v4 =	vshrl.u32 @!p5 v1, $0x6  }
0x6a: {  	v3 =	vsel @!p6 vm0, $0xFFBC0000, v3;
	vm0 =	veq.s32 @!p5 v1, $0x80000000;
	v4 =	vand.u32 @!p5 $0x7FF, v4  }
0x6b: {  	s20 =	sadd.s32 @!p4 s2, s24;
	(v2sf) =	vpush @!p6 v3, $0x0;
	v3 =	vsel @!p5 vm0, $0xFFFFFFFF, v4  }
0x6c: {  	[tilespmem:s18], [sflag:$0x1] =	stream.strided.gather @!p4 [hbm:s20], $0x80, s21, s21, $0x38;
	(v2sf) =	vpush @!p5 v3, $0x0;
	[tilespmem:$0x10400] =	vst v63  }
0x6d: {  	s18 =	sld [smem:$0x7FD];
	(v2sf) =	vpush v5, $0x1  }
0x6e: {  	(v2sf) =	vpush v5, $0x0  }
0x6f: {  	s21 =	sld [smem:$0x7FC]  }
0x70: {  	p2 =	seq.s32 s18, $0x1;
	v3 =	vshll.u32 @!p5 v1, $0x16;
	v1 =	vshll.u32 @!p5 v1, $0x10  }
0x71: {  	p3 =	por p2, p2;
	v3 =	vand.u32 @!p5 $0xC00000, v3;
	v1 =	vand.u32 @!p5 $0x3C0000, v1  }
0x72: {  	p4 =	seq.s32 s21, $0x1;
	s20 =	spop @!p1 (v2sf);
	s18 =	sshll.u32 @!p3 s22, $0x7;
	v1 =	vor.u32 @!p5 v1, v3  }
0x73: {  	p4 =	por p4, p4;
	s21 =	sand.u32 @!p3 $0xFFFFFC00, s18;
	s22 =	spop @!p6 (v2sf);
	v1 =	vsel @!p5 vm0, $0xFFBC0000, v1  }
0x74: {  	p1 =	por p4, p4;
	s20 =	sadd.s32 @!p3 s20, s21;
	s21 =	spop (v2sf);
	(v2sf) =	vpush @!p5 v1, $0x0  }
0x75: {  	s18 =	sand.u32 @!p3 $0x380, s18;
	s21 =	simm.s32 @p1 $0xFFFFFFFF;
	s24 =	spop (v2sf)  }
0x76: {  	s18 =	sor.u32 @!p3 s18, s20;
	p1 =	seq.s32 s24, s21  }
0x77: {  	s20 =	simm.s32 @!p2 $0x80;
	p2 =	por p6, p6;
	s18 =	sshrl.u32 @!p3 s18, $0x3;
	vm0 =	veq.s32 @!p1 v2, $0x80000000;
	v1 =	vshrl.u32 @!p1 v2, $0x6  }
0x78: {  	p0 =	por p0, p0;
	p4 =	por p2, p2;
	s18 =	sadd.s32 @!p3 s2, s18;
	v3 =	vshll.u32 @!p1 v2, $0x16;
	v2 =	vshll.u32 @!p1 v2, $0x10;
	v1 =	vand.u32 @!p1 $0x7FF, v1  }
0x79: {  	[tilespmem:s17], [sflag:$0x1] =	stream.strided.gather @!p3 [hbm:s18], $0x80, s20, s20, $0x38;
	v3 =	vand.u32 @!p1 $0xC00000, v3;
	v2 =	vand.u32 @!p1 $0x3C0000, v2;
	v1 =	vsel @!p1 vm0, $0xFFFFFFFF, v1;
	[tilespmem:$0x10400] =	vst v63  }
0x7a: {  	p0 =	por p0, p0;
	s17 =	sshll.u32 @!p4 s22, $0x7;
	v2 =	vor.u32 @!p1 v2, v3;
	(v2sf) =	vpush @!p1 v1, $0x0;
	s18 =	spop @!p6 (v2sf)  }
0x7b: {  	p0 =	por p0, p0;
	s20 =	sand.u32 @!p4 $0xFFFFFC00, s17;
	v1 =	vsel @!p1 vm0, $0xFFBC0000, v2;
	s21 =	spop @!p5 (v2sf)  }
0x7c: {  	s17 =	sand.u32 @!p4 $0x380, s17;
	(v2sf) =	vpush @!p1 v1, $0x0;
	s18 =	sadd.s32 @!p4 s18, s20;
	s20 =	spop (v2sf)  }
0x7d: {  	s17 =	sor.u32 @!p4 s17, s18;
	s20 =	simm.s32 @p0 $0xFFFFFFFF;
	s25 =	spop (v2sf)  }
0x7e: {  	s17 =	sshrl.u32 @!p4 s17, $0x3;
	p0 =	seq.s32 s25, s20  }
0x7f: {  	p3 =	por p5, p5;
	s18 =	simm.s32 @!p2 $0x80;
	s17 =	sadd.s32 @!p4 s2, s17;
	vm0 =	veq.s32 @!p0 v5, $0x80000000;
	v1 =	vshrl.u32 @!p0 v5, $0x6  }
0x80: {  	[tilespmem:s23], [sflag:$0x1] =	stream.strided.gather @!p4 [hbm:s17], $0x80, s18, s18, $0x38;
	v2 =	vshll.u32 @!p0 v5, $0x16;
	v3 =	vshll.u32 @!p0 v5, $0x10;
	v1 =	vand.u32 @!p0 $0x7FF, v1;
	[tilespmem:$0x10400] =	vst v63  }
0x81: {  	p4 =	por p3, p3;
	v2 =	vand.u32 @!p0 $0xC00000, v2;
	v3 =	vand.u32 @!p0 $0x3C0000, v3;
	v1 =	vsel @!p0 vm0, $0xFFFFFFFF, v1  }
0x82: {  	s17 =	sshll.u32 @!p4 s21, $0x7;
	v2 =	vor.u32 @!p0 v3, v2;
	(v2sf) =	vpush @!p0 v1, $0x0  }
0x83: {  	s19 =	smov.u32 @p2 s16;
	s16 =	sand.u32 @!p4 $0xFFFFFC00, s17;
	s18 =	spop @!p5 (v2sf);
	v1 =	vsel @!p0 vm0, $0xFFBC0000, v2  }
0x84: {  	s17 =	sand.u32 @!p4 $0x380, s17;
	s16 =	sadd.s32 @!p4 s18, s16;
	(v2sf) =	vpush @!p0 v1, $0x0  }
0x85: {  	s20 =	sshll.u32 @!p5 s19, $0x9;
	s16 =	sor.u32 @!p4 s17, s16  }
0x86: {  	p2 =	por p1, p1;
	s18 =	sshra.s32 @!p5 s20, $0x2;
	s16 =	sshrl.u32 @!p4 s16, $0x3  }
0x87: {  	s17 =	sadd.s32 @!p5 s18, s14;
	s18 =	simm.s32 @!p3 $0x80;
	s16 =	sadd.s32 @!p4 s2, s16  }
0x88: {  	[tilespmem:s17], [sflag:$0x1] =	stream.strided.gather @!p4 [hbm:s16], $0x80, s18, s18, $0x38;
	[tilespmem:$0x10400] =	vst v63  }
0x89: {  	p4 =	por p2, p2;
	s16 =	spop @!p1 (v2sf)  }
0x8a: {  	s17 =	sadd.s32 @!p5 $0x1, s19;
	s16 =	sshll.u32 @!p4 s16, $0x7  }
0x8b: {  	s17 =	smov.u32 @p3 s19;
	s19 =	spop @!p1 (v2sf);
	s18 =	sand.u32 @!p4 $0xFFFFFC00, s16  }
0x8c: {  	s16 =	sand.u32 @!p4 $0x380, s16;
	s18 =	sadd.s32 @!p4 s19, s18  }
0x8d: {  	s20 =	sshll.u32 @!p1 s17, $0x9;
	s16 =	sor.u32 @!p4 s16, s18  }
0x8e: {  	p3 =	por p0, p0;
	s19 =	sshra.s32 @!p1 s20, $0x2;
	s16 =	sshrl.u32 @!p4 s16, $0x3  }
0x8f: {  	s18 =	sadd.s32 @!p1 s19, s14;
	s19 =	simm.s32 @!p2 $0x80;
	s16 =	sadd.s32 @!p4 s2, s16  }
0x90: {  	[tilespmem:s18], [sflag:$0x1] =	stream.strided.gather @!p4 [hbm:s16], $0x80, s19, s19, $0x38;
	[tilespmem:$0x10400] =	vst v63  }
0x91: {  	p4 =	por p3, p3;
	s18 =	sadd.s32 @!p1 $0x1, s17;
	s16 =	spop @!p0 (v2sf)  }
0x92: {  	s18 =	smov.u32 @p2 s17;
	s16 =	sshll.u32 @!p4 s16, $0x7  }
0x93: {  	s20 =	sshll.u32 @!p0 s18, $0x9;
	s19 =	spop @!p0 (v2sf);
	s17 =	sand.u32 @!p4 $0xFFFFFC00, s16  }
0x94: {  	s16 =	sand.u32 @!p4 $0x380, s16;
	s17 =	sadd.s32 @!p4 s19, s17;
	s19 =	sshra.s32 @!p0 s20, $0x2  }
0x95: {  	s16 =	sor.u32 @!p4 s16, s17;
	s17 =	sadd.s32 @!p0 s19, s14;
	s19 =	sadd.s32 @!p0 $0x1, s18  }
0x96: {  	s16 =	sshrl.u32 @!p4 s16, $0x3;
	s19 =	smov.u32 @p3 s18  }
0x97: {  	s18 =	simm.s32 @!p3 $0x80;
	s16 =	sadd.s32 @!p4 s2, s16;
	s26 =	sshll.u32 s19, $0x7  }
0x98: {  	[tilespmem:s17], [sflag:$0x1] =	stream.strided.gather @!p4 [hbm:s16], $0x80, s18, s18, $0x38;
	[tilespmem:$0x10400] =	vst v63  }
0x99: {  	s16 =	sand.u32 $0x3FFFFF80, s26  }
0x9a: {  	_ =	swait.ge [sflag:s5], s16  }
0x9b: {  	s16 =	ssub.s32 $0x0, s16;
	[sflag:s5] =	ssyncset.done $0x0  }
0x9c: {  	s28 =	sadd.s32 $0x0, s15;
	[sflag:s5] =	ssyncadd.s32 s16  }
0x9d: {  	v1 =	vld.msk [tilespmem:s28+$0x0 ss:$0x1], $0x1;
	_ =	sdelay $0x4  }
0x9e: {  	(v2sf) =	vpush v1, $0x0;
	_ =	sdelay $0xa  }
0x9f: {  	p0 =	por $0x0, $0x0;
	s16 =	simm.s32 $0x1  }
0xa0: {  	s16 =	simm.s32 @!p0 $0x2  }
0xa1: {  	v1 =	vmov s16  }
0xa2: {  	vm15 =	vgt.u32 v1, v0  }
0xa3: {  	s29 =	spop (v2sf)  }
0xa4: {  	s16 =	sshll.u32 s29, $0x4  }
0xa5: {  	s16 =	sand.u32 $0x1FFFFFF0, s16  }
0xa6: {  	s30 =	sadd.s32 $0x0, s14;
	s31 =	sadd.s32 $0x0, s13;
	s16 =	sadd.s32 s4, s16  }
0xa7: {  	[hbm:s16] =	stream.strided.scatter [tilespmem:s30], [sflag:$0x3], $0x80, s11, s11, $0x38;
	[tilespmem:$0x10400] =	vst v63  }
0xa8: {  	s19 =	simm.s32 $0x8;
	s18 =	simm.s32 $0x4;
	v1 =	vld.msk [tilespmem:s31+$0x0 ss:$0x1], vm15  }
0xa9: {  	s17 =	simm.s32 $0x1;
	p0 =	por p0, p0;
	s16 =	simm.s32 $0x0  }
.LBB2_5:
0xaa: {  	p1 =	sne.s32 s19, $0x3FC;
	s20 =	sadd.s32 s17, s15  }
0xab: {  	v2 =	vld.msk [tilespmem:s20+$0x0 ss:$0x1], $0x1;
	_ =	sdelay $0x1  }
0xac: {  	(v2sf) =	vpush v1, $0x1  }
0xad: {  	(v2sf) =	vpush v1, $0x0;
	_ =	sdelay $0x2  }
0xae: {  	(v2sf) =	vpush v2, $0x0;
	_ =	sdelay $0x9  }
0xaf: {  	p2 =	seq.s32 s18, $0x3FC;
	s18 =	smov.u32 s19;
	s20 =	simm.s32 $0x1  }
0xb0: {  	s20 =	simm.s32 @!p2 $0x2;
	s21 =	spop (v2sf)  }
0xb1: {  	s21 =	simm.s32 @p0 $0xFFFFFFFF;
	s22 =	spop (v2sf);
	p0 =	por p2, p2  }
0xb2: {  	v1 =	vmov s20;
	s20 =	simm.s32 $0x1;
	p2 =	sne.s32 s22, s21  }
0xb3: {  	vm0 =	vgt.u32 v1, v0;
	s20 =	simm.s32 @!p2 $0x0  }
0xb4: {  	s21 =	spop (v2sf);
	s16 =	sadd.s32 s20, s16  }
0xb5: {  	s20 =	sshll.u32 s21, $0x4;
	s21 =	sshll.u32 s16, $0x9  }
0xb6: {  	s17 =	sadd.s32 s17, s13;
	s20 =	sand.u32 $0x1FFFFFF0, s20;
	s21 =	sshra.s32 s21, $0x2  }
.Ltmp4:
0xb7: {  	s21 =	sadd.s32 s21, s14;
	s20 =	sadd.s32 s4, s20;
	(pc) =	sbr.rel @p1 .LBB2_5-.Ltmp4, $3  }
0xb8: {  	[hbm:s20] =	stream.strided.scatter [tilespmem:s21], [sflag:$0x3], $0x80, s11, s11, $0x38;
	[tilespmem:$0x10400] =	vst v63  }
0xb9: {  	v1 =	vld.msk [tilespmem:s17+$0x0 ss:$0x1], vm0;
	_ =	sdelay $0x1  }
0xba: {  	s19 =	sadd.s32 $0x4, s19;
	s17 =	sshra.s32 s18, $0x2  }
0xbb: {  	s15 =	sadd.s32 s17, s15  }
0xbc: {  	v2 =	vld.msk [tilespmem:s15+$0x0 ss:$0x1], $0x1  }
0xbd: {  	(v2sf) =	vpush v1, $0x1  }
0xbe: {  	(v2sf) =	vpush v1, $0x0;
	_ =	sdelay $0x2  }
0xbf: {  	(v2sf) =	vpush v2, $0x0;
	_ =	sdelay $0xa  }
0xc0: {  	p1 =	seq.s32 s18, $0x3FC;
	s15 =	simm.s32 $0x1;
	s18 =	spop (v2sf)  }
0xc1: {  	s15 =	simm.s32 @!p1 $0x2;
	s18 =	simm.s32 @p0 $0xFFFFFFFF;
	s19 =	spop (v2sf)  }
0xc2: {  	v1 =	vmov s15;
	s15 =	simm.s32 $0x1;
	p0 =	sne.s32 s19, s18  }
0xc3: {  	vm0 =	vgt.u32 v1, v0;
	s15 =	simm.s32 @!p0 $0x0  }
0xc4: {  	s26 =	spop (v2sf);
	s15 =	sadd.s32 s15, s16  }
0xc5: {  	s28 =	sshll.u32 s26, $0x4;
	s15 =	sshll.u32 s15, $0x9  }
0xc6: {  	s16 =	sand.u32 $0x1FFFFFF0, s28;
	s15 =	sshra.s32 s15, $0x2  }
0xc7: {  	s13 =	sadd.s32 s17, s13;
	s14 =	sadd.s32 s15, s14;
	s29 =	sadd.s32 s4, s16  }
0xc8: {  	[hbm:s29] =	stream.strided.scatter [tilespmem:s14], [sflag:$0x3], $0x80, s11, s11, $0x38;
	[tilespmem:$0x10400] =	vst v63  }
0xc9: {  	v1 =	vld.msk [tilespmem:s13+$0x0 ss:$0x1], vm0;
	_ =	sdelay $0x4  }
0xca: {  	(v2sf) =	vpush v1, $0x1  }
0xcb: {  	(v2sf) =	vpush v1, $0x0;
	_ =	sdelay $0xa  }
.Ltmp5:
0xcc: {  	_ = 	snop;
	(pc) =	sbr.rel .LBB2_7-.Ltmp5, $3  }
0xcd: {  	s13 =	sld [smem:$0x7FA];
	_ =	sdelay $0x1  }
0xce: {  	s30 =	spop (v2sf)  }
0xcf: {  	p3 =	seq.s32 s13, $0x1;
	s31 =	spop (v2sf)  }
.LBB2_8:
0xd0: {  	_ =	sfence.sel $0x180000  }
0xd1: {  	s2 =	simm.s32 $0x2;
	[bflag:$0x0] =	sbarrier.arrive $0xFFFF  }
0xd2: {  	s30 =	simm.s32 $0x3;
	[sflag:s2] =	ssyncpa.u1 $0x1  }
0xd3: {  	s31 =	simm.s32 $0x1;
	[sflag:s30] =	ssyncpa.u1 $0x1  }
0xd4: {  	[sflag:s31] =	ssyncpa.u1 $0x1  }
0xd5: {  	p0 =	sne.s32 s1, $0x0;
	_ =	strace $0x9000004D  }
0xd6: {  	s0 =	sadd.s32 @!p0 $0x100000, s0;
	[bflag:$0x2] =	sbarrier.arrive $0xFFFF  }
0xd7: {  	[sflag:s0] =	ssyncadd.tile.s32 @!p0 $0x1;
	_ =	shalt  }
.Lfunc_end2:
_tile_overlayer_lowered:
.L_overlay_start_2:
0xd8: {  	(tag) =	ssettag $0x2  }
0xd9: {  	s0 =	rddreg [dreg:$0x0];
	s2 =	stileid.u32  }
0xda: {  	s1 =	rddreg [dreg:$0x1];
	p0 =	sne.s32 s2, $0x0  }
0xdb: {  	s3 =	rddreg [dreg:$0x2];
	[bflag:$0x3] =	sbarrier.arrive $0xFFFF;
	s2 =	simm.s32 @!p0 $0x1C01  }
0xdc: {  	[timem:s3], [sflag:s2] =	dma.local @!p0 [hbm:s0], s1  }
0xdd: {  	s0 =	simm.s32 @!p0 $0x1  }
0xde: {  	_ =	swait.ge @!p0 [sflag:s0], s1  }
0xdf: {  	s1 =	ssub.s32 @!p0 $0x0, s1;
	[sflag:s0] =	ssyncset.done @!p0 $0x0  }
0xe0: {  	[sflag:s0] =	ssyncadd.s32 @!p0 s1  }
0xe1: {  	[bflag:$0x3] =	sbarrier.arrive $0xFFFF  }
0xe2: {  	_ =	shalt  }

// kernel: sparse-core-data-format-call.1.cloned.1.call-start
scs
called_computation.1_lowered:
.L_overlay_start_0:
0x0: {  	s2 =	sld [smem:$0x3FD9]  }
0x1: {  	s3 =	sld [smem:$0x3FFE];
	_ =	sdelay $0x1  }
0x2: {  	s1 =	srdreg.scid  }
0x3: {  	s0 =	sand.u32 $0x1, s1  }
0x4: {  	s18 =	sshll.u32 s0, $0xA;
	s2 =	sadd.s32 s3, s2  }
0x5: {  	s2 =	sadd.s32 s2, s18  }
0x6: {  	[smem:$0x3FB3] =	sst s2  }
0x7: {  	_ = 	snop  }
0x8: {  	(tm) =	ssettm $0x1  }
0x9: {  	s19 =	sld [smem:$0x3FFB];
	_ =	sdelay $0x3  }
0xa: {  	_ =	strace s19  }
0xb: {  	s2 =	sld [smem:$0x3FFC];
	_ =	sdelay $0x3  }
0xc: {  	_ =	strace s2  }
0xd: {  	s2 =	sld [smem:$0x3FFD];
	_ =	sdelay $0x3  }
0xe: {  	_ =	strace s2  }
0xf: {  	_ =	strace $0x8FFFFFFF  }
0x10: {  	s20 =	sld [smem:$0x3FDB];
	_ =	sdelay $0x1  }
0x11: {  	s21 =	simm.s32 $_scs_section_size  }
0x12: {  	s4 =	simm.s32 $_size__tile_overlayer_lowered;
	s5 =	simm.s32 $_tile_overlayer_lowered  }
0x13: {  	s6 =	simm.s32 $0x1BFF;
	s22 =	sshll.u32 s5, $0x1;
	s3 =	sadd.s32 s21, s20  }
0x14: {  	s23 =	simm.s32 $0x0;
	s4 =	sshll.u32 s4, $0x1;
	s5 =	sadd.s32 s22, s3  }
0x15: {  	[timem:s23], [sflag:s6] =	dma.local [hbm:s5], s4  }
0x16: {  	_ =	swait.ge [sflag:s6], s4  }
0x17: {  	s4 =	ssub.s32 $0x0, s4;
	[sflag:s6] =	ssyncset.done $0x0  }
0x18: {  	[sflag:s6] =	ssyncadd.s32 s4;
	_ =	sdelay $0x1  }
0x19: {  	s24 =	simm.s32 $0x1B8B  }
0x1a: {  	_ =	swait.ge [sflag:s24], $0x1  }
0x1b: {  	[sflag:s24] =	ssyncset.done $0x0  }
0x1c: {  	[sflag:s24] =	ssyncadd.s32 $0xFFFFFFFF  }
0x1d: {  	s4 =	sld [smem:$0x0]  }
0x1e: {  	s5 =	sand.u32 $0xFFFFFFFE, s1  }
0x1f: {  	p0 =	sne.s32 s1, s5  }
0x20: {  	s5 =	sshll.u32 @p0 s5, $0xE  }
0x21: {  	s5 =	sadd.s32 @p0 $0x11B8D, s5;
	s6 =	sshll.u32 @p0 s4, $0x11  }
0x22: {  	s5 =	sor.u32 @p0 s6, s5  }
0x23: {  	[sflag:s5] =	ssyncadd.remote.s32 @p0 $0x1;
	_ =	sdelay $0x1  }
0x24: {  	s5 =	simm.s32 @p0 $0x1B8D  }
0x25: {  	_ =	swait.eq @p0 [sflag:s5], $0x1  }
0x26: {  	[sflag:s5] =	ssyncadd.s32 @p0 $0xFFFFFFFF  }
0x27: {  	s6 =	sshll.u32 @!p0 s1, $0xE  }
0x28: {  	s6 =	sor.u32 @!p0 $0x4000, s6;
	s5 =	simm.s32 @!p0 $0x1B8D  }
0x29: {  	s4 =	sshll.u32 @!p0 s4, $0x11;
	s6 =	sadd.s32 @!p0 $0x11B8D, s6;
	_ =	swait.eq @!p0 [sflag:s5], $0x1  }
0x2a: {  	s4 =	sor.u32 @!p0 s4, s6;
	[sflag:s5] =	ssyncadd.s32 @!p0 $0xFFFFFFFF  }
0x2b: {  	s26 =	simm.s32 $0x1B8E;
	s25 =	sld [smem:$0x3FFE];
	[sflag:s4] =	ssyncadd.remote.s32 @!p0 $0x1  }
0x2c: {  	s27 =	simm.s32 $execute0_lowered;
	[smem:$0x3FD2] =	sst s26  }
0x2d: {  	s5 =	sshll.u32 s27, $0x1;
	_ =	strace $0x8000005E;
	[dreg:$0x1] =	wrdreg $0xFFFFFFFF  }
0x2e: {  	s28 =	simm.s32 $_size_execute0_lowered;
	s3 =	sadd.s32 s3, s5;
	[dreg:$0x0] =	wrdreg $0x0  }
0x2f: {  	s5 =	sshll.u32 s28, $0x1;
	[dreg:$0x2] =	wrdreg s3  }
0x30: {  	[dreg:$0x3] =	wrdreg s5  }
0x31: {  	[dreg:$0x4] =	wrdreg $0xC0  }
0x32: {  	_ =	task [dreg:s23], $0x5FFFF  }
0x33: {  	[dreg:$0x1] =	wrdreg $0xFFFFFFFF  }
0x34: {  	[dreg:$0x0] =	wrdreg $0x60  }
0x35: {  	[dreg:$0x2] =	wrdreg s25  }
0x36: {  	[dreg:$0x3] =	wrdreg $0x9  }
0x37: {  	_ =	task.clear_ibuf [dreg:s23], $0x4FFFF;
	_ =	strace $0x9000005E  }
0x38: {  	s29 =	simm.s32 $0x9;
	_ =	strace $0x80000060  }
0x39: {  	_ =	swait.ge [sflag:s29], $0x1  }
0x3a: {  	[sflag:s29] =	ssyncadd.s32 $0xFFFFFFFF  }
0x3b: {  	_ =	strace $0x90000060  }
0x3c: {  	_ =	sfence  }
0x3d: {  	s30 =	sld [smem:$0x0];
	_ =	sdelay $0x2  }
0x3e: {  	s31 =	sshll.u32 s1, $0xD;
	s1 =	sshrl.u32 s1, $0x2  }
0x3f: {  	s4 =	sand.u32 $0x4000, s31;
	s1 =	sadd.s32 s1, s30  }
0x40: {  	s0 =	sor.u32 s4, s0;
	s1 =	sshll.u32 s1, $0x11  }
0x41: {  	s0 =	sor.u32 s1, s0  }
0x42: {  	s0 =	sadd.s32 $0x8F2B, s0  }
0x43: {  	[sflag:s0] =	ssyncadd.remote.s32 $0x1  }
0x44: {  	_ =	sfence.sel $0xFFFF  }
0x45: {  	[dreg:$0x0] =	wrdreg $0xFFFFFFFF;
	(pc) =	sbr.abs _section_cstart, $3  }
0x46: {  	[dreg:$0x1] =	wrdreg $0xFFFFFFFF  }
0x47: {  	_ =	task.clear_ibuf [dreg:s23], $0x2FFFF;
	_ =	strace $0x9FFFFFFF  }
0x48: {  	(tm) =	ssettm $0x7FFFFFFF  }
0x49: {  	_ =	shalt  }
tec
execute0_lowered:
.L_overlay_start_1:
0x0: {  	(tag) =	ssettag $0x1  }
0x1: {  	s0 =	stileid.u32  }
0x2: {  	s1 =	srdreg.scid;
	s4 =	rddreg [dreg:$0x0]  }
0x3: {  	s7 =	simm.s32 $0x1;
	s8 =	simm.s32 $0x2;
	s16 =	simm.s32 $0x0  }
0x4: {  	s9 =	simm.s32 $0x40;
	s2 =	sshll.u32 s0, $0x6;
	s1 =	sshll.u32 s1, $0xA  }
0x5: {  	s10 =	simm.s32 $0x80;
	s11 =	simm.s32 $0x0;
	s2 =	sor.u32 s2, s1  }
0x6: {  	s17 =	simm.s32 $0x0;
	s18 =	simm.s32 $0x0;
	s2 =	sand.u32 $0x700, s2  }
0x7: {  	s12 =	simm.s32 $0x0;
	s3 =	sadd.s32 $0x963600, s4;
	s6 =	ssub.s32 $0x800, s2  }
0x8: {  	s15 =	simm.s32 $0x0;
	s4 =	sadd.s32 $0xB63600, s4;
	s5 =	sand.u32 $0x700, s6  }
.Ltmp0:
0x9: {  	s1 =	rddreg [dreg:$0x1];
	p0 =	sne.s32 s5, $0x0;
	(pc) =	sbr.rel .LBB1_1-.Ltmp0, $4  }
0xa: {  	_ =	strace $0x8000005F;
	s6 =	sshrl.u32 s6, $0xB;
	s7 =	simm.s32 @!p0 $0x0  }
0xb: {  	s13 =	smov.u32 s2;
	s5 =	simm.s32 $0x1;
	s7 =	sadd.s32 s7, s6  }
0xc: {  	[sflag:s5] =	ssyncpa.u1 $0x0;
	s6 =	sand.u32 $0x3, s0;
	s7 =	sshll.u32 s7, $0x4  }
0xd: {  	[sflag:s8] =	ssyncpa.u1 $0x0;
	s14 =	smov.u32 s6;
	s8 =	sor.u32 $0x1, s7  }
.LBB1_4:
0xe: {  	_ =	sdelay $0x3  }
0xf: {  	[tilespmem:v1+s19+$0x10 ss:$0x1] =	vst.idx.msk $0xffff, v3;
	s18 =	sshll.u32 s18, $0x13  }
0x10: {  	[tilespmem:v1+s19+$0xFFFFFFE0 ss:$0x1] =	vst.idx.msk $0xffff, v4;
	s16 =	sshll.u32 s16, $0xF;
	s17 =	sshll.u32 s17, $0x4;
	s18 =	sadd.s32 s4, s18  }
0x11: {  	[tilespmem:v1+s19+$0xFFFFFFF0 ss:$0x1] =	vst.idx.msk $0xffff, v2;
	s17 =	sand.u32 $0x7FF0, s17;
	s16 =	sadd.s32 s16, s18  }
0x12: {  	[tilespmem:v1+s19+$0x0 ss:$0x1] =	vst.idx.msk $0xffff, v5;
	s16 =	sadd.s32 s17, s16  }
0x13: {  	[hbm4b:s16+s9] =	stream.strided.scatter [tilespmem:s20], [sflag:$0x2], $0x4000, s10, s9, $0x38;
	[tilespmem:$0x10000] =	vst v63  }
.LBB1_5:
0x14: {  	s19 =	sadd.s32 $0x1, s12  }
0x15: {  	s16 =	sadd.s32 $0x800, s13;
	s20 =	smov.u32 s13;
	p1 =	sgt.s32 s19, $0xF  }
0x16: {  	s20 =	smov.u32 @p1 s16  }
0x17: {  	s22 =	smov.u32 s14;
	s16 =	sadd.s32 $0x4, s14;
	p2 =	sgt.s32 s20, $0x7FF  }
0x18: {  	s22 =	smov.u32 @p2 s16  }
0x19: {  	s19 =	simm.s32 @p1 $0x0;
	p1 =	sgt.s32 s22, $0x3  }
0x1a: {  	p0 =	slt.u32 s15, $0x2;
	s22 =	smov.u32 @p1 s6;
	p1 =	sne.s32 s15, s8  }
.Ltmp1:
0x1b: {  	s21 =	simm.s32 @!p0 $0x2;
	(pc) =	sbr.rel @!p1 .LBB1_6-.Ltmp1, $4  }
0x1c: {  	s17 =	smov.u32 s13;
	s18 =	smov.u32 s14;
	_ =	swait.ge @!p0 [sflag:s21], $0x4000  }
0x1d: {  	s11 =	sadd.s32 $0x4000, s11;
	[sflag:s21] =	ssyncset.done @!p0 $0x0;
	s20 =	smov.u32 @p2 s2  }
0x1e: {  	s16 =	smov.u32 s12;
	[sflag:s21] =	ssyncadd.s32 @!p0 $0xFFFFC000;
	s12 =	smov.u32 s19  }
0x1f: {  	s13 =	smov.u32 s20;
	s15 =	sadd.s32 $0x1, s15;
	s14 =	smov.u32 s22  }
.LBB1_1:
0x20: {  	p0 =	sge.u32 s15, s7;
	s31 =	sadd.s32 $0xFFFFFFFF, s15  }
0x21: {  	s19 =	sxor.u32 @!p0 $0xFFFFFFFF, s15;
	s20 =	sshll.u32 @!p0 s14, $0x13;
	s21 =	sshll.u32 @!p0 s13, $0x8  }
0x22: {  	s22 =	sshll.u32 @!p0 s12, $0x4;
	s19 =	sshll.u32 @!p0 s19, $0xE;
	s20 =	sadd.s32 @!p0 s3, s20  }
0x23: {  	s22 =	sand.u32 @!p0 $0xF0, s22;
	s19 =	sand.u32 @!p0 $0x4000, s19;
	s20 =	sadd.s32 @!p0 s21, s20  }
0x24: {  	s21 =	simm.s32 @!p0 $0x40;
	s20 =	sadd.s32 @!p0 s22, s20;
	s22 =	simm.s32 @!p0 $0x800  }
0x25: {  	[tilespmem:s19], [sflag:$0x1] =	stream.strided.gather @!p0 [hbm4b:s20+s21], $0x4000, s22, s21, $0x38;
	[tilespmem:$0x10000] =	vst v63  }
0x26: {  	p0 =	sge.u32 s31, s7  }
.Ltmp2:
0x27: {  	_ = 	snop;
	(pc) =	sbr.rel @p0 .LBB1_5-.Ltmp2, $1  }
0x28: {  	_ =	sdelay $0x3  }
0x29: {  	s20 =	sand.u32 $0x4000, s11  }
0x2a: {  	v0 =	vmov s20;
	_ =	sdelay $0x1  }
0x2b: {  	_ =	swait.ge [sflag:s5], $0x4000  }
0x2c: {  	[sflag:s5] =	ssyncset.done $0x0  }
0x2d: {  	s19 =	simm.s32 $0x0;
	[sflag:s5] =	ssyncadd.s32 $0xFFFFC000  }
0x2e: {  	s22 =	sor.u32 $0x8020, s20;
	v3 =	vld.idx.msk [tilespmem:v0+s19+$0x30 ss:$0x1], $0xffff  }
0x2f: {  	s21 =	sshll.u32 s15, $0xE;
	v1 =	vmov s22;
	v4 =	vld.idx.msk [tilespmem:v0+s19+$0x0 ss:$0x1], $0xffff  }
0x30: {  	s31 =	sand.u32 $0x4000, s21;
	v2 =	vld.idx.msk [tilespmem:v0+s19+$0x10 ss:$0x1], $0xffff  }
0x31: {  	s21 =	simm.s32 $0x100;
	s20 =	sor.u32 $0x8000, s31;
	v5 =	vld.idx.msk [tilespmem:v0+s19+$0x20 ss:$0x1], $0xffff  }
.LBB1_3:
0x32: {  	p0 =	sne.s32 s21, $0xFF00  }
.Ltmp3:
0x33: {  	s22 =	sshra.s32 s21, $0x2;
	s21 =	sadd.s32 $0x100, s21;
	(pc) =	sbr.rel @p0 .LBB1_3-.Ltmp3, $4  }
0x34: {  	[tilespmem:v1+s19+$0x10 ss:$0x1] =	vst.idx.msk $0xffff, v3;
	v3 =	vld.idx.msk [tilespmem:v0+s22+$0x30 ss:$0x1], $0xffff  }
0x35: {  	[tilespmem:v1+s19+$0xFFFFFFE0 ss:$0x1] =	vst.idx.msk $0xffff, v4;
	v4 =	vld.idx.msk [tilespmem:v0+s22+$0x0 ss:$0x1], $0xffff  }
0x36: {  	[tilespmem:v1+s19+$0xFFFFFFF0 ss:$0x1] =	vst.idx.msk $0xffff, v2;
	v2 =	vld.idx.msk [tilespmem:v0+s22+$0x10 ss:$0x1], $0xffff  }
0x37: {  	[tilespmem:v1+s19+$0x0 ss:$0x1] =	vst.idx.msk $0xffff, v5;
	v5 =	vld.idx.msk [tilespmem:v0+s22+$0x20 ss:$0x1], $0xffff;
	s19 =	smov.u32 s22  }
.Ltmp4:
0x38: {  	_ = 	snop;
	(pc) =	sbr.rel .LBB1_4-.Ltmp4, $1  }
0x39: {  	_ =	sdelay $0x3  }
.LBB1_6:
0x3a: {  	_ =	sfence.sel $0x180000  }
0x3b: {  	s2 =	simm.s32 $0x1;
	[bflag:$0x0] =	sbarrier.arrive $0xFFFF  }
0x3c: {  	s31 =	simm.s32 $0x2;
	[sflag:s2] =	ssyncpa.u1 $0x1  }
0x3d: {  	[sflag:s31] =	ssyncpa.u1 $0x1  }
0x3e: {  	p0 =	sne.s32 s0, $0x0;
	_ =	strace $0x9000005F  }
0x3f: {  	s0 =	sadd.s32 @!p0 $0x100000, s1;
	[bflag:$0x2] =	sbarrier.arrive $0xFFFF  }
0x40: {  	[sflag:s0] =	ssyncadd.tile.s32 @!p0 $0x1;
	_ =	shalt  }
.Lfunc_end1:
_tile_overlayer_lowered:
.L_overlay_start_2:
0x41: {  	(tag) =	ssettag $0x2  }
0x42: {  	s0 =	rddreg [dreg:$0x0];
	s2 =	stileid.u32  }
0x43: {  	s1 =	rddreg [dreg:$0x1];
	p0 =	sne.s32 s2, $0x0  }
0x44: {  	s3 =	rddreg [dreg:$0x2];
	[bflag:$0x3] =	sbarrier.arrive $0xFFFF;
	s2 =	simm.s32 @!p0 $0x1C01  }
0x45: {  	[timem:s3], [sflag:s2] =	dma.local @!p0 [hbm:s0], s1  }
0x46: {  	s0 =	simm.s32 @!p0 $0x1  }
0x47: {  	_ =	swait.ge @!p0 [sflag:s0], s1  }
0x48: {  	s1 =	ssub.s32 @!p0 $0x0, s1;
	[sflag:s0] =	ssyncset.done @!p0 $0x0  }
0x49: {  	[sflag:s0] =	ssyncadd.s32 @!p0 s1  }
0x4a: {  	[bflag:$0x3] =	sbarrier.arrive $0xFFFF  }
0x4b: {  	_ =	shalt  }

// kernel: sparse-core-data-format-call.2.cloned.1.call-start
scs
called_computation.2_lowered:
.L_overlay_start_0:
0x0: {  	s1 =	sld [smem:$0x3FD9]  }
0x1: {  	s2 =	sld [smem:$0x3FFE];
	_ =	sdelay $0x1  }
0x2: {  	s3 =	srdreg.scid  }
0x3: {  	s0 =	sand.u32 $0x1, s3  }
0x4: {  	s17 =	sshll.u32 s0, $0xA;
	s1 =	sadd.s32 s2, s1  }
0x5: {  	s1 =	sadd.s32 s1, s17  }
0x6: {  	[smem:$0x3FB3] =	sst s1  }
0x7: {  	_ = 	snop  }
0x8: {  	(tm) =	ssettm $0x1  }
0x9: {  	s18 =	sld [smem:$0x3FFB];
	_ =	sdelay $0x3  }
0xa: {  	_ =	strace s18  }
0xb: {  	s1 =	sld [smem:$0x3FFC];
	_ =	sdelay $0x3  }
0xc: {  	_ =	strace s1  }
0xd: {  	s1 =	sld [smem:$0x3FFD];
	_ =	sdelay $0x3  }
0xe: {  	_ =	strace s1  }
0xf: {  	_ =	strace $0x8FFFFFFF  }
0x10: {  	s19 =	sld [smem:$0x3FDB];
	_ =	sdelay $0x1  }
0x11: {  	s20 =	simm.s32 $_scs_section_size  }
0x12: {  	s4 =	simm.s32 $_size__tile_overlayer_lowered;
	s5 =	simm.s32 $_tile_overlayer_lowered  }
0x13: {  	s23 =	simm.s32 $0x1BFF;
	s22 =	sshll.u32 s5, $0x1;
	s1 =	sadd.s32 s20, s19  }
0x14: {  	s6 =	simm.s32 $0x0;
	s21 =	sshll.u32 s4, $0x1;
	s4 =	sadd.s32 s22, s1  }
0x15: {  	[timem:s6], [sflag:s23] =	dma.local [hbm:s4], s21  }
0x16: {  	_ =	swait.ge [sflag:s23], s21  }
0x17: {  	s2 =	ssub.s32 $0x0, s21;
	[sflag:s23] =	ssyncset.done $0x0  }
0x18: {  	[sflag:s23] =	ssyncadd.s32 s2;
	_ =	sdelay $0x1  }
0x19: {  	s24 =	simm.s32 $0x1B8B  }
0x1a: {  	_ =	swait.ge [sflag:s24], $0x1  }
0x1b: {  	[sflag:s24] =	ssyncset.done $0x0  }
0x1c: {  	s26 =	simm.s32 $0x1B8E;
	s25 =	sld [smem:$0x3FFE];
	[sflag:s24] =	ssyncadd.s32 $0xFFFFFFFF  }
0x1d: {  	s27 =	simm.s32 $execute0_lowered;
	[smem:$0x3FD2] =	sst s26  }
0x1e: {  	s4 =	sshll.u32 s27, $0x1;
	_ =	strace $0x8000005B;
	[dreg:$0x1] =	wrdreg $0xFFFFFFFF  }
0x1f: {  	s28 =	simm.s32 $_size_execute0_lowered;
	s1 =	sadd.s32 s1, s4;
	[dreg:$0x0] =	wrdreg $0x0  }
0x20: {  	s4 =	sshll.u32 s28, $0x1;
	[dreg:$0x2] =	wrdreg s1  }
0x21: {  	[dreg:$0x3] =	wrdreg s4  }
0x22: {  	[dreg:$0x4] =	wrdreg $0xC0  }
0x23: {  	_ =	task [dreg:s6], $0x5FFFF  }
0x24: {  	[dreg:$0x1] =	wrdreg $0xFFFFFFFF  }
0x25: {  	[dreg:$0x0] =	wrdreg $0x60  }
0x26: {  	[dreg:$0x2] =	wrdreg s25  }
0x27: {  	[dreg:$0x3] =	wrdreg $0xA  }
0x28: {  	_ =	task.clear_ibuf [dreg:s6], $0x4FFFF;
	_ =	strace $0x9000005B  }
0x29: {  	s29 =	simm.s32 $0xA;
	_ =	strace $0x8000005D  }
0x2a: {  	_ =	swait.ge [sflag:s29], $0x1  }
0x2b: {  	[sflag:s29] =	ssyncadd.s32 $0xFFFFFFFF  }
0x2c: {  	_ =	strace $0x9000005D  }
0x2d: {  	_ =	sfence  }
0x2e: {  	s30 =	sld [smem:$0x0];
	_ =	sdelay $0x2  }
0x2f: {  	s31 =	sshll.u32 s3, $0xD;
	s3 =	sshrl.u32 s3, $0x2  }
0x30: {  	s2 =	sand.u32 $0x4000, s31;
	s1 =	sadd.s32 s3, s30  }
0x31: {  	s0 =	sor.u32 s2, s0;
	s1 =	sshll.u32 s1, $0x11  }
0x32: {  	s0 =	sor.u32 s1, s0  }
0x33: {  	s0 =	sadd.s32 $0x8F2B, s0  }
0x34: {  	[sflag:s0] =	ssyncadd.remote.s32 $0x1  }
0x35: {  	_ =	sfence.sel $0xFFFF  }
0x36: {  	[dreg:$0x0] =	wrdreg $0xFFFFFFFF;
	(pc) =	sbr.abs _section_cstart, $3  }
0x37: {  	[dreg:$0x1] =	wrdreg $0xFFFFFFFF  }
0x38: {  	_ =	task.clear_ibuf [dreg:s6], $0x2FFFF;
	_ =	strace $0x9FFFFFFF  }
0x39: {  	(tm) =	ssettm $0x7FFFFFFF  }
tec
execute0_lowered:
.L_overlay_start_1:
0x0: {  	(tag) =	ssettag $0x1  }
0x1: {  	s0 =	stileid.u32  }
0x2: {  	s1 =	srdreg.scid;
	s4 =	rddreg [dreg:$0x0]  }
0x3: {  	s7 =	simm.s32 $0x1;
	s8 =	simm.s32 $0x2;
	s16 =	simm.s32 $0x0  }
0x4: {  	s9 =	simm.s32 $0x40;
	s2 =	sshll.u32 s0, $0x6;
	s1 =	sshll.u32 s1, $0xA  }
0x5: {  	s10 =	simm.s32 $0x80;
	s11 =	simm.s32 $0x0;
	s2 =	sor.u32 s2, s1  }
0x6: {  	s17 =	simm.s32 $0x0;
	s18 =	simm.s32 $0x0;
	s2 =	sand.u32 $0x700, s2  }
0x7: {  	s12 =	simm.s32 $0x0;
	s3 =	sadd.s32 $0x3E3600, s4;
	s6 =	ssub.s32 $0x800, s2  }
0x8: {  	s15 =	simm.s32 $0x0;
	s4 =	sadd.s32 $0x763600, s4;
	s5 =	sand.u32 $0x700, s6  }
.Ltmp0:
0x9: {  	s1 =	rddreg [dreg:$0x1];
	p0 =	sne.s32 s5, $0x0;
	(pc) =	sbr.rel .LBB1_1-.Ltmp0, $4  }
0xa: {  	_ =	strace $0x8000005C;
	s6 =	sshrl.u32 s6, $0xB;
	s7 =	simm.s32 @!p0 $0x0  }
0xb: {  	s13 =	smov.u32 s2;
	s5 =	simm.s32 $0x1;
	s7 =	sadd.s32 s7, s6  }
0xc: {  	[sflag:s5] =	ssyncpa.u1 $0x0;
	s6 =	sand.u32 $0x3, s0;
	s7 =	sshll.u32 s7, $0x4  }
0xd: {  	[sflag:s8] =	ssyncpa.u1 $0x0;
	s14 =	smov.u32 s6;
	s8 =	sor.u32 $0x1, s7  }
.LBB1_4:
0xe: {  	_ =	sdelay $0x3  }
0xf: {  	[tilespmem:v1+s19+$0x10 ss:$0x1] =	vst.idx.msk $0xffff, v3;
	s18 =	sshll.u32 s18, $0x13  }
0x10: {  	[tilespmem:v1+s19+$0xFFFFFFE0 ss:$0x1] =	vst.idx.msk $0xffff, v4;
	s16 =	sshll.u32 s16, $0xF;
	s17 =	sshll.u32 s17, $0x4;
	s18 =	sadd.s32 s4, s18  }
0x11: {  	[tilespmem:v1+s19+$0xFFFFFFF0 ss:$0x1] =	vst.idx.msk $0xffff, v2;
	s17 =	sand.u32 $0x7FF0, s17;
	s16 =	sadd.s32 s16, s18  }
0x12: {  	[tilespmem:v1+s19+$0x0 ss:$0x1] =	vst.idx.msk $0xffff, v5;
	s16 =	sadd.s32 s17, s16  }
0x13: {  	[hbm4b:s16+s9] =	stream.strided.scatter [tilespmem:s20], [sflag:$0x2], $0x4000, s10, s9, $0x38;
	[tilespmem:$0x10000] =	vst v63  }
.LBB1_5:
0x14: {  	s19 =	sadd.s32 $0x1, s12  }
0x15: {  	s16 =	sadd.s32 $0x800, s13;
	s20 =	smov.u32 s13;
	p1 =	sgt.s32 s19, $0xF  }
0x16: {  	s20 =	smov.u32 @p1 s16  }
0x17: {  	s22 =	smov.u32 s14;
	s16 =	sadd.s32 $0x4, s14;
	p2 =	sgt.s32 s20, $0x7FF  }
0x18: {  	s22 =	smov.u32 @p2 s16  }
0x19: {  	s19 =	simm.s32 @p1 $0x0;
	p1 =	sgt.s32 s22, $0x3  }
0x1a: {  	p0 =	slt.u32 s15, $0x2;
	s22 =	smov.u32 @p1 s6;
	p1 =	sne.s32 s15, s8  }
.Ltmp1:
0x1b: {  	s21 =	simm.s32 @!p0 $0x2;
	(pc) =	sbr.rel @!p1 .LBB1_6-.Ltmp1, $4  }
0x1c: {  	s17 =	smov.u32 s13;
	s18 =	smov.u32 s14;
	_ =	swait.ge @!p0 [sflag:s21], $0x4000  }
0x1d: {  	s11 =	sadd.s32 $0x4000, s11;
	[sflag:s21] =	ssyncset.done @!p0 $0x0;
	s20 =	smov.u32 @p2 s2  }
0x1e: {  	s16 =	smov.u32 s12;
	[sflag:s21] =	ssyncadd.s32 @!p0 $0xFFFFC000;
	s12 =	smov.u32 s19  }
0x1f: {  	s13 =	smov.u32 s20;
	s15 =	sadd.s32 $0x1, s15;
	s14 =	smov.u32 s22  }
.LBB1_1:
0x20: {  	p0 =	sge.u32 s15, s7;
	s31 =	sadd.s32 $0xFFFFFFFF, s15  }
0x21: {  	s19 =	sxor.u32 @!p0 $0xFFFFFFFF, s15;
	s20 =	sshll.u32 @!p0 s14, $0x13;
	s21 =	sshll.u32 @!p0 s13, $0x8  }
0x22: {  	s22 =	sshll.u32 @!p0 s12, $0x4;
	s19 =	sshll.u32 @!p0 s19, $0xE;
	s20 =	sadd.s32 @!p0 s3, s20  }
0x23: {  	s22 =	sand.u32 @!p0 $0xF0, s22;
	s19 =	sand.u32 @!p0 $0x4000, s19;
	s20 =	sadd.s32 @!p0 s21, s20  }
0x24: {  	s21 =	simm.s32 @!p0 $0x40;
	s20 =	sadd.s32 @!p0 s22, s20;
	s22 =	simm.s32 @!p0 $0x800  }
0x25: {  	[tilespmem:s19], [sflag:$0x1] =	stream.strided.gather @!p0 [hbm4b:s20+s21], $0x4000, s22, s21, $0x38;
	[tilespmem:$0x10000] =	vst v63  }
0x26: {  	p0 =	sge.u32 s31, s7  }
.Ltmp2:
0x27: {  	_ = 	snop;
	(pc) =	sbr.rel @p0 .LBB1_5-.Ltmp2, $1  }
0x28: {  	_ =	sdelay $0x3  }
0x29: {  	s20 =	sand.u32 $0x4000, s11  }
0x2a: {  	v0 =	vmov s20;
	_ =	sdelay $0x1  }
0x2b: {  	_ =	swait.ge [sflag:s5], $0x4000  }
0x2c: {  	[sflag:s5] =	ssyncset.done $0x0  }
0x2d: {  	s19 =	simm.s32 $0x0;
	[sflag:s5] =	ssyncadd.s32 $0xFFFFC000  }
0x2e: {  	s22 =	sor.u32 $0x8020, s20;
	v3 =	vld.idx.msk [tilespmem:v0+s19+$0x30 ss:$0x1], $0xffff  }
0x2f: {  	s21 =	sshll.u32 s15, $0xE;
	v1 =	vmov s22;
	v4 =	vld.idx.msk [tilespmem:v0+s19+$0x0 ss:$0x1], $0xffff  }
0x30: {  	s31 =	sand.u32 $0x4000, s21;
	v2 =	vld.idx.msk [tilespmem:v0+s19+$0x10 ss:$0x1], $0xffff  }
0x31: {  	s21 =	simm.s32 $0x100;
	s20 =	sor.u32 $0x8000, s31;
	v5 =	vld.idx.msk [tilespmem:v0+s19+$0x20 ss:$0x1], $0xffff  }
.LBB1_3:
0x32: {  	p0 =	sne.s32 s21, $0xFF00  }
.Ltmp3:
0x33: {  	s22 =	sshra.s32 s21, $0x2;
	s21 =	sadd.s32 $0x100, s21;
	(pc) =	sbr.rel @p0 .LBB1_3-.Ltmp3, $4  }
0x34: {  	[tilespmem:v1+s19+$0x10 ss:$0x1] =	vst.idx.msk $0xffff, v3;
	v3 =	vld.idx.msk [tilespmem:v0+s22+$0x30 ss:$0x1], $0xffff  }
0x35: {  	[tilespmem:v1+s19+$0xFFFFFFE0 ss:$0x1] =	vst.idx.msk $0xffff, v4;
	v4 =	vld.idx.msk [tilespmem:v0+s22+$0x0 ss:$0x1], $0xffff  }
0x36: {  	[tilespmem:v1+s19+$0xFFFFFFF0 ss:$0x1] =	vst.idx.msk $0xffff, v2;
	v2 =	vld.idx.msk [tilespmem:v0+s22+$0x10 ss:$0x1], $0xffff  }
0x37: {  	[tilespmem:v1+s19+$0x0 ss:$0x1] =	vst.idx.msk $0xffff, v5;
	v5 =	vld.idx.msk [tilespmem:v0+s22+$0x20 ss:$0x1], $0xffff;
	s19 =	smov.u32 s22  }
.Ltmp4:
0x38: {  	_ = 	snop;
	(pc) =	sbr.rel .LBB1_4-.Ltmp4, $1  }
0x39: {  	_ =	sdelay $0x3  }
.LBB1_6:
0x3a: {  	_ =	sfence.sel $0x180000  }
0x3b: {  	s2 =	simm.s32 $0x1;
	[bflag:$0x0] =	sbarrier.arrive $0xFFFF  }
0x3c: {  	s31 =	simm.s32 $0x2;
	[sflag:s2] =	ssyncpa.u1 $0x1  }
0x3d: {  	[sflag:s31] =	ssyncpa.u1 $0x1  }
0x3e: {  	p0 =	sne.s32 s0, $0x0;
	_ =	strace $0x9000005C  }
0x3f: {  	s0 =	sadd.s32 @!p0 $0x100000, s1;
	[bflag:$0x2] =	sbarrier.arrive $0xFFFF  }
0x40: {  	[sflag:s0] =	ssyncadd.tile.s32 @!p0 $0x1;
	_ =	shalt  }
.Lfunc_end1:
_tile_overlayer_lowered:
.L_overlay_start_2:
0x41: {  	(tag) =	ssettag $0x2  }
0x42: {  	s0 =	rddreg [dreg:$0x0];
	s2 =	stileid.u32  }
0x43: {  	s1 =	rddreg [dreg:$0x1];
	p0 =	sne.s32 s2, $0x0  }
0x44: {  	s3 =	rddreg [dreg:$0x2];
	[bflag:$0x3] =	sbarrier.arrive $0xFFFF;
	s2 =	simm.s32 @!p0 $0x1C01  }
0x45: {  	[timem:s3], [sflag:s2] =	dma.local @!p0 [hbm:s0], s1  }
0x46: {  	s0 =	simm.s32 @!p0 $0x1  }
0x47: {  	_ =	swait.ge @!p0 [sflag:s0], s1  }
0x48: {  	s1 =	ssub.s32 @!p0 $0x0, s1;
	[sflag:s0] =	ssyncset.done @!p0 $0x0  }
0x49: {  	[sflag:s0] =	ssyncadd.s32 @!p0 s1  }
0x4a: {  	[bflag:$0x3] =	sbarrier.arrive $0xFFFF  }
0x4b: {  	_ =	shalt  }

// kernel: sparse-core-data-format-call.3.cloned.1.call-start
scs
called_computation.3_lowered:
.L_overlay_start_0:
0x0: {  	s1 =	sld [smem:$0x3FD9]  }
0x1: {  	s2 =	sld [smem:$0x3FFE];
	_ =	sdelay $0x1  }
0x2: {  	s3 =	srdreg.scid  }
0x3: {  	s0 =	sand.u32 $0x1, s3  }
0x4: {  	s17 =	sshll.u32 s0, $0xA;
	s1 =	sadd.s32 s2, s1  }
0x5: {  	s1 =	sadd.s32 s1, s17  }
0x6: {  	[smem:$0x3FB3] =	sst s1  }
0x7: {  	_ = 	snop  }
0x8: {  	(tm) =	ssettm $0x1  }
0x9: {  	s18 =	sld [smem:$0x3FFB];
	_ =	sdelay $0x3  }
0xa: {  	_ =	strace s18  }
0xb: {  	s1 =	sld [smem:$0x3FFC];
	_ =	sdelay $0x3  }
0xc: {  	_ =	strace s1  }
0xd: {  	s1 =	sld [smem:$0x3FFD];
	_ =	sdelay $0x3  }
0xe: {  	_ =	strace s1  }
0xf: {  	_ =	strace $0x8FFFFFFF  }
0x10: {  	s19 =	sld [smem:$0x3FDB];
	_ =	sdelay $0x1  }
0x11: {  	s20 =	simm.s32 $_scs_section_size  }
0x12: {  	s4 =	simm.s32 $_size__tile_overlayer_lowered;
	s5 =	simm.s32 $_tile_overlayer_lowered  }
0x13: {  	s23 =	simm.s32 $0x1BFF;
	s22 =	sshll.u32 s5, $0x1;
	s1 =	sadd.s32 s20, s19  }
0x14: {  	s6 =	simm.s32 $0x0;
	s21 =	sshll.u32 s4, $0x1;
	s4 =	sadd.s32 s22, s1  }
0x15: {  	[timem:s6], [sflag:s23] =	dma.local [hbm:s4], s21  }
0x16: {  	_ =	swait.ge [sflag:s23], s21  }
0x17: {  	s2 =	ssub.s32 $0x0, s21;
	[sflag:s23] =	ssyncset.done $0x0  }
0x18: {  	[sflag:s23] =	ssyncadd.s32 s2;
	_ =	sdelay $0x1  }
0x19: {  	s24 =	simm.s32 $0x1B8B  }
0x1a: {  	_ =	swait.ge [sflag:s24], $0x1  }
0x1b: {  	[sflag:s24] =	ssyncset.done $0x0  }
0x1c: {  	s26 =	simm.s32 $0x1B8E;
	s25 =	sld [smem:$0x3FFE];
	[sflag:s24] =	ssyncadd.s32 $0xFFFFFFFF  }
0x1d: {  	s27 =	simm.s32 $execute0_lowered;
	[smem:$0x3FD2] =	sst s26  }
0x1e: {  	s4 =	sshll.u32 s27, $0x1;
	_ =	strace $0x80000058;
	[dreg:$0x1] =	wrdreg $0xFFFFFFFF  }
0x1f: {  	s28 =	simm.s32 $_size_execute0_lowered;
	s1 =	sadd.s32 s1, s4;
	[dreg:$0x0] =	wrdreg $0x0  }
0x20: {  	s4 =	sshll.u32 s28, $0x1;
	[dreg:$0x2] =	wrdreg s1  }
0x21: {  	[dreg:$0x3] =	wrdreg s4  }
0x22: {  	[dreg:$0x4] =	wrdreg $0xC0  }
0x23: {  	_ =	task [dreg:s6], $0x5FFFF  }
0x24: {  	[dreg:$0x1] =	wrdreg $0xFFFFFFFF  }
0x25: {  	[dreg:$0x0] =	wrdreg $0x60  }
0x26: {  	[dreg:$0x2] =	wrdreg s25  }
0x27: {  	[dreg:$0x3] =	wrdreg $0x9  }
0x28: {  	_ =	task.clear_ibuf [dreg:s6], $0x4FFFF;
	_ =	strace $0x90000058  }
0x29: {  	s29 =	simm.s32 $0x9;
	_ =	strace $0x8000005A  }
0x2a: {  	_ =	swait.ge [sflag:s29], $0x1  }
0x2b: {  	[sflag:s29] =	ssyncadd.s32 $0xFFFFFFFF  }
0x2c: {  	_ =	strace $0x9000005A  }
0x2d: {  	_ =	sfence  }
0x2e: {  	s30 =	sld [smem:$0x0];
	_ =	sdelay $0x2  }
0x2f: {  	s31 =	sshll.u32 s3, $0xD;
	s3 =	sshrl.u32 s3, $0x2  }
0x30: {  	s2 =	sand.u32 $0x4000, s31;
	s1 =	sadd.s32 s3, s30  }
0x31: {  	s0 =	sor.u32 s2, s0;
	s1 =	sshll.u32 s1, $0x11  }
0x32: {  	s0 =	sor.u32 s1, s0  }
0x33: {  	s0 =	sadd.s32 $0x8F2B, s0  }
0x34: {  	[sflag:s0] =	ssyncadd.remote.s32 $0x1  }
0x35: {  	_ =	sfence.sel $0xFFFF  }
0x36: {  	[dreg:$0x0] =	wrdreg $0xFFFFFFFF;
	(pc) =	sbr.abs _section_cstart, $3  }
0x37: {  	[dreg:$0x1] =	wrdreg $0xFFFFFFFF  }
0x38: {  	_ =	task.clear_ibuf [dreg:s6], $0x2FFFF;
	_ =	strace $0x9FFFFFFF  }
0x39: {  	(tm) =	ssettm $0x7FFFFFFF  }
tec
execute0_lowered:
.L_overlay_start_1:
0x0: {  	(tag) =	ssettag $0x1  }
0x1: {  	s1 =	rddreg [dreg:$0x0]  }
0x2: {  	s0 =	rddreg [dreg:$0x1];
	s3 =	srdreg.scid  }
0x3: {  	_ =	strace $0x80000059;
	s5 =	simm.s32 $0x1;
	s7 =	simm.s32 $0x2  }
0x4: {  	s13 =	simm.s32 $0x0;
	p0 =	por $0x0, $0x0;
	s8 =	simm.s32 $0x800  }
0x5: {  	s14 =	simm.s32 $0x0;
	s15 =	simm.s32 $0x0;
	s10 =	simm.s32 $0x0  }
.Ltmp0:
0x6: {  	s2 =	sadd.s32 $0xB63600, s1;
	s4 =	sshll.u32 s3, $0x4;
	(pc) =	sbr.rel .LBB1_1-.Ltmp0, $4  }
0x7: {  	s3 =	sadd.s32 $0x363600, s1;
	s1 =	stileid.u32;
	s4 =	sand.u32 $0x10, s4  }
0x8: {  	s9 =	simm.s32 $0x0;
	[sflag:s5] =	ssyncpa.u1 $0x0;
	s6 =	sor.u32 s1, s4  }
0x9: {  	[sflag:s7] =	ssyncpa.u1 $0x0;
	s4 =	sand.u32 $0x3, s1;
	s6 =	sshrl.u32 s6, $0x2  }
0xa: {  	s7 =	simm.s32 $0x40;
	s12 =	smov.u32 s4;
	s11 =	smov.u32 s6  }
.LBB1_5:
0xb: {  	s16 =	sadd.s32 $0x100, s10  }
0xc: {  	s13 =	sadd.s32 $0x8, s11;
	s17 =	smov.u32 s11;
	p2 =	sgt.s32 s16, $0x7FF  }
0xd: {  	s17 =	smov.u32 @p2 s13  }
0xe: {  	s19 =	smov.u32 s12;
	s13 =	sadd.s32 $0x4, s12;
	p3 =	sgt.s32 s17, $0xF  }
0xf: {  	p1 =	slt.u32 s9, $0x2;
	s19 =	smov.u32 @p3 s13  }
0x10: {  	s9 =	sadd.s32 $0x1, s9;
	s16 =	simm.s32 @p2 $0x0;
	p2 =	sgt.s32 s19, $0x3  }
0x11: {  	s19 =	smov.u32 @p2 s4;
	p2 =	sne.s32 s9, $0x12  }
.Ltmp1:
0x12: {  	s18 =	simm.s32 @!p1 $0x2;
	(pc) =	sbr.rel @!p2 .LBB1_6-.Ltmp1, $4  }
0x13: {  	s14 =	smov.u32 s11;
	_ =	swait.ge @!p1 [sflag:s18], $0x4000  }
0x14: {  	s15 =	smov.u32 s12;
	p0 =	por !p0, !p0;
	[sflag:s18] =	ssyncset.done @!p1 $0x0  }
0x15: {  	s17 =	smov.u32 @p3 s6;
	s13 =	smov.u32 s10;
	[sflag:s18] =	ssyncadd.s32 @!p1 $0xFFFFC000  }
0x16: {  	s10 =	smov.u32 s16;
	s11 =	smov.u32 s17;
	s12 =	smov.u32 s19  }
.LBB1_1:
0x17: {  	p1 =	sgt.u32 s9, $0xF  }
0x18: {  	s16 =	sxor.u32 @!p1 $0xFFFFFFFF, s9;
	s17 =	sshll.u32 @!p1 s12, $0x13;
	s18 =	sshll.u32 @!p1 s11, $0xF  }
0x19: {  	s19 =	sshll.u32 @!p1 s10, $0x4;
	s16 =	sshll.u32 @!p1 s16, $0xE;
	s17 =	sadd.s32 @!p1 s2, s17  }
0x1a: {  	s19 =	sand.u32 @!p1 $0x7FF0, s19;
	s16 =	sand.u32 @!p1 $0x4000, s16;
	s17 =	sadd.s32 @!p1 s18, s17  }
0x1b: {  	s18 =	simm.s32 @!p1 $0x40;
	s17 =	sadd.s32 @!p1 s19, s17;
	s19 =	simm.s32 @!p1 $0x80  }
0x1c: {  	[tilespmem:s16], [sflag:$0x1] =	stream.strided.gather @!p1 [hbm4b:s17+s18], $0x4000, s19, s18, $0x38;
	[tilespmem:$0x10000] =	vst v63  }
0x1d: {  	p1 =	seq.s32 s9, $0x0  }
0x1e: {  	p2 =	seq.s32 @!p1 s9, $0x11  }
0x1f: {  	p1 =	por p1, p2  }
.Ltmp2:
0x20: {  	_ = 	snop;
	(pc) =	sbr.rel @p1 .LBB1_5-.Ltmp2, $1  }
0x21: {  	_ =	sdelay $0x3  }
0x22: {  	s16 =	simm.s32 $0x1  }
0x23: {  	s16 =	simm.s32 @!p0 $0x0  }
0x24: {  	s17 =	sshll.u32 s16, $0xE  }
0x25: {  	v0 =	vmov s17;
	_ =	sdelay $0x1  }
0x26: {  	_ =	swait.ge [sflag:s5], $0x4000  }
0x27: {  	[sflag:s5] =	ssyncset.done $0x0  }
0x28: {  	[sflag:s5] =	ssyncadd.s32 $0xFFFFC000;
	s16 =	simm.s32 $0x0  }
0x29: {  	s19 =	sor.u32 $0x8020, s17;
	v3 =	vld.idx.msk [tilespmem:v0+s16+$0x30 ss:$0x1], $0xffff  }
0x2a: {  	s18 =	sshll.u32 s9, $0xE;
	v1 =	vmov s19;
	v4 =	vld.idx.msk [tilespmem:v0+s16+$0x0 ss:$0x1], $0xffff  }
0x2b: {  	s31 =	sand.u32 $0x4000, s18;
	v2 =	vld.idx.msk [tilespmem:v0+s16+$0x10 ss:$0x1], $0xffff  }
0x2c: {  	s18 =	simm.s32 $0x100;
	s17 =	sor.u32 $0x8000, s31;
	v5 =	vld.idx.msk [tilespmem:v0+s16+$0x20 ss:$0x1], $0xffff  }
.LBB1_3:
0x2d: {  	p1 =	sne.s32 s18, $0xFF00  }
.Ltmp3:
0x2e: {  	s19 =	sshra.s32 s18, $0x2;
	s18 =	sadd.s32 $0x100, s18;
	(pc) =	sbr.rel @p1 .LBB1_3-.Ltmp3, $4  }
0x2f: {  	[tilespmem:v1+s16+$0x10 ss:$0x1] =	vst.idx.msk $0xffff, v3;
	v3 =	vld.idx.msk [tilespmem:v0+s19+$0x30 ss:$0x1], $0xffff  }
0x30: {  	[tilespmem:v1+s16+$0xFFFFFFE0 ss:$0x1] =	vst.idx.msk $0xffff, v4;
	v4 =	vld.idx.msk [tilespmem:v0+s19+$0x0 ss:$0x1], $0xffff  }
0x31: {  	[tilespmem:v1+s16+$0xFFFFFFF0 ss:$0x1] =	vst.idx.msk $0xffff, v2;
	v2 =	vld.idx.msk [tilespmem:v0+s19+$0x10 ss:$0x1], $0xffff  }
0x32: {  	[tilespmem:v1+s16+$0x0 ss:$0x1] =	vst.idx.msk $0xffff, v5;
	v5 =	vld.idx.msk [tilespmem:v0+s19+$0x20 ss:$0x1], $0xffff;
	s16 =	smov.u32 s19  }
0x33: {  	_ =	sdelay $0x3  }
.Ltmp4:
0x34: {  	s15 =	sshll.u32 s15, $0x13;
	[tilespmem:v1+s16+$0x10 ss:$0x1] =	vst.idx.msk $0xffff, v3;
	(pc) =	sbr.rel .LBB1_5-.Ltmp4, $4  }
0x35: {  	s13 =	sshll.u32 s13, $0x8;
	s14 =	sshll.u32 s14, $0x4;
	s15 =	sadd.s32 s3, s15;
	[tilespmem:v1+s16+$0xFFFFFFE0 ss:$0x1] =	vst.idx.msk $0xffff, v4  }
0x36: {  	s14 =	sand.u32 $0xF0, s14;
	s13 =	sadd.s32 s13, s15;
	[tilespmem:v1+s16+$0xFFFFFFF0 ss:$0x1] =	vst.idx.msk $0xffff, v2  }
0x37: {  	s13 =	sadd.s32 s14, s13;
	[tilespmem:v1+s16+$0x0 ss:$0x1] =	vst.idx.msk $0xffff, v5  }
0x38: {  	[hbm4b:s13+s7] =	stream.strided.scatter [tilespmem:s17], [sflag:$0x2], $0x4000, s8, s7, $0x38;
	[tilespmem:$0x10000] =	vst v63  }
.LBB1_6:
0x39: {  	_ =	sfence.sel $0x180000  }
0x3a: {  	s2 =	simm.s32 $0x1;
	[bflag:$0x0] =	sbarrier.arrive $0xFFFF  }
0x3b: {  	s31 =	simm.s32 $0x2;
	[sflag:s2] =	ssyncpa.u1 $0x1  }
0x3c: {  	[sflag:s31] =	ssyncpa.u1 $0x1  }
0x3d: {  	p0 =	sne.s32 s1, $0x0;
	_ =	strace $0x90000059  }
0x3e: {  	s0 =	sadd.s32 @!p0 $0x100000, s0;
	[bflag:$0x2] =	sbarrier.arrive $0xFFFF  }
0x3f: {  	[sflag:s0] =	ssyncadd.tile.s32 @!p0 $0x1;
	_ =	shalt  }
.Lfunc_end1:
_tile_overlayer_lowered:
.L_overlay_start_2:
0x40: {  	(tag) =	ssettag $0x2  }
0x41: {  	s0 =	rddreg [dreg:$0x0];
	s2 =	stileid.u32  }
0x42: {  	s1 =	rddreg [dreg:$0x1];
	p0 =	sne.s32 s2, $0x0  }
0x43: {  	s3 =	rddreg [dreg:$0x2];
	[bflag:$0x3] =	sbarrier.arrive $0xFFFF;
	s2 =	simm.s32 @!p0 $0x1C01  }
0x44: {  	[timem:s3], [sflag:s2] =	dma.local @!p0 [hbm:s0], s1  }
0x45: {  	s0 =	simm.s32 @!p0 $0x1  }
0x46: {  	_ =	swait.ge @!p0 [sflag:s0], s1  }
0x47: {  	s1 =	ssub.s32 @!p0 $0x0, s1;
	[sflag:s0] =	ssyncset.done @!p0 $0x0  }
0x48: {  	[sflag:s0] =	ssyncadd.s32 @!p0 s1  }
0x49: {  	[bflag:$0x3] =	sbarrier.arrive $0xFFFF  }
0x4a: {  	_ =	shalt  }

// kernel: sparse-core-data-format-call.4.cloned.1.call-start
scs
called_computation.4_lowered:
.L_overlay_start_0:
0x0: {  	s2 =	sld [smem:$0x3FD9]  }
0x1: {  	s3 =	sld [smem:$0x3FFE];
	_ =	sdelay $0x1  }
0x2: {  	s1 =	srdreg.scid  }
0x3: {  	s0 =	sand.u32 $0x1, s1  }
0x4: {  	s18 =	sshll.u32 s0, $0xA;
	s2 =	sadd.s32 s3, s2  }
0x5: {  	s2 =	sadd.s32 s2, s18  }
0x6: {  	[smem:$0x3FB3] =	sst s2  }
0x7: {  	_ = 	snop  }
0x8: {  	(tm) =	ssettm $0x1  }
0x9: {  	s19 =	sld [smem:$0x3FFB];
	_ =	sdelay $0x3  }
0xa: {  	_ =	strace s19  }
0xb: {  	s2 =	sld [smem:$0x3FFC];
	_ =	sdelay $0x3  }
0xc: {  	_ =	strace s2  }
0xd: {  	s2 =	sld [smem:$0x3FFD];
	_ =	sdelay $0x3  }
0xe: {  	_ =	strace s2  }
0xf: {  	_ =	strace $0x8FFFFFFF  }
0x10: {  	s20 =	sld [smem:$0x3FDB];
	_ =	sdelay $0x1  }
0x11: {  	s21 =	simm.s32 $_scs_section_size  }
0x12: {  	s4 =	simm.s32 $_size__tile_overlayer_lowered;
	s5 =	simm.s32 $_tile_overlayer_lowered  }
0x13: {  	s6 =	simm.s32 $0x1BFF;
	s22 =	sshll.u32 s5, $0x1;
	s3 =	sadd.s32 s21, s20  }
0x14: {  	s23 =	simm.s32 $0x0;
	s4 =	sshll.u32 s4, $0x1;
	s5 =	sadd.s32 s22, s3  }
0x15: {  	[timem:s23], [sflag:s6] =	dma.local [hbm:s5], s4  }
0x16: {  	_ =	swait.ge [sflag:s6], s4  }
0x17: {  	s4 =	ssub.s32 $0x0, s4;
	[sflag:s6] =	ssyncset.done $0x0  }
0x18: {  	[sflag:s6] =	ssyncadd.s32 s4;
	_ =	sdelay $0x1  }
0x19: {  	s24 =	simm.s32 $0x1B8B  }
0x1a: {  	_ =	swait.ge [sflag:s24], $0x1  }
0x1b: {  	[sflag:s24] =	ssyncset.done $0x0  }
0x1c: {  	[sflag:s24] =	ssyncadd.s32 $0xFFFFFFFF  }
0x1d: {  	s4 =	sld [smem:$0x0]  }
0x1e: {  	s5 =	sand.u32 $0xFFFFFFFE, s1  }
0x1f: {  	p0 =	sne.s32 s1, s5  }
0x20: {  	s5 =	sshll.u32 @p0 s5, $0xE  }
0x21: {  	s5 =	sadd.s32 @p0 $0x11B8D, s5;
	s6 =	sshll.u32 @p0 s4, $0x11  }
0x22: {  	s5 =	sor.u32 @p0 s6, s5  }
0x23: {  	[sflag:s5] =	ssyncadd.remote.s32 @p0 $0x1;
	_ =	sdelay $0x1  }
0x24: {  	s5 =	simm.s32 @p0 $0x1B8D  }
0x25: {  	_ =	swait.eq @p0 [sflag:s5], $0x1  }
0x26: {  	[sflag:s5] =	ssyncadd.s32 @p0 $0xFFFFFFFF  }
0x27: {  	s6 =	sshll.u32 @!p0 s1, $0xE  }
0x28: {  	s6 =	sor.u32 @!p0 $0x4000, s6;
	s5 =	simm.s32 @!p0 $0x1B8D  }
0x29: {  	s4 =	sshll.u32 @!p0 s4, $0x11;
	s6 =	sadd.s32 @!p0 $0x11B8D, s6;
	_ =	swait.eq @!p0 [sflag:s5], $0x1  }
0x2a: {  	s4 =	sor.u32 @!p0 s4, s6;
	[sflag:s5] =	ssyncadd.s32 @!p0 $0xFFFFFFFF  }
0x2b: {  	s26 =	simm.s32 $0x1B8E;
	s25 =	sld [smem:$0x3FFE];
	[sflag:s4] =	ssyncadd.remote.s32 @!p0 $0x1  }
0x2c: {  	s27 =	simm.s32 $execute0_lowered;
	[smem:$0x3FD2] =	sst s26  }
0x2d: {  	s5 =	sshll.u32 s27, $0x1;
	_ =	strace $0x80000049;
	[dreg:$0x1] =	wrdreg $0xFFFFFFFF  }
0x2e: {  	s28 =	simm.s32 $_size_execute0_lowered;
	s3 =	sadd.s32 s3, s5;
	[dreg:$0x0] =	wrdreg $0x0  }
0x2f: {  	s5 =	sshll.u32 s28, $0x1;
	[dreg:$0x2] =	wrdreg s3  }
0x30: {  	[dreg:$0x3] =	wrdreg s5  }
0x31: {  	[dreg:$0x4] =	wrdreg $0xC0  }
0x32: {  	_ =	task [dreg:s23], $0x5FFFF  }
0x33: {  	[dreg:$0x1] =	wrdreg $0xFFFFFFFF  }
0x34: {  	[dreg:$0x0] =	wrdreg $0x60  }
0x35: {  	[dreg:$0x2] =	wrdreg s25  }
0x36: {  	[dreg:$0x3] =	wrdreg $0x9  }
0x37: {  	_ =	task.clear_ibuf [dreg:s23], $0x4FFFF;
	_ =	strace $0x90000049  }
0x38: {  	s29 =	simm.s32 $0x9;
	_ =	strace $0x8000004B  }
0x39: {  	_ =	swait.ge [sflag:s29], $0x1  }
0x3a: {  	[sflag:s29] =	ssyncadd.s32 $0xFFFFFFFF  }
0x3b: {  	_ =	strace $0x9000004B  }
0x3c: {  	_ =	sfence  }
0x3d: {  	s30 =	sld [smem:$0x0];
	_ =	sdelay $0x2  }
0x3e: {  	s31 =	sshll.u32 s1, $0xD;
	s1 =	sshrl.u32 s1, $0x2  }
0x3f: {  	s4 =	sand.u32 $0x4000, s31;
	s1 =	sadd.s32 s1, s30  }
0x40: {  	s0 =	sor.u32 s4, s0;
	s1 =	sshll.u32 s1, $0x11  }
0x41: {  	s0 =	sor.u32 s1, s0  }
0x42: {  	s0 =	sadd.s32 $0x8F2B, s0  }
0x43: {  	[sflag:s0] =	ssyncadd.remote.s32 $0x1  }
0x44: {  	_ =	sfence.sel $0xFFFF  }
0x45: {  	[dreg:$0x0] =	wrdreg $0xFFFFFFFF;
	(pc) =	sbr.abs _section_cstart, $3  }
0x46: {  	[dreg:$0x1] =	wrdreg $0xFFFFFFFF  }
0x47: {  	_ =	task.clear_ibuf [dreg:s23], $0x2FFFF;
	_ =	strace $0x9FFFFFFF  }
0x48: {  	(tm) =	ssettm $0x7FFFFFFF  }
0x49: {  	_ =	shalt  }
tec
execute0_lowered:
.L_overlay_start_1:
0x0: {  	(tag) =	ssettag $0x1  }
0x1: {  	s0 =	stileid.u32  }
0x2: {  	s1 =	srdreg.scid;
	s4 =	rddreg [dreg:$0x0]  }
0x3: {  	s7 =	simm.s32 $0x1;
	s8 =	simm.s32 $0x2;
	s16 =	simm.s32 $0x0  }
0x4: {  	s9 =	simm.s32 $0x40;
	s2 =	sshll.u32 s0, $0x6;
	s1 =	sshll.u32 s1, $0xA  }
0x5: {  	s10 =	simm.s32 $0x80;
	s11 =	simm.s32 $0x0;
	s2 =	sor.u32 s2, s1  }
0x6: {  	s17 =	simm.s32 $0x0;
	s18 =	simm.s32 $0x0;
	s2 =	sand.u32 $0x700, s2  }
0x7: {  	s12 =	simm.s32 $0x0;
	s3 =	sadd.s32 $0x763600, s4;
	s6 =	ssub.s32 $0x800, s2  }
0x8: {  	s15 =	simm.s32 $0x0;
	s4 =	sadd.s32 $0x963600, s4;
	s5 =	sand.u32 $0x700, s6  }
.Ltmp0:
0x9: {  	s1 =	rddreg [dreg:$0x1];
	p0 =	sne.s32 s5, $0x0;
	(pc) =	sbr.rel .LBB1_1-.Ltmp0, $4  }
0xa: {  	_ =	strace $0x8000004A;
	s6 =	sshrl.u32 s6, $0xB;
	s7 =	simm.s32 @!p0 $0x0  }
0xb: {  	s13 =	smov.u32 s2;
	s5 =	simm.s32 $0x1;
	s7 =	sadd.s32 s7, s6  }
0xc: {  	[sflag:s5] =	ssyncpa.u1 $0x0;
	s6 =	sand.u32 $0x3, s0;
	s7 =	sshll.u32 s7, $0x4  }
0xd: {  	[sflag:s8] =	ssyncpa.u1 $0x0;
	s14 =	smov.u32 s6;
	s8 =	sor.u32 $0x1, s7  }
.LBB1_4:
0xe: {  	_ =	sdelay $0x3  }
0xf: {  	[tilespmem:v1+s19+$0x10 ss:$0x1] =	vst.idx.msk $0xffff, v3;
	s18 =	sshll.u32 s18, $0x13  }
0x10: {  	[tilespmem:v1+s19+$0xFFFFFFE0 ss:$0x1] =	vst.idx.msk $0xffff, v4;
	s16 =	sshll.u32 s16, $0xF;
	s17 =	sshll.u32 s17, $0x4;
	s18 =	sadd.s32 s4, s18  }
0x11: {  	[tilespmem:v1+s19+$0xFFFFFFF0 ss:$0x1] =	vst.idx.msk $0xffff, v2;
	s17 =	sand.u32 $0x7FF0, s17;
	s16 =	sadd.s32 s16, s18  }
0x12: {  	[tilespmem:v1+s19+$0x0 ss:$0x1] =	vst.idx.msk $0xffff, v5;
	s16 =	sadd.s32 s17, s16  }
0x13: {  	[hbm4b:s16+s9] =	stream.strided.scatter [tilespmem:s20], [sflag:$0x2], $0x4000, s10, s9, $0x38;
	[tilespmem:$0x10000] =	vst v63  }
.LBB1_5:
0x14: {  	s19 =	sadd.s32 $0x1, s12  }
0x15: {  	s16 =	sadd.s32 $0x800, s13;
	s20 =	smov.u32 s13;
	p1 =	sgt.s32 s19, $0xF  }
0x16: {  	s20 =	smov.u32 @p1 s16  }
0x17: {  	s22 =	smov.u32 s14;
	s16 =	sadd.s32 $0x4, s14;
	p2 =	sgt.s32 s20, $0x7FF  }
0x18: {  	s22 =	smov.u32 @p2 s16  }
0x19: {  	s19 =	simm.s32 @p1 $0x0;
	p1 =	sgt.s32 s22, $0x3  }
0x1a: {  	p0 =	slt.u32 s15, $0x2;
	s22 =	smov.u32 @p1 s6;
	p1 =	sne.s32 s15, s8  }
.Ltmp1:
0x1b: {  	s21 =	simm.s32 @!p0 $0x2;
	(pc) =	sbr.rel @!p1 .LBB1_6-.Ltmp1, $4  }
0x1c: {  	s17 =	smov.u32 s13;
	s18 =	smov.u32 s14;
	_ =	swait.ge @!p0 [sflag:s21], $0x4000  }
0x1d: {  	s11 =	sadd.s32 $0x4000, s11;
	[sflag:s21] =	ssyncset.done @!p0 $0x0;
	s20 =	smov.u32 @p2 s2  }
0x1e: {  	s16 =	smov.u32 s12;
	[sflag:s21] =	ssyncadd.s32 @!p0 $0xFFFFC000;
	s12 =	smov.u32 s19  }
0x1f: {  	s13 =	smov.u32 s20;
	s15 =	sadd.s32 $0x1, s15;
	s14 =	smov.u32 s22  }
.LBB1_1:
0x20: {  	p0 =	sge.u32 s15, s7;
	s31 =	sadd.s32 $0xFFFFFFFF, s15  }
0x21: {  	s19 =	sxor.u32 @!p0 $0xFFFFFFFF, s15;
	s20 =	sshll.u32 @!p0 s14, $0x13;
	s21 =	sshll.u32 @!p0 s13, $0x8  }
0x22: {  	s22 =	sshll.u32 @!p0 s12, $0x4;
	s19 =	sshll.u32 @!p0 s19, $0xE;
	s20 =	sadd.s32 @!p0 s3, s20  }
0x23: {  	s22 =	sand.u32 @!p0 $0xF0, s22;
	s19 =	sand.u32 @!p0 $0x4000, s19;
	s20 =	sadd.s32 @!p0 s21, s20  }
0x24: {  	s21 =	simm.s32 @!p0 $0x40;
	s20 =	sadd.s32 @!p0 s22, s20;
	s22 =	simm.s32 @!p0 $0x800  }
0x25: {  	[tilespmem:s19], [sflag:$0x1] =	stream.strided.gather @!p0 [hbm4b:s20+s21], $0x4000, s22, s21, $0x38;
	[tilespmem:$0x10000] =	vst v63  }
0x26: {  	p0 =	sge.u32 s31, s7  }
.Ltmp2:
0x27: {  	_ = 	snop;
	(pc) =	sbr.rel @p0 .LBB1_5-.Ltmp2, $1  }
0x28: {  	_ =	sdelay $0x3  }
0x29: {  	s20 =	sand.u32 $0x4000, s11  }
0x2a: {  	v0 =	vmov s20;
	_ =	sdelay $0x1  }
0x2b: {  	_ =	swait.ge [sflag:s5], $0x4000  }
0x2c: {  	[sflag:s5] =	ssyncset.done $0x0  }
0x2d: {  	s19 =	simm.s32 $0x0;
	[sflag:s5] =	ssyncadd.s32 $0xFFFFC000  }
0x2e: {  	s22 =	sor.u32 $0x8020, s20;
	v3 =	vld.idx.msk [tilespmem:v0+s19+$0x30 ss:$0x1], $0xffff  }
0x2f: {  	s21 =	sshll.u32 s15, $0xE;
	v1 =	vmov s22;
	v4 =	vld.idx.msk [tilespmem:v0+s19+$0x0 ss:$0x1], $0xffff  }
0x30: {  	s31 =	sand.u32 $0x4000, s21;
	v2 =	vld.idx.msk [tilespmem:v0+s19+$0x10 ss:$0x1], $0xffff  }
0x31: {  	s21 =	simm.s32 $0x100;
	s20 =	sor.u32 $0x8000, s31;
	v5 =	vld.idx.msk [tilespmem:v0+s19+$0x20 ss:$0x1], $0xffff  }
.LBB1_3:
0x32: {  	p0 =	sne.s32 s21, $0xFF00  }
.Ltmp3:
0x33: {  	s22 =	sshra.s32 s21, $0x2;
	s21 =	sadd.s32 $0x100, s21;
	(pc) =	sbr.rel @p0 .LBB1_3-.Ltmp3, $4  }
0x34: {  	[tilespmem:v1+s19+$0x10 ss:$0x1] =	vst.idx.msk $0xffff, v3;
	v3 =	vld.idx.msk [tilespmem:v0+s22+$0x30 ss:$0x1], $0xffff  }
0x35: {  	[tilespmem:v1+s19+$0xFFFFFFE0 ss:$0x1] =	vst.idx.msk $0xffff, v4;
	v4 =	vld.idx.msk [tilespmem:v0+s22+$0x0 ss:$0x1], $0xffff  }
0x36: {  	[tilespmem:v1+s19+$0xFFFFFFF0 ss:$0x1] =	vst.idx.msk $0xffff, v2;
	v2 =	vld.idx.msk [tilespmem:v0+s22+$0x10 ss:$0x1], $0xffff  }
0x37: {  	[tilespmem:v1+s19+$0x0 ss:$0x1] =	vst.idx.msk $0xffff, v5;
	v5 =	vld.idx.msk [tilespmem:v0+s22+$0x20 ss:$0x1], $0xffff;
	s19 =	smov.u32 s22  }
.Ltmp4:
0x38: {  	_ = 	snop;
	(pc) =	sbr.rel .LBB1_4-.Ltmp4, $1  }
0x39: {  	_ =	sdelay $0x3  }
.LBB1_6:
0x3a: {  	_ =	sfence.sel $0x180000  }
0x3b: {  	s2 =	simm.s32 $0x1;
	[bflag:$0x0] =	sbarrier.arrive $0xFFFF  }
0x3c: {  	s31 =	simm.s32 $0x2;
	[sflag:s2] =	ssyncpa.u1 $0x1  }
0x3d: {  	[sflag:s31] =	ssyncpa.u1 $0x1  }
0x3e: {  	p0 =	sne.s32 s0, $0x0;
	_ =	strace $0x9000004A  }
0x3f: {  	s0 =	sadd.s32 @!p0 $0x100000, s1;
	[bflag:$0x2] =	sbarrier.arrive $0xFFFF  }
0x40: {  	[sflag:s0] =	ssyncadd.tile.s32 @!p0 $0x1;
	_ =	shalt  }
.Lfunc_end1:
_tile_overlayer_lowered:
.L_overlay_start_2:
0x41: {  	(tag) =	ssettag $0x2  }
0x42: {  	s0 =	rddreg [dreg:$0x0];
	s2 =	stileid.u32  }
0x43: {  	s1 =	rddreg [dreg:$0x1];
	p0 =	sne.s32 s2, $0x0  }
0x44: {  	s3 =	rddreg [dreg:$0x2];
	[bflag:$0x3] =	sbarrier.arrive $0xFFFF;
	s2 =	simm.s32 @!p0 $0x1C01  }
0x45: {  	[timem:s3], [sflag:s2] =	dma.local @!p0 [hbm:s0], s1  }
0x46: {  	s0 =	simm.s32 @!p0 $0x1  }
0x47: {  	_ =	swait.ge @!p0 [sflag:s0], s1  }
0x48: {  	s1 =	ssub.s32 @!p0 $0x0, s1;
	[sflag:s0] =	ssyncset.done @!p0 $0x0  }
0x49: {  	[sflag:s0] =	ssyncadd.s32 @!p0 s1  }
0x4a: {  	[bflag:$0x3] =	sbarrier.arrive $0xFFFF  }
0x4b: {  	_ =	shalt  }

// kernel: sparse-core-data-format-call.5.cloned.1.call-start
scs
called_computation.5_lowered:
.L_overlay_start_0:
0x0: {  	s1 =	sld [smem:$0x3FD9]  }
0x1: {  	s2 =	sld [smem:$0x3FFE];
	_ =	sdelay $0x1  }
0x2: {  	s3 =	srdreg.scid  }
0x3: {  	s0 =	sand.u32 $0x1, s3  }
0x4: {  	s17 =	sshll.u32 s0, $0xA;
	s1 =	sadd.s32 s2, s1  }
0x5: {  	s1 =	sadd.s32 s1, s17  }
0x6: {  	[smem:$0x3FB3] =	sst s1  }
0x7: {  	_ = 	snop  }
0x8: {  	(tm) =	ssettm $0x1  }
0x9: {  	s18 =	sld [smem:$0x3FFB];
	_ =	sdelay $0x3  }
0xa: {  	_ =	strace s18  }
0xb: {  	s1 =	sld [smem:$0x3FFC];
	_ =	sdelay $0x3  }
0xc: {  	_ =	strace s1  }
0xd: {  	s1 =	sld [smem:$0x3FFD];
	_ =	sdelay $0x3  }
0xe: {  	_ =	strace s1  }
0xf: {  	_ =	strace $0x8FFFFFFF  }
0x10: {  	s19 =	sld [smem:$0x3FDB];
	_ =	sdelay $0x1  }
0x11: {  	s20 =	simm.s32 $_scs_section_size  }
0x12: {  	s4 =	simm.s32 $_size__tile_overlayer_lowered;
	s5 =	simm.s32 $_tile_overlayer_lowered  }
0x13: {  	s23 =	simm.s32 $0x1BFF;
	s22 =	sshll.u32 s5, $0x1;
	s1 =	sadd.s32 s20, s19  }
0x14: {  	s6 =	simm.s32 $0x0;
	s21 =	sshll.u32 s4, $0x1;
	s4 =	sadd.s32 s22, s1  }
0x15: {  	[timem:s6], [sflag:s23] =	dma.local [hbm:s4], s21  }
0x16: {  	_ =	swait.ge [sflag:s23], s21  }
0x17: {  	s2 =	ssub.s32 $0x0, s21;
	[sflag:s23] =	ssyncset.done $0x0  }
0x18: {  	[sflag:s23] =	ssyncadd.s32 s2;
	_ =	sdelay $0x1  }
0x19: {  	s24 =	simm.s32 $0x1B8B  }
0x1a: {  	_ =	swait.ge [sflag:s24], $0x1  }
0x1b: {  	[sflag:s24] =	ssyncset.done $0x0  }
0x1c: {  	s26 =	simm.s32 $0x1B8E;
	s25 =	sld [smem:$0x3FFE];
	[sflag:s24] =	ssyncadd.s32 $0xFFFFFFFF  }
0x1d: {  	s27 =	simm.s32 $execute0_lowered;
	[smem:$0x3FD2] =	sst s26  }
0x1e: {  	s4 =	sshll.u32 s27, $0x1;
	_ =	strace $0x80000046;
	[dreg:$0x1] =	wrdreg $0xFFFFFFFF  }
0x1f: {  	s28 =	simm.s32 $_size_execute0_lowered;
	s1 =	sadd.s32 s1, s4;
	[dreg:$0x0] =	wrdreg $0x0  }
0x20: {  	s4 =	sshll.u32 s28, $0x1;
	[dreg:$0x2] =	wrdreg s1  }
0x21: {  	[dreg:$0x3] =	wrdreg s4  }
0x22: {  	[dreg:$0x4] =	wrdreg $0xC0  }
0x23: {  	_ =	task [dreg:s6], $0x5FFFF  }
0x24: {  	[dreg:$0x1] =	wrdreg $0xFFFFFFFF  }
0x25: {  	[dreg:$0x0] =	wrdreg $0x60  }
0x26: {  	[dreg:$0x2] =	wrdreg s25  }
0x27: {  	[dreg:$0x3] =	wrdreg $0xA  }
0x28: {  	_ =	task.clear_ibuf [dreg:s6], $0x4FFFF;
	_ =	strace $0x90000046  }
0x29: {  	s29 =	simm.s32 $0xA;
	_ =	strace $0x80000048  }
0x2a: {  	_ =	swait.ge [sflag:s29], $0x1  }
0x2b: {  	[sflag:s29] =	ssyncadd.s32 $0xFFFFFFFF  }
0x2c: {  	_ =	strace $0x90000048  }
0x2d: {  	_ =	sfence  }
0x2e: {  	s30 =	sld [smem:$0x0];
	_ =	sdelay $0x2  }
0x2f: {  	s31 =	sshll.u32 s3, $0xD;
	s3 =	sshrl.u32 s3, $0x2  }
0x30: {  	s2 =	sand.u32 $0x4000, s31;
	s1 =	sadd.s32 s3, s30  }
0x31: {  	s0 =	sor.u32 s2, s0;
	s1 =	sshll.u32 s1, $0x11  }
0x32: {  	s0 =	sor.u32 s1, s0  }
0x33: {  	s0 =	sadd.s32 $0x8F2B, s0  }
0x34: {  	[sflag:s0] =	ssyncadd.remote.s32 $0x1  }
0x35: {  	_ =	sfence.sel $0xFFFF  }
0x36: {  	[dreg:$0x0] =	wrdreg $0xFFFFFFFF;
	(pc) =	sbr.abs _section_cstart, $3  }
0x37: {  	[dreg:$0x1] =	wrdreg $0xFFFFFFFF  }
0x38: {  	_ =	task.clear_ibuf [dreg:s6], $0x2FFFF;
	_ =	strace $0x9FFFFFFF  }
0x39: {  	(tm) =	ssettm $0x7FFFFFFF  }
tec
execute0_lowered:
.L_overlay_start_1:
0x0: {  	(tag) =	ssettag $0x1  }
0x1: {  	s0 =	stileid.u32  }
0x2: {  	s1 =	srdreg.scid;
	s4 =	rddreg [dreg:$0x0]  }
0x3: {  	s7 =	simm.s32 $0x1;
	s8 =	simm.s32 $0x2;
	s16 =	simm.s32 $0x0  }
0x4: {  	s9 =	simm.s32 $0x40;
	s2 =	sshll.u32 s0, $0x6;
	s1 =	sshll.u32 s1, $0xA  }
0x5: {  	s10 =	simm.s32 $0x80;
	s11 =	simm.s32 $0x0;
	s2 =	sor.u32 s2, s1  }
0x6: {  	s17 =	simm.s32 $0x0;
	s18 =	simm.s32 $0x0;
	s2 =	sand.u32 $0x700, s2  }
0x7: {  	s12 =	simm.s32 $0x0;
	s3 =	sadd.s32 $0x363600, s4;
	s6 =	ssub.s32 $0x800, s2  }
0x8: {  	s15 =	simm.s32 $0x0;
	s4 =	sadd.s32 $0x563600, s4;
	s5 =	sand.u32 $0x700, s6  }
.Ltmp0:
0x9: {  	s1 =	rddreg [dreg:$0x1];
	p0 =	sne.s32 s5, $0x0;
	(pc) =	sbr.rel .LBB1_1-.Ltmp0, $4  }
0xa: {  	_ =	strace $0x80000047;
	s6 =	sshrl.u32 s6, $0xB;
	s7 =	simm.s32 @!p0 $0x0  }
0xb: {  	s13 =	smov.u32 s2;
	s5 =	simm.s32 $0x1;
	s7 =	sadd.s32 s7, s6  }
0xc: {  	[sflag:s5] =	ssyncpa.u1 $0x0;
	s6 =	sand.u32 $0x3, s0;
	s7 =	sshll.u32 s7, $0x4  }
0xd: {  	[sflag:s8] =	ssyncpa.u1 $0x0;
	s14 =	smov.u32 s6;
	s8 =	sor.u32 $0x1, s7  }
.LBB1_4:
0xe: {  	_ =	sdelay $0x3  }
0xf: {  	[tilespmem:v1+s19+$0x10 ss:$0x1] =	vst.idx.msk $0xffff, v3;
	s18 =	sshll.u32 s18, $0x13  }
0x10: {  	[tilespmem:v1+s19+$0xFFFFFFE0 ss:$0x1] =	vst.idx.msk $0xffff, v4;
	s16 =	sshll.u32 s16, $0xF;
	s17 =	sshll.u32 s17, $0x4;
	s18 =	sadd.s32 s4, s18  }
0x11: {  	[tilespmem:v1+s19+$0xFFFFFFF0 ss:$0x1] =	vst.idx.msk $0xffff, v2;
	s17 =	sand.u32 $0x7FF0, s17;
	s16 =	sadd.s32 s16, s18  }
0x12: {  	[tilespmem:v1+s19+$0x0 ss:$0x1] =	vst.idx.msk $0xffff, v5;
	s16 =	sadd.s32 s17, s16  }
0x13: {  	[hbm4b:s16+s9] =	stream.strided.scatter [tilespmem:s20], [sflag:$0x2], $0x4000, s10, s9, $0x38;
	[tilespmem:$0x10000] =	vst v63  }
.LBB1_5:
0x14: {  	s19 =	sadd.s32 $0x1, s12  }
0x15: {  	s16 =	sadd.s32 $0x800, s13;
	s20 =	smov.u32 s13;
	p1 =	sgt.s32 s19, $0xF  }
0x16: {  	s20 =	smov.u32 @p1 s16  }
0x17: {  	s22 =	smov.u32 s14;
	s16 =	sadd.s32 $0x4, s14;
	p2 =	sgt.s32 s20, $0x7FF  }
0x18: {  	s22 =	smov.u32 @p2 s16  }
0x19: {  	s19 =	simm.s32 @p1 $0x0;
	p1 =	sgt.s32 s22, $0x3  }
0x1a: {  	p0 =	slt.u32 s15, $0x2;
	s22 =	smov.u32 @p1 s6;
	p1 =	sne.s32 s15, s8  }
.Ltmp1:
0x1b: {  	s21 =	simm.s32 @!p0 $0x2;
	(pc) =	sbr.rel @!p1 .LBB1_6-.Ltmp1, $4  }
0x1c: {  	s17 =	smov.u32 s13;
	s18 =	smov.u32 s14;
	_ =	swait.ge @!p0 [sflag:s21], $0x4000  }
0x1d: {  	s11 =	sadd.s32 $0x4000, s11;
	[sflag:s21] =	ssyncset.done @!p0 $0x0;
	s20 =	smov.u32 @p2 s2  }
0x1e: {  	s16 =	smov.u32 s12;
	[sflag:s21] =	ssyncadd.s32 @!p0 $0xFFFFC000;
	s12 =	smov.u32 s19  }
0x1f: {  	s13 =	smov.u32 s20;
	s15 =	sadd.s32 $0x1, s15;
	s14 =	smov.u32 s22  }
.LBB1_1:
0x20: {  	p0 =	sge.u32 s15, s7;
	s31 =	sadd.s32 $0xFFFFFFFF, s15  }
0x21: {  	s19 =	sxor.u32 @!p0 $0xFFFFFFFF, s15;
	s20 =	sshll.u32 @!p0 s14, $0x13;
	s21 =	sshll.u32 @!p0 s13, $0x8  }
0x22: {  	s22 =	sshll.u32 @!p0 s12, $0x4;
	s19 =	sshll.u32 @!p0 s19, $0xE;
	s20 =	sadd.s32 @!p0 s3, s20  }
0x23: {  	s22 =	sand.u32 @!p0 $0xF0, s22;
	s19 =	sand.u32 @!p0 $0x4000, s19;
	s20 =	sadd.s32 @!p0 s21, s20  }
0x24: {  	s21 =	simm.s32 @!p0 $0x40;
	s20 =	sadd.s32 @!p0 s22, s20;
	s22 =	simm.s32 @!p0 $0x800  }
0x25: {  	[tilespmem:s19], [sflag:$0x1] =	stream.strided.gather @!p0 [hbm4b:s20+s21], $0x4000, s22, s21, $0x38;
	[tilespmem:$0x10000] =	vst v63  }
0x26: {  	p0 =	sge.u32 s31, s7  }
.Ltmp2:
0x27: {  	_ = 	snop;
	(pc) =	sbr.rel @p0 .LBB1_5-.Ltmp2, $1  }
0x28: {  	_ =	sdelay $0x3  }
0x29: {  	s20 =	sand.u32 $0x4000, s11  }
0x2a: {  	v0 =	vmov s20;
	_ =	sdelay $0x1  }
0x2b: {  	_ =	swait.ge [sflag:s5], $0x4000  }
0x2c: {  	[sflag:s5] =	ssyncset.done $0x0  }
0x2d: {  	s19 =	simm.s32 $0x0;
	[sflag:s5] =	ssyncadd.s32 $0xFFFFC000  }
0x2e: {  	s22 =	sor.u32 $0x8020, s20;
	v3 =	vld.idx.msk [tilespmem:v0+s19+$0x30 ss:$0x1], $0xffff  }
0x2f: {  	s21 =	sshll.u32 s15, $0xE;
	v1 =	vmov s22;
	v4 =	vld.idx.msk [tilespmem:v0+s19+$0x0 ss:$0x1], $0xffff  }
0x30: {  	s31 =	sand.u32 $0x4000, s21;
	v2 =	vld.idx.msk [tilespmem:v0+s19+$0x10 ss:$0x1], $0xffff  }
0x31: {  	s21 =	simm.s32 $0x100;
	s20 =	sor.u32 $0x8000, s31;
	v5 =	vld.idx.msk [tilespmem:v0+s19+$0x20 ss:$0x1], $0xffff  }
.LBB1_3:
0x32: {  	p0 =	sne.s32 s21, $0xFF00  }
.Ltmp3:
0x33: {  	s22 =	sshra.s32 s21, $0x2;
	s21 =	sadd.s32 $0x100, s21;
	(pc) =	sbr.rel @p0 .LBB1_3-.Ltmp3, $4  }
0x34: {  	[tilespmem:v1+s19+$0x10 ss:$0x1] =	vst.idx.msk $0xffff, v3;
	v3 =	vld.idx.msk [tilespmem:v0+s22+$0x30 ss:$0x1], $0xffff  }
0x35: {  	[tilespmem:v1+s19+$0xFFFFFFE0 ss:$0x1] =	vst.idx.msk $0xffff, v4;
	v4 =	vld.idx.msk [tilespmem:v0+s22+$0x0 ss:$0x1], $0xffff  }
0x36: {  	[tilespmem:v1+s19+$0xFFFFFFF0 ss:$0x1] =	vst.idx.msk $0xffff, v2;
	v2 =	vld.idx.msk [tilespmem:v0+s22+$0x10 ss:$0x1], $0xffff  }
0x37: {  	[tilespmem:v1+s19+$0x0 ss:$0x1] =	vst.idx.msk $0xffff, v5;
	v5 =	vld.idx.msk [tilespmem:v0+s22+$0x20 ss:$0x1], $0xffff;
	s19 =	smov.u32 s22  }
.Ltmp4:
0x38: {  	_ = 	snop;
	(pc) =	sbr.rel .LBB1_4-.Ltmp4, $1  }
0x39: {  	_ =	sdelay $0x3  }
.LBB1_6:
0x3a: {  	_ =	sfence.sel $0x180000  }
0x3b: {  	s2 =	simm.s32 $0x1;
	[bflag:$0x0] =	sbarrier.arrive $0xFFFF  }
0x3c: {  	s31 =	simm.s32 $0x2;
	[sflag:s2] =	ssyncpa.u1 $0x1  }
0x3d: {  	[sflag:s31] =	ssyncpa.u1 $0x1  }
0x3e: {  	p0 =	sne.s32 s0, $0x0;
	_ =	strace $0x90000047  }
0x3f: {  	s0 =	sadd.s32 @!p0 $0x100000, s1;
	[bflag:$0x2] =	sbarrier.arrive $0xFFFF  }
0x40: {  	[sflag:s0] =	ssyncadd.tile.s32 @!p0 $0x1;
	_ =	shalt  }
.Lfunc_end1:
_tile_overlayer_lowered:
.L_overlay_start_2:
0x41: {  	(tag) =	ssettag $0x2  }
0x42: {  	s0 =	rddreg [dreg:$0x0];
	s2 =	stileid.u32  }
0x43: {  	s1 =	rddreg [dreg:$0x1];
	p0 =	sne.s32 s2, $0x0  }
0x44: {  	s3 =	rddreg [dreg:$0x2];
	[bflag:$0x3] =	sbarrier.arrive $0xFFFF;
	s2 =	simm.s32 @!p0 $0x1C01  }
0x45: {  	[timem:s3], [sflag:s2] =	dma.local @!p0 [hbm:s0], s1  }
0x46: {  	s0 =	simm.s32 @!p0 $0x1  }
0x47: {  	_ =	swait.ge @!p0 [sflag:s0], s1  }
0x48: {  	s1 =	ssub.s32 @!p0 $0x0, s1;
	[sflag:s0] =	ssyncset.done @!p0 $0x0  }
0x49: {  	[sflag:s0] =	ssyncadd.s32 @!p0 s1  }
0x4a: {  	[bflag:$0x3] =	sbarrier.arrive $0xFFFF  }
0x4b: {  	_ =	shalt  }

// kernel: sparse-core-data-format-call.cloned.1.call-start
scs
called_computation_lowered:
.L_overlay_start_0:
0x0: {  	s1 =	sld [smem:$0x3FD9]  }
0x1: {  	s2 =	sld [smem:$0x3FFE];
	_ =	sdelay $0x1  }
0x2: {  	s3 =	srdreg.scid  }
0x3: {  	s0 =	sand.u32 $0x1, s3  }
0x4: {  	s17 =	sshll.u32 s0, $0xA;
	s1 =	sadd.s32 s2, s1  }
0x5: {  	s1 =	sadd.s32 s1, s17  }
0x6: {  	[smem:$0x3FB3] =	sst s1  }
0x7: {  	_ = 	snop  }
0x8: {  	(tm) =	ssettm $0x1  }
0x9: {  	s18 =	sld [smem:$0x3FFB];
	_ =	sdelay $0x3  }
0xa: {  	_ =	strace s18  }
0xb: {  	s1 =	sld [smem:$0x3FFC];
	_ =	sdelay $0x3  }
0xc: {  	_ =	strace s1  }
0xd: {  	s1 =	sld [smem:$0x3FFD];
	_ =	sdelay $0x3  }
0xe: {  	_ =	strace s1  }
0xf: {  	_ =	strace $0x8FFFFFFF  }
0x10: {  	s19 =	sld [smem:$0x3FDB];
	_ =	sdelay $0x1  }
0x11: {  	s20 =	simm.s32 $_scs_section_size  }
0x12: {  	s4 =	simm.s32 $_size__tile_overlayer_lowered;
	s5 =	simm.s32 $_tile_overlayer_lowered  }
0x13: {  	s23 =	simm.s32 $0x1BFF;
	s22 =	sshll.u32 s5, $0x1;
	s1 =	sadd.s32 s20, s19  }
0x14: {  	s6 =	simm.s32 $0x0;
	s21 =	sshll.u32 s4, $0x1;
	s4 =	sadd.s32 s22, s1  }
0x15: {  	[timem:s6], [sflag:s23] =	dma.local [hbm:s4], s21  }
0x16: {  	_ =	swait.ge [sflag:s23], s21  }
0x17: {  	s2 =	ssub.s32 $0x0, s21;
	[sflag:s23] =	ssyncset.done $0x0  }
0x18: {  	[sflag:s23] =	ssyncadd.s32 s2;
	_ =	sdelay $0x1  }
0x19: {  	s24 =	simm.s32 $0x1B8B  }
0x1a: {  	_ =	swait.ge [sflag:s24], $0x1  }
0x1b: {  	[sflag:s24] =	ssyncset.done $0x0  }
0x1c: {  	s26 =	simm.s32 $0x1B8E;
	s25 =	sld [smem:$0x3FFE];
	[sflag:s24] =	ssyncadd.s32 $0xFFFFFFFF  }
0x1d: {  	s27 =	simm.s32 $execute0_lowered;
	[smem:$0x3FD2] =	sst s26  }
0x1e: {  	s4 =	sshll.u32 s27, $0x1;
	_ =	strace $0x8000006D;
	[dreg:$0x1] =	wrdreg $0xFFFFFFFF  }
0x1f: {  	s28 =	simm.s32 $_size_execute0_lowered;
	s1 =	sadd.s32 s1, s4;
	[dreg:$0x0] =	wrdreg $0x0  }
0x20: {  	s4 =	sshll.u32 s28, $0x1;
	[dreg:$0x2] =	wrdreg s1  }
0x21: {  	[dreg:$0x3] =	wrdreg s4  }
0x22: {  	[dreg:$0x4] =	wrdreg $0xC0  }
0x23: {  	_ =	task [dreg:s6], $0x5FFFF  }
0x24: {  	[dreg:$0x1] =	wrdreg $0xFFFFFFFF  }
0x25: {  	[dreg:$0x0] =	wrdreg $0x60  }
0x26: {  	[dreg:$0x2] =	wrdreg s25  }
0x27: {  	[dreg:$0x3] =	wrdreg $0x9  }
0x28: {  	_ =	task.clear_ibuf [dreg:s6], $0x4FFFF;
	_ =	strace $0x9000006D  }
0x29: {  	s29 =	simm.s32 $0x9;
	_ =	strace $0x8000006F  }
0x2a: {  	_ =	swait.ge [sflag:s29], $0x1  }
0x2b: {  	[sflag:s29] =	ssyncadd.s32 $0xFFFFFFFF  }
0x2c: {  	_ =	strace $0x9000006F  }
0x2d: {  	_ =	sfence  }
0x2e: {  	s30 =	sld [smem:$0x0];
	_ =	sdelay $0x2  }
0x2f: {  	s31 =	sshll.u32 s3, $0xD;
	s3 =	sshrl.u32 s3, $0x2  }
0x30: {  	s2 =	sand.u32 $0x4000, s31;
	s1 =	sadd.s32 s3, s30  }
0x31: {  	s0 =	sor.u32 s2, s0;
	s1 =	sshll.u32 s1, $0x11  }
0x32: {  	s0 =	sor.u32 s1, s0  }
0x33: {  	s0 =	sadd.s32 $0x8F2B, s0  }
0x34: {  	[sflag:s0] =	ssyncadd.remote.s32 $0x1  }
0x35: {  	_ =	sfence.sel $0xFFFF  }
0x36: {  	[dreg:$0x0] =	wrdreg $0xFFFFFFFF;
	(pc) =	sbr.abs _section_cstart, $3  }
0x37: {  	[dreg:$0x1] =	wrdreg $0xFFFFFFFF  }
0x38: {  	_ =	task.clear_ibuf [dreg:s6], $0x2FFFF;
	_ =	strace $0x9FFFFFFF  }
0x39: {  	(tm) =	ssettm $0x7FFFFFFF  }
tec
execute0_lowered:
.L_overlay_start_1:
0x0: {  	(tag) =	ssettag $0x1  }
0x1: {  	s1 =	rddreg [dreg:$0x0]  }
0x2: {  	s0 =	rddreg [dreg:$0x1];
	s3 =	srdreg.scid  }
0x3: {  	_ =	strace $0x8000006E;
	s5 =	simm.s32 $0x1;
	s7 =	simm.s32 $0x2  }
0x4: {  	s13 =	simm.s32 $0x0;
	p0 =	por $0x0, $0x0;
	s8 =	simm.s32 $0x800  }
0x5: {  	s14 =	simm.s32 $0x0;
	s15 =	simm.s32 $0x0;
	s10 =	simm.s32 $0x0  }
.Ltmp0:
0x6: {  	s2 =	sadd.s32 $0xAE3600, s1;
	s4 =	sshll.u32 s3, $0x4;
	(pc) =	sbr.rel .LBB1_1-.Ltmp0, $4  }
0x7: {  	s3 =	sadd.s32 $0x2E3600, s1;
	s1 =	stileid.u32;
	s4 =	sand.u32 $0x10, s4  }
0x8: {  	s9 =	simm.s32 $0x0;
	[sflag:s5] =	ssyncpa.u1 $0x0;
	s6 =	sor.u32 s1, s4  }
0x9: {  	[sflag:s7] =	ssyncpa.u1 $0x0;
	s4 =	sand.u32 $0x3, s1;
	s6 =	sshrl.u32 s6, $0x2  }
0xa: {  	s7 =	simm.s32 $0x40;
	s12 =	smov.u32 s4;
	s11 =	smov.u32 s6  }
.LBB1_5:
0xb: {  	s16 =	sadd.s32 $0x100, s10  }
0xc: {  	s13 =	sadd.s32 $0x8, s11;
	s17 =	smov.u32 s11;
	p2 =	sgt.s32 s16, $0x7FF  }
0xd: {  	s17 =	smov.u32 @p2 s13  }
0xe: {  	s19 =	smov.u32 s12;
	s13 =	sadd.s32 $0x4, s12;
	p3 =	sgt.s32 s17, $0xF  }
0xf: {  	p1 =	slt.u32 s9, $0x2;
	s19 =	smov.u32 @p3 s13  }
0x10: {  	s9 =	sadd.s32 $0x1, s9;
	s16 =	simm.s32 @p2 $0x0;
	p2 =	sgt.s32 s19, $0x3  }
0x11: {  	s19 =	smov.u32 @p2 s4;
	p2 =	sne.s32 s9, $0x12  }
.Ltmp1:
0x12: {  	s18 =	simm.s32 @!p1 $0x2;
	(pc) =	sbr.rel @!p2 .LBB1_6-.Ltmp1, $4  }
0x13: {  	s14 =	smov.u32 s11;
	_ =	swait.ge @!p1 [sflag:s18], $0x4000  }
0x14: {  	s15 =	smov.u32 s12;
	p0 =	por !p0, !p0;
	[sflag:s18] =	ssyncset.done @!p1 $0x0  }
0x15: {  	s17 =	smov.u32 @p3 s6;
	s13 =	smov.u32 s10;
	[sflag:s18] =	ssyncadd.s32 @!p1 $0xFFFFC000  }
0x16: {  	s10 =	smov.u32 s16;
	s11 =	smov.u32 s17;
	s12 =	smov.u32 s19  }
.LBB1_1:
0x17: {  	p1 =	sgt.u32 s9, $0xF  }
0x18: {  	s16 =	sxor.u32 @!p1 $0xFFFFFFFF, s9;
	s17 =	sshll.u32 @!p1 s12, $0x13;
	s18 =	sshll.u32 @!p1 s11, $0xF  }
0x19: {  	s19 =	sshll.u32 @!p1 s10, $0x4;
	s16 =	sshll.u32 @!p1 s16, $0xE;
	s17 =	sadd.s32 @!p1 s2, s17  }
0x1a: {  	s19 =	sand.u32 @!p1 $0x7FF0, s19;
	s16 =	sand.u32 @!p1 $0x4000, s16;
	s17 =	sadd.s32 @!p1 s18, s17  }
0x1b: {  	s18 =	simm.s32 @!p1 $0x40;
	s17 =	sadd.s32 @!p1 s19, s17;
	s19 =	simm.s32 @!p1 $0x80  }
0x1c: {  	[tilespmem:s16], [sflag:$0x1] =	stream.strided.gather @!p1 [hbm4b:s17+s18], $0x4000, s19, s18, $0x38;
	[tilespmem:$0x10000] =	vst v63  }
0x1d: {  	p1 =	seq.s32 s9, $0x0  }
0x1e: {  	p2 =	seq.s32 @!p1 s9, $0x11  }
0x1f: {  	p1 =	por p1, p2  }
.Ltmp2:
0x20: {  	_ = 	snop;
	(pc) =	sbr.rel @p1 .LBB1_5-.Ltmp2, $1  }
0x21: {  	_ =	sdelay $0x3  }
0x22: {  	s16 =	simm.s32 $0x1  }
0x23: {  	s16 =	simm.s32 @!p0 $0x0  }
0x24: {  	s17 =	sshll.u32 s16, $0xE  }
0x25: {  	v0 =	vmov s17;
	_ =	sdelay $0x1  }
0x26: {  	_ =	swait.ge [sflag:s5], $0x4000  }
0x27: {  	[sflag:s5] =	ssyncset.done $0x0  }
0x28: {  	[sflag:s5] =	ssyncadd.s32 $0xFFFFC000;
	s16 =	simm.s32 $0x0  }
0x29: {  	s19 =	sor.u32 $0x8020, s17;
	v3 =	vld.idx.msk [tilespmem:v0+s16+$0x30 ss:$0x1], $0xffff  }
0x2a: {  	s18 =	sshll.u32 s9, $0xE;
	v1 =	vmov s19;
	v4 =	vld.idx.msk [tilespmem:v0+s16+$0x0 ss:$0x1], $0xffff  }
0x2b: {  	s31 =	sand.u32 $0x4000, s18;
	v2 =	vld.idx.msk [tilespmem:v0+s16+$0x10 ss:$0x1], $0xffff  }
0x2c: {  	s18 =	simm.s32 $0x100;
	s17 =	sor.u32 $0x8000, s31;
	v5 =	vld.idx.msk [tilespmem:v0+s16+$0x20 ss:$0x1], $0xffff  }
.LBB1_3:
0x2d: {  	p1 =	sne.s32 s18, $0xFF00  }
.Ltmp3:
0x2e: {  	s19 =	sshra.s32 s18, $0x2;
	s18 =	sadd.s32 $0x100, s18;
	(pc) =	sbr.rel @p1 .LBB1_3-.Ltmp3, $4  }
0x2f: {  	[tilespmem:v1+s16+$0x10 ss:$0x1] =	vst.idx.msk $0xffff, v3;
	v3 =	vld.idx.msk [tilespmem:v0+s19+$0x30 ss:$0x1], $0xffff  }
0x30: {  	[tilespmem:v1+s16+$0xFFFFFFE0 ss:$0x1] =	vst.idx.msk $0xffff, v4;
	v4 =	vld.idx.msk [tilespmem:v0+s19+$0x0 ss:$0x1], $0xffff  }
0x31: {  	[tilespmem:v1+s16+$0xFFFFFFF0 ss:$0x1] =	vst.idx.msk $0xffff, v2;
	v2 =	vld.idx.msk [tilespmem:v0+s19+$0x10 ss:$0x1], $0xffff  }
0x32: {  	[tilespmem:v1+s16+$0x0 ss:$0x1] =	vst.idx.msk $0xffff, v5;
	v5 =	vld.idx.msk [tilespmem:v0+s19+$0x20 ss:$0x1], $0xffff;
	s16 =	smov.u32 s19  }
0x33: {  	_ =	sdelay $0x3  }
.Ltmp4:
0x34: {  	s15 =	sshll.u32 s15, $0x13;
	[tilespmem:v1+s16+$0x10 ss:$0x1] =	vst.idx.msk $0xffff, v3;
	(pc) =	sbr.rel .LBB1_5-.Ltmp4, $4  }
0x35: {  	s13 =	sshll.u32 s13, $0x8;
	s14 =	sshll.u32 s14, $0x4;
	s15 =	sadd.s32 s3, s15;
	[tilespmem:v1+s16+$0xFFFFFFE0 ss:$0x1] =	vst.idx.msk $0xffff, v4  }
0x36: {  	s14 =	sand.u32 $0xF0, s14;
	s13 =	sadd.s32 s13, s15;
	[tilespmem:v1+s16+$0xFFFFFFF0 ss:$0x1] =	vst.idx.msk $0xffff, v2  }
0x37: {  	s13 =	sadd.s32 s14, s13;
	[tilespmem:v1+s16+$0x0 ss:$0x1] =	vst.idx.msk $0xffff, v5  }
0x38: {  	[hbm4b:s13+s7] =	stream.strided.scatter [tilespmem:s17], [sflag:$0x2], $0x4000, s8, s7, $0x38;
	[tilespmem:$0x10000] =	vst v63  }
.LBB1_6:
0x39: {  	_ =	sfence.sel $0x180000  }
0x3a: {  	s2 =	simm.s32 $0x1;
	[bflag:$0x0] =	sbarrier.arrive $0xFFFF  }
0x3b: {  	s31 =	simm.s32 $0x2;
	[sflag:s2] =	ssyncpa.u1 $0x1  }
0x3c: {  	[sflag:s31] =	ssyncpa.u1 $0x1  }
0x3d: {  	p0 =	sne.s32 s1, $0x0;
	_ =	strace $0x9000006E  }
0x3e: {  	s0 =	sadd.s32 @!p0 $0x100000, s0;
	[bflag:$0x2] =	sbarrier.arrive $0xFFFF  }
0x3f: {  	[sflag:s0] =	ssyncadd.tile.s32 @!p0 $0x1;
	_ =	shalt  }
.Lfunc_end1:
_tile_overlayer_lowered:
.L_overlay_start_2:
0x40: {  	(tag) =	ssettag $0x2  }
0x41: {  	s0 =	rddreg [dreg:$0x0];
	s2 =	stileid.u32  }
0x42: {  	s1 =	rddreg [dreg:$0x1];
	p0 =	sne.s32 s2, $0x0  }
0x43: {  	s3 =	rddreg [dreg:$0x2];
	[bflag:$0x3] =	sbarrier.arrive $0xFFFF;
	s2 =	simm.s32 @!p0 $0x1C01  }
0x44: {  	[timem:s3], [sflag:s2] =	dma.local @!p0 [hbm:s0], s1  }
0x45: {  	s0 =	simm.s32 @!p0 $0x1  }
0x46: {  	_ =	swait.ge @!p0 [sflag:s0], s1  }
0x47: {  	s1 =	ssub.s32 @!p0 $0x0, s1;
	[sflag:s0] =	ssyncset.done @!p0 $0x0  }
0x48: {  	[sflag:s0] =	ssyncadd.s32 @!p0 s1  }
0x49: {  	[bflag:$0x3] =	sbarrier.arrive $0xFFFF  }
0x4a: {  	_ =	shalt  }

</sc_bundles>
